<compile_context>
chip_gen: v7x
topology: tpu7x:2x2x1
jax: 0.10.2.dev20260603
libtpu: 0.0.44.dev20260713+nightly
codegen_flags: <defaults>
</compile_context>

<pallas_src>
import functools

import jax
import jax.numpy as jnp
from jax import lax
from jax.experimental import pallas as pl
from jax.experimental.pallas import tpu as pltpu
from jax.experimental.pallas import tpu_sc as plsc

B = 128
S = 512
H = 768
NC = 2
NS = 16
NW = NC * NS
PW = S // NW
G = 1
GPW = G * PW
NG = B // G
NV = H // 16


@functools.partial(
    pl.kernel,
    mesh=plsc.VectorSubcoreMesh(core_axis_name="c", subcore_axis_name="s"),
    out_type=jax.ShapeDtypeStruct((B, S, H), jnp.float32),
    compiler_params=pltpu.CompilerParams(
        use_tc_tiling_on_sc=True, needs_layout_passes=False),
    scratch_types=[
        pltpu.VMEM((NG * GPW,), jnp.int32),
        pltpu.VMEM((NG * GPW,), jnp.int32),
        pltpu.VMEM((PW, H), jnp.float32),
        pltpu.VMEM((2, H), jnp.float32),
    ] + [pltpu.VMEM((GPW, H), jnp.float32)] * 8
      + [pltpu.SemaphoreType.DMA] * 16,
)
def _emb(xr_hbm, tok_hbm, pos_hbm, typ_hbm, out_hbm,
         idx_all, tt_all, pos_v, typ_v, *ring):
    toks = ring[:8]
    gss = ring[8:16]
    oss = ring[16:24]
    wid = lax.axis_index("s") * NC + lax.axis_index("c")
    pw = wid * PW

    NT = NW * NG * GPW
    pltpu.sync_copy(xr_hbm.at[pl.ds(wid * NG * GPW, NG * GPW)], idx_all)
    pltpu.sync_copy(xr_hbm.at[pl.ds(NT + wid * NG * GPW, NG * GPW)], tt_all)
    pltpu.sync_copy(pos_hbm.at[pl.ds(pw, PW)], pos_v)
    pltpu.sync_copy(typ_hbm, typ_v)

    def start_gather(g, buf, sem):
        pltpu.async_copy(tok_hbm.at[idx_all.at[pl.ds(g * GPW, GPW)]], buf, sem)

    def wait_gather(g, buf, sem):
        pltpu.make_async_copy(tok_hbm.at[idx_all.at[pl.ds(g * GPW, GPW)]], buf, sem).wait()

    def start_writeout(g, buf, sem):
        for j in range(G):
            pltpu.async_copy(
                buf.at[pl.ds(j * PW, PW)],
                out_hbm.at[g * G + j, pl.ds(pw, PW)], sem)

    def wait_writeout(g, buf, sem):
        for j in range(G):
            pltpu.make_async_copy(
                buf.at[pl.ds(j * PW, PW)],
                out_hbm.at[g * G + j, pl.ds(pw, PW)], sem).wait()

    def compute(g, buf):
        for j in range(G):
            row0 = g * GPW + j * PW

            @plsc.parallel_loop(0, H, step=128)
            def chunk_body(c0):
                t0 = [typ_v[0, pl.ds(c0 + v * 16, 16)] for v in range(8)]
                dt = [typ_v[1, pl.ds(c0 + v * 16, 16)] - t0[v]
                      for v in range(8)]

                @plsc.parallel_loop(0, PW)
                def row_body(rp):
                    ttb = plsc.load_gather(
                        tt_all, [jnp.full((16,), row0 + rp, jnp.int32)])
                    ttf = ttb.astype(jnp.float32)
                    tmp = [t0[v] + ttf * dt[v] for v in range(8)]
                    for v in range(8):
                        sl = pl.ds(c0 + v * 16, 16)
                        vec = pos_v[rp, pl.ds(c0 + v * 16, 16)] + tmp[v]
                        plsc.addupdate(buf.at[j * PW + rp, sl], vec)

    NBUF = 8
    DEPTH = 5

    for k in range(DEPTH):
        start_gather(k, toks[k], gss[k])

    def group_body(gg, carry):
        for i in range(NBUF):
            g = gg * NBUF + i
            gp = g + DEPTH
            pp = (i + DEPTH) % NBUF

            @pl.when(gp < NG)
            def _():
                @pl.when(gp >= NBUF)
                def _():
                    wait_writeout(gp - NBUF, toks[pp], oss[pp])
                start_gather(gp, toks[pp], gss[pp])

            wait_gather(g, toks[i], gss[i])
            compute(g, toks[i])
            start_writeout(g, toks[i], oss[i])
        return carry

    lax.fori_loop(0, NG // NBUF, group_body, 0)

    for k in range(NBUF):
        wait_writeout(NG - NBUF + k, toks[k], oss[k])


def kernel(x, token_type_ids, token_table, pos_table, type_table):
    xtt = (jnp.stack([x, token_type_ids])
             .reshape(2, NG, G, NW, PW)
             .transpose(0, 3, 1, 2, 4)
             .reshape(2 * NW * NG * GPW))
    return _emb(xtt, token_table, pos_table[:S], type_table)

# --- scband reference (transcript-rebuilt; emitter-appended) ---
"""Pipeline reference for scband-bertembeddings-73882027426167 (READ-ONLY COPY).

The authoritative reference and input builder live on the scoring server;
editing this copy changes nothing except your own understanding.
"""

import jax, jax.numpy as jnp
import numpy as np

VOCAB = 28996
MAX_SEQ = 512
HIDDEN = 768
BATCH = 128
SEQ = 512

def setup_inputs(seed: int = 0) -> dict:
    key = jax.random.key(seed)
    k1, k2, k3, k4, k5 = jax.random.split(key, 5)
    x = jax.random.randint(k1, (BATCH, SEQ), 0, VOCAB, dtype=jnp.int32)
    token_type_ids = jax.random.randint(k2, (BATCH, SEQ), 0, 2, dtype=jnp.int32)
    token_table = jax.random.normal(k3, (VOCAB, HIDDEN), dtype=jnp.float32) * 0.02
    pos_table = jax.random.normal(k4, (MAX_SEQ, HIDDEN), dtype=jnp.float32) * 0.02
    type_table = jax.random.normal(k5, (2, HIDDEN), dtype=jnp.float32) * 0.02
    return {"x": x, "token_type_ids": token_type_ids, "token_table": token_table, "pos_table": pos_table, "type_table": type_table}

def reference(x, token_type_ids, token_table, pos_table, type_table):
    # Faithful translation of BERTEmbeddings.forward (dropout is identity at inference;
    # note: layer_norm is defined in __init__ but NOT applied in forward).
    seq_len = x.shape[1]
    tok = jnp.take(token_table, x, axis=0)                      # (B, S, H) gather
    pos = jnp.take(pos_table, jnp.arange(seq_len), axis=0)     # (S, H) gather
    typ = jnp.take(type_table, token_type_ids, axis=0)         # (B, S, H) gather
    out = tok + pos[None, :, :] + typ
    return out

if __name__ == "__main__":
    import jax
    _d = setup_inputs()
    print(jax.jit(kernel)(*tuple(_d.values())))

</pallas_src>

<mosaic_0001>
#map = affine_map<(d0, d1) -> (0)>
#map1 = affine_map<(d0, d1) -> (0, 0)>
#map2 = affine_map<(d0, d1) -> (0, 0, 0)>
module attributes {stable_mosaic.version = 14 : i64} {
  func.func @_emb(%arg0: i32, %arg1: i32, %arg2: memref<131072xi32, #tpu.memory_space<hbm>>, %arg3: memref<28996x768xf32, #tpu.memory_space<hbm>>, %arg4: memref<512x768xf32, #tpu.memory_space<hbm>>, %arg5: memref<2x768xf32, #tpu.memory_space<hbm>>, %arg6: memref<128x512x768xf32, #tpu.memory_space<hbm>>, %arg7: memref<2048xi32, #tpu.memory_space<vmem>>, %arg8: memref<2048xi32, #tpu.memory_space<vmem>>, %arg9: memref<16x768xf32, #tpu.memory_space<vmem>>, %arg10: memref<2x768xf32, #tpu.memory_space<vmem>>, %arg11: memref<16x768xf32, #tpu.memory_space<vmem>>, %arg12: memref<16x768xf32, #tpu.memory_space<vmem>>, %arg13: memref<16x768xf32, #tpu.memory_space<vmem>>, %arg14: memref<16x768xf32, #tpu.memory_space<vmem>>, %arg15: memref<16x768xf32, #tpu.memory_space<vmem>>, %arg16: memref<16x768xf32, #tpu.memory_space<vmem>>, %arg17: memref<16x768xf32, #tpu.memory_space<vmem>>, %arg18: memref<16x768xf32, #tpu.memory_space<vmem>>, %arg19: memref<!tpu.dma_semaphore, #tpu.memory_space<semaphore_mem>>, %arg20: memref<!tpu.dma_semaphore, #tpu.memory_space<semaphore_mem>>, %arg21: memref<!tpu.dma_semaphore, #tpu.memory_space<semaphore_mem>>, %arg22: memref<!tpu.dma_semaphore, #tpu.memory_space<semaphore_mem>>, %arg23: memref<!tpu.dma_semaphore, #tpu.memory_space<semaphore_mem>>, %arg24: memref<!tpu.dma_semaphore, #tpu.memory_space<semaphore_mem>>, %arg25: memref<!tpu.dma_semaphore, #tpu.memory_space<semaphore_mem>>, %arg26: memref<!tpu.dma_semaphore, #tpu.memory_space<semaphore_mem>>, %arg27: memref<!tpu.dma_semaphore, #tpu.memory_space<semaphore_mem>>, %arg28: memref<!tpu.dma_semaphore, #tpu.memory_space<semaphore_mem>>, %arg29: memref<!tpu.dma_semaphore, #tpu.memory_space<semaphore_mem>>, %arg30: memref<!tpu.dma_semaphore, #tpu.memory_space<semaphore_mem>>, %arg31: memref<!tpu.dma_semaphore, #tpu.memory_space<semaphore_mem>>, %arg32: memref<!tpu.dma_semaphore, #tpu.memory_space<semaphore_mem>>, %arg33: memref<!tpu.dma_semaphore, #tpu.memory_space<semaphore_mem>>, %arg34: memref<!tpu.dma_semaphore, #tpu.memory_space<semaphore_mem>>) attributes {dimension_semantics = [#tpu.dimension_semantics<core_parallel>, #tpu.dimension_semantics<subcore_parallel>], iteration_bounds = array<i64: 2, 16>, scalar_prefetch = 0 : i64, scratch_operands = 28 : i64, tpu.core_type = #tpu.core_type<sc_vector_subcore>, window_params = [{transform_indices = #map}, {transform_indices = #map1}, {transform_indices = #map1}, {transform_indices = #map1}, {transform_indices = #map2}]} {
    %mul3A = arith.constant 2 : i32
    %mul3A_0 = arith.muli %arg1, %mul3A : i32
    %add3A = arith.addi %mul3A_0, %arg0 : i32
    %mul3A_1 = arith.constant 16 : i32
    %mul3A_2 = arith.muli %add3A, %mul3A_1 : i32
    %mul3A_3 = arith.constant 128 : i32
    %mul3A_4 = arith.muli %add3A, %mul3A_3 : i32
    %mul3A_5 = arith.constant 16 : i32
    %mul3A_6 = arith.muli %mul3A_4, %mul3A_5 : i32
    "tpu.region"() ({
      %run_scoped3A = tpu.sem_alloc : memref<!tpu.dma_semaphore, #tpu.memory_space<semaphore_mem>>
      %dma_start3A_145 = tpu.memref_slice %arg2[%mul3A_6] : memref<131072xi32, #tpu.memory_space<hbm>> -> memref<2048xi32, #tpu.memory_space<hbm>>
      %dma_start3A_146 = tpu.memref_slice %arg2[%mul3A_6] : memref<131072xi32, #tpu.memory_space<hbm>> -> memref<2048xi32, #tpu.memory_space<hbm>>
      tpu.enqueue_dma source(%dma_start3A_146 : memref<2048xi32, #tpu.memory_space<hbm>>) target(%arg7 : memref<2048xi32, #tpu.memory_space<vmem>>) target_semaphore(%run_scoped3A : memref<!tpu.dma_semaphore, #tpu.memory_space<semaphore_mem>>)
      %dma_wait3A_147 = tpu.memref_slice %arg2[%mul3A_6] : memref<131072xi32, #tpu.memory_space<hbm>> -> memref<2048xi32, #tpu.memory_space<hbm>>
      %dma_wait3A_148 = tpu.memref_slice %arg2[%mul3A_6] : memref<131072xi32, #tpu.memory_space<hbm>> -> memref<2048xi32, #tpu.memory_space<hbm>>
      tpu.wait_dma2 semaphore(%run_scoped3A : memref<!tpu.dma_semaphore, #tpu.memory_space<semaphore_mem>>) src(%dma_wait3A_148 : memref<2048xi32, #tpu.memory_space<hbm>>) dst(%arg7 : memref<2048xi32, #tpu.memory_space<vmem>>)
      tpu.yield
    }) : () -> ()
    %mul3A_7 = arith.constant 128 : i32
    %mul3A_8 = arith.muli %add3A, %mul3A_7 : i32
    %mul3A_9 = arith.constant 16 : i32
    %mul3A_10 = arith.muli %mul3A_8, %mul3A_9 : i32
    %add3A_11 = arith.constant 65536 : i32
    %add3A_12 = arith.addi %add3A_11, %mul3A_10 : i32
    "tpu.region"() ({
      %run_scoped3A = tpu.sem_alloc : memref<!tpu.dma_semaphore, #tpu.memory_space<semaphore_mem>>
      %dma_start3A_145 = tpu.memref_slice %arg2[%add3A_12] : memref<131072xi32, #tpu.memory_space<hbm>> -> memref<2048xi32, #tpu.memory_space<hbm>>
      %dma_start3A_146 = tpu.memref_slice %arg2[%add3A_12] : memref<131072xi32, #tpu.memory_space<hbm>> -> memref<2048xi32, #tpu.memory_space<hbm>>
      tpu.enqueue_dma source(%dma_start3A_146 : memref<2048xi32, #tpu.memory_space<hbm>>) target(%arg8 : memref<2048xi32, #tpu.memory_space<vmem>>) target_semaphore(%run_scoped3A : memref<!tpu.dma_semaphore, #tpu.memory_space<semaphore_mem>>)
      %dma_wait3A_147 = tpu.memref_slice %arg2[%add3A_12] : memref<131072xi32, #tpu.memory_space<hbm>> -> memref<2048xi32, #tpu.memory_space<hbm>>
      %dma_wait3A_148 = tpu.memref_slice %arg2[%add3A_12] : memref<131072xi32, #tpu.memory_space<hbm>> -> memref<2048xi32, #tpu.memory_space<hbm>>
      tpu.wait_dma2 semaphore(%run_scoped3A : memref<!tpu.dma_semaphore, #tpu.memory_space<semaphore_mem>>) src(%dma_wait3A_148 : memref<2048xi32, #tpu.memory_space<hbm>>) dst(%arg8 : memref<2048xi32, #tpu.memory_space<vmem>>)
      tpu.yield
    }) : () -> ()
    "tpu.region"() ({
      %run_scoped3A = tpu.sem_alloc : memref<!tpu.dma_semaphore, #tpu.memory_space<semaphore_mem>>
      %dma_start3A_145 = arith.constant 0 : i32
      %dma_start3A_146 = tpu.memref_slice %arg4[%mul3A_2, %dma_start3A_145] : memref<512x768xf32, #tpu.memory_space<hbm>> -> memref<16x768xf32, #tpu.memory_space<hbm>>
      %dma_start3A_147 = arith.constant 0 : i32
      %dma_start3A_148 = tpu.memref_slice %arg4[%mul3A_2, %dma_start3A_147] : memref<512x768xf32, #tpu.memory_space<hbm>> -> memref<16x768xf32, #tpu.memory_space<hbm>>
      tpu.enqueue_dma source(%dma_start3A_148 : memref<16x768xf32, #tpu.memory_space<hbm>>) target(%arg9 : memref<16x768xf32, #tpu.memory_space<vmem>>) target_semaphore(%run_scoped3A : memref<!tpu.dma_semaphore, #tpu.memory_space<semaphore_mem>>)
      %dma_wait3A_149 = arith.constant 0 : i32
      %dma_wait3A_150 = tpu.memref_slice %arg4[%mul3A_2, %dma_wait3A_149] : memref<512x768xf32, #tpu.memory_space<hbm>> -> memref<16x768xf32, #tpu.memory_space<hbm>>
      %dma_wait3A_151 = arith.constant 0 : i32
      %dma_wait3A_152 = tpu.memref_slice %arg4[%mul3A_2, %dma_wait3A_151] : memref<512x768xf32, #tpu.memory_space<hbm>> -> memref<16x768xf32, #tpu.memory_space<hbm>>
      tpu.wait_dma2 semaphore(%run_scoped3A : memref<!tpu.dma_semaphore, #tpu.memory_space<semaphore_mem>>) src(%dma_wait3A_152 : memref<16x768xf32, #tpu.memory_space<hbm>>) dst(%arg9 : memref<16x768xf32, #tpu.memory_space<vmem>>)
      tpu.yield
    }) : () -> ()
    "tpu.region"() ({
      %run_scoped3A = tpu.sem_alloc : memref<!tpu.dma_semaphore, #tpu.memory_space<semaphore_mem>>
      tpu.enqueue_dma source(%arg5 : memref<2x768xf32, #tpu.memory_space<hbm>>) target(%arg10 : memref<2x768xf32, #tpu.memory_space<vmem>>) target_semaphore(%run_scoped3A : memref<!tpu.dma_semaphore, #tpu.memory_space<semaphore_mem>>)
      tpu.wait_dma2 semaphore(%run_scoped3A : memref<!tpu.dma_semaphore, #tpu.memory_space<semaphore_mem>>) src(%arg5 : memref<2x768xf32, #tpu.memory_space<hbm>>) dst(%arg10 : memref<2x768xf32, #tpu.memory_space<vmem>>)
      tpu.yield
    }) : () -> ()
    %dma_start3A = arith.constant 0 : i32
    %dma_start3A_13 = tpu.memref_slice %arg7[%dma_start3A] : memref<2048xi32, #tpu.memory_space<vmem>> -> memref<16xi32, #tpu.memory_space<vmem>>
    %dma_start3A_14 = arith.constant 0 : i32
    %dma_start3A_15 = arith.constant 0 : i32
    %dma_start3A_16 = tpu.memref_slice %arg3[%dma_start3A_14, %dma_start3A_15] : memref<28996x768xf32, #tpu.memory_space<hbm>> -> memref<28996x768xf32, #tpu.memory_space<hbm>>
    tpu.enqueue_indirect_dma source(%dma_start3A_16 : memref<28996x768xf32, #tpu.memory_space<hbm>>) target(%arg11 : memref<16x768xf32, #tpu.memory_space<vmem>>) offsets(%dma_start3A_13 : memref<16xi32, #tpu.memory_space<vmem>>) semaphore(%arg19 : memref<!tpu.dma_semaphore, #tpu.memory_space<semaphore_mem>>)
    %dma_start3A_17 = arith.constant 16 : i32
    %dma_start3A_18 = tpu.memref_slice %arg7[%dma_start3A_17] : memref<2048xi32, #tpu.memory_space<vmem>> -> memref<16xi32, #tpu.memory_space<vmem>>
    %dma_start3A_19 = arith.constant 0 : i32
    %dma_start3A_20 = arith.constant 0 : i32
    %dma_start3A_21 = tpu.memref_slice %arg3[%dma_start3A_19, %dma_start3A_20] : memref<28996x768xf32, #tpu.memory_space<hbm>> -> memref<28996x768xf32, #tpu.memory_space<hbm>>
    tpu.enqueue_indirect_dma source(%dma_start3A_21 : memref<28996x768xf32, #tpu.memory_space<hbm>>) target(%arg12 : memref<16x768xf32, #tpu.memory_space<vmem>>) offsets(%dma_start3A_18 : memref<16xi32, #tpu.memory_space<vmem>>) semaphore(%arg20 : memref<!tpu.dma_semaphore, #tpu.memory_space<semaphore_mem>>)
    %dma_start3A_22 = arith.constant 32 : i32
    %dma_start3A_23 = tpu.memref_slice %arg7[%dma_start3A_22] : memref<2048xi32, #tpu.memory_space<vmem>> -> memref<16xi32, #tpu.memory_space<vmem>>
    %dma_start3A_24 = arith.constant 0 : i32
    %dma_start3A_25 = arith.constant 0 : i32
    %dma_start3A_26 = tpu.memref_slice %arg3[%dma_start3A_24, %dma_start3A_25] : memref<28996x768xf32, #tpu.memory_space<hbm>> -> memref<28996x768xf32, #tpu.memory_space<hbm>>
    tpu.enqueue_indirect_dma source(%dma_start3A_26 : memref<28996x768xf32, #tpu.memory_space<hbm>>) target(%arg13 : memref<16x768xf32, #tpu.memory_space<vmem>>) offsets(%dma_start3A_23 : memref<16xi32, #tpu.memory_space<vmem>>) semaphore(%arg21 : memref<!tpu.dma_semaphore, #tpu.memory_space<semaphore_mem>>)
    %dma_start3A_27 = arith.constant 48 : i32
    %dma_start3A_28 = tpu.memref_slice %arg7[%dma_start3A_27] : memref<2048xi32, #tpu.memory_space<vmem>> -> memref<16xi32, #tpu.memory_space<vmem>>
    %dma_start3A_29 = arith.constant 0 : i32
    %dma_start3A_30 = arith.constant 0 : i32
    %dma_start3A_31 = tpu.memref_slice %arg3[%dma_start3A_29, %dma_start3A_30] : memref<28996x768xf32, #tpu.memory_space<hbm>> -> memref<28996x768xf32, #tpu.memory_space<hbm>>
    tpu.enqueue_indirect_dma source(%dma_start3A_31 : memref<28996x768xf32, #tpu.memory_space<hbm>>) target(%arg14 : memref<16x768xf32, #tpu.memory_space<vmem>>) offsets(%dma_start3A_28 : memref<16xi32, #tpu.memory_space<vmem>>) semaphore(%arg22 : memref<!tpu.dma_semaphore, #tpu.memory_space<semaphore_mem>>)
    %dma_start3A_32 = arith.constant 64 : i32
    %dma_start3A_33 = tpu.memref_slice %arg7[%dma_start3A_32] : memref<2048xi32, #tpu.memory_space<vmem>> -> memref<16xi32, #tpu.memory_space<vmem>>
    %dma_start3A_34 = arith.constant 0 : i32
    %dma_start3A_35 = arith.constant 0 : i32
    %dma_start3A_36 = tpu.memref_slice %arg3[%dma_start3A_34, %dma_start3A_35] : memref<28996x768xf32, #tpu.memory_space<hbm>> -> memref<28996x768xf32, #tpu.memory_space<hbm>>
    tpu.enqueue_indirect_dma source(%dma_start3A_36 : memref<28996x768xf32, #tpu.memory_space<hbm>>) target(%arg15 : memref<16x768xf32, #tpu.memory_space<vmem>>) offsets(%dma_start3A_33 : memref<16xi32, #tpu.memory_space<vmem>>) semaphore(%arg23 : memref<!tpu.dma_semaphore, #tpu.memory_space<semaphore_mem>>)
    %scan3A = arith.constant 0 : i32
    %scan3A_37 = arith.constant 0 : i32
    %scan3A_38 = arith.constant 16 : i32
    %scan3A_39 = arith.addi %scan3A_37, %scan3A_38 : i32
    %scan3A_40 = arith.constant 1 : i32
    scf.for %scan3A_145 = %scan3A_37 to %scan3A_39 step %scan3A_40  : i32 {
      %mul3A_146 = arith.constant 8 : i32
      %mul3A_147 = arith.muli %scan3A_145, %mul3A_146 : i32
      %add3A_148 = arith.constant 0 : i32
      %add3A_149 = arith.addi %mul3A_147, %add3A_148 : i32
      %add3A_150 = arith.constant 5 : i32
      %add3A_151 = arith.addi %add3A_149, %add3A_150 : i32
      %lt3A = arith.constant 128 : i32
      %lt3A_152 = arith.cmpi slt, %add3A_151, %lt3A : i32
      %convert_element_type3A = arith.extui %lt3A_152 : i1 to i32
      %cond3A = arith.constant 0 : i32
      %cond3A_153 = arith.cmpi ne, %convert_element_type3A, %cond3A : i32
      scf.if %cond3A_153 {
        %ge3A = arith.constant 8 : i32
        %ge3A_462 = arith.cmpi sge, %add3A_151, %ge3A : i32
        %convert_element_type3A_463 = arith.extui %ge3A_462 : i1 to i32
        %cond3A_464 = arith.constant 0 : i32
        %cond3A_465 = arith.cmpi ne, %convert_element_type3A_463, %cond3A_464 : i32
        scf.if %cond3A_465 {
          %sub3A = arith.constant 8 : i32
          %sub3A_472 = arith.subi %add3A_151, %sub3A : i32
          %mul3A_473 = arith.constant 1 : i32
          %mul3A_474 = arith.muli %sub3A_472, %mul3A_473 : i32
          %add3A_475 = arith.constant 0 : i32
          %add3A_476 = arith.addi %mul3A_474, %add3A_475 : i32
          %dma_wait3A_477 = arith.constant 0 : i32
          %dma_wait3A_478 = arith.constant 0 : i32
          %dma_wait3A_479 = tpu.memref_slice %arg16[%dma_wait3A_477, %dma_wait3A_478] : memref<16x768xf32, #tpu.memory_space<vmem>> -> memref<16x768xf32, #tpu.memory_space<vmem>>
          %dma_wait3A_480 = arith.constant 0 : i32
          %dma_wait3A_481 = tpu.memref_slice %arg6[%add3A_476, %mul3A_2, %dma_wait3A_480] : memref<128x512x768xf32, #tpu.memory_space<hbm>> -> memref<1x16x768xf32, #tpu.memory_space<hbm>>
          %dma_wait3A_482 = tpu.memref_squeeze %dma_wait3A_481 : memref<1x16x768xf32, #tpu.memory_space<hbm>> -> memref<16x768xf32, #tpu.memory_space<hbm>>
          %dma_wait3A_483 = arith.constant 0 : i32
          %dma_wait3A_484 = tpu.memref_slice %arg6[%add3A_476, %mul3A_2, %dma_wait3A_483] : memref<128x512x768xf32, #tpu.memory_space<hbm>> -> memref<1x16x768xf32, #tpu.memory_space<hbm>>
          %dma_wait3A_485 = tpu.memref_squeeze %dma_wait3A_484 : memref<1x16x768xf32, #tpu.memory_space<hbm>> -> memref<16x768xf32, #tpu.memory_space<hbm>>
          %dma_wait3A_486 = arith.constant 0 : i32
          %dma_wait3A_487 = arith.constant 0 : i32
          %dma_wait3A_488 = tpu.memref_slice %arg16[%dma_wait3A_486, %dma_wait3A_487] : memref<16x768xf32, #tpu.memory_space<vmem>> -> memref<16x768xf32, #tpu.memory_space<vmem>>
          tpu.wait_dma2 semaphore(%arg32 : memref<!tpu.dma_semaphore, #tpu.memory_space<semaphore_mem>>) src(%dma_wait3A_488 : memref<16x768xf32, #tpu.memory_space<vmem>>) dst(%dma_wait3A_485 : memref<16x768xf32, #tpu.memory_space<hbm>>)
        } else {
        }
        %mul3A_466 = arith.constant 16 : i32
        %mul3A_467 = arith.muli %add3A_151, %mul3A_466 : i32
        %dma_start3A_468 = tpu.memref_slice %arg7[%mul3A_467] : memref<2048xi32, #tpu.memory_space<vmem>> -> memref<16xi32, #tpu.memory_space<vmem>>
        %dma_start3A_469 = arith.constant 0 : i32
        %dma_start3A_470 = arith.constant 0 : i32
        %dma_start3A_471 = tpu.memref_slice %arg3[%dma_start3A_469, %dma_start3A_470] : memref<28996x768xf32, #tpu.memory_space<hbm>> -> memref<28996x768xf32, #tpu.memory_space<hbm>>
        tpu.enqueue_indirect_dma source(%dma_start3A_471 : memref<28996x768xf32, #tpu.memory_space<hbm>>) target(%arg16 : memref<16x768xf32, #tpu.memory_space<vmem>>) offsets(%dma_start3A_468 : memref<16xi32, #tpu.memory_space<vmem>>) semaphore(%arg24 : memref<!tpu.dma_semaphore, #tpu.memory_space<semaphore_mem>>)
      } else {
      }
      %mul3A_154 = arith.constant 16 : i32
      %mul3A_155 = arith.muli %add3A_149, %mul3A_154 : i32
      %dma_wait3A_156 = tpu.memref_slice %arg7[%mul3A_155] : memref<2048xi32, #tpu.memory_space<vmem>> -> memref<16xi32, #tpu.memory_space<vmem>>
      %dma_wait3A_157 = arith.constant 0 : i32
      %dma_wait3A_158 = arith.constant 0 : i32
      %dma_wait3A_159 = tpu.memref_slice %arg3[%dma_wait3A_157, %dma_wait3A_158] : memref<28996x768xf32, #tpu.memory_space<hbm>> -> memref<28996x768xf32, #tpu.memory_space<hbm>>
      tpu.wait_indirect_dma semaphore(%arg19 : memref<!tpu.dma_semaphore, #tpu.memory_space<semaphore_mem>>) src(%dma_wait3A_159 : memref<28996x768xf32, #tpu.memory_space<hbm>>) dst(%arg11 : memref<16x768xf32, #tpu.memory_space<vmem>>)
      %mul3A_160 = arith.constant 16 : i32
      %mul3A_161 = arith.muli %add3A_149, %mul3A_160 : i32
      %add3A_162 = arith.constant 0 : i32
      %add3A_163 = arith.addi %mul3A_161, %add3A_162 : i32
      %parallel_loop3A = arith.constant 0 : i32
      %parallel_loop3A_164 = arith.constant 768 : i32
      %parallel_loop3A_165 = arith.constant 128 : i32
      scf.for %parallel_loop3A_462 = %parallel_loop3A to %parallel_loop3A_164 step %parallel_loop3A_165  : i32 {
        %parallel_loop3A_463 = arith.constant 0 : i32
        %parallel_loop3A_464 = arith.addi %parallel_loop3A_462, %parallel_loop3A_463 : i32
        %parallel_loop3A_465 = arith.constant 0 : i32
        %parallel_loop3A_466 = arith.index_cast %parallel_loop3A_465 : i32 to index
        %parallel_loop3A_467 = arith.index_cast %parallel_loop3A_464 : i32 to index
        %parallel_loop3A_468 = tpu.vector_load %arg10[%parallel_loop3A_466, %parallel_loop3A_467] {strides = array<i32>} : memref<2x768xf32, #tpu.memory_space<vmem>>, vector<16xf32>,
        %parallel_loop3A_469 = arith.constant 16 : i32
        %parallel_loop3A_470 = arith.addi %parallel_loop3A_462, %parallel_loop3A_469 : i32
        %parallel_loop3A_471 = arith.constant 0 : i32
        %parallel_loop3A_472 = arith.index_cast %parallel_loop3A_471 : i32 to index
        %parallel_loop3A_473 = arith.index_cast %parallel_loop3A_470 : i32 to index
        %parallel_loop3A_474 = tpu.vector_load %arg10[%parallel_loop3A_472, %parallel_loop3A_473] {strides = array<i32>} : memref<2x768xf32, #tpu.memory_space<vmem>>, vector<16xf32>,
        %parallel_loop3A_475 = arith.constant 32 : i32
        %parallel_loop3A_476 = arith.addi %parallel_loop3A_462, %parallel_loop3A_475 : i32
        %parallel_loop3A_477 = arith.constant 0 : i32
        %parallel_loop3A_478 = arith.index_cast %parallel_loop3A_477 : i32 to index
        %parallel_loop3A_479 = arith.index_cast %parallel_loop3A_476 : i32 to index
        %parallel_loop3A_480 = tpu.vector_load %arg10[%parallel_loop3A_478, %parallel_loop3A_479] {strides = array<i32>} : memref<2x768xf32, #tpu.memory_space<vmem>>, vector<16xf32>,
        %parallel_loop3A_481 = arith.constant 48 : i32
        %parallel_loop3A_482 = arith.addi %parallel_loop3A_462, %parallel_loop3A_481 : i32
        %parallel_loop3A_483 = arith.constant 0 : i32
        %parallel_loop3A_484 = arith.index_cast %parallel_loop3A_483 : i32 to index
        %parallel_loop3A_485 = arith.index_cast %parallel_loop3A_482 : i32 to index
        %parallel_loop3A_486 = tpu.vector_load %arg10[%parallel_loop3A_484, %parallel_loop3A_485] {strides = array<i32>} : memref<2x768xf32, #tpu.memory_space<vmem>>, vector<16xf32>,
        %parallel_loop3A_487 = arith.constant 64 : i32
        %parallel_loop3A_488 = arith.addi %parallel_loop3A_462, %parallel_loop3A_487 : i32
        %parallel_loop3A_489 = arith.constant 0 : i32
        %parallel_loop3A_490 = arith.index_cast %parallel_loop3A_489 : i32 to index
        %parallel_loop3A_491 = arith.index_cast %parallel_loop3A_488 : i32 to index
        %parallel_loop3A_492 = tpu.vector_load %arg10[%parallel_loop3A_490, %parallel_loop3A_491] {strides = array<i32>} : memref<2x768xf32, #tpu.memory_space<vmem>>, vector<16xf32>,
        %parallel_loop3A_493 = arith.constant 80 : i32
        %parallel_loop3A_494 = arith.addi %parallel_loop3A_462, %parallel_loop3A_493 : i32
        %parallel_loop3A_495 = arith.constant 0 : i32
        %parallel_loop3A_496 = arith.index_cast %parallel_loop3A_495 : i32 to index
        %parallel_loop3A_497 = arith.index_cast %parallel_loop3A_494 : i32 to index
        %parallel_loop3A_498 = tpu.vector_load %arg10[%parallel_loop3A_496, %parallel_loop3A_497] {strides = array<i32>} : memref<2x768xf32, #tpu.memory_space<vmem>>, vector<16xf32>,
        %parallel_loop3A_499 = arith.constant 96 : i32
        %parallel_loop3A_500 = arith.addi %parallel_loop3A_462, %parallel_loop3A_499 : i32
        %parallel_loop3A_501 = arith.constant 0 : i32
        %parallel_loop3A_502 = arith.index_cast %parallel_loop3A_501 : i32 to index
        %parallel_loop3A_503 = arith.index_cast %parallel_loop3A_500 : i32 to index
        %parallel_loop3A_504 = tpu.vector_load %arg10[%parallel_loop3A_502, %parallel_loop3A_503] {strides = array<i32>} : memref<2x768xf32, #tpu.memory_space<vmem>>, vector<16xf32>,
        %parallel_loop3A_505 = arith.constant 112 : i32
        %parallel_loop3A_506 = arith.addi %parallel_loop3A_462, %parallel_loop3A_505 : i32
        %parallel_loop3A_507 = arith.constant 0 : i32
        %parallel_loop3A_508 = arith.index_cast %parallel_loop3A_507 : i32 to index
        %parallel_loop3A_509 = arith.index_cast %parallel_loop3A_506 : i32 to index
        %parallel_loop3A_510 = tpu.vector_load %arg10[%parallel_loop3A_508, %parallel_loop3A_509] {strides = array<i32>} : memref<2x768xf32, #tpu.memory_space<vmem>>, vector<16xf32>,
        %parallel_loop3A_511 = arith.constant 0 : i32
        %parallel_loop3A_512 = arith.addi %parallel_loop3A_462, %parallel_loop3A_511 : i32
        %parallel_loop3A_513 = arith.constant 1 : i32
        %parallel_loop3A_514 = arith.index_cast %parallel_loop3A_513 : i32 to index
        %parallel_loop3A_515 = arith.index_cast %parallel_loop3A_512 : i32 to index
        %parallel_loop3A_516 = tpu.vector_load %arg10[%parallel_loop3A_514, %parallel_loop3A_515] {strides = array<i32>} : memref<2x768xf32, #tpu.memory_space<vmem>>, vector<16xf32>,
        %parallel_loop3A_517 = arith.subf %parallel_loop3A_516, %parallel_loop3A_468 : vector<16xf32>
        %parallel_loop3A_518 = arith.constant 16 : i32
        %parallel_loop3A_519 = arith.addi %parallel_loop3A_462, %parallel_loop3A_518 : i32
        %parallel_loop3A_520 = arith.constant 1 : i32
        %parallel_loop3A_521 = arith.index_cast %parallel_loop3A_520 : i32 to index
        %parallel_loop3A_522 = arith.index_cast %parallel_loop3A_519 : i32 to index
        %parallel_loop3A_523 = tpu.vector_load %arg10[%parallel_loop3A_521, %parallel_loop3A_522] {strides = array<i32>} : memref<2x768xf32, #tpu.memory_space<vmem>>, vector<16xf32>,
        %parallel_loop3A_524 = arith.subf %parallel_loop3A_523, %parallel_loop3A_474 : vector<16xf32>
        %parallel_loop3A_525 = arith.constant 32 : i32
        %parallel_loop3A_526 = arith.addi %parallel_loop3A_462, %parallel_loop3A_525 : i32
        %parallel_loop3A_527 = arith.constant 1 : i32
        %parallel_loop3A_528 = arith.index_cast %parallel_loop3A_527 : i32 to index
        %parallel_loop3A_529 = arith.index_cast %parallel_loop3A_526 : i32 to index
        %parallel_loop3A_530 = tpu.vector_load %arg10[%parallel_loop3A_528, %parallel_loop3A_529] {strides = array<i32>} : memref<2x768xf32, #tpu.memory_space<vmem>>, vector<16xf32>,
        %parallel_loop3A_531 = arith.subf %parallel_loop3A_530, %parallel_loop3A_480 : vector<16xf32>
        %parallel_loop3A_532 = arith.constant 48 : i32
        %parallel_loop3A_533 = arith.addi %parallel_loop3A_462, %parallel_loop3A_532 : i32
        %parallel_loop3A_534 = arith.constant 1 : i32
        %parallel_loop3A_535 = arith.index_cast %parallel_loop3A_534 : i32 to index
        %parallel_loop3A_536 = arith.index_cast %parallel_loop3A_533 : i32 to index
        %parallel_loop3A_537 = tpu.vector_load %arg10[%parallel_loop3A_535, %parallel_loop3A_536] {strides = array<i32>} : memref<2x768xf32, #tpu.memory_space<vmem>>, vector<16xf32>,
        %parallel_loop3A_538 = arith.subf %parallel_loop3A_537, %parallel_loop3A_486 : vector<16xf32>
        %parallel_loop3A_539 = arith.constant 64 : i32
        %parallel_loop3A_540 = arith.addi %parallel_loop3A_462, %parallel_loop3A_539 : i32
        %parallel_loop3A_541 = arith.constant 1 : i32
        %parallel_loop3A_542 = arith.index_cast %parallel_loop3A_541 : i32 to index
        %parallel_loop3A_543 = arith.index_cast %parallel_loop3A_540 : i32 to index
        %parallel_loop3A_544 = tpu.vector_load %arg10[%parallel_loop3A_542, %parallel_loop3A_543] {strides = array<i32>} : memref<2x768xf32, #tpu.memory_space<vmem>>, vector<16xf32>,
        %parallel_loop3A_545 = arith.subf %parallel_loop3A_544, %parallel_loop3A_492 : vector<16xf32>
        %parallel_loop3A_546 = arith.constant 80 : i32
        %parallel_loop3A_547 = arith.addi %parallel_loop3A_462, %parallel_loop3A_546 : i32
        %parallel_loop3A_548 = arith.constant 1 : i32
        %parallel_loop3A_549 = arith.index_cast %parallel_loop3A_548 : i32 to index
        %parallel_loop3A_550 = arith.index_cast %parallel_loop3A_547 : i32 to index
        %parallel_loop3A_551 = tpu.vector_load %arg10[%parallel_loop3A_549, %parallel_loop3A_550] {strides = array<i32>} : memref<2x768xf32, #tpu.memory_space<vmem>>, vector<16xf32>,
        %parallel_loop3A_552 = arith.subf %parallel_loop3A_551, %parallel_loop3A_498 : vector<16xf32>
        %parallel_loop3A_553 = arith.constant 96 : i32
        %parallel_loop3A_554 = arith.addi %parallel_loop3A_462, %parallel_loop3A_553 : i32
        %parallel_loop3A_555 = arith.constant 1 : i32
        %parallel_loop3A_556 = arith.index_cast %parallel_loop3A_555 : i32 to index
        %parallel_loop3A_557 = arith.index_cast %parallel_loop3A_554 : i32 to index
        %parallel_loop3A_558 = tpu.vector_load %arg10[%parallel_loop3A_556, %parallel_loop3A_557] {strides = array<i32>} : memref<2x768xf32, #tpu.memory_space<vmem>>, vector<16xf32>,
        %parallel_loop3A_559 = arith.subf %parallel_loop3A_558, %parallel_loop3A_504 : vector<16xf32>
        %parallel_loop3A_560 = arith.constant 112 : i32
        %parallel_loop3A_561 = arith.addi %parallel_loop3A_462, %parallel_loop3A_560 : i32
        %parallel_loop3A_562 = arith.constant 1 : i32
        %parallel_loop3A_563 = arith.index_cast %parallel_loop3A_562 : i32 to index
        %parallel_loop3A_564 = arith.index_cast %parallel_loop3A_561 : i32 to index
        %parallel_loop3A_565 = tpu.vector_load %arg10[%parallel_loop3A_563, %parallel_loop3A_564] {strides = array<i32>} : memref<2x768xf32, #tpu.memory_space<vmem>>, vector<16xf32>,
        %parallel_loop3A_566 = arith.subf %parallel_loop3A_565, %parallel_loop3A_510 : vector<16xf32>
        %parallel_loop3A_567 = arith.constant 0 : i32
        %parallel_loop3A_568 = arith.constant 16 : i32
        %parallel_loop3A_569 = arith.constant 1 : i32
        scf.for %parallel_loop3A_570 = %parallel_loop3A_567 to %parallel_loop3A_568 step %parallel_loop3A_569  : i32 {
          %parallel_loop3A_571 = arith.addi %add3A_163, %parallel_loop3A_570 : i32
          %parallel_loop3A_572 = vector.broadcast %parallel_loop3A_571 : i32 to vector<16xi32>
          %parallel_loop3A_573 = tpu.vector_load_idx %arg8[%parallel_loop3A_572] : memref<2048xi32, #tpu.memory_space<vmem>>[vector<16xi32>], vector<16xi32>,
          %parallel_loop3A_574 = arith.sitofp %parallel_loop3A_573 : vector<16xi32> to vector<16xf32>
          %parallel_loop3A_575 = arith.mulf %parallel_loop3A_574, %parallel_loop3A_517 : vector<16xf32>
          %parallel_loop3A_576 = arith.addf %parallel_loop3A_468, %parallel_loop3A_575 : vector<16xf32>
          %parallel_loop3A_577 = arith.mulf %parallel_loop3A_574, %parallel_loop3A_524 : vector<16xf32>
          %parallel_loop3A_578 = arith.addf %parallel_loop3A_474, %parallel_loop3A_577 : vector<16xf32>
          %parallel_loop3A_579 = arith.mulf %parallel_loop3A_574, %parallel_loop3A_531 : vector<16xf32>
          %parallel_loop3A_580 = arith.addf %parallel_loop3A_480, %parallel_loop3A_579 : vector<16xf32>
          %parallel_loop3A_581 = arith.mulf %parallel_loop3A_574, %parallel_loop3A_538 : vector<16xf32>
          %parallel_loop3A_582 = arith.addf %parallel_loop3A_486, %parallel_loop3A_581 : vector<16xf32>
          %parallel_loop3A_583 = arith.mulf %parallel_loop3A_574, %parallel_loop3A_545 : vector<16xf32>
          %parallel_loop3A_584 = arith.addf %parallel_loop3A_492, %parallel_loop3A_583 : vector<16xf32>
          %parallel_loop3A_585 = arith.mulf %parallel_loop3A_574, %parallel_loop3A_552 : vector<16xf32>
          %parallel_loop3A_586 = arith.addf %parallel_loop3A_498, %parallel_loop3A_585 : vector<16xf32>
          %parallel_loop3A_587 = arith.mulf %parallel_loop3A_574, %parallel_loop3A_559 : vector<16xf32>
          %parallel_loop3A_588 = arith.addf %parallel_loop3A_504, %parallel_loop3A_587 : vector<16xf32>
          %parallel_loop3A_589 = arith.mulf %parallel_loop3A_574, %parallel_loop3A_566 : vector<16xf32>
          %parallel_loop3A_590 = arith.addf %parallel_loop3A_510, %parallel_loop3A_589 : vector<16xf32>
          %parallel_loop3A_591 = arith.constant 0 : i32
          %parallel_loop3A_592 = arith.addi %parallel_loop3A_462, %parallel_loop3A_591 : i32
          %parallel_loop3A_593 = arith.constant 0 : i32
          %parallel_loop3A_594 = arith.addi %parallel_loop3A_462, %parallel_loop3A_593 : i32
          %parallel_loop3A_595 = arith.index_cast %parallel_loop3A_570 : i32 to index
          %parallel_loop3A_596 = arith.index_cast %parallel_loop3A_594 : i32 to index
          %parallel_loop3A_597 = tpu.vector_load %arg9[%parallel_loop3A_595, %parallel_loop3A_596] {strides = array<i32>} : memref<16x768xf32, #tpu.memory_space<vmem>>, vector<16xf32>,
          %parallel_loop3A_598 = arith.addf %parallel_loop3A_597, %parallel_loop3A_576 : vector<16xf32>
          %parallel_loop3A_599 = arith.constant 0 : i32
          %parallel_loop3A_600 = arith.addi %parallel_loop3A_599, %parallel_loop3A_570 : i32
          %parallel_loop3A_601 = arith.index_cast %parallel_loop3A_600 : i32 to index
          %parallel_loop3A_602 = arith.index_cast %parallel_loop3A_592 : i32 to index
          %parallel_loop3A_603 = tpu.vector_load %arg11[%parallel_loop3A_601, %parallel_loop3A_602] {strides = array<i32>} : memref<16x768xf32, #tpu.memory_space<vmem>>, vector<16xf32>,
          tpu.vector_store %arg11[%parallel_loop3A_601, %parallel_loop3A_602], %parallel_loop3A_598 {add = true, strides = array<i32>} : memref<16x768xf32, #tpu.memory_space<vmem>>, vector<16xf32>,
          %parallel_loop3A_604 = arith.constant 16 : i32
          %parallel_loop3A_605 = arith.addi %parallel_loop3A_462, %parallel_loop3A_604 : i32
          %parallel_loop3A_606 = arith.constant 16 : i32
          %parallel_loop3A_607 = arith.addi %parallel_loop3A_462, %parallel_loop3A_606 : i32
          %parallel_loop3A_608 = arith.index_cast %parallel_loop3A_570 : i32 to index
          %parallel_loop3A_609 = arith.index_cast %parallel_loop3A_607 : i32 to index
          %parallel_loop3A_610 = tpu.vector_load %arg9[%parallel_loop3A_608, %parallel_loop3A_609] {strides = array<i32>} : memref<16x768xf32, #tpu.memory_space<vmem>>, vector<16xf32>,
          %parallel_loop3A_611 = arith.addf %parallel_loop3A_610, %parallel_loop3A_578 : vector<16xf32>
          %parallel_loop3A_612 = arith.constant 0 : i32
          %parallel_loop3A_613 = arith.addi %parallel_loop3A_612, %parallel_loop3A_570 : i32
          %parallel_loop3A_614 = arith.index_cast %parallel_loop3A_613 : i32 to index
          %parallel_loop3A_615 = arith.index_cast %parallel_loop3A_605 : i32 to index
          %parallel_loop3A_616 = tpu.vector_load %arg11[%parallel_loop3A_614, %parallel_loop3A_615] {strides = array<i32>} : memref<16x768xf32, #tpu.memory_space<vmem>>, vector<16xf32>,
          tpu.vector_store %arg11[%parallel_loop3A_614, %parallel_loop3A_615], %parallel_loop3A_611 {add = true, strides = array<i32>} : memref<16x768xf32, #tpu.memory_space<vmem>>, vector<16xf32>,
          %parallel_loop3A_617 = arith.constant 32 : i32
          %parallel_loop3A_618 = arith.addi %parallel_loop3A_462, %parallel_loop3A_617 : i32
          %parallel_loop3A_619 = arith.constant 32 : i32
          %parallel_loop3A_620 = arith.addi %parallel_loop3A_462, %parallel_loop3A_619 : i32
          %parallel_loop3A_621 = arith.index_cast %parallel_loop3A_570 : i32 to index
          %parallel_loop3A_622 = arith.index_cast %parallel_loop3A_620 : i32 to index
          %parallel_loop3A_623 = tpu.vector_load %arg9[%parallel_loop3A_621, %parallel_loop3A_622] {strides = array<i32>} : memref<16x768xf32, #tpu.memory_space<vmem>>, vector<16xf32>,
          %parallel_loop3A_624 = arith.addf %parallel_loop3A_623, %parallel_loop3A_580 : vector<16xf32>
          %parallel_loop3A_625 = arith.constant 0 : i32
          %parallel_loop3A_626 = arith.addi %parallel_loop3A_625, %parallel_loop3A_570 : i32
          %parallel_loop3A_627 = arith.index_cast %parallel_loop3A_626 : i32 to index
          %parallel_loop3A_628 = arith.index_cast %parallel_loop3A_618 : i32 to index
          %parallel_loop3A_629 = tpu.vector_load %arg11[%parallel_loop3A_627, %parallel_loop3A_628] {strides = array<i32>} : memref<16x768xf32, #tpu.memory_space<vmem>>, vector<16xf32>,
          tpu.vector_store %arg11[%parallel_loop3A_627, %parallel_loop3A_628], %parallel_loop3A_624 {add = true, strides = array<i32>} : memref<16x768xf32, #tpu.memory_space<vmem>>, vector<16xf32>,
          %parallel_loop3A_630 = arith.constant 48 : i32
          %parallel_loop3A_631 = arith.addi %parallel_loop3A_462, %parallel_loop3A_630 : i32
          %parallel_loop3A_632 = arith.constant 48 : i32
          %parallel_loop3A_633 = arith.addi %parallel_loop3A_462, %parallel_loop3A_632 : i32
          %parallel_loop3A_634 = arith.index_cast %parallel_loop3A_570 : i32 to index
          %parallel_loop3A_635 = arith.index_cast %parallel_loop3A_633 : i32 to index
          %parallel_loop3A_636 = tpu.vector_load %arg9[%parallel_loop3A_634, %parallel_loop3A_635] {strides = array<i32>} : memref<16x768xf32, #tpu.memory_space<vmem>>, vector<16xf32>,
          %parallel_loop3A_637 = arith.addf %parallel_loop3A_636, %parallel_loop3A_582 : vector<16xf32>
          %parallel_loop3A_638 = arith.constant 0 : i32
          %parallel_loop3A_639 = arith.addi %parallel_loop3A_638, %parallel_loop3A_570 : i32
          %parallel_loop3A_640 = arith.index_cast %parallel_loop3A_639 : i32 to index
          %parallel_loop3A_641 = arith.index_cast %parallel_loop3A_631 : i32 to index
          %parallel_loop3A_642 = tpu.vector_load %arg11[%parallel_loop3A_640, %parallel_loop3A_641] {strides = array<i32>} : memref<16x768xf32, #tpu.memory_space<vmem>>, vector<16xf32>,
          tpu.vector_store %arg11[%parallel_loop3A_640, %parallel_loop3A_641], %parallel_loop3A_637 {add = true, strides = array<i32>} : memref<16x768xf32, #tpu.memory_space<vmem>>, vector<16xf32>,
          %parallel_loop3A_643 = arith.constant 64 : i32
          %parallel_loop3A_644 = arith.addi %parallel_loop3A_462, %parallel_loop3A_643 : i32
          %parallel_loop3A_645 = arith.constant 64 : i32
          %parallel_loop3A_646 = arith.addi %parallel_loop3A_462, %parallel_loop3A_645 : i32
          %parallel_loop3A_647 = arith.index_cast %parallel_loop3A_570 : i32 to index
          %parallel_loop3A_648 = arith.index_cast %parallel_loop3A_646 : i32 to index
          %parallel_loop3A_649 = tpu.vector_load %arg9[%parallel_loop3A_647, %parallel_loop3A_648] {strides = array<i32>} : memref<16x768xf32, #tpu.memory_space<vmem>>, vector<16xf32>,
          %parallel_loop3A_650 = arith.addf %parallel_loop3A_649, %parallel_loop3A_584 : vector<16xf32>
          %parallel_loop3A_651 = arith.constant 0 : i32
          %parallel_loop3A_652 = arith.addi %parallel_loop3A_651, %parallel_loop3A_570 : i32
          %parallel_loop3A_653 = arith.index_cast %parallel_loop3A_652 : i32 to index
          %parallel_loop3A_654 = arith.index_cast %parallel_loop3A_644 : i32 to index
          %parallel_loop3A_655 = tpu.vector_load %arg11[%parallel_loop3A_653, %parallel_loop3A_654] {strides = array<i32>} : memref<16x768xf32, #tpu.memory_space<vmem>>, vector<16xf32>,
          tpu.vector_store %arg11[%parallel_loop3A_653, %parallel_loop3A_654], %parallel_loop3A_650 {add = true, strides = array<i32>} : memref<16x768xf32, #tpu.memory_space<vmem>>, vector<16xf32>,
          %parallel_loop3A_656 = arith.constant 80 : i32
          %parallel_loop3A_657 = arith.addi %parallel_loop3A_462, %parallel_loop3A_656 : i32
          %parallel_loop3A_658 = arith.constant 80 : i32
          %parallel_loop3A_659 = arith.addi %parallel_loop3A_462, %parallel_loop3A_658 : i32
          %parallel_loop3A_660 = arith.index_cast %parallel_loop3A_570 : i32 to index
          %parallel_loop3A_661 = arith.index_cast %parallel_loop3A_659 : i32 to index
          %parallel_loop3A_662 = tpu.vector_load %arg9[%parallel_loop3A_660, %parallel_loop3A_661] {strides = array<i32>} : memref<16x768xf32, #tpu.memory_space<vmem>>, vector<16xf32>,
          %parallel_loop3A_663 = arith.addf %parallel_loop3A_662, %parallel_loop3A_586 : vector<16xf32>
          %parallel_loop3A_664 = arith.constant 0 : i32
          %parallel_loop3A_665 = arith.addi %parallel_loop3A_664, %parallel_loop3A_570 : i32
          %parallel_loop3A_666 = arith.index_cast %parallel_loop3A_665 : i32 to index
          %parallel_loop3A_667 = arith.index_cast %parallel_loop3A_657 : i32 to index
          %parallel_loop3A_668 = tpu.vector_load %arg11[%parallel_loop3A_666, %parallel_loop3A_667] {strides = array<i32>} : memref<16x768xf32, #tpu.memory_space<vmem>>, vector<16xf32>,
          tpu.vector_store %arg11[%parallel_loop3A_666, %parallel_loop3A_667], %parallel_loop3A_663 {add = true, strides = array<i32>} : memref<16x768xf32, #tpu.memory_space<vmem>>, vector<16xf32>,
          %parallel_loop3A_669 = arith.constant 96 : i32
          %parallel_loop3A_670 = arith.addi %parallel_loop3A_462, %parallel_loop3A_669 : i32
          %parallel_loop3A_671 = arith.constant 96 : i32
          %parallel_loop3A_672 = arith.addi %parallel_loop3A_462, %parallel_loop3A_671 : i32
          %parallel_loop3A_673 = arith.index_cast %parallel_loop3A_570 : i32 to index
          %parallel_loop3A_674 = arith.index_cast %parallel_loop3A_672 : i32 to index
          %parallel_loop3A_675 = tpu.vector_load %arg9[%parallel_loop3A_673, %parallel_loop3A_674] {strides = array<i32>} : memref<16x768xf32, #tpu.memory_space<vmem>>, vector<16xf32>,
          %parallel_loop3A_676 = arith.addf %parallel_loop3A_675, %parallel_loop3A_588 : vector<16xf32>
          %parallel_loop3A_677 = arith.constant 0 : i32
          %parallel_loop3A_678 = arith.addi %parallel_loop3A_677, %parallel_loop3A_570 : i32
          %parallel_loop3A_679 = arith.index_cast %parallel_loop3A_678 : i32 to index
          %parallel_loop3A_680 = arith.index_cast %parallel_loop3A_670 : i32 to index
          %parallel_loop3A_681 = tpu.vector_load %arg11[%parallel_loop3A_679, %parallel_loop3A_680] {strides = array<i32>} : memref<16x768xf32, #tpu.memory_space<vmem>>, vector<16xf32>,
          tpu.vector_store %arg11[%parallel_loop3A_679, %parallel_loop3A_680], %parallel_loop3A_676 {add = true, strides = array<i32>} : memref<16x768xf32, #tpu.memory_space<vmem>>, vector<16xf32>,
          %parallel_loop3A_682 = arith.constant 112 : i32
          %parallel_loop3A_683 = arith.addi %parallel_loop3A_462, %parallel_loop3A_682 : i32
          %parallel_loop3A_684 = arith.constant 112 : i32
          %parallel_loop3A_685 = arith.addi %parallel_loop3A_462, %parallel_loop3A_684 : i32
          %parallel_loop3A_686 = arith.index_cast %parallel_loop3A_570 : i32 to index
          %parallel_loop3A_687 = arith.index_cast %parallel_loop3A_685 : i32 to index
          %parallel_loop3A_688 = tpu.vector_load %arg9[%parallel_loop3A_686, %parallel_loop3A_687] {strides = array<i32>} : memref<16x768xf32, #tpu.memory_space<vmem>>, vector<16xf32>,
          %parallel_loop3A_689 = arith.addf %parallel_loop3A_688, %parallel_loop3A_590 : vector<16xf32>
          %parallel_loop3A_690 = arith.constant 0 : i32
          %parallel_loop3A_691 = arith.addi %parallel_loop3A_690, %parallel_loop3A_570 : i32
          %parallel_loop3A_692 = arith.index_cast %parallel_loop3A_691 : i32 to index
          %parallel_loop3A_693 = arith.index_cast %parallel_loop3A_683 : i32 to index
          %parallel_loop3A_694 = tpu.vector_load %arg11[%parallel_loop3A_692, %parallel_loop3A_693] {strides = array<i32>} : memref<16x768xf32, #tpu.memory_space<vmem>>, vector<16xf32>,
          tpu.vector_store %arg11[%parallel_loop3A_692, %parallel_loop3A_693], %parallel_loop3A_689 {add = true, strides = array<i32>} : memref<16x768xf32, #tpu.memory_space<vmem>>, vector<16xf32>,
        } {sc.loop_unroll_factor = 1 : i64, sc.parallel_access}
      } {sc.loop_unroll_factor = 1 : i64, sc.parallel_access}
      %mul3A_166 = arith.constant 1 : i32
      %mul3A_167 = arith.muli %add3A_149, %mul3A_166 : i32
      %add3A_168 = arith.constant 0 : i32
      %add3A_169 = arith.addi %mul3A_167, %add3A_168 : i32
      %dma_start3A_170 = arith.constant 0 : i32
      %dma_start3A_171 = arith.constant 0 : i32
      %dma_start3A_172 = tpu.memref_slice %arg11[%dma_start3A_170, %dma_start3A_171] : memref<16x768xf32, #tpu.memory_space<vmem>> -> memref<16x768xf32, #tpu.memory_space<vmem>>
      %dma_start3A_173 = arith.constant 0 : i32
      %dma_start3A_174 = tpu.memref_slice %arg6[%add3A_169, %mul3A_2, %dma_start3A_173] : memref<128x512x768xf32, #tpu.memory_space<hbm>> -> memref<1x16x768xf32, #tpu.memory_space<hbm>>
      %dma_start3A_175 = tpu.memref_squeeze %dma_start3A_174 : memref<1x16x768xf32, #tpu.memory_space<hbm>> -> memref<16x768xf32, #tpu.memory_space<hbm>>
      %dma_start3A_176 = arith.constant 0 : i32
      %dma_start3A_177 = tpu.memref_slice %arg6[%add3A_169, %mul3A_2, %dma_start3A_176] : memref<128x512x768xf32, #tpu.memory_space<hbm>> -> memref<1x16x768xf32, #tpu.memory_space<hbm>>
      %dma_start3A_178 = tpu.memref_squeeze %dma_start3A_177 : memref<1x16x768xf32, #tpu.memory_space<hbm>> -> memref<16x768xf32, #tpu.memory_space<hbm>>
      %dma_start3A_179 = arith.constant 0 : i32
      %dma_start3A_180 = arith.constant 0 : i32
      %dma_start3A_181 = tpu.memref_slice %arg11[%dma_start3A_179, %dma_start3A_180] : memref<16x768xf32, #tpu.memory_space<vmem>> -> memref<16x768xf32, #tpu.memory_space<vmem>>
      tpu.enqueue_dma source(%dma_start3A_181 : memref<16x768xf32, #tpu.memory_space<vmem>>) target(%dma_start3A_178 : memref<16x768xf32, #tpu.memory_space<hbm>>) target_semaphore(%arg27 : memref<!tpu.dma_semaphore, #tpu.memory_space<semaphore_mem>>)
      %mul3A_182 = arith.constant 8 : i32
      %mul3A_183 = arith.muli %scan3A_145, %mul3A_182 : i32
      %add3A_184 = arith.constant 1 : i32
      %add3A_185 = arith.addi %mul3A_183, %add3A_184 : i32
      %add3A_186 = arith.constant 5 : i32
      %add3A_187 = arith.addi %add3A_185, %add3A_186 : i32
      %lt3A_188 = arith.constant 128 : i32
      %lt3A_189 = arith.cmpi slt, %add3A_187, %lt3A_188 : i32
      %convert_element_type3A_190 = arith.extui %lt3A_189 : i1 to i32
      %cond3A_191 = arith.constant 0 : i32
      %cond3A_192 = arith.cmpi ne, %convert_element_type3A_190, %cond3A_191 : i32
      scf.if %cond3A_192 {
        %ge3A = arith.constant 8 : i32
        %ge3A_462 = arith.cmpi sge, %add3A_187, %ge3A : i32
        %convert_element_type3A_463 = arith.extui %ge3A_462 : i1 to i32
        %cond3A_464 = arith.constant 0 : i32
        %cond3A_465 = arith.cmpi ne, %convert_element_type3A_463, %cond3A_464 : i32
        scf.if %cond3A_465 {
          %sub3A = arith.constant 8 : i32
          %sub3A_472 = arith.subi %add3A_187, %sub3A : i32
          %mul3A_473 = arith.constant 1 : i32
          %mul3A_474 = arith.muli %sub3A_472, %mul3A_473 : i32
          %add3A_475 = arith.constant 0 : i32
          %add3A_476 = arith.addi %mul3A_474, %add3A_475 : i32
          %dma_wait3A_477 = arith.constant 0 : i32
          %dma_wait3A_478 = arith.constant 0 : i32
          %dma_wait3A_479 = tpu.memref_slice %arg17[%dma_wait3A_477, %dma_wait3A_478] : memref<16x768xf32, #tpu.memory_space<vmem>> -> memref<16x768xf32, #tpu.memory_space<vmem>>
          %dma_wait3A_480 = arith.constant 0 : i32
          %dma_wait3A_481 = tpu.memref_slice %arg6[%add3A_476, %mul3A_2, %dma_wait3A_480] : memref<128x512x768xf32, #tpu.memory_space<hbm>> -> memref<1x16x768xf32, #tpu.memory_space<hbm>>
          %dma_wait3A_482 = tpu.memref_squeeze %dma_wait3A_481 : memref<1x16x768xf32, #tpu.memory_space<hbm>> -> memref<16x768xf32, #tpu.memory_space<hbm>>
          %dma_wait3A_483 = arith.constant 0 : i32
          %dma_wait3A_484 = tpu.memref_slice %arg6[%add3A_476, %mul3A_2, %dma_wait3A_483] : memref<128x512x768xf32, #tpu.memory_space<hbm>> -> memref<1x16x768xf32, #tpu.memory_space<hbm>>
          %dma_wait3A_485 = tpu.memref_squeeze %dma_wait3A_484 : memref<1x16x768xf32, #tpu.memory_space<hbm>> -> memref<16x768xf32, #tpu.memory_space<hbm>>
          %dma_wait3A_486 = arith.constant 0 : i32
          %dma_wait3A_487 = arith.constant 0 : i32
          %dma_wait3A_488 = tpu.memref_slice %arg17[%dma_wait3A_486, %dma_wait3A_487] : memref<16x768xf32, #tpu.memory_space<vmem>> -> memref<16x768xf32, #tpu.memory_space<vmem>>
          tpu.wait_dma2 semaphore(%arg33 : memref<!tpu.dma_semaphore, #tpu.memory_space<semaphore_mem>>) src(%dma_wait3A_488 : memref<16x768xf32, #tpu.memory_space<vmem>>) dst(%dma_wait3A_485 : memref<16x768xf32, #tpu.memory_space<hbm>>)
        } else {
        }
        %mul3A_466 = arith.constant 16 : i32
        %mul3A_467 = arith.muli %add3A_187, %mul3A_466 : i32
        %dma_start3A_468 = tpu.memref_slice %arg7[%mul3A_467] : memref<2048xi32, #tpu.memory_space<vmem>> -> memref<16xi32, #tpu.memory_space<vmem>>
        %dma_start3A_469 = arith.constant 0 : i32
        %dma_start3A_470 = arith.constant 0 : i32
        %dma_start3A_471 = tpu.memref_slice %arg3[%dma_start3A_469, %dma_start3A_470] : memref<28996x768xf32, #tpu.memory_space<hbm>> -> memref<28996x768xf32, #tpu.memory_space<hbm>>
        tpu.enqueue_indirect_dma source(%dma_start3A_471 : memref<28996x768xf32, #tpu.memory_space<hbm>>) target(%arg17 : memref<16x768xf32, #tpu.memory_space<vmem>>) offsets(%dma_start3A_468 : memref<16xi32, #tpu.memory_space<vmem>>) semaphore(%arg25 : memref<!tpu.dma_semaphore, #tpu.memory_space<semaphore_mem>>)
      } else {
      }
      %mul3A_193 = arith.constant 16 : i32
      %mul3A_194 = arith.muli %add3A_185, %mul3A_193 : i32
      %dma_wait3A_195 = tpu.memref_slice %arg7[%mul3A_194] : memref<2048xi32, #tpu.memory_space<vmem>> -> memref<16xi32, #tpu.memory_space<vmem>>
      %dma_wait3A_196 = arith.constant 0 : i32
      %dma_wait3A_197 = arith.constant 0 : i32
      %dma_wait3A_198 = tpu.memref_slice %arg3[%dma_wait3A_196, %dma_wait3A_197] : memref<28996x768xf32, #tpu.memory_space<hbm>> -> memref<28996x768xf32, #tpu.memory_space<hbm>>
      tpu.wait_indirect_dma semaphore(%arg20 : memref<!tpu.dma_semaphore, #tpu.memory_space<semaphore_mem>>) src(%dma_wait3A_198 : memref<28996x768xf32, #tpu.memory_space<hbm>>) dst(%arg12 : memref<16x768xf32, #tpu.memory_space<vmem>>)
      %mul3A_199 = arith.constant 16 : i32
      %mul3A_200 = arith.muli %add3A_185, %mul3A_199 : i32
      %add3A_201 = arith.constant 0 : i32
      %add3A_202 = arith.addi %mul3A_200, %add3A_201 : i32
      %parallel_loop3A_203 = arith.constant 0 : i32
      %parallel_loop3A_204 = arith.constant 768 : i32
      %parallel_loop3A_205 = arith.constant 128 : i32
      scf.for %parallel_loop3A_462 = %parallel_loop3A_203 to %parallel_loop3A_204 step %parallel_loop3A_205  : i32 {
        %parallel_loop3A_463 = arith.constant 0 : i32
        %parallel_loop3A_464 = arith.addi %parallel_loop3A_462, %parallel_loop3A_463 : i32
        %parallel_loop3A_465 = arith.constant 0 : i32
        %parallel_loop3A_466 = arith.index_cast %parallel_loop3A_465 : i32 to index
        %parallel_loop3A_467 = arith.index_cast %parallel_loop3A_464 : i32 to index
        %parallel_loop3A_468 = tpu.vector_load %arg10[%parallel_loop3A_466, %parallel_loop3A_467] {strides = array<i32>} : memref<2x768xf32, #tpu.memory_space<vmem>>, vector<16xf32>,
        %parallel_loop3A_469 = arith.constant 16 : i32
        %parallel_loop3A_470 = arith.addi %parallel_loop3A_462, %parallel_loop3A_469 : i32
        %parallel_loop3A_471 = arith.constant 0 : i32
        %parallel_loop3A_472 = arith.index_cast %parallel_loop3A_471 : i32 to index
        %parallel_loop3A_473 = arith.index_cast %parallel_loop3A_470 : i32 to index
        %parallel_loop3A_474 = tpu.vector_load %arg10[%parallel_loop3A_472, %parallel_loop3A_473] {strides = array<i32>} : memref<2x768xf32, #tpu.memory_space<vmem>>, vector<16xf32>,
        %parallel_loop3A_475 = arith.constant 32 : i32
        %parallel_loop3A_476 = arith.addi %parallel_loop3A_462, %parallel_loop3A_475 : i32
        %parallel_loop3A_477 = arith.constant 0 : i32
        %parallel_loop3A_478 = arith.index_cast %parallel_loop3A_477 : i32 to index
        %parallel_loop3A_479 = arith.index_cast %parallel_loop3A_476 : i32 to index
        %parallel_loop3A_480 = tpu.vector_load %arg10[%parallel_loop3A_478, %parallel_loop3A_479] {strides = array<i32>} : memref<2x768xf32, #tpu.memory_space<vmem>>, vector<16xf32>,
        %parallel_loop3A_481 = arith.constant 48 : i32
        %parallel_loop3A_482 = arith.addi %parallel_loop3A_462, %parallel_loop3A_481 : i32
        %parallel_loop3A_483 = arith.constant 0 : i32
        %parallel_loop3A_484 = arith.index_cast %parallel_loop3A_483 : i32 to index
        %parallel_loop3A_485 = arith.index_cast %parallel_loop3A_482 : i32 to index
        %parallel_loop3A_486 = tpu.vector_load %arg10[%parallel_loop3A_484, %parallel_loop3A_485] {strides = array<i32>} : memref<2x768xf32, #tpu.memory_space<vmem>>, vector<16xf32>,
        %parallel_loop3A_487 = arith.constant 64 : i32
        %parallel_loop3A_488 = arith.addi %parallel_loop3A_462, %parallel_loop3A_487 : i32
        %parallel_loop3A_489 = arith.constant 0 : i32
        %parallel_loop3A_490 = arith.index_cast %parallel_loop3A_489 : i32 to index
        %parallel_loop3A_491 = arith.index_cast %parallel_loop3A_488 : i32 to index
        %parallel_loop3A_492 = tpu.vector_load %arg10[%parallel_loop3A_490, %parallel_loop3A_491] {strides = array<i32>} : memref<2x768xf32, #tpu.memory_space<vmem>>, vector<16xf32>,
        %parallel_loop3A_493 = arith.constant 80 : i32
        %parallel_loop3A_494 = arith.addi %parallel_loop3A_462, %parallel_loop3A_493 : i32
        %parallel_loop3A_495 = arith.constant 0 : i32
        %parallel_loop3A_496 = arith.index_cast %parallel_loop3A_495 : i32 to index
        %parallel_loop3A_497 = arith.index_cast %parallel_loop3A_494 : i32 to index
        %parallel_loop3A_498 = tpu.vector_load %arg10[%parallel_loop3A_496, %parallel_loop3A_497] {strides = array<i32>} : memref<2x768xf32, #tpu.memory_space<vmem>>, vector<16xf32>,
        %parallel_loop3A_499 = arith.constant 96 : i32
        %parallel_loop3A_500 = arith.addi %parallel_loop3A_462, %parallel_loop3A_499 : i32
        %parallel_loop3A_501 = arith.constant 0 : i32
        %parallel_loop3A_502 = arith.index_cast %parallel_loop3A_501 : i32 to index
        %parallel_loop3A_503 = arith.index_cast %parallel_loop3A_500 : i32 to index
        %parallel_loop3A_504 = tpu.vector_load %arg10[%parallel_loop3A_502, %parallel_loop3A_503] {strides = array<i32>} : memref<2x768xf32, #tpu.memory_space<vmem>>, vector<16xf32>,
        %parallel_loop3A_505 = arith.constant 112 : i32
        %parallel_loop3A_506 = arith.addi %parallel_loop3A_462, %parallel_loop3A_505 : i32
        %parallel_loop3A_507 = arith.constant 0 : i32
        %parallel_loop3A_508 = arith.index_cast %parallel_loop3A_507 : i32 to index
        %parallel_loop3A_509 = arith.index_cast %parallel_loop3A_506 : i32 to index
        %parallel_loop3A_510 = tpu.vector_load %arg10[%parallel_loop3A_508, %parallel_loop3A_509] {strides = array<i32>} : memref<2x768xf32, #tpu.memory_space<vmem>>, vector<16xf32>,
        %parallel_loop3A_511 = arith.constant 0 : i32
        %parallel_loop3A_512 = arith.addi %parallel_loop3A_462, %parallel_loop3A_511 : i32
        %parallel_loop3A_513 = arith.constant 1 : i32
        %parallel_loop3A_514 = arith.index_cast %parallel_loop3A_513 : i32 to index
        %parallel_loop3A_515 = arith.index_cast %parallel_loop3A_512 : i32 to index
        %parallel_loop3A_516 = tpu.vector_load %arg10[%parallel_loop3A_514, %parallel_loop3A_515] {strides = array<i32>} : memref<2x768xf32, #tpu.memory_space<vmem>>, vector<16xf32>,
        %parallel_loop3A_517 = arith.subf %parallel_loop3A_516, %parallel_loop3A_468 : vector<16xf32>
        %parallel_loop3A_518 = arith.constant 16 : i32
        %parallel_loop3A_519 = arith.addi %parallel_loop3A_462, %parallel_loop3A_518 : i32
        %parallel_loop3A_520 = arith.constant 1 : i32
        %parallel_loop3A_521 = arith.index_cast %parallel_loop3A_520 : i32 to index
        %parallel_loop3A_522 = arith.index_cast %parallel_loop3A_519 : i32 to index
        %parallel_loop3A_523 = tpu.vector_load %arg10[%parallel_loop3A_521, %parallel_loop3A_522] {strides = array<i32>} : memref<2x768xf32, #tpu.memory_space<vmem>>, vector<16xf32>,
        %parallel_loop3A_524 = arith.subf %parallel_loop3A_523, %parallel_loop3A_474 : vector<16xf32>
        %parallel_loop3A_525 = arith.constant 32 : i32
        %parallel_loop3A_526 = arith.addi %parallel_loop3A_462, %parallel_loop3A_525 : i32
        %parallel_loop3A_527 = arith.constant 1 : i32
        %parallel_loop3A_528 = arith.index_cast %parallel_loop3A_527 : i32 to index
        %parallel_loop3A_529 = arith.index_cast %parallel_loop3A_526 : i32 to index
        %parallel_loop3A_530 = tpu.vector_load %arg10[%parallel_loop3A_528, %parallel_loop3A_529] {strides = array<i32>} : memref<2x768xf32, #tpu.memory_space<vmem>>, vector<16xf32>,
        %parallel_loop3A_531 = arith.subf %parallel_loop3A_530, %parallel_loop3A_480 : vector<16xf32>
        %parallel_loop3A_532 = arith.constant 48 : i32
        %parallel_loop3A_533 = arith.addi %parallel_loop3A_462, %parallel_loop3A_532 : i32
        %parallel_loop3A_534 = arith.constant 1 : i32
        %parallel_loop3A_535 = arith.index_cast %parallel_loop3A_534 : i32 to index
        %parallel_loop3A_536 = arith.index_cast %parallel_loop3A_533 : i32 to index
        %parallel_loop3A_537 = tpu.vector_load %arg10[%parallel_loop3A_535, %parallel_loop3A_536] {strides = array<i32>} : memref<2x768xf32, #tpu.memory_space<vmem>>, vector<16xf32>,
        %parallel_loop3A_538 = arith.subf %parallel_loop3A_537, %parallel_loop3A_486 : vector<16xf32>
        %parallel_loop3A_539 = arith.constant 64 : i32
        %parallel_loop3A_540 = arith.addi %parallel_loop3A_462, %parallel_loop3A_539 : i32
        %parallel_loop3A_541 = arith.constant 1 : i32
        %parallel_loop3A_542 = arith.index_cast %parallel_loop3A_541 : i32 to index
        %parallel_loop3A_543 = arith.index_cast %parallel_loop3A_540 : i32 to index
        %parallel_loop3A_544 = tpu.vector_load %arg10[%parallel_loop3A_542, %parallel_loop3A_543] {strides = array<i32>} : memref<2x768xf32, #tpu.memory_space<vmem>>, vector<16xf32>,
        %parallel_loop3A_545 = arith.subf %parallel_loop3A_544, %parallel_loop3A_492 : vector<16xf32>
        %parallel_loop3A_546 = arith.constant 80 : i32
        %parallel_loop3A_547 = arith.addi %parallel_loop3A_462, %parallel_loop3A_546 : i32
        %parallel_loop3A_548 = arith.constant 1 : i32
        %parallel_loop3A_549 = arith.index_cast %parallel_loop3A_548 : i32 to index
        %parallel_loop3A_550 = arith.index_cast %parallel_loop3A_547 : i32 to index
        %parallel_loop3A_551 = tpu.vector_load %arg10[%parallel_loop3A_549, %parallel_loop3A_550] {strides = array<i32>} : memref<2x768xf32, #tpu.memory_space<vmem>>, vector<16xf32>,
        %parallel_loop3A_552 = arith.subf %parallel_loop3A_551, %parallel_loop3A_498 : vector<16xf32>
        %parallel_loop3A_553 = arith.constant 96 : i32
        %parallel_loop3A_554 = arith.addi %parallel_loop3A_462, %parallel_loop3A_553 : i32
        %parallel_loop3A_555 = arith.constant 1 : i32
        %parallel_loop3A_556 = arith.index_cast %parallel_loop3A_555 : i32 to index
        %parallel_loop3A_557 = arith.index_cast %parallel_loop3A_554 : i32 to index
        %parallel_loop3A_558 = tpu.vector_load %arg10[%parallel_loop3A_556, %parallel_loop3A_557] {strides = array<i32>} : memref<2x768xf32, #tpu.memory_space<vmem>>, vector<16xf32>,
        %parallel_loop3A_559 = arith.subf %parallel_loop3A_558, %parallel_loop3A_504 : vector<16xf32>
        %parallel_loop3A_560 = arith.constant 112 : i32
        %parallel_loop3A_561 = arith.addi %parallel_loop3A_462, %parallel_loop3A_560 : i32
        %parallel_loop3A_562 = arith.constant 1 : i32
        %parallel_loop3A_563 = arith.index_cast %parallel_loop3A_562 : i32 to index
        %parallel_loop3A_564 = arith.index_cast %parallel_loop3A_561 : i32 to index
        %parallel_loop3A_565 = tpu.vector_load %arg10[%parallel_loop3A_563, %parallel_loop3A_564] {strides = array<i32>} : memref<2x768xf32, #tpu.memory_space<vmem>>, vector<16xf32>,
        %parallel_loop3A_566 = arith.subf %parallel_loop3A_565, %parallel_loop3A_510 : vector<16xf32>
        %parallel_loop3A_567 = arith.constant 0 : i32
        %parallel_loop3A_568 = arith.constant 16 : i32
        %parallel_loop3A_569 = arith.constant 1 : i32
        scf.for %parallel_loop3A_570 = %parallel_loop3A_567 to %parallel_loop3A_568 step %parallel_loop3A_569  : i32 {
          %parallel_loop3A_571 = arith.addi %add3A_202, %parallel_loop3A_570 : i32
          %parallel_loop3A_572 = vector.broadcast %parallel_loop3A_571 : i32 to vector<16xi32>
          %parallel_loop3A_573 = tpu.vector_load_idx %arg8[%parallel_loop3A_572] : memref<2048xi32, #tpu.memory_space<vmem>>[vector<16xi32>], vector<16xi32>,
          %parallel_loop3A_574 = arith.sitofp %parallel_loop3A_573 : vector<16xi32> to vector<16xf32>
          %parallel_loop3A_575 = arith.mulf %parallel_loop3A_574, %parallel_loop3A_517 : vector<16xf32>
          %parallel_loop3A_576 = arith.addf %parallel_loop3A_468, %parallel_loop3A_575 : vector<16xf32>
          %parallel_loop3A_577 = arith.mulf %parallel_loop3A_574, %parallel_loop3A_524 : vector<16xf32>
          %parallel_loop3A_578 = arith.addf %parallel_loop3A_474, %parallel_loop3A_577 : vector<16xf32>
          %parallel_loop3A_579 = arith.mulf %parallel_loop3A_574, %parallel_loop3A_531 : vector<16xf32>
          %parallel_loop3A_580 = arith.addf %parallel_loop3A_480, %parallel_loop3A_579 : vector<16xf32>
          %parallel_loop3A_581 = arith.mulf %parallel_loop3A_574, %parallel_loop3A_538 : vector<16xf32>
          %parallel_loop3A_582 = arith.addf %parallel_loop3A_486, %parallel_loop3A_581 : vector<16xf32>
          %parallel_loop3A_583 = arith.mulf %parallel_loop3A_574, %parallel_loop3A_545 : vector<16xf32>
          %parallel_loop3A_584 = arith.addf %parallel_loop3A_492, %parallel_loop3A_583 : vector<16xf32>
          %parallel_loop3A_585 = arith.mulf %parallel_loop3A_574, %parallel_loop3A_552 : vector<16xf32>
          %parallel_loop3A_586 = arith.addf %parallel_loop3A_498, %parallel_loop3A_585 : vector<16xf32>
          %parallel_loop3A_587 = arith.mulf %parallel_loop3A_574, %parallel_loop3A_559 : vector<16xf32>
          %parallel_loop3A_588 = arith.addf %parallel_loop3A_504, %parallel_loop3A_587 : vector<16xf32>
          %parallel_loop3A_589 = arith.mulf %parallel_loop3A_574, %parallel_loop3A_566 : vector<16xf32>
          %parallel_loop3A_590 = arith.addf %parallel_loop3A_510, %parallel_loop3A_589 : vector<16xf32>
          %parallel_loop3A_591 = arith.constant 0 : i32
          %parallel_loop3A_592 = arith.addi %parallel_loop3A_462, %parallel_loop3A_591 : i32
          %parallel_loop3A_593 = arith.constant 0 : i32
          %parallel_loop3A_594 = arith.addi %parallel_loop3A_462, %parallel_loop3A_593 : i32
          %parallel_loop3A_595 = arith.index_cast %parallel_loop3A_570 : i32 to index
          %parallel_loop3A_596 = arith.index_cast %parallel_loop3A_594 : i32 to index
          %parallel_loop3A_597 = tpu.vector_load %arg9[%parallel_loop3A_595, %parallel_loop3A_596] {strides = array<i32>} : memref<16x768xf32, #tpu.memory_space<vmem>>, vector<16xf32>,
          %parallel_loop3A_598 = arith.addf %parallel_loop3A_597, %parallel_loop3A_576 : vector<16xf32>
          %parallel_loop3A_599 = arith.constant 0 : i32
          %parallel_loop3A_600 = arith.addi %parallel_loop3A_599, %parallel_loop3A_570 : i32
          %parallel_loop3A_601 = arith.index_cast %parallel_loop3A_600 : i32 to index
          %parallel_loop3A_602 = arith.index_cast %parallel_loop3A_592 : i32 to index
          %parallel_loop3A_603 = tpu.vector_load %arg12[%parallel_loop3A_601, %parallel_loop3A_602] {strides = array<i32>} : memref<16x768xf32, #tpu.memory_space<vmem>>, vector<16xf32>,
          tpu.vector_store %arg12[%parallel_loop3A_601, %parallel_loop3A_602], %parallel_loop3A_598 {add = true, strides = array<i32>} : memref<16x768xf32, #tpu.memory_space<vmem>>, vector<16xf32>,
          %parallel_loop3A_604 = arith.constant 16 : i32
          %parallel_loop3A_605 = arith.addi %parallel_loop3A_462, %parallel_loop3A_604 : i32
          %parallel_loop3A_606 = arith.constant 16 : i32
          %parallel_loop3A_607 = arith.addi %parallel_loop3A_462, %parallel_loop3A_606 : i32
          %parallel_loop3A_608 = arith.index_cast %parallel_loop3A_570 : i32 to index
          %parallel_loop3A_609 = arith.index_cast %parallel_loop3A_607 : i32 to index
          %parallel_loop3A_610 = tpu.vector_load %arg9[%parallel_loop3A_608, %parallel_loop3A_609] {strides = array<i32>} : memref<16x768xf32, #tpu.memory_space<vmem>>, vector<16xf32>,
          %parallel_loop3A_611 = arith.addf %parallel_loop3A_610, %parallel_loop3A_578 : vector<16xf32>
          %parallel_loop3A_612 = arith.constant 0 : i32
          %parallel_loop3A_613 = arith.addi %parallel_loop3A_612, %parallel_loop3A_570 : i32
          %parallel_loop3A_614 = arith.index_cast %parallel_loop3A_613 : i32 to index
          %parallel_loop3A_615 = arith.index_cast %parallel_loop3A_605 : i32 to index
          %parallel_loop3A_616 = tpu.vector_load %arg12[%parallel_loop3A_614, %parallel_loop3A_615] {strides = array<i32>} : memref<16x768xf32, #tpu.memory_space<vmem>>, vector<16xf32>,
          tpu.vector_store %arg12[%parallel_loop3A_614, %parallel_loop3A_615], %parallel_loop3A_611 {add = true, strides = array<i32>} : memref<16x768xf32, #tpu.memory_space<vmem>>, vector<16xf32>,
          %parallel_loop3A_617 = arith.constant 32 : i32
          %parallel_loop3A_618 = arith.addi %parallel_loop3A_462, %parallel_loop3A_617 : i32
          %parallel_loop3A_619 = arith.constant 32 : i32
          %parallel_loop3A_620 = arith.addi %parallel_loop3A_462, %parallel_loop3A_619 : i32
          %parallel_loop3A_621 = arith.index_cast %parallel_loop3A_570 : i32 to index
          %parallel_loop3A_622 = arith.index_cast %parallel_loop3A_620 : i32 to index
          %parallel_loop3A_623 = tpu.vector_load %arg9[%parallel_loop3A_621, %parallel_loop3A_622] {strides = array<i32>} : memref<16x768xf32, #tpu.memory_space<vmem>>, vector<16xf32>,
          %parallel_loop3A_624 = arith.addf %parallel_loop3A_623, %parallel_loop3A_580 : vector<16xf32>
          %parallel_loop3A_625 = arith.constant 0 : i32
          %parallel_loop3A_626 = arith.addi %parallel_loop3A_625, %parallel_loop3A_570 : i32
          %parallel_loop3A_627 = arith.index_cast %parallel_loop3A_626 : i32 to index
          %parallel_loop3A_628 = arith.index_cast %parallel_loop3A_618 : i32 to index
          %parallel_loop3A_629 = tpu.vector_load %arg12[%parallel_loop3A_627, %parallel_loop3A_628] {strides = array<i32>} : memref<16x768xf32, #tpu.memory_space<vmem>>, vector<16xf32>,
          tpu.vector_store %arg12[%parallel_loop3A_627, %parallel_loop3A_628], %parallel_loop3A_624 {add = true, strides = array<i32>} : memref<16x768xf32, #tpu.memory_space<vmem>>, vector<16xf32>,
          %parallel_loop3A_630 = arith.constant 48 : i32
          %parallel_loop3A_631 = arith.addi %parallel_loop3A_462, %parallel_loop3A_630 : i32
          %parallel_loop3A_632 = arith.constant 48 : i32
          %parallel_loop3A_633 = arith.addi %parallel_loop3A_462, %parallel_loop3A_632 : i32
          %parallel_loop3A_634 = arith.index_cast %parallel_loop3A_570 : i32 to index
          %parallel_loop3A_635 = arith.index_cast %parallel_loop3A_633 : i32 to index
          %parallel_loop3A_636 = tpu.vector_load %arg9[%parallel_loop3A_634, %parallel_loop3A_635] {strides = array<i32>} : memref<16x768xf32, #tpu.memory_space<vmem>>, vector<16xf32>,
          %parallel_loop3A_637 = arith.addf %parallel_loop3A_636, %parallel_loop3A_582 : vector<16xf32>
          %parallel_loop3A_638 = arith.constant 0 : i32
          %parallel_loop3A_639 = arith.addi %parallel_loop3A_638, %parallel_loop3A_570 : i32
          %parallel_loop3A_640 = arith.index_cast %parallel_loop3A_639 : i32 to index
          %parallel_loop3A_641 = arith.index_cast %parallel_loop3A_631 : i32 to index
          %parallel_loop3A_642 = tpu.vector_load %arg12[%parallel_loop3A_640, %parallel_loop3A_641] {strides = array<i32>} : memref<16x768xf32, #tpu.memory_space<vmem>>, vector<16xf32>,
          tpu.vector_store %arg12[%parallel_loop3A_640, %parallel_loop3A_641], %parallel_loop3A_637 {add = true, strides = array<i32>} : memref<16x768xf32, #tpu.memory_space<vmem>>, vector<16xf32>,
          %parallel_loop3A_643 = arith.constant 64 : i32
          %parallel_loop3A_644 = arith.addi %parallel_loop3A_462, %parallel_loop3A_643 : i32
          %parallel_loop3A_645 = arith.constant 64 : i32
          %parallel_loop3A_646 = arith.addi %parallel_loop3A_462, %parallel_loop3A_645 : i32
          %parallel_loop3A_647 = arith.index_cast %parallel_loop3A_570 : i32 to index
          %parallel_loop3A_648 = arith.index_cast %parallel_loop3A_646 : i32 to index
          %parallel_loop3A_649 = tpu.vector_load %arg9[%parallel_loop3A_647, %parallel_loop3A_648] {strides = array<i32>} : memref<16x768xf32, #tpu.memory_space<vmem>>, vector<16xf32>,
          %parallel_loop3A_650 = arith.addf %parallel_loop3A_649, %parallel_loop3A_584 : vector<16xf32>
          %parallel_loop3A_651 = arith.constant 0 : i32
          %parallel_loop3A_652 = arith.addi %parallel_loop3A_651, %parallel_loop3A_570 : i32
          %parallel_loop3A_653 = arith.index_cast %parallel_loop3A_652 : i32 to index
          %parallel_loop3A_654 = arith.index_cast %parallel_loop3A_644 : i32 to index
          %parallel_loop3A_655 = tpu.vector_load %arg12[%parallel_loop3A_653, %parallel_loop3A_654] {strides = array<i32>} : memref<16x768xf32, #tpu.memory_space<vmem>>, vector<16xf32>,
          tpu.vector_store %arg12[%parallel_loop3A_653, %parallel_loop3A_654], %parallel_loop3A_650 {add = true, strides = array<i32>} : memref<16x768xf32, #tpu.memory_space<vmem>>, vector<16xf32>,
          %parallel_loop3A_656 = arith.constant 80 : i32
          %parallel_loop3A_657 = arith.addi %parallel_loop3A_462, %parallel_loop3A_656 : i32
          %parallel_loop3A_658 = arith.constant 80 : i32
          %parallel_loop3A_659 = arith.addi %parallel_loop3A_462, %parallel_loop3A_658 : i32
          %parallel_loop3A_660 = arith.index_cast %parallel_loop3A_570 : i32 to index
          %parallel_loop3A_661 = arith.index_cast %parallel_loop3A_659 : i32 to index
          %parallel_loop3A_662 = tpu.vector_load %arg9[%parallel_loop3A_660, %parallel_loop3A_661] {strides = array<i32>} : memref<16x768xf32, #tpu.memory_space<vmem>>, vector<16xf32>,
          %parallel_loop3A_663 = arith.addf %parallel_loop3A_662, %parallel_loop3A_586 : vector<16xf32>
          %parallel_loop3A_664 = arith.constant 0 : i32
          %parallel_loop3A_665 = arith.addi %parallel_loop3A_664, %parallel_loop3A_570 : i32
          %parallel_loop3A_666 = arith.index_cast %parallel_loop3A_665 : i32 to index
          %parallel_loop3A_667 = arith.index_cast %parallel_loop3A_657 : i32 to index
          %parallel_loop3A_668 = tpu.vector_load %arg12[%parallel_loop3A_666, %parallel_loop3A_667] {strides = array<i32>} : memref<16x768xf32, #tpu.memory_space<vmem>>, vector<16xf32>,
          tpu.vector_store %arg12[%parallel_loop3A_666, %parallel_loop3A_667], %parallel_loop3A_663 {add = true, strides = array<i32>} : memref<16x768xf32, #tpu.memory_space<vmem>>, vector<16xf32>,
          %parallel_loop3A_669 = arith.constant 96 : i32
          %parallel_loop3A_670 = arith.addi %parallel_loop3A_462, %parallel_loop3A_669 : i32
          %parallel_loop3A_671 = arith.constant 96 : i32
          %parallel_loop3A_672 = arith.addi %parallel_loop3A_462, %parallel_loop3A_671 : i32
          %parallel_loop3A_673 = arith.index_cast %parallel_loop3A_570 : i32 to index
          %parallel_loop3A_674 = arith.index_cast %parallel_loop3A_672 : i32 to index
          %parallel_loop3A_675 = tpu.vector_load %arg9[%parallel_loop3A_673, %parallel_loop3A_674] {strides = array<i32>} : memref<16x768xf32, #tpu.memory_space<vmem>>, vector<16xf32>,
          %parallel_loop3A_676 = arith.addf %parallel_loop3A_675, %parallel_loop3A_588 : vector<16xf32>
          %parallel_loop3A_677 = arith.constant 0 : i32
          %parallel_loop3A_678 = arith.addi %parallel_loop3A_677, %parallel_loop3A_570 : i32
          %parallel_loop3A_679 = arith.index_cast %parallel_loop3A_678 : i32 to index
          %parallel_loop3A_680 = arith.index_cast %parallel_loop3A_670 : i32 to index
          %parallel_loop3A_681 = tpu.vector_load %arg12[%parallel_loop3A_679, %parallel_loop3A_680] {strides = array<i32>} : memref<16x768xf32, #tpu.memory_space<vmem>>, vector<16xf32>,
          tpu.vector_store %arg12[%parallel_loop3A_679, %parallel_loop3A_680], %parallel_loop3A_676 {add = true, strides = array<i32>} : memref<16x768xf32, #tpu.memory_space<vmem>>, vector<16xf32>,
          %parallel_loop3A_682 = arith.constant 112 : i32
          %parallel_loop3A_683 = arith.addi %parallel_loop3A_462, %parallel_loop3A_682 : i32
          %parallel_loop3A_684 = arith.constant 112 : i32
          %parallel_loop3A_685 = arith.addi %parallel_loop3A_462, %parallel_loop3A_684 : i32
          %parallel_loop3A_686 = arith.index_cast %parallel_loop3A_570 : i32 to index
          %parallel_loop3A_687 = arith.index_cast %parallel_loop3A_685 : i32 to index
          %parallel_loop3A_688 = tpu.vector_load %arg9[%parallel_loop3A_686, %parallel_loop3A_687] {strides = array<i32>} : memref<16x768xf32, #tpu.memory_space<vmem>>, vector<16xf32>,
          %parallel_loop3A_689 = arith.addf %parallel_loop3A_688, %parallel_loop3A_590 : vector<16xf32>
          %parallel_loop3A_690 = arith.constant 0 : i32
          %parallel_loop3A_691 = arith.addi %parallel_loop3A_690, %parallel_loop3A_570 : i32
          %parallel_loop3A_692 = arith.index_cast %parallel_loop3A_691 : i32 to index
          %parallel_loop3A_693 = arith.index_cast %parallel_loop3A_683 : i32 to index
          %parallel_loop3A_694 = tpu.vector_load %arg12[%parallel_loop3A_692, %parallel_loop3A_693] {strides = array<i32>} : memref<16x768xf32, #tpu.memory_space<vmem>>, vector<16xf32>,
          tpu.vector_store %arg12[%parallel_loop3A_692, %parallel_loop3A_693], %parallel_loop3A_689 {add = true, strides = array<i32>} : memref<16x768xf32, #tpu.memory_space<vmem>>, vector<16xf32>,
        } {sc.loop_unroll_factor = 1 : i64, sc.parallel_access}
      } {sc.loop_unroll_factor = 1 : i64, sc.parallel_access}
      %mul3A_206 = arith.constant 1 : i32
      %mul3A_207 = arith.muli %add3A_185, %mul3A_206 : i32
      %add3A_208 = arith.constant 0 : i32
      %add3A_209 = arith.addi %mul3A_207, %add3A_208 : i32
      %dma_start3A_210 = arith.constant 0 : i32
      %dma_start3A_211 = arith.constant 0 : i32
      %dma_start3A_212 = tpu.memref_slice %arg12[%dma_start3A_210, %dma_start3A_211] : memref<16x768xf32, #tpu.memory_space<vmem>> -> memref<16x768xf32, #tpu.memory_space<vmem>>
      %dma_start3A_213 = arith.constant 0 : i32
      %dma_start3A_214 = tpu.memref_slice %arg6[%add3A_209, %mul3A_2, %dma_start3A_213] : memref<128x512x768xf32, #tpu.memory_space<hbm>> -> memref<1x16x768xf32, #tpu.memory_space<hbm>>
      %dma_start3A_215 = tpu.memref_squeeze %dma_start3A_214 : memref<1x16x768xf32, #tpu.memory_space<hbm>> -> memref<16x768xf32, #tpu.memory_space<hbm>>
      %dma_start3A_216 = arith.constant 0 : i32
      %dma_start3A_217 = tpu.memref_slice %arg6[%add3A_209, %mul3A_2, %dma_start3A_216] : memref<128x512x768xf32, #tpu.memory_space<hbm>> -> memref<1x16x768xf32, #tpu.memory_space<hbm>>
      %dma_start3A_218 = tpu.memref_squeeze %dma_start3A_217 : memref<1x16x768xf32, #tpu.memory_space<hbm>> -> memref<16x768xf32, #tpu.memory_space<hbm>>
      %dma_start3A_219 = arith.constant 0 : i32
      %dma_start3A_220 = arith.constant 0 : i32
      %dma_start3A_221 = tpu.memref_slice %arg12[%dma_start3A_219, %dma_start3A_220] : memref<16x768xf32, #tpu.memory_space<vmem>> -> memref<16x768xf32, #tpu.memory_space<vmem>>
      tpu.enqueue_dma source(%dma_start3A_221 : memref<16x768xf32, #tpu.memory_space<vmem>>) target(%dma_start3A_218 : memref<16x768xf32, #tpu.memory_space<hbm>>) target_semaphore(%arg28 : memref<!tpu.dma_semaphore, #tpu.memory_space<semaphore_mem>>)
      %mul3A_222 = arith.constant 8 : i32
      %mul3A_223 = arith.muli %scan3A_145, %mul3A_222 : i32
      %add3A_224 = arith.constant 2 : i32
      %add3A_225 = arith.addi %mul3A_223, %add3A_224 : i32
      %add3A_226 = arith.constant 5 : i32
      %add3A_227 = arith.addi %add3A_225, %add3A_226 : i32
      %lt3A_228 = arith.constant 128 : i32
      %lt3A_229 = arith.cmpi slt, %add3A_227, %lt3A_228 : i32
      %convert_element_type3A_230 = arith.extui %lt3A_229 : i1 to i32
      %cond3A_231 = arith.constant 0 : i32
      %cond3A_232 = arith.cmpi ne, %convert_element_type3A_230, %cond3A_231 : i32
      scf.if %cond3A_232 {
        %ge3A = arith.constant 8 : i32
        %ge3A_462 = arith.cmpi sge, %add3A_227, %ge3A : i32
        %convert_element_type3A_463 = arith.extui %ge3A_462 : i1 to i32
        %cond3A_464 = arith.constant 0 : i32
        %cond3A_465 = arith.cmpi ne, %convert_element_type3A_463, %cond3A_464 : i32
        scf.if %cond3A_465 {
          %sub3A = arith.constant 8 : i32
          %sub3A_472 = arith.subi %add3A_227, %sub3A : i32
          %mul3A_473 = arith.constant 1 : i32
          %mul3A_474 = arith.muli %sub3A_472, %mul3A_473 : i32
          %add3A_475 = arith.constant 0 : i32
          %add3A_476 = arith.addi %mul3A_474, %add3A_475 : i32
          %dma_wait3A_477 = arith.constant 0 : i32
          %dma_wait3A_478 = arith.constant 0 : i32
          %dma_wait3A_479 = tpu.memref_slice %arg18[%dma_wait3A_477, %dma_wait3A_478] : memref<16x768xf32, #tpu.memory_space<vmem>> -> memref<16x768xf32, #tpu.memory_space<vmem>>
          %dma_wait3A_480 = arith.constant 0 : i32
          %dma_wait3A_481 = tpu.memref_slice %arg6[%add3A_476, %mul3A_2, %dma_wait3A_480] : memref<128x512x768xf32, #tpu.memory_space<hbm>> -> memref<1x16x768xf32, #tpu.memory_space<hbm>>
          %dma_wait3A_482 = tpu.memref_squeeze %dma_wait3A_481 : memref<1x16x768xf32, #tpu.memory_space<hbm>> -> memref<16x768xf32, #tpu.memory_space<hbm>>
          %dma_wait3A_483 = arith.constant 0 : i32
          %dma_wait3A_484 = tpu.memref_slice %arg6[%add3A_476, %mul3A_2, %dma_wait3A_483] : memref<128x512x768xf32, #tpu.memory_space<hbm>> -> memref<1x16x768xf32, #tpu.memory_space<hbm>>
          %dma_wait3A_485 = tpu.memref_squeeze %dma_wait3A_484 : memref<1x16x768xf32, #tpu.memory_space<hbm>> -> memref<16x768xf32, #tpu.memory_space<hbm>>
          %dma_wait3A_486 = arith.constant 0 : i32
          %dma_wait3A_487 = arith.constant 0 : i32
          %dma_wait3A_488 = tpu.memref_slice %arg18[%dma_wait3A_486, %dma_wait3A_487] : memref<16x768xf32, #tpu.memory_space<vmem>> -> memref<16x768xf32, #tpu.memory_space<vmem>>
          tpu.wait_dma2 semaphore(%arg34 : memref<!tpu.dma_semaphore, #tpu.memory_space<semaphore_mem>>) src(%dma_wait3A_488 : memref<16x768xf32, #tpu.memory_space<vmem>>) dst(%dma_wait3A_485 : memref<16x768xf32, #tpu.memory_space<hbm>>)
        } else {
        }
        %mul3A_466 = arith.constant 16 : i32
        %mul3A_467 = arith.muli %add3A_227, %mul3A_466 : i32
        %dma_start3A_468 = tpu.memref_slice %arg7[%mul3A_467] : memref<2048xi32, #tpu.memory_space<vmem>> -> memref<16xi32, #tpu.memory_space<vmem>>
        %dma_start3A_469 = arith.constant 0 : i32
        %dma_start3A_470 = arith.constant 0 : i32
        %dma_start3A_471 = tpu.memref_slice %arg3[%dma_start3A_469, %dma_start3A_470] : memref<28996x768xf32, #tpu.memory_space<hbm>> -> memref<28996x768xf32, #tpu.memory_space<hbm>>
        tpu.enqueue_indirect_dma source(%dma_start3A_471 : memref<28996x768xf32, #tpu.memory_space<hbm>>) target(%arg18 : memref<16x768xf32, #tpu.memory_space<vmem>>) offsets(%dma_start3A_468 : memref<16xi32, #tpu.memory_space<vmem>>) semaphore(%arg26 : memref<!tpu.dma_semaphore, #tpu.memory_space<semaphore_mem>>)
      } else {
      }
      %mul3A_233 = arith.constant 16 : i32
      %mul3A_234 = arith.muli %add3A_225, %mul3A_233 : i32
      %dma_wait3A_235 = tpu.memref_slice %arg7[%mul3A_234] : memref<2048xi32, #tpu.memory_space<vmem>> -> memref<16xi32, #tpu.memory_space<vmem>>
      %dma_wait3A_236 = arith.constant 0 : i32
      %dma_wait3A_237 = arith.constant 0 : i32
      %dma_wait3A_238 = tpu.memref_slice %arg3[%dma_wait3A_236, %dma_wait3A_237] : memref<28996x768xf32, #tpu.memory_space<hbm>> -> memref<28996x768xf32, #tpu.memory_space<hbm>>
      tpu.wait_indirect_dma semaphore(%arg21 : memref<!tpu.dma_semaphore, #tpu.memory_space<semaphore_mem>>) src(%dma_wait3A_238 : memref<28996x768xf32, #tpu.memory_space<hbm>>) dst(%arg13 : memref<16x768xf32, #tpu.memory_space<vmem>>)
      %mul3A_239 = arith.constant 16 : i32
      %mul3A_240 = arith.muli %add3A_225, %mul3A_239 : i32
      %add3A_241 = arith.constant 0 : i32
      %add3A_242 = arith.addi %mul3A_240, %add3A_241 : i32
      %parallel_loop3A_243 = arith.constant 0 : i32
      %parallel_loop3A_244 = arith.constant 768 : i32
      %parallel_loop3A_245 = arith.constant 128 : i32
      scf.for %parallel_loop3A_462 = %parallel_loop3A_243 to %parallel_loop3A_244 step %parallel_loop3A_245  : i32 {
        %parallel_loop3A_463 = arith.constant 0 : i32
        %parallel_loop3A_464 = arith.addi %parallel_loop3A_462, %parallel_loop3A_463 : i32
        %parallel_loop3A_465 = arith.constant 0 : i32
        %parallel_loop3A_466 = arith.index_cast %parallel_loop3A_465 : i32 to index
        %parallel_loop3A_467 = arith.index_cast %parallel_loop3A_464 : i32 to index
        %parallel_loop3A_468 = tpu.vector_load %arg10[%parallel_loop3A_466, %parallel_loop3A_467] {strides = array<i32>} : memref<2x768xf32, #tpu.memory_space<vmem>>, vector<16xf32>,
        %parallel_loop3A_469 = arith.constant 16 : i32
        %parallel_loop3A_470 = arith.addi %parallel_loop3A_462, %parallel_loop3A_469 : i32
        %parallel_loop3A_471 = arith.constant 0 : i32
        %parallel_loop3A_472 = arith.index_cast %parallel_loop3A_471 : i32 to index
        %parallel_loop3A_473 = arith.index_cast %parallel_loop3A_470 : i32 to index
        %parallel_loop3A_474 = tpu.vector_load %arg10[%parallel_loop3A_472, %parallel_loop3A_473] {strides = array<i32>} : memref<2x768xf32, #tpu.memory_space<vmem>>, vector<16xf32>,
        %parallel_loop3A_475 = arith.constant 32 : i32
        %parallel_loop3A_476 = arith.addi %parallel_loop3A_462, %parallel_loop3A_475 : i32
        %parallel_loop3A_477 = arith.constant 0 : i32
        %parallel_loop3A_478 = arith.index_cast %parallel_loop3A_477 : i32 to index
        %parallel_loop3A_479 = arith.index_cast %parallel_loop3A_476 : i32 to index
        %parallel_loop3A_480 = tpu.vector_load %arg10[%parallel_loop3A_478, %parallel_loop3A_479] {strides = array<i32>} : memref<2x768xf32, #tpu.memory_space<vmem>>, vector<16xf32>,
        %parallel_loop3A_481 = arith.constant 48 : i32
        %parallel_loop3A_482 = arith.addi %parallel_loop3A_462, %parallel_loop3A_481 : i32
        %parallel_loop3A_483 = arith.constant 0 : i32
        %parallel_loop3A_484 = arith.index_cast %parallel_loop3A_483 : i32 to index
        %parallel_loop3A_485 = arith.index_cast %parallel_loop3A_482 : i32 to index
        %parallel_loop3A_486 = tpu.vector_load %arg10[%parallel_loop3A_484, %parallel_loop3A_485] {strides = array<i32>} : memref<2x768xf32, #tpu.memory_space<vmem>>, vector<16xf32>,
        %parallel_loop3A_487 = arith.constant 64 : i32
        %parallel_loop3A_488 = arith.addi %parallel_loop3A_462, %parallel_loop3A_487 : i32
        %parallel_loop3A_489 = arith.constant 0 : i32
        %parallel_loop3A_490 = arith.index_cast %parallel_loop3A_489 : i32 to index
        %parallel_loop3A_491 = arith.index_cast %parallel_loop3A_488 : i32 to index
        %parallel_loop3A_492 = tpu.vector_load %arg10[%parallel_loop3A_490, %parallel_loop3A_491] {strides = array<i32>} : memref<2x768xf32, #tpu.memory_space<vmem>>, vector<16xf32>,
        %parallel_loop3A_493 = arith.constant 80 : i32
        %parallel_loop3A_494 = arith.addi %parallel_loop3A_462, %parallel_loop3A_493 : i32
        %parallel_loop3A_495 = arith.constant 0 : i32
        %parallel_loop3A_496 = arith.index_cast %parallel_loop3A_495 : i32 to index
        %parallel_loop3A_497 = arith.index_cast %parallel_loop3A_494 : i32 to index
        %parallel_loop3A_498 = tpu.vector_load %arg10[%parallel_loop3A_496, %parallel_loop3A_497] {strides = array<i32>} : memref<2x768xf32, #tpu.memory_space<vmem>>, vector<16xf32>,
        %parallel_loop3A_499 = arith.constant 96 : i32
        %parallel_loop3A_500 = arith.addi %parallel_loop3A_462, %parallel_loop3A_499 : i32
        %parallel_loop3A_501 = arith.constant 0 : i32
        %parallel_loop3A_502 = arith.index_cast %parallel_loop3A_501 : i32 to index
        %parallel_loop3A_503 = arith.index_cast %parallel_loop3A_500 : i32 to index
        %parallel_loop3A_504 = tpu.vector_load %arg10[%parallel_loop3A_502, %parallel_loop3A_503] {strides = array<i32>} : memref<2x768xf32, #tpu.memory_space<vmem>>, vector<16xf32>,
        %parallel_loop3A_505 = arith.constant 112 : i32
        %parallel_loop3A_506 = arith.addi %parallel_loop3A_462, %parallel_loop3A_505 : i32
        %parallel_loop3A_507 = arith.constant 0 : i32
        %parallel_loop3A_508 = arith.index_cast %parallel_loop3A_507 : i32 to index
        %parallel_loop3A_509 = arith.index_cast %parallel_loop3A_506 : i32 to index
        %parallel_loop3A_510 = tpu.vector_load %arg10[%parallel_loop3A_508, %parallel_loop3A_509] {strides = array<i32>} : memref<2x768xf32, #tpu.memory_space<vmem>>, vector<16xf32>,
        %parallel_loop3A_511 = arith.constant 0 : i32
        %parallel_loop3A_512 = arith.addi %parallel_loop3A_462, %parallel_loop3A_511 : i32
        %parallel_loop3A_513 = arith.constant 1 : i32
        %parallel_loop3A_514 = arith.index_cast %parallel_loop3A_513 : i32 to index
        %parallel_loop3A_515 = arith.index_cast %parallel_loop3A_512 : i32 to index
        %parallel_loop3A_516 = tpu.vector_load %arg10[%parallel_loop3A_514, %parallel_loop3A_515] {strides = array<i32>} : memref<2x768xf32, #tpu.memory_space<vmem>>, vector<16xf32>,
        %parallel_loop3A_517 = arith.subf %parallel_loop3A_516, %parallel_loop3A_468 : vector<16xf32>
        %parallel_loop3A_518 = arith.constant 16 : i32
        %parallel_loop3A_519 = arith.addi %parallel_loop3A_462, %parallel_loop3A_518 : i32
        %parallel_loop3A_520 = arith.constant 1 : i32
        %parallel_loop3A_521 = arith.index_cast %parallel_loop3A_520 : i32 to index
        %parallel_loop3A_522 = arith.index_cast %parallel_loop3A_519 : i32 to index
        %parallel_loop3A_523 = tpu.vector_load %arg10[%parallel_loop3A_521, %parallel_loop3A_522] {strides = array<i32>} : memref<2x768xf32, #tpu.memory_space<vmem>>, vector<16xf32>,
        %parallel_loop3A_524 = arith.subf %parallel_loop3A_523, %parallel_loop3A_474 : vector<16xf32>
        %parallel_loop3A_525 = arith.constant 32 : i32
        %parallel_loop3A_526 = arith.addi %parallel_loop3A_462, %parallel_loop3A_525 : i32
        %parallel_loop3A_527 = arith.constant 1 : i32
        %parallel_loop3A_528 = arith.index_cast %parallel_loop3A_527 : i32 to index
        %parallel_loop3A_529 = arith.index_cast %parallel_loop3A_526 : i32 to index
        %parallel_loop3A_530 = tpu.vector_load %arg10[%parallel_loop3A_528, %parallel_loop3A_529] {strides = array<i32>} : memref<2x768xf32, #tpu.memory_space<vmem>>, vector<16xf32>,
        %parallel_loop3A_531 = arith.subf %parallel_loop3A_530, %parallel_loop3A_480 : vector<16xf32>
        %parallel_loop3A_532 = arith.constant 48 : i32
        %parallel_loop3A_533 = arith.addi %parallel_loop3A_462, %parallel_loop3A_532 : i32
        %parallel_loop3A_534 = arith.constant 1 : i32
        %parallel_loop3A_535 = arith.index_cast %parallel_loop3A_534 : i32 to index
        %parallel_loop3A_536 = arith.index_cast %parallel_loop3A_533 : i32 to index
        %parallel_loop3A_537 = tpu.vector_load %arg10[%parallel_loop3A_535, %parallel_loop3A_536] {strides = array<i32>} : memref<2x768xf32, #tpu.memory_space<vmem>>, vector<16xf32>,
        %parallel_loop3A_538 = arith.subf %parallel_loop3A_537, %parallel_loop3A_486 : vector<16xf32>
        %parallel_loop3A_539 = arith.constant 64 : i32
        %parallel_loop3A_540 = arith.addi %parallel_loop3A_462, %parallel_loop3A_539 : i32
        %parallel_loop3A_541 = arith.constant 1 : i32
        %parallel_loop3A_542 = arith.index_cast %parallel_loop3A_541 : i32 to index
        %parallel_loop3A_543 = arith.index_cast %parallel_loop3A_540 : i32 to index
        %parallel_loop3A_544 = tpu.vector_load %arg10[%parallel_loop3A_542, %parallel_loop3A_543] {strides = array<i32>} : memref<2x768xf32, #tpu.memory_space<vmem>>, vector<16xf32>,
        %parallel_loop3A_545 = arith.subf %parallel_loop3A_544, %parallel_loop3A_492 : vector<16xf32>
        %parallel_loop3A_546 = arith.constant 80 : i32
        %parallel_loop3A_547 = arith.addi %parallel_loop3A_462, %parallel_loop3A_546 : i32
        %parallel_loop3A_548 = arith.constant 1 : i32
        %parallel_loop3A_549 = arith.index_cast %parallel_loop3A_548 : i32 to index
        %parallel_loop3A_550 = arith.index_cast %parallel_loop3A_547 : i32 to index
        %parallel_loop3A_551 = tpu.vector_load %arg10[%parallel_loop3A_549, %parallel_loop3A_550] {strides = array<i32>} : memref<2x768xf32, #tpu.memory_space<vmem>>, vector<16xf32>,
        %parallel_loop3A_552 = arith.subf %parallel_loop3A_551, %parallel_loop3A_498 : vector<16xf32>
        %parallel_loop3A_553 = arith.constant 96 : i32
        %parallel_loop3A_554 = arith.addi %parallel_loop3A_462, %parallel_loop3A_553 : i32
        %parallel_loop3A_555 = arith.constant 1 : i32
        %parallel_loop3A_556 = arith.index_cast %parallel_loop3A_555 : i32 to index
        %parallel_loop3A_557 = arith.index_cast %parallel_loop3A_554 : i32 to index
        %parallel_loop3A_558 = tpu.vector_load %arg10[%parallel_loop3A_556, %parallel_loop3A_557] {strides = array<i32>} : memref<2x768xf32, #tpu.memory_space<vmem>>, vector<16xf32>,
        %parallel_loop3A_559 = arith.subf %parallel_loop3A_558, %parallel_loop3A_504 : vector<16xf32>
        %parallel_loop3A_560 = arith.constant 112 : i32
        %parallel_loop3A_561 = arith.addi %parallel_loop3A_462, %parallel_loop3A_560 : i32
        %parallel_loop3A_562 = arith.constant 1 : i32
        %parallel_loop3A_563 = arith.index_cast %parallel_loop3A_562 : i32 to index
        %parallel_loop3A_564 = arith.index_cast %parallel_loop3A_561 : i32 to index
        %parallel_loop3A_565 = tpu.vector_load %arg10[%parallel_loop3A_563, %parallel_loop3A_564] {strides = array<i32>} : memref<2x768xf32, #tpu.memory_space<vmem>>, vector<16xf32>,
        %parallel_loop3A_566 = arith.subf %parallel_loop3A_565, %parallel_loop3A_510 : vector<16xf32>
        %parallel_loop3A_567 = arith.constant 0 : i32
        %parallel_loop3A_568 = arith.constant 16 : i32
        %parallel_loop3A_569 = arith.constant 1 : i32
        scf.for %parallel_loop3A_570 = %parallel_loop3A_567 to %parallel_loop3A_568 step %parallel_loop3A_569  : i32 {
          %parallel_loop3A_571 = arith.addi %add3A_242, %parallel_loop3A_570 : i32
          %parallel_loop3A_572 = vector.broadcast %parallel_loop3A_571 : i32 to vector<16xi32>
          %parallel_loop3A_573 = tpu.vector_load_idx %arg8[%parallel_loop3A_572] : memref<2048xi32, #tpu.memory_space<vmem>>[vector<16xi32>], vector<16xi32>,
          %parallel_loop3A_574 = arith.sitofp %parallel_loop3A_573 : vector<16xi32> to vector<16xf32>
          %parallel_loop3A_575 = arith.mulf %parallel_loop3A_574, %parallel_loop3A_517 : vector<16xf32>
          %parallel_loop3A_576 = arith.addf %parallel_loop3A_468, %parallel_loop3A_575 : vector<16xf32>
          %parallel_loop3A_577 = arith.mulf %parallel_loop3A_574, %parallel_loop3A_524 : vector<16xf32>
          %parallel_loop3A_578 = arith.addf %parallel_loop3A_474, %parallel_loop3A_577 : vector<16xf32>
          %parallel_loop3A_579 = arith.mulf %parallel_loop3A_574, %parallel_loop3A_531 : vector<16xf32>
          %parallel_loop3A_580 = arith.addf %parallel_loop3A_480, %parallel_loop3A_579 : vector<16xf32>
          %parallel_loop3A_581 = arith.mulf %parallel_loop3A_574, %parallel_loop3A_538 : vector<16xf32>
          %parallel_loop3A_582 = arith.addf %parallel_loop3A_486, %parallel_loop3A_581 : vector<16xf32>
          %parallel_loop3A_583 = arith.mulf %parallel_loop3A_574, %parallel_loop3A_545 : vector<16xf32>
          %parallel_loop3A_584 = arith.addf %parallel_loop3A_492, %parallel_loop3A_583 : vector<16xf32>
          %parallel_loop3A_585 = arith.mulf %parallel_loop3A_574, %parallel_loop3A_552 : vector<16xf32>
          %parallel_loop3A_586 = arith.addf %parallel_loop3A_498, %parallel_loop3A_585 : vector<16xf32>
          %parallel_loop3A_587 = arith.mulf %parallel_loop3A_574, %parallel_loop3A_559 : vector<16xf32>
          %parallel_loop3A_588 = arith.addf %parallel_loop3A_504, %parallel_loop3A_587 : vector<16xf32>
          %parallel_loop3A_589 = arith.mulf %parallel_loop3A_574, %parallel_loop3A_566 : vector<16xf32>
          %parallel_loop3A_590 = arith.addf %parallel_loop3A_510, %parallel_loop3A_589 : vector<16xf32>
          %parallel_loop3A_591 = arith.constant 0 : i32
          %parallel_loop3A_592 = arith.addi %parallel_loop3A_462, %parallel_loop3A_591 : i32
          %parallel_loop3A_593 = arith.constant 0 : i32
          %parallel_loop3A_594 = arith.addi %parallel_loop3A_462, %parallel_loop3A_593 : i32
          %parallel_loop3A_595 = arith.index_cast %parallel_loop3A_570 : i32 to index
          %parallel_loop3A_596 = arith.index_cast %parallel_loop3A_594 : i32 to index
          %parallel_loop3A_597 = tpu.vector_load %arg9[%parallel_loop3A_595, %parallel_loop3A_596] {strides = array<i32>} : memref<16x768xf32, #tpu.memory_space<vmem>>, vector<16xf32>,
          %parallel_loop3A_598 = arith.addf %parallel_loop3A_597, %parallel_loop3A_576 : vector<16xf32>
          %parallel_loop3A_599 = arith.constant 0 : i32
          %parallel_loop3A_600 = arith.addi %parallel_loop3A_599, %parallel_loop3A_570 : i32
          %parallel_loop3A_601 = arith.index_cast %parallel_loop3A_600 : i32 to index
          %parallel_loop3A_602 = arith.index_cast %parallel_loop3A_592 : i32 to index
          %parallel_loop3A_603 = tpu.vector_load %arg13[%parallel_loop3A_601, %parallel_loop3A_602] {strides = array<i32>} : memref<16x768xf32, #tpu.memory_space<vmem>>, vector<16xf32>,
          tpu.vector_store %arg13[%parallel_loop3A_601, %parallel_loop3A_602], %parallel_loop3A_598 {add = true, strides = array<i32>} : memref<16x768xf32, #tpu.memory_space<vmem>>, vector<16xf32>,
          %parallel_loop3A_604 = arith.constant 16 : i32
          %parallel_loop3A_605 = arith.addi %parallel_loop3A_462, %parallel_loop3A_604 : i32
          %parallel_loop3A_606 = arith.constant 16 : i32
          %parallel_loop3A_607 = arith.addi %parallel_loop3A_462, %parallel_loop3A_606 : i32
          %parallel_loop3A_608 = arith.index_cast %parallel_loop3A_570 : i32 to index
          %parallel_loop3A_609 = arith.index_cast %parallel_loop3A_607 : i32 to index
          %parallel_loop3A_610 = tpu.vector_load %arg9[%parallel_loop3A_608, %parallel_loop3A_609] {strides = array<i32>} : memref<16x768xf32, #tpu.memory_space<vmem>>, vector<16xf32>,
          %parallel_loop3A_611 = arith.addf %parallel_loop3A_610, %parallel_loop3A_578 : vector<16xf32>
          %parallel_loop3A_612 = arith.constant 0 : i32
          %parallel_loop3A_613 = arith.addi %parallel_loop3A_612, %parallel_loop3A_570 : i32
          %parallel_loop3A_614 = arith.index_cast %parallel_loop3A_613 : i32 to index
          %parallel_loop3A_615 = arith.index_cast %parallel_loop3A_605 : i32 to index
          %parallel_loop3A_616 = tpu.vector_load %arg13[%parallel_loop3A_614, %parallel_loop3A_615] {strides = array<i32>} : memref<16x768xf32, #tpu.memory_space<vmem>>, vector<16xf32>,
          tpu.vector_store %arg13[%parallel_loop3A_614, %parallel_loop3A_615], %parallel_loop3A_611 {add = true, strides = array<i32>} : memref<16x768xf32, #tpu.memory_space<vmem>>, vector<16xf32>,
          %parallel_loop3A_617 = arith.constant 32 : i32
          %parallel_loop3A_618 = arith.addi %parallel_loop3A_462, %parallel_loop3A_617 : i32
          %parallel_loop3A_619 = arith.constant 32 : i32
          %parallel_loop3A_620 = arith.addi %parallel_loop3A_462, %parallel_loop3A_619 : i32
          %parallel_loop3A_621 = arith.index_cast %parallel_loop3A_570 : i32 to index
          %parallel_loop3A_622 = arith.index_cast %parallel_loop3A_620 : i32 to index
          %parallel_loop3A_623 = tpu.vector_load %arg9[%parallel_loop3A_621, %parallel_loop3A_622] {strides = array<i32>} : memref<16x768xf32, #tpu.memory_space<vmem>>, vector<16xf32>,
          %parallel_loop3A_624 = arith.addf %parallel_loop3A_623, %parallel_loop3A_580 : vector<16xf32>
          %parallel_loop3A_625 = arith.constant 0 : i32
          %parallel_loop3A_626 = arith.addi %parallel_loop3A_625, %parallel_loop3A_570 : i32
          %parallel_loop3A_627 = arith.index_cast %parallel_loop3A_626 : i32 to index
          %parallel_loop3A_628 = arith.index_cast %parallel_loop3A_618 : i32 to index
          %parallel_loop3A_629 = tpu.vector_load %arg13[%parallel_loop3A_627, %parallel_loop3A_628] {strides = array<i32>} : memref<16x768xf32, #tpu.memory_space<vmem>>, vector<16xf32>,
          tpu.vector_store %arg13[%parallel_loop3A_627, %parallel_loop3A_628], %parallel_loop3A_624 {add = true, strides = array<i32>} : memref<16x768xf32, #tpu.memory_space<vmem>>, vector<16xf32>,
          %parallel_loop3A_630 = arith.constant 48 : i32
          %parallel_loop3A_631 = arith.addi %parallel_loop3A_462, %parallel_loop3A_630 : i32
          %parallel_loop3A_632 = arith.constant 48 : i32
          %parallel_loop3A_633 = arith.addi %parallel_loop3A_462, %parallel_loop3A_632 : i32
          %parallel_loop3A_634 = arith.index_cast %parallel_loop3A_570 : i32 to index
          %parallel_loop3A_635 = arith.index_cast %parallel_loop3A_633 : i32 to index
          %parallel_loop3A_636 = tpu.vector_load %arg9[%parallel_loop3A_634, %parallel_loop3A_635] {strides = array<i32>} : memref<16x768xf32, #tpu.memory_space<vmem>>, vector<16xf32>,
          %parallel_loop3A_637 = arith.addf %parallel_loop3A_636, %parallel_loop3A_582 : vector<16xf32>
          %parallel_loop3A_638 = arith.constant 0 : i32
          %parallel_loop3A_639 = arith.addi %parallel_loop3A_638, %parallel_loop3A_570 : i32
          %parallel_loop3A_640 = arith.index_cast %parallel_loop3A_639 : i32 to index
          %parallel_loop3A_641 = arith.index_cast %parallel_loop3A_631 : i32 to index
          %parallel_loop3A_642 = tpu.vector_load %arg13[%parallel_loop3A_640, %parallel_loop3A_641] {strides = array<i32>} : memref<16x768xf32, #tpu.memory_space<vmem>>, vector<16xf32>,
          tpu.vector_store %arg13[%parallel_loop3A_640, %parallel_loop3A_641], %parallel_loop3A_637 {add = true, strides = array<i32>} : memref<16x768xf32, #tpu.memory_space<vmem>>, vector<16xf32>,
          %parallel_loop3A_643 = arith.constant 64 : i32
          %parallel_loop3A_644 = arith.addi %parallel_loop3A_462, %parallel_loop3A_643 : i32
          %parallel_loop3A_645 = arith.constant 64 : i32
          %parallel_loop3A_646 = arith.addi %parallel_loop3A_462, %parallel_loop3A_645 : i32
          %parallel_loop3A_647 = arith.index_cast %parallel_loop3A_570 : i32 to index
          %parallel_loop3A_648 = arith.index_cast %parallel_loop3A_646 : i32 to index
          %parallel_loop3A_649 = tpu.vector_load %arg9[%parallel_loop3A_647, %parallel_loop3A_648] {strides = array<i32>} : memref<16x768xf32, #tpu.memory_space<vmem>>, vector<16xf32>,
          %parallel_loop3A_650 = arith.addf %parallel_loop3A_649, %parallel_loop3A_584 : vector<16xf32>
          %parallel_loop3A_651 = arith.constant 0 : i32
          %parallel_loop3A_652 = arith.addi %parallel_loop3A_651, %parallel_loop3A_570 : i32
          %parallel_loop3A_653 = arith.index_cast %parallel_loop3A_652 : i32 to index
          %parallel_loop3A_654 = arith.index_cast %parallel_loop3A_644 : i32 to index
          %parallel_loop3A_655 = tpu.vector_load %arg13[%parallel_loop3A_653, %parallel_loop3A_654] {strides = array<i32>} : memref<16x768xf32, #tpu.memory_space<vmem>>, vector<16xf32>,
          tpu.vector_store %arg13[%parallel_loop3A_653, %parallel_loop3A_654], %parallel_loop3A_650 {add = true, strides = array<i32>} : memref<16x768xf32, #tpu.memory_space<vmem>>, vector<16xf32>,
          %parallel_loop3A_656 = arith.constant 80 : i32
          %parallel_loop3A_657 = arith.addi %parallel_loop3A_462, %parallel_loop3A_656 : i32
          %parallel_loop3A_658 = arith.constant 80 : i32
          %parallel_loop3A_659 = arith.addi %parallel_loop3A_462, %parallel_loop3A_658 : i32
          %parallel_loop3A_660 = arith.index_cast %parallel_loop3A_570 : i32 to index
          %parallel_loop3A_661 = arith.index_cast %parallel_loop3A_659 : i32 to index
          %parallel_loop3A_662 = tpu.vector_load %arg9[%parallel_loop3A_660, %parallel_loop3A_661] {strides = array<i32>} : memref<16x768xf32, #tpu.memory_space<vmem>>, vector<16xf32>,
          %parallel_loop3A_663 = arith.addf %parallel_loop3A_662, %parallel_loop3A_586 : vector<16xf32>
          %parallel_loop3A_664 = arith.constant 0 : i32
          %parallel_loop3A_665 = arith.addi %parallel_loop3A_664, %parallel_loop3A_570 : i32
          %parallel_loop3A_666 = arith.index_cast %parallel_loop3A_665 : i32 to index
          %parallel_loop3A_667 = arith.index_cast %parallel_loop3A_657 : i32 to index
          %parallel_loop3A_668 = tpu.vector_load %arg13[%parallel_loop3A_666, %parallel_loop3A_667] {strides = array<i32>} : memref<16x768xf32, #tpu.memory_space<vmem>>, vector<16xf32>,
          tpu.vector_store %arg13[%parallel_loop3A_666, %parallel_loop3A_667], %parallel_loop3A_663 {add = true, strides = array<i32>} : memref<16x768xf32, #tpu.memory_space<vmem>>, vector<16xf32>,
          %parallel_loop3A_669 = arith.constant 96 : i32
          %parallel_loop3A_670 = arith.addi %parallel_loop3A_462, %parallel_loop3A_669 : i32
          %parallel_loop3A_671 = arith.constant 96 : i32
          %parallel_loop3A_672 = arith.addi %parallel_loop3A_462, %parallel_loop3A_671 : i32
          %parallel_loop3A_673 = arith.index_cast %parallel_loop3A_570 : i32 to index
          %parallel_loop3A_674 = arith.index_cast %parallel_loop3A_672 : i32 to index
          %parallel_loop3A_675 = tpu.vector_load %arg9[%parallel_loop3A_673, %parallel_loop3A_674] {strides = array<i32>} : memref<16x768xf32, #tpu.memory_space<vmem>>, vector<16xf32>,
          %parallel_loop3A_676 = arith.addf %parallel_loop3A_675, %parallel_loop3A_588 : vector<16xf32>
          %parallel_loop3A_677 = arith.constant 0 : i32
          %parallel_loop3A_678 = arith.addi %parallel_loop3A_677, %parallel_loop3A_570 : i32
          %parallel_loop3A_679 = arith.index_cast %parallel_loop3A_678 : i32 to index
          %parallel_loop3A_680 = arith.index_cast %parallel_loop3A_670 : i32 to index
          %parallel_loop3A_681 = tpu.vector_load %arg13[%parallel_loop3A_679, %parallel_loop3A_680] {strides = array<i32>} : memref<16x768xf32, #tpu.memory_space<vmem>>, vector<16xf32>,
          tpu.vector_store %arg13[%parallel_loop3A_679, %parallel_loop3A_680], %parallel_loop3A_676 {add = true, strides = array<i32>} : memref<16x768xf32, #tpu.memory_space<vmem>>, vector<16xf32>,
          %parallel_loop3A_682 = arith.constant 112 : i32
          %parallel_loop3A_683 = arith.addi %parallel_loop3A_462, %parallel_loop3A_682 : i32
          %parallel_loop3A_684 = arith.constant 112 : i32
          %parallel_loop3A_685 = arith.addi %parallel_loop3A_462, %parallel_loop3A_684 : i32
          %parallel_loop3A_686 = arith.index_cast %parallel_loop3A_570 : i32 to index
          %parallel_loop3A_687 = arith.index_cast %parallel_loop3A_685 : i32 to index
          %parallel_loop3A_688 = tpu.vector_load %arg9[%parallel_loop3A_686, %parallel_loop3A_687] {strides = array<i32>} : memref<16x768xf32, #tpu.memory_space<vmem>>, vector<16xf32>,
          %parallel_loop3A_689 = arith.addf %parallel_loop3A_688, %parallel_loop3A_590 : vector<16xf32>
          %parallel_loop3A_690 = arith.constant 0 : i32
          %parallel_loop3A_691 = arith.addi %parallel_loop3A_690, %parallel_loop3A_570 : i32
          %parallel_loop3A_692 = arith.index_cast %parallel_loop3A_691 : i32 to index
          %parallel_loop3A_693 = arith.index_cast %parallel_loop3A_683 : i32 to index
          %parallel_loop3A_694 = tpu.vector_load %arg13[%parallel_loop3A_692, %parallel_loop3A_693] {strides = array<i32>} : memref<16x768xf32, #tpu.memory_space<vmem>>, vector<16xf32>,
          tpu.vector_store %arg13[%parallel_loop3A_692, %parallel_loop3A_693], %parallel_loop3A_689 {add = true, strides = array<i32>} : memref<16x768xf32, #tpu.memory_space<vmem>>, vector<16xf32>,
        } {sc.loop_unroll_factor = 1 : i64, sc.parallel_access}
      } {sc.loop_unroll_factor = 1 : i64, sc.parallel_access}
      %mul3A_246 = arith.constant 1 : i32
      %mul3A_247 = arith.muli %add3A_225, %mul3A_246 : i32
      %add3A_248 = arith.constant 0 : i32
      %add3A_249 = arith.addi %mul3A_247, %add3A_248 : i32
      %dma_start3A_250 = arith.constant 0 : i32
      %dma_start3A_251 = arith.constant 0 : i32
      %dma_start3A_252 = tpu.memref_slice %arg13[%dma_start3A_250, %dma_start3A_251] : memref<16x768xf32, #tpu.memory_space<vmem>> -> memref<16x768xf32, #tpu.memory_space<vmem>>
      %dma_start3A_253 = arith.constant 0 : i32
      %dma_start3A_254 = tpu.memref_slice %arg6[%add3A_249, %mul3A_2, %dma_start3A_253] : memref<128x512x768xf32, #tpu.memory_space<hbm>> -> memref<1x16x768xf32, #tpu.memory_space<hbm>>
      %dma_start3A_255 = tpu.memref_squeeze %dma_start3A_254 : memref<1x16x768xf32, #tpu.memory_space<hbm>> -> memref<16x768xf32, #tpu.memory_space<hbm>>
      %dma_start3A_256 = arith.constant 0 : i32
      %dma_start3A_257 = tpu.memref_slice %arg6[%add3A_249, %mul3A_2, %dma_start3A_256] : memref<128x512x768xf32, #tpu.memory_space<hbm>> -> memref<1x16x768xf32, #tpu.memory_space<hbm>>
      %dma_start3A_258 = tpu.memref_squeeze %dma_start3A_257 : memref<1x16x768xf32, #tpu.memory_space<hbm>> -> memref<16x768xf32, #tpu.memory_space<hbm>>
      %dma_start3A_259 = arith.constant 0 : i32
      %dma_start3A_260 = arith.constant 0 : i32
      %dma_start3A_261 = tpu.memref_slice %arg13[%dma_start3A_259, %dma_start3A_260] : memref<16x768xf32, #tpu.memory_space<vmem>> -> memref<16x768xf32, #tpu.memory_space<vmem>>
      tpu.enqueue_dma source(%dma_start3A_261 : memref<16x768xf32, #tpu.memory_space<vmem>>) target(%dma_start3A_258 : memref<16x768xf32, #tpu.memory_space<hbm>>) target_semaphore(%arg29 : memref<!tpu.dma_semaphore, #tpu.memory_space<semaphore_mem>>)
      %mul3A_262 = arith.constant 8 : i32
      %mul3A_263 = arith.muli %scan3A_145, %mul3A_262 : i32
      %add3A_264 = arith.constant 3 : i32
      %add3A_265 = arith.addi %mul3A_263, %add3A_264 : i32
      %add3A_266 = arith.constant 5 : i32
      %add3A_267 = arith.addi %add3A_265, %add3A_266 : i32
      %lt3A_268 = arith.constant 128 : i32
      %lt3A_269 = arith.cmpi slt, %add3A_267, %lt3A_268 : i32
      %convert_element_type3A_270 = arith.extui %lt3A_269 : i1 to i32
      %cond3A_271 = arith.constant 0 : i32
      %cond3A_272 = arith.cmpi ne, %convert_element_type3A_270, %cond3A_271 : i32
      scf.if %cond3A_272 {
        %ge3A = arith.constant 8 : i32
        %ge3A_462 = arith.cmpi sge, %add3A_267, %ge3A : i32
        %convert_element_type3A_463 = arith.extui %ge3A_462 : i1 to i32
        %cond3A_464 = arith.constant 0 : i32
        %cond3A_465 = arith.cmpi ne, %convert_element_type3A_463, %cond3A_464 : i32
        scf.if %cond3A_465 {
          %sub3A = arith.constant 8 : i32
          %sub3A_472 = arith.subi %add3A_267, %sub3A : i32
          %mul3A_473 = arith.constant 1 : i32
          %mul3A_474 = arith.muli %sub3A_472, %mul3A_473 : i32
          %add3A_475 = arith.constant 0 : i32
          %add3A_476 = arith.addi %mul3A_474, %add3A_475 : i32
          %dma_wait3A_477 = arith.constant 0 : i32
          %dma_wait3A_478 = arith.constant 0 : i32
          %dma_wait3A_479 = tpu.memref_slice %arg11[%dma_wait3A_477, %dma_wait3A_478] : memref<16x768xf32, #tpu.memory_space<vmem>> -> memref<16x768xf32, #tpu.memory_space<vmem>>
          %dma_wait3A_480 = arith.constant 0 : i32
          %dma_wait3A_481 = tpu.memref_slice %arg6[%add3A_476, %mul3A_2, %dma_wait3A_480] : memref<128x512x768xf32, #tpu.memory_space<hbm>> -> memref<1x16x768xf32, #tpu.memory_space<hbm>>
          %dma_wait3A_482 = tpu.memref_squeeze %dma_wait3A_481 : memref<1x16x768xf32, #tpu.memory_space<hbm>> -> memref<16x768xf32, #tpu.memory_space<hbm>>
          %dma_wait3A_483 = arith.constant 0 : i32
          %dma_wait3A_484 = tpu.memref_slice %arg6[%add3A_476, %mul3A_2, %dma_wait3A_483] : memref<128x512x768xf32, #tpu.memory_space<hbm>> -> memref<1x16x768xf32, #tpu.memory_space<hbm>>
          %dma_wait3A_485 = tpu.memref_squeeze %dma_wait3A_484 : memref<1x16x768xf32, #tpu.memory_space<hbm>> -> memref<16x768xf32, #tpu.memory_space<hbm>>
          %dma_wait3A_486 = arith.constant 0 : i32
          %dma_wait3A_487 = arith.constant 0 : i32
          %dma_wait3A_488 = tpu.memref_slice %arg11[%dma_wait3A_486, %dma_wait3A_487] : memref<16x768xf32, #tpu.memory_space<vmem>> -> memref<16x768xf32, #tpu.memory_space<vmem>>
          tpu.wait_dma2 semaphore(%arg27 : memref<!tpu.dma_semaphore, #tpu.memory_space<semaphore_mem>>) src(%dma_wait3A_488 : memref<16x768xf32, #tpu.memory_space<vmem>>) dst(%dma_wait3A_485 : memref<16x768xf32, #tpu.memory_space<hbm>>)
        } else {
        }
        %mul3A_466 = arith.constant 16 : i32
        %mul3A_467 = arith.muli %add3A_267, %mul3A_466 : i32
        %dma_start3A_468 = tpu.memref_slice %arg7[%mul3A_467] : memref<2048xi32, #tpu.memory_space<vmem>> -> memref<16xi32, #tpu.memory_space<vmem>>
        %dma_start3A_469 = arith.constant 0 : i32
        %dma_start3A_470 = arith.constant 0 : i32
        %dma_start3A_471 = tpu.memref_slice %arg3[%dma_start3A_469, %dma_start3A_470] : memref<28996x768xf32, #tpu.memory_space<hbm>> -> memref<28996x768xf32, #tpu.memory_space<hbm>>
        tpu.enqueue_indirect_dma source(%dma_start3A_471 : memref<28996x768xf32, #tpu.memory_space<hbm>>) target(%arg11 : memref<16x768xf32, #tpu.memory_space<vmem>>) offsets(%dma_start3A_468 : memref<16xi32, #tpu.memory_space<vmem>>) semaphore(%arg19 : memref<!tpu.dma_semaphore, #tpu.memory_space<semaphore_mem>>)
      } else {
      }
      %mul3A_273 = arith.constant 16 : i32
      %mul3A_274 = arith.muli %add3A_265, %mul3A_273 : i32
      %dma_wait3A_275 = tpu.memref_slice %arg7[%mul3A_274] : memref<2048xi32, #tpu.memory_space<vmem>> -> memref<16xi32, #tpu.memory_space<vmem>>
      %dma_wait3A_276 = arith.constant 0 : i32
      %dma_wait3A_277 = arith.constant 0 : i32
      %dma_wait3A_278 = tpu.memref_slice %arg3[%dma_wait3A_276, %dma_wait3A_277] : memref<28996x768xf32, #tpu.memory_space<hbm>> -> memref<28996x768xf32, #tpu.memory_space<hbm>>
      tpu.wait_indirect_dma semaphore(%arg22 : memref<!tpu.dma_semaphore, #tpu.memory_space<semaphore_mem>>) src(%dma_wait3A_278 : memref<28996x768xf32, #tpu.memory_space<hbm>>) dst(%arg14 : memref<16x768xf32, #tpu.memory_space<vmem>>)
      %mul3A_279 = arith.constant 16 : i32
      %mul3A_280 = arith.muli %add3A_265, %mul3A_279 : i32
      %add3A_281 = arith.constant 0 : i32
      %add3A_282 = arith.addi %mul3A_280, %add3A_281 : i32
      %parallel_loop3A_283 = arith.constant 0 : i32
      %parallel_loop3A_284 = arith.constant 768 : i32
      %parallel_loop3A_285 = arith.constant 128 : i32
      scf.for %parallel_loop3A_462 = %parallel_loop3A_283 to %parallel_loop3A_284 step %parallel_loop3A_285  : i32 {
        %parallel_loop3A_463 = arith.constant 0 : i32
        %parallel_loop3A_464 = arith.addi %parallel_loop3A_462, %parallel_loop3A_463 : i32
        %parallel_loop3A_465 = arith.constant 0 : i32
        %parallel_loop3A_466 = arith.index_cast %parallel_loop3A_465 : i32 to index
        %parallel_loop3A_467 = arith.index_cast %parallel_loop3A_464 : i32 to index
        %parallel_loop3A_468 = tpu.vector_load %arg10[%parallel_loop3A_466, %parallel_loop3A_467] {strides = array<i32>} : memref<2x768xf32, #tpu.memory_space<vmem>>, vector<16xf32>,
        %parallel_loop3A_469 = arith.constant 16 : i32
        %parallel_loop3A_470 = arith.addi %parallel_loop3A_462, %parallel_loop3A_469 : i32
        %parallel_loop3A_471 = arith.constant 0 : i32
        %parallel_loop3A_472 = arith.index_cast %parallel_loop3A_471 : i32 to index
        %parallel_loop3A_473 = arith.index_cast %parallel_loop3A_470 : i32 to index
        %parallel_loop3A_474 = tpu.vector_load %arg10[%parallel_loop3A_472, %parallel_loop3A_473] {strides = array<i32>} : memref<2x768xf32, #tpu.memory_space<vmem>>, vector<16xf32>,
        %parallel_loop3A_475 = arith.constant 32 : i32
        %parallel_loop3A_476 = arith.addi %parallel_loop3A_462, %parallel_loop3A_475 : i32
        %parallel_loop3A_477 = arith.constant 0 : i32
        %parallel_loop3A_478 = arith.index_cast %parallel_loop3A_477 : i32 to index
        %parallel_loop3A_479 = arith.index_cast %parallel_loop3A_476 : i32 to index
        %parallel_loop3A_480 = tpu.vector_load %arg10[%parallel_loop3A_478, %parallel_loop3A_479] {strides = array<i32>} : memref<2x768xf32, #tpu.memory_space<vmem>>, vector<16xf32>,
        %parallel_loop3A_481 = arith.constant 48 : i32
        %parallel_loop3A_482 = arith.addi %parallel_loop3A_462, %parallel_loop3A_481 : i32
        %parallel_loop3A_483 = arith.constant 0 : i32
        %parallel_loop3A_484 = arith.index_cast %parallel_loop3A_483 : i32 to index
        %parallel_loop3A_485 = arith.index_cast %parallel_loop3A_482 : i32 to index
        %parallel_loop3A_486 = tpu.vector_load %arg10[%parallel_loop3A_484, %parallel_loop3A_485] {strides = array<i32>} : memref<2x768xf32, #tpu.memory_space<vmem>>, vector<16xf32>,
        %parallel_loop3A_487 = arith.constant 64 : i32
        %parallel_loop3A_488 = arith.addi %parallel_loop3A_462, %parallel_loop3A_487 : i32
        %parallel_loop3A_489 = arith.constant 0 : i32
        %parallel_loop3A_490 = arith.index_cast %parallel_loop3A_489 : i32 to index
        %parallel_loop3A_491 = arith.index_cast %parallel_loop3A_488 : i32 to index
        %parallel_loop3A_492 = tpu.vector_load %arg10[%parallel_loop3A_490, %parallel_loop3A_491] {strides = array<i32>} : memref<2x768xf32, #tpu.memory_space<vmem>>, vector<16xf32>,
        %parallel_loop3A_493 = arith.constant 80 : i32
        %parallel_loop3A_494 = arith.addi %parallel_loop3A_462, %parallel_loop3A_493 : i32
        %parallel_loop3A_495 = arith.constant 0 : i32
        %parallel_loop3A_496 = arith.index_cast %parallel_loop3A_495 : i32 to index
        %parallel_loop3A_497 = arith.index_cast %parallel_loop3A_494 : i32 to index
        %parallel_loop3A_498 = tpu.vector_load %arg10[%parallel_loop3A_496, %parallel_loop3A_497] {strides = array<i32>} : memref<2x768xf32, #tpu.memory_space<vmem>>, vector<16xf32>,
        %parallel_loop3A_499 = arith.constant 96 : i32
        %parallel_loop3A_500 = arith.addi %parallel_loop3A_462, %parallel_loop3A_499 : i32
        %parallel_loop3A_501 = arith.constant 0 : i32
        %parallel_loop3A_502 = arith.index_cast %parallel_loop3A_501 : i32 to index
        %parallel_loop3A_503 = arith.index_cast %parallel_loop3A_500 : i32 to index
        %parallel_loop3A_504 = tpu.vector_load %arg10[%parallel_loop3A_502, %parallel_loop3A_503] {strides = array<i32>} : memref<2x768xf32, #tpu.memory_space<vmem>>, vector<16xf32>,
        %parallel_loop3A_505 = arith.constant 112 : i32
        %parallel_loop3A_506 = arith.addi %parallel_loop3A_462, %parallel_loop3A_505 : i32
        %parallel_loop3A_507 = arith.constant 0 : i32
        %parallel_loop3A_508 = arith.index_cast %parallel_loop3A_507 : i32 to index
        %parallel_loop3A_509 = arith.index_cast %parallel_loop3A_506 : i32 to index
        %parallel_loop3A_510 = tpu.vector_load %arg10[%parallel_loop3A_508, %parallel_loop3A_509] {strides = array<i32>} : memref<2x768xf32, #tpu.memory_space<vmem>>, vector<16xf32>,
        %parallel_loop3A_511 = arith.constant 0 : i32
        %parallel_loop3A_512 = arith.addi %parallel_loop3A_462, %parallel_loop3A_511 : i32
        %parallel_loop3A_513 = arith.constant 1 : i32
        %parallel_loop3A_514 = arith.index_cast %parallel_loop3A_513 : i32 to index
        %parallel_loop3A_515 = arith.index_cast %parallel_loop3A_512 : i32 to index
        %parallel_loop3A_516 = tpu.vector_load %arg10[%parallel_loop3A_514, %parallel_loop3A_515] {strides = array<i32>} : memref<2x768xf32, #tpu.memory_space<vmem>>, vector<16xf32>,
        %parallel_loop3A_517 = arith.subf %parallel_loop3A_516, %parallel_loop3A_468 : vector<16xf32>
        %parallel_loop3A_518 = arith.constant 16 : i32
        %parallel_loop3A_519 = arith.addi %parallel_loop3A_462, %parallel_loop3A_518 : i32
        %parallel_loop3A_520 = arith.constant 1 : i32
        %parallel_loop3A_521 = arith.index_cast %parallel_loop3A_520 : i32 to index
        %parallel_loop3A_522 = arith.index_cast %parallel_loop3A_519 : i32 to index
        %parallel_loop3A_523 = tpu.vector_load %arg10[%parallel_loop3A_521, %parallel_loop3A_522] {strides = array<i32>} : memref<2x768xf32, #tpu.memory_space<vmem>>, vector<16xf32>,
        %parallel_loop3A_524 = arith.subf %parallel_loop3A_523, %parallel_loop3A_474 : vector<16xf32>
        %parallel_loop3A_525 = arith.constant 32 : i32
        %parallel_loop3A_526 = arith.addi %parallel_loop3A_462, %parallel_loop3A_525 : i32
        %parallel_loop3A_527 = arith.constant 1 : i32
        %parallel_loop3A_528 = arith.index_cast %parallel_loop3A_527 : i32 to index
        %parallel_loop3A_529 = arith.index_cast %parallel_loop3A_526 : i32 to index
        %parallel_loop3A_530 = tpu.vector_load %arg10[%parallel_loop3A_528, %parallel_loop3A_529] {strides = array<i32>} : memref<2x768xf32, #tpu.memory_space<vmem>>, vector<16xf32>,
        %parallel_loop3A_531 = arith.subf %parallel_loop3A_530, %parallel_loop3A_480 : vector<16xf32>
        %parallel_loop3A_532 = arith.constant 48 : i32
        %parallel_loop3A_533 = arith.addi %parallel_loop3A_462, %parallel_loop3A_532 : i32
        %parallel_loop3A_534 = arith.constant 1 : i32
        %parallel_loop3A_535 = arith.index_cast %parallel_loop3A_534 : i32 to index
        %parallel_loop3A_536 = arith.index_cast %parallel_loop3A_533 : i32 to index
        %parallel_loop3A_537 = tpu.vector_load %arg10[%parallel_loop3A_535, %parallel_loop3A_536] {strides = array<i32>} : memref<2x768xf32, #tpu.memory_space<vmem>>, vector<16xf32>,
        %parallel_loop3A_538 = arith.subf %parallel_loop3A_537, %parallel_loop3A_486 : vector<16xf32>
        %parallel_loop3A_539 = arith.constant 64 : i32
        %parallel_loop3A_540 = arith.addi %parallel_loop3A_462, %parallel_loop3A_539 : i32
        %parallel_loop3A_541 = arith.constant 1 : i32
        %parallel_loop3A_542 = arith.index_cast %parallel_loop3A_541 : i32 to index
        %parallel_loop3A_543 = arith.index_cast %parallel_loop3A_540 : i32 to index
        %parallel_loop3A_544 = tpu.vector_load %arg10[%parallel_loop3A_542, %parallel_loop3A_543] {strides = array<i32>} : memref<2x768xf32, #tpu.memory_space<vmem>>, vector<16xf32>,
        %parallel_loop3A_545 = arith.subf %parallel_loop3A_544, %parallel_loop3A_492 : vector<16xf32>
        %parallel_loop3A_546 = arith.constant 80 : i32
        %parallel_loop3A_547 = arith.addi %parallel_loop3A_462, %parallel_loop3A_546 : i32
        %parallel_loop3A_548 = arith.constant 1 : i32
        %parallel_loop3A_549 = arith.index_cast %parallel_loop3A_548 : i32 to index
        %parallel_loop3A_550 = arith.index_cast %parallel_loop3A_547 : i32 to index
        %parallel_loop3A_551 = tpu.vector_load %arg10[%parallel_loop3A_549, %parallel_loop3A_550] {strides = array<i32>} : memref<2x768xf32, #tpu.memory_space<vmem>>, vector<16xf32>,
        %parallel_loop3A_552 = arith.subf %parallel_loop3A_551, %parallel_loop3A_498 : vector<16xf32>
        %parallel_loop3A_553 = arith.constant 96 : i32
        %parallel_loop3A_554 = arith.addi %parallel_loop3A_462, %parallel_loop3A_553 : i32
        %parallel_loop3A_555 = arith.constant 1 : i32
        %parallel_loop3A_556 = arith.index_cast %parallel_loop3A_555 : i32 to index
        %parallel_loop3A_557 = arith.index_cast %parallel_loop3A_554 : i32 to index
        %parallel_loop3A_558 = tpu.vector_load %arg10[%parallel_loop3A_556, %parallel_loop3A_557] {strides = array<i32>} : memref<2x768xf32, #tpu.memory_space<vmem>>, vector<16xf32>,
        %parallel_loop3A_559 = arith.subf %parallel_loop3A_558, %parallel_loop3A_504 : vector<16xf32>
        %parallel_loop3A_560 = arith.constant 112 : i32
        %parallel_loop3A_561 = arith.addi %parallel_loop3A_462, %parallel_loop3A_560 : i32
        %parallel_loop3A_562 = arith.constant 1 : i32
        %parallel_loop3A_563 = arith.index_cast %parallel_loop3A_562 : i32 to index
        %parallel_loop3A_564 = arith.index_cast %parallel_loop3A_561 : i32 to index
        %parallel_loop3A_565 = tpu.vector_load %arg10[%parallel_loop3A_563, %parallel_loop3A_564] {strides = array<i32>} : memref<2x768xf32, #tpu.memory_space<vmem>>, vector<16xf32>,
        %parallel_loop3A_566 = arith.subf %parallel_loop3A_565, %parallel_loop3A_510 : vector<16xf32>
        %parallel_loop3A_567 = arith.constant 0 : i32
        %parallel_loop3A_568 = arith.constant 16 : i32
        %parallel_loop3A_569 = arith.constant 1 : i32
        scf.for %parallel_loop3A_570 = %parallel_loop3A_567 to %parallel_loop3A_568 step %parallel_loop3A_569  : i32 {
          %parallel_loop3A_571 = arith.addi %add3A_282, %parallel_loop3A_570 : i32
          %parallel_loop3A_572 = vector.broadcast %parallel_loop3A_571 : i32 to vector<16xi32>
          %parallel_loop3A_573 = tpu.vector_load_idx %arg8[%parallel_loop3A_572] : memref<2048xi32, #tpu.memory_space<vmem>>[vector<16xi32>], vector<16xi32>,
          %parallel_loop3A_574 = arith.sitofp %parallel_loop3A_573 : vector<16xi32> to vector<16xf32>
          %parallel_loop3A_575 = arith.mulf %parallel_loop3A_574, %parallel_loop3A_517 : vector<16xf32>
          %parallel_loop3A_576 = arith.addf %parallel_loop3A_468, %parallel_loop3A_575 : vector<16xf32>
          %parallel_loop3A_577 = arith.mulf %parallel_loop3A_574, %parallel_loop3A_524 : vector<16xf32>
          %parallel_loop3A_578 = arith.addf %parallel_loop3A_474, %parallel_loop3A_577 : vector<16xf32>
          %parallel_loop3A_579 = arith.mulf %parallel_loop3A_574, %parallel_loop3A_531 : vector<16xf32>
          %parallel_loop3A_580 = arith.addf %parallel_loop3A_480, %parallel_loop3A_579 : vector<16xf32>
          %parallel_loop3A_581 = arith.mulf %parallel_loop3A_574, %parallel_loop3A_538 : vector<16xf32>
          %parallel_loop3A_582 = arith.addf %parallel_loop3A_486, %parallel_loop3A_581 : vector<16xf32>
          %parallel_loop3A_583 = arith.mulf %parallel_loop3A_574, %parallel_loop3A_545 : vector<16xf32>
          %parallel_loop3A_584 = arith.addf %parallel_loop3A_492, %parallel_loop3A_583 : vector<16xf32>
          %parallel_loop3A_585 = arith.mulf %parallel_loop3A_574, %parallel_loop3A_552 : vector<16xf32>
          %parallel_loop3A_586 = arith.addf %parallel_loop3A_498, %parallel_loop3A_585 : vector<16xf32>
          %parallel_loop3A_587 = arith.mulf %parallel_loop3A_574, %parallel_loop3A_559 : vector<16xf32>
          %parallel_loop3A_588 = arith.addf %parallel_loop3A_504, %parallel_loop3A_587 : vector<16xf32>
          %parallel_loop3A_589 = arith.mulf %parallel_loop3A_574, %parallel_loop3A_566 : vector<16xf32>
          %parallel_loop3A_590 = arith.addf %parallel_loop3A_510, %parallel_loop3A_589 : vector<16xf32>
          %parallel_loop3A_591 = arith.constant 0 : i32
          %parallel_loop3A_592 = arith.addi %parallel_loop3A_462, %parallel_loop3A_591 : i32
          %parallel_loop3A_593 = arith.constant 0 : i32
          %parallel_loop3A_594 = arith.addi %parallel_loop3A_462, %parallel_loop3A_593 : i32
          %parallel_loop3A_595 = arith.index_cast %parallel_loop3A_570 : i32 to index
          %parallel_loop3A_596 = arith.index_cast %parallel_loop3A_594 : i32 to index
          %parallel_loop3A_597 = tpu.vector_load %arg9[%parallel_loop3A_595, %parallel_loop3A_596] {strides = array<i32>} : memref<16x768xf32, #tpu.memory_space<vmem>>, vector<16xf32>,
          %parallel_loop3A_598 = arith.addf %parallel_loop3A_597, %parallel_loop3A_576 : vector<16xf32>
          %parallel_loop3A_599 = arith.constant 0 : i32
          %parallel_loop3A_600 = arith.addi %parallel_loop3A_599, %parallel_loop3A_570 : i32
          %parallel_loop3A_601 = arith.index_cast %parallel_loop3A_600 : i32 to index
          %parallel_loop3A_602 = arith.index_cast %parallel_loop3A_592 : i32 to index
          %parallel_loop3A_603 = tpu.vector_load %arg14[%parallel_loop3A_601, %parallel_loop3A_602] {strides = array<i32>} : memref<16x768xf32, #tpu.memory_space<vmem>>, vector<16xf32>,
          tpu.vector_store %arg14[%parallel_loop3A_601, %parallel_loop3A_602], %parallel_loop3A_598 {add = true, strides = array<i32>} : memref<16x768xf32, #tpu.memory_space<vmem>>, vector<16xf32>,
          %parallel_loop3A_604 = arith.constant 16 : i32
          %parallel_loop3A_605 = arith.addi %parallel_loop3A_462, %parallel_loop3A_604 : i32
          %parallel_loop3A_606 = arith.constant 16 : i32
          %parallel_loop3A_607 = arith.addi %parallel_loop3A_462, %parallel_loop3A_606 : i32
          %parallel_loop3A_608 = arith.index_cast %parallel_loop3A_570 : i32 to index
          %parallel_loop3A_609 = arith.index_cast %parallel_loop3A_607 : i32 to index
          %parallel_loop3A_610 = tpu.vector_load %arg9[%parallel_loop3A_608, %parallel_loop3A_609] {strides = array<i32>} : memref<16x768xf32, #tpu.memory_space<vmem>>, vector<16xf32>,
          %parallel_loop3A_611 = arith.addf %parallel_loop3A_610, %parallel_loop3A_578 : vector<16xf32>
          %parallel_loop3A_612 = arith.constant 0 : i32
          %parallel_loop3A_613 = arith.addi %parallel_loop3A_612, %parallel_loop3A_570 : i32
          %parallel_loop3A_614 = arith.index_cast %parallel_loop3A_613 : i32 to index
          %parallel_loop3A_615 = arith.index_cast %parallel_loop3A_605 : i32 to index
          %parallel_loop3A_616 = tpu.vector_load %arg14[%parallel_loop3A_614, %parallel_loop3A_615] {strides = array<i32>} : memref<16x768xf32, #tpu.memory_space<vmem>>, vector<16xf32>,
          tpu.vector_store %arg14[%parallel_loop3A_614, %parallel_loop3A_615], %parallel_loop3A_611 {add = true, strides = array<i32>} : memref<16x768xf32, #tpu.memory_space<vmem>>, vector<16xf32>,
          %parallel_loop3A_617 = arith.constant 32 : i32
          %parallel_loop3A_618 = arith.addi %parallel_loop3A_462, %parallel_loop3A_617 : i32
          %parallel_loop3A_619 = arith.constant 32 : i32
          %parallel_loop3A_620 = arith.addi %parallel_loop3A_462, %parallel_loop3A_619 : i32
          %parallel_loop3A_621 = arith.index_cast %parallel_loop3A_570 : i32 to index
          %parallel_loop3A_622 = arith.index_cast %parallel_loop3A_620 : i32 to index
          %parallel_loop3A_623 = tpu.vector_load %arg9[%parallel_loop3A_621, %parallel_loop3A_622] {strides = array<i32>} : memref<16x768xf32, #tpu.memory_space<vmem>>, vector<16xf32>,
          %parallel_loop3A_624 = arith.addf %parallel_loop3A_623, %parallel_loop3A_580 : vector<16xf32>
          %parallel_loop3A_625 = arith.constant 0 : i32
          %parallel_loop3A_626 = arith.addi %parallel_loop3A_625, %parallel_loop3A_570 : i32
          %parallel_loop3A_627 = arith.index_cast %parallel_loop3A_626 : i32 to index
          %parallel_loop3A_628 = arith.index_cast %parallel_loop3A_618 : i32 to index
          %parallel_loop3A_629 = tpu.vector_load %arg14[%parallel_loop3A_627, %parallel_loop3A_628] {strides = array<i32>} : memref<16x768xf32, #tpu.memory_space<vmem>>, vector<16xf32>,
          tpu.vector_store %arg14[%parallel_loop3A_627, %parallel_loop3A_628], %parallel_loop3A_624 {add = true, strides = array<i32>} : memref<16x768xf32, #tpu.memory_space<vmem>>, vector<16xf32>,
          %parallel_loop3A_630 = arith.constant 48 : i32
          %parallel_loop3A_631 = arith.addi %parallel_loop3A_462, %parallel_loop3A_630 : i32
          %parallel_loop3A_632 = arith.constant 48 : i32
          %parallel_loop3A_633 = arith.addi %parallel_loop3A_462, %parallel_loop3A_632 : i32
          %parallel_loop3A_634 = arith.index_cast %parallel_loop3A_570 : i32 to index
          %parallel_loop3A_635 = arith.index_cast %parallel_loop3A_633 : i32 to index
          %parallel_loop3A_636 = tpu.vector_load %arg9[%parallel_loop3A_634, %parallel_loop3A_635] {strides = array<i32>} : memref<16x768xf32, #tpu.memory_space<vmem>>, vector<16xf32>,
          %parallel_loop3A_637 = arith.addf %parallel_loop3A_636, %parallel_loop3A_582 : vector<16xf32>
          %parallel_loop3A_638 = arith.constant 0 : i32
          %parallel_loop3A_639 = arith.addi %parallel_loop3A_638, %parallel_loop3A_570 : i32
          %parallel_loop3A_640 = arith.index_cast %parallel_loop3A_639 : i32 to index
          %parallel_loop3A_641 = arith.index_cast %parallel_loop3A_631 : i32 to index
          %parallel_loop3A_642 = tpu.vector_load %arg14[%parallel_loop3A_640, %parallel_loop3A_641] {strides = array<i32>} : memref<16x768xf32, #tpu.memory_space<vmem>>, vector<16xf32>,
          tpu.vector_store %arg14[%parallel_loop3A_640, %parallel_loop3A_641], %parallel_loop3A_637 {add = true, strides = array<i32>} : memref<16x768xf32, #tpu.memory_space<vmem>>, vector<16xf32>,
          %parallel_loop3A_643 = arith.constant 64 : i32
          %parallel_loop3A_644 = arith.addi %parallel_loop3A_462, %parallel_loop3A_643 : i32
          %parallel_loop3A_645 = arith.constant 64 : i32
          %parallel_loop3A_646 = arith.addi %parallel_loop3A_462, %parallel_loop3A_645 : i32
          %parallel_loop3A_647 = arith.index_cast %parallel_loop3A_570 : i32 to index
          %parallel_loop3A_648 = arith.index_cast %parallel_loop3A_646 : i32 to index
          %parallel_loop3A_649 = tpu.vector_load %arg9[%parallel_loop3A_647, %parallel_loop3A_648] {strides = array<i32>} : memref<16x768xf32, #tpu.memory_space<vmem>>, vector<16xf32>,
          %parallel_loop3A_650 = arith.addf %parallel_loop3A_649, %parallel_loop3A_584 : vector<16xf32>
          %parallel_loop3A_651 = arith.constant 0 : i32
          %parallel_loop3A_652 = arith.addi %parallel_loop3A_651, %parallel_loop3A_570 : i32
          %parallel_loop3A_653 = arith.index_cast %parallel_loop3A_652 : i32 to index
          %parallel_loop3A_654 = arith.index_cast %parallel_loop3A_644 : i32 to index
          %parallel_loop3A_655 = tpu.vector_load %arg14[%parallel_loop3A_653, %parallel_loop3A_654] {strides = array<i32>} : memref<16x768xf32, #tpu.memory_space<vmem>>, vector<16xf32>,
          tpu.vector_store %arg14[%parallel_loop3A_653, %parallel_loop3A_654], %parallel_loop3A_650 {add = true, strides = array<i32>} : memref<16x768xf32, #tpu.memory_space<vmem>>, vector<16xf32>,
          %parallel_loop3A_656 = arith.constant 80 : i32
          %parallel_loop3A_657 = arith.addi %parallel_loop3A_462, %parallel_loop3A_656 : i32
          %parallel_loop3A_658 = arith.constant 80 : i32
          %parallel_loop3A_659 = arith.addi %parallel_loop3A_462, %parallel_loop3A_658 : i32
          %parallel_loop3A_660 = arith.index_cast %parallel_loop3A_570 : i32 to index
          %parallel_loop3A_661 = arith.index_cast %parallel_loop3A_659 : i32 to index
          %parallel_loop3A_662 = tpu.vector_load %arg9[%parallel_loop3A_660, %parallel_loop3A_661] {strides = array<i32>} : memref<16x768xf32, #tpu.memory_space<vmem>>, vector<16xf32>,
          %parallel_loop3A_663 = arith.addf %parallel_loop3A_662, %parallel_loop3A_586 : vector<16xf32>
          %parallel_loop3A_664 = arith.constant 0 : i32
          %parallel_loop3A_665 = arith.addi %parallel_loop3A_664, %parallel_loop3A_570 : i32
          %parallel_loop3A_666 = arith.index_cast %parallel_loop3A_665 : i32 to index
          %parallel_loop3A_667 = arith.index_cast %parallel_loop3A_657 : i32 to index
          %parallel_loop3A_668 = tpu.vector_load %arg14[%parallel_loop3A_666, %parallel_loop3A_667] {strides = array<i32>} : memref<16x768xf32, #tpu.memory_space<vmem>>, vector<16xf32>,
          tpu.vector_store %arg14[%parallel_loop3A_666, %parallel_loop3A_667], %parallel_loop3A_663 {add = true, strides = array<i32>} : memref<16x768xf32, #tpu.memory_space<vmem>>, vector<16xf32>,
          %parallel_loop3A_669 = arith.constant 96 : i32
          %parallel_loop3A_670 = arith.addi %parallel_loop3A_462, %parallel_loop3A_669 : i32
          %parallel_loop3A_671 = arith.constant 96 : i32
          %parallel_loop3A_672 = arith.addi %parallel_loop3A_462, %parallel_loop3A_671 : i32
          %parallel_loop3A_673 = arith.index_cast %parallel_loop3A_570 : i32 to index
          %parallel_loop3A_674 = arith.index_cast %parallel_loop3A_672 : i32 to index
          %parallel_loop3A_675 = tpu.vector_load %arg9[%parallel_loop3A_673, %parallel_loop3A_674] {strides = array<i32>} : memref<16x768xf32, #tpu.memory_space<vmem>>, vector<16xf32>,
          %parallel_loop3A_676 = arith.addf %parallel_loop3A_675, %parallel_loop3A_588 : vector<16xf32>
          %parallel_loop3A_677 = arith.constant 0 : i32
          %parallel_loop3A_678 = arith.addi %parallel_loop3A_677, %parallel_loop3A_570 : i32
          %parallel_loop3A_679 = arith.index_cast %parallel_loop3A_678 : i32 to index
          %parallel_loop3A_680 = arith.index_cast %parallel_loop3A_670 : i32 to index
          %parallel_loop3A_681 = tpu.vector_load %arg14[%parallel_loop3A_679, %parallel_loop3A_680] {strides = array<i32>} : memref<16x768xf32, #tpu.memory_space<vmem>>, vector<16xf32>,
          tpu.vector_store %arg14[%parallel_loop3A_679, %parallel_loop3A_680], %parallel_loop3A_676 {add = true, strides = array<i32>} : memref<16x768xf32, #tpu.memory_space<vmem>>, vector<16xf32>,
          %parallel_loop3A_682 = arith.constant 112 : i32
          %parallel_loop3A_683 = arith.addi %parallel_loop3A_462, %parallel_loop3A_682 : i32
          %parallel_loop3A_684 = arith.constant 112 : i32
          %parallel_loop3A_685 = arith.addi %parallel_loop3A_462, %parallel_loop3A_684 : i32
          %parallel_loop3A_686 = arith.index_cast %parallel_loop3A_570 : i32 to index
          %parallel_loop3A_687 = arith.index_cast %parallel_loop3A_685 : i32 to index
          %parallel_loop3A_688 = tpu.vector_load %arg9[%parallel_loop3A_686, %parallel_loop3A_687] {strides = array<i32>} : memref<16x768xf32, #tpu.memory_space<vmem>>, vector<16xf32>,
          %parallel_loop3A_689 = arith.addf %parallel_loop3A_688, %parallel_loop3A_590 : vector<16xf32>
          %parallel_loop3A_690 = arith.constant 0 : i32
          %parallel_loop3A_691 = arith.addi %parallel_loop3A_690, %parallel_loop3A_570 : i32
          %parallel_loop3A_692 = arith.index_cast %parallel_loop3A_691 : i32 to index
          %parallel_loop3A_693 = arith.index_cast %parallel_loop3A_683 : i32 to index
          %parallel_loop3A_694 = tpu.vector_load %arg14[%parallel_loop3A_692, %parallel_loop3A_693] {strides = array<i32>} : memref<16x768xf32, #tpu.memory_space<vmem>>, vector<16xf32>,
          tpu.vector_store %arg14[%parallel_loop3A_692, %parallel_loop3A_693], %parallel_loop3A_689 {add = true, strides = array<i32>} : memref<16x768xf32, #tpu.memory_space<vmem>>, vector<16xf32>,
        } {sc.loop_unroll_factor = 1 : i64, sc.parallel_access}
      } {sc.loop_unroll_factor = 1 : i64, sc.parallel_access}
      %mul3A_286 = arith.constant 1 : i32
      %mul3A_287 = arith.muli %add3A_265, %mul3A_286 : i32
      %add3A_288 = arith.constant 0 : i32
      %add3A_289 = arith.addi %mul3A_287, %add3A_288 : i32
      %dma_start3A_290 = arith.constant 0 : i32
      %dma_start3A_291 = arith.constant 0 : i32
      %dma_start3A_292 = tpu.memref_slice %arg14[%dma_start3A_290, %dma_start3A_291] : memref<16x768xf32, #tpu.memory_space<vmem>> -> memref<16x768xf32, #tpu.memory_space<vmem>>
      %dma_start3A_293 = arith.constant 0 : i32
      %dma_start3A_294 = tpu.memref_slice %arg6[%add3A_289, %mul3A_2, %dma_start3A_293] : memref<128x512x768xf32, #tpu.memory_space<hbm>> -> memref<1x16x768xf32, #tpu.memory_space<hbm>>
      %dma_start3A_295 = tpu.memref_squeeze %dma_start3A_294 : memref<1x16x768xf32, #tpu.memory_space<hbm>> -> memref<16x768xf32, #tpu.memory_space<hbm>>
      %dma_start3A_296 = arith.constant 0 : i32
      %dma_start3A_297 = tpu.memref_slice %arg6[%add3A_289, %mul3A_2, %dma_start3A_296] : memref<128x512x768xf32, #tpu.memory_space<hbm>> -> memref<1x16x768xf32, #tpu.memory_space<hbm>>
      %dma_start3A_298 = tpu.memref_squeeze %dma_start3A_297 : memref<1x16x768xf32, #tpu.memory_space<hbm>> -> memref<16x768xf32, #tpu.memory_space<hbm>>
      %dma_start3A_299 = arith.constant 0 : i32
      %dma_start3A_300 = arith.constant 0 : i32
      %dma_start3A_301 = tpu.memref_slice %arg14[%dma_start3A_299, %dma_start3A_300] : memref<16x768xf32, #tpu.memory_space<vmem>> -> memref<16x768xf32, #tpu.memory_space<vmem>>
      tpu.enqueue_dma source(%dma_start3A_301 : memref<16x768xf32, #tpu.memory_space<vmem>>) target(%dma_start3A_298 : memref<16x768xf32, #tpu.memory_space<hbm>>) target_semaphore(%arg30 : memref<!tpu.dma_semaphore, #tpu.memory_space<semaphore_mem>>)
      %mul3A_302 = arith.constant 8 : i32
      %mul3A_303 = arith.muli %scan3A_145, %mul3A_302 : i32
      %add3A_304 = arith.constant 4 : i32
      %add3A_305 = arith.addi %mul3A_303, %add3A_304 : i32
      %add3A_306 = arith.constant 5 : i32
      %add3A_307 = arith.addi %add3A_305, %add3A_306 : i32
      %lt3A_308 = arith.constant 128 : i32
      %lt3A_309 = arith.cmpi slt, %add3A_307, %lt3A_308 : i32
      %convert_element_type3A_310 = arith.extui %lt3A_309 : i1 to i32
      %cond3A_311 = arith.constant 0 : i32
      %cond3A_312 = arith.cmpi ne, %convert_element_type3A_310, %cond3A_311 : i32
      scf.if %cond3A_312 {
        %ge3A = arith.constant 8 : i32
        %ge3A_462 = arith.cmpi sge, %add3A_307, %ge3A : i32
        %convert_element_type3A_463 = arith.extui %ge3A_462 : i1 to i32
        %cond3A_464 = arith.constant 0 : i32
        %cond3A_465 = arith.cmpi ne, %convert_element_type3A_463, %cond3A_464 : i32
        scf.if %cond3A_465 {
          %sub3A = arith.constant 8 : i32
          %sub3A_472 = arith.subi %add3A_307, %sub3A : i32
          %mul3A_473 = arith.constant 1 : i32
          %mul3A_474 = arith.muli %sub3A_472, %mul3A_473 : i32
          %add3A_475 = arith.constant 0 : i32
          %add3A_476 = arith.addi %mul3A_474, %add3A_475 : i32
          %dma_wait3A_477 = arith.constant 0 : i32
          %dma_wait3A_478 = arith.constant 0 : i32
          %dma_wait3A_479 = tpu.memref_slice %arg12[%dma_wait3A_477, %dma_wait3A_478] : memref<16x768xf32, #tpu.memory_space<vmem>> -> memref<16x768xf32, #tpu.memory_space<vmem>>
          %dma_wait3A_480 = arith.constant 0 : i32
          %dma_wait3A_481 = tpu.memref_slice %arg6[%add3A_476, %mul3A_2, %dma_wait3A_480] : memref<128x512x768xf32, #tpu.memory_space<hbm>> -> memref<1x16x768xf32, #tpu.memory_space<hbm>>
          %dma_wait3A_482 = tpu.memref_squeeze %dma_wait3A_481 : memref<1x16x768xf32, #tpu.memory_space<hbm>> -> memref<16x768xf32, #tpu.memory_space<hbm>>
          %dma_wait3A_483 = arith.constant 0 : i32
          %dma_wait3A_484 = tpu.memref_slice %arg6[%add3A_476, %mul3A_2, %dma_wait3A_483] : memref<128x512x768xf32, #tpu.memory_space<hbm>> -> memref<1x16x768xf32, #tpu.memory_space<hbm>>
          %dma_wait3A_485 = tpu.memref_squeeze %dma_wait3A_484 : memref<1x16x768xf32, #tpu.memory_space<hbm>> -> memref<16x768xf32, #tpu.memory_space<hbm>>
          %dma_wait3A_486 = arith.constant 0 : i32
          %dma_wait3A_487 = arith.constant 0 : i32
          %dma_wait3A_488 = tpu.memref_slice %arg12[%dma_wait3A_486, %dma_wait3A_487] : memref<16x768xf32, #tpu.memory_space<vmem>> -> memref<16x768xf32, #tpu.memory_space<vmem>>
          tpu.wait_dma2 semaphore(%arg28 : memref<!tpu.dma_semaphore, #tpu.memory_space<semaphore_mem>>) src(%dma_wait3A_488 : memref<16x768xf32, #tpu.memory_space<vmem>>) dst(%dma_wait3A_485 : memref<16x768xf32, #tpu.memory_space<hbm>>)
        } else {
        }
        %mul3A_466 = arith.constant 16 : i32
        %mul3A_467 = arith.muli %add3A_307, %mul3A_466 : i32
        %dma_start3A_468 = tpu.memref_slice %arg7[%mul3A_467] : memref<2048xi32, #tpu.memory_space<vmem>> -> memref<16xi32, #tpu.memory_space<vmem>>
        %dma_start3A_469 = arith.constant 0 : i32
        %dma_start3A_470 = arith.constant 0 : i32
        %dma_start3A_471 = tpu.memref_slice %arg3[%dma_start3A_469, %dma_start3A_470] : memref<28996x768xf32, #tpu.memory_space<hbm>> -> memref<28996x768xf32, #tpu.memory_space<hbm>>
        tpu.enqueue_indirect_dma source(%dma_start3A_471 : memref<28996x768xf32, #tpu.memory_space<hbm>>) target(%arg12 : memref<16x768xf32, #tpu.memory_space<vmem>>) offsets(%dma_start3A_468 : memref<16xi32, #tpu.memory_space<vmem>>) semaphore(%arg20 : memref<!tpu.dma_semaphore, #tpu.memory_space<semaphore_mem>>)
      } else {
      }
      %mul3A_313 = arith.constant 16 : i32
      %mul3A_314 = arith.muli %add3A_305, %mul3A_313 : i32
      %dma_wait3A_315 = tpu.memref_slice %arg7[%mul3A_314] : memref<2048xi32, #tpu.memory_space<vmem>> -> memref<16xi32, #tpu.memory_space<vmem>>
      %dma_wait3A_316 = arith.constant 0 : i32
      %dma_wait3A_317 = arith.constant 0 : i32
      %dma_wait3A_318 = tpu.memref_slice %arg3[%dma_wait3A_316, %dma_wait3A_317] : memref<28996x768xf32, #tpu.memory_space<hbm>> -> memref<28996x768xf32, #tpu.memory_space<hbm>>
      tpu.wait_indirect_dma semaphore(%arg23 : memref<!tpu.dma_semaphore, #tpu.memory_space<semaphore_mem>>) src(%dma_wait3A_318 : memref<28996x768xf32, #tpu.memory_space<hbm>>) dst(%arg15 : memref<16x768xf32, #tpu.memory_space<vmem>>)
      %mul3A_319 = arith.constant 16 : i32
      %mul3A_320 = arith.muli %add3A_305, %mul3A_319 : i32
      %add3A_321 = arith.constant 0 : i32
      %add3A_322 = arith.addi %mul3A_320, %add3A_321 : i32
      %parallel_loop3A_323 = arith.constant 0 : i32
      %parallel_loop3A_324 = arith.constant 768 : i32
      %parallel_loop3A_325 = arith.constant 128 : i32
      scf.for %parallel_loop3A_462 = %parallel_loop3A_323 to %parallel_loop3A_324 step %parallel_loop3A_325  : i32 {
        %parallel_loop3A_463 = arith.constant 0 : i32
        %parallel_loop3A_464 = arith.addi %parallel_loop3A_462, %parallel_loop3A_463 : i32
        %parallel_loop3A_465 = arith.constant 0 : i32
        %parallel_loop3A_466 = arith.index_cast %parallel_loop3A_465 : i32 to index
        %parallel_loop3A_467 = arith.index_cast %parallel_loop3A_464 : i32 to index
        %parallel_loop3A_468 = tpu.vector_load %arg10[%parallel_loop3A_466, %parallel_loop3A_467] {strides = array<i32>} : memref<2x768xf32, #tpu.memory_space<vmem>>, vector<16xf32>,
        %parallel_loop3A_469 = arith.constant 16 : i32
        %parallel_loop3A_470 = arith.addi %parallel_loop3A_462, %parallel_loop3A_469 : i32
        %parallel_loop3A_471 = arith.constant 0 : i32
        %parallel_loop3A_472 = arith.index_cast %parallel_loop3A_471 : i32 to index
        %parallel_loop3A_473 = arith.index_cast %parallel_loop3A_470 : i32 to index
        %parallel_loop3A_474 = tpu.vector_load %arg10[%parallel_loop3A_472, %parallel_loop3A_473] {strides = array<i32>} : memref<2x768xf32, #tpu.memory_space<vmem>>, vector<16xf32>,
        %parallel_loop3A_475 = arith.constant 32 : i32
        %parallel_loop3A_476 = arith.addi %parallel_loop3A_462, %parallel_loop3A_475 : i32
        %parallel_loop3A_477 = arith.constant 0 : i32
        %parallel_loop3A_478 = arith.index_cast %parallel_loop3A_477 : i32 to index
        %parallel_loop3A_479 = arith.index_cast %parallel_loop3A_476 : i32 to index
        %parallel_loop3A_480 = tpu.vector_load %arg10[%parallel_loop3A_478, %parallel_loop3A_479] {strides = array<i32>} : memref<2x768xf32, #tpu.memory_space<vmem>>, vector<16xf32>,
        %parallel_loop3A_481 = arith.constant 48 : i32
        %parallel_loop3A_482 = arith.addi %parallel_loop3A_462, %parallel_loop3A_481 : i32
        %parallel_loop3A_483 = arith.constant 0 : i32
        %parallel_loop3A_484 = arith.index_cast %parallel_loop3A_483 : i32 to index
        %parallel_loop3A_485 = arith.index_cast %parallel_loop3A_482 : i32 to index
        %parallel_loop3A_486 = tpu.vector_load %arg10[%parallel_loop3A_484, %parallel_loop3A_485] {strides = array<i32>} : memref<2x768xf32, #tpu.memory_space<vmem>>, vector<16xf32>,
        %parallel_loop3A_487 = arith.constant 64 : i32
        %parallel_loop3A_488 = arith.addi %parallel_loop3A_462, %parallel_loop3A_487 : i32
        %parallel_loop3A_489 = arith.constant 0 : i32
        %parallel_loop3A_490 = arith.index_cast %parallel_loop3A_489 : i32 to index
        %parallel_loop3A_491 = arith.index_cast %parallel_loop3A_488 : i32 to index
        %parallel_loop3A_492 = tpu.vector_load %arg10[%parallel_loop3A_490, %parallel_loop3A_491] {strides = array<i32>} : memref<2x768xf32, #tpu.memory_space<vmem>>, vector<16xf32>,
        %parallel_loop3A_493 = arith.constant 80 : i32
        %parallel_loop3A_494 = arith.addi %parallel_loop3A_462, %parallel_loop3A_493 : i32
        %parallel_loop3A_495 = arith.constant 0 : i32
        %parallel_loop3A_496 = arith.index_cast %parallel_loop3A_495 : i32 to index
        %parallel_loop3A_497 = arith.index_cast %parallel_loop3A_494 : i32 to index
        %parallel_loop3A_498 = tpu.vector_load %arg10[%parallel_loop3A_496, %parallel_loop3A_497] {strides = array<i32>} : memref<2x768xf32, #tpu.memory_space<vmem>>, vector<16xf32>,
        %parallel_loop3A_499 = arith.constant 96 : i32
        %parallel_loop3A_500 = arith.addi %parallel_loop3A_462, %parallel_loop3A_499 : i32
        %parallel_loop3A_501 = arith.constant 0 : i32
        %parallel_loop3A_502 = arith.index_cast %parallel_loop3A_501 : i32 to index
        %parallel_loop3A_503 = arith.index_cast %parallel_loop3A_500 : i32 to index
        %parallel_loop3A_504 = tpu.vector_load %arg10[%parallel_loop3A_502, %parallel_loop3A_503] {strides = array<i32>} : memref<2x768xf32, #tpu.memory_space<vmem>>, vector<16xf32>,
        %parallel_loop3A_505 = arith.constant 112 : i32
        %parallel_loop3A_506 = arith.addi %parallel_loop3A_462, %parallel_loop3A_505 : i32
        %parallel_loop3A_507 = arith.constant 0 : i32
        %parallel_loop3A_508 = arith.index_cast %parallel_loop3A_507 : i32 to index
        %parallel_loop3A_509 = arith.index_cast %parallel_loop3A_506 : i32 to index
        %parallel_loop3A_510 = tpu.vector_load %arg10[%parallel_loop3A_508, %parallel_loop3A_509] {strides = array<i32>} : memref<2x768xf32, #tpu.memory_space<vmem>>, vector<16xf32>,
        %parallel_loop3A_511 = arith.constant 0 : i32
        %parallel_loop3A_512 = arith.addi %parallel_loop3A_462, %parallel_loop3A_511 : i32
        %parallel_loop3A_513 = arith.constant 1 : i32
        %parallel_loop3A_514 = arith.index_cast %parallel_loop3A_513 : i32 to index
        %parallel_loop3A_515 = arith.index_cast %parallel_loop3A_512 : i32 to index
        %parallel_loop3A_516 = tpu.vector_load %arg10[%parallel_loop3A_514, %parallel_loop3A_515] {strides = array<i32>} : memref<2x768xf32, #tpu.memory_space<vmem>>, vector<16xf32>,
        %parallel_loop3A_517 = arith.subf %parallel_loop3A_516, %parallel_loop3A_468 : vector<16xf32>
        %parallel_loop3A_518 = arith.constant 16 : i32
        %parallel_loop3A_519 = arith.addi %parallel_loop3A_462, %parallel_loop3A_518 : i32
        %parallel_loop3A_520 = arith.constant 1 : i32
        %parallel_loop3A_521 = arith.index_cast %parallel_loop3A_520 : i32 to index
        %parallel_loop3A_522 = arith.index_cast %parallel_loop3A_519 : i32 to index
        %parallel_loop3A_523 = tpu.vector_load %arg10[%parallel_loop3A_521, %parallel_loop3A_522] {strides = array<i32>} : memref<2x768xf32, #tpu.memory_space<vmem>>, vector<16xf32>,
        %parallel_loop3A_524 = arith.subf %parallel_loop3A_523, %parallel_loop3A_474 : vector<16xf32>
        %parallel_loop3A_525 = arith.constant 32 : i32
        %parallel_loop3A_526 = arith.addi %parallel_loop3A_462, %parallel_loop3A_525 : i32
        %parallel_loop3A_527 = arith.constant 1 : i32
        %parallel_loop3A_528 = arith.index_cast %parallel_loop3A_527 : i32 to index
        %parallel_loop3A_529 = arith.index_cast %parallel_loop3A_526 : i32 to index
        %parallel_loop3A_530 = tpu.vector_load %arg10[%parallel_loop3A_528, %parallel_loop3A_529] {strides = array<i32>} : memref<2x768xf32, #tpu.memory_space<vmem>>, vector<16xf32>,
        %parallel_loop3A_531 = arith.subf %parallel_loop3A_530, %parallel_loop3A_480 : vector<16xf32>
        %parallel_loop3A_532 = arith.constant 48 : i32
        %parallel_loop3A_533 = arith.addi %parallel_loop3A_462, %parallel_loop3A_532 : i32
        %parallel_loop3A_534 = arith.constant 1 : i32
        %parallel_loop3A_535 = arith.index_cast %parallel_loop3A_534 : i32 to index
        %parallel_loop3A_536 = arith.index_cast %parallel_loop3A_533 : i32 to index
        %parallel_loop3A_537 = tpu.vector_load %arg10[%parallel_loop3A_535, %parallel_loop3A_536] {strides = array<i32>} : memref<2x768xf32, #tpu.memory_space<vmem>>, vector<16xf32>,
        %parallel_loop3A_538 = arith.subf %parallel_loop3A_537, %parallel_loop3A_486 : vector<16xf32>
        %parallel_loop3A_539 = arith.constant 64 : i32
        %parallel_loop3A_540 = arith.addi %parallel_loop3A_462, %parallel_loop3A_539 : i32
        %parallel_loop3A_541 = arith.constant 1 : i32
        %parallel_loop3A_542 = arith.index_cast %parallel_loop3A_541 : i32 to index
        %parallel_loop3A_543 = arith.index_cast %parallel_loop3A_540 : i32 to index
        %parallel_loop3A_544 = tpu.vector_load %arg10[%parallel_loop3A_542, %parallel_loop3A_543] {strides = array<i32>} : memref<2x768xf32, #tpu.memory_space<vmem>>, vector<16xf32>,
        %parallel_loop3A_545 = arith.subf %parallel_loop3A_544, %parallel_loop3A_492 : vector<16xf32>
        %parallel_loop3A_546 = arith.constant 80 : i32
        %parallel_loop3A_547 = arith.addi %parallel_loop3A_462, %parallel_loop3A_546 : i32
        %parallel_loop3A_548 = arith.constant 1 : i32
        %parallel_loop3A_549 = arith.index_cast %parallel_loop3A_548 : i32 to index
        %parallel_loop3A_550 = arith.index_cast %parallel_loop3A_547 : i32 to index
        %parallel_loop3A_551 = tpu.vector_load %arg10[%parallel_loop3A_549, %parallel_loop3A_550] {strides = array<i32>} : memref<2x768xf32, #tpu.memory_space<vmem>>, vector<16xf32>,
        %parallel_loop3A_552 = arith.subf %parallel_loop3A_551, %parallel_loop3A_498 : vector<16xf32>
        %parallel_loop3A_553 = arith.constant 96 : i32
        %parallel_loop3A_554 = arith.addi %parallel_loop3A_462, %parallel_loop3A_553 : i32
        %parallel_loop3A_555 = arith.constant 1 : i32
        %parallel_loop3A_556 = arith.index_cast %parallel_loop3A_555 : i32 to index
        %parallel_loop3A_557 = arith.index_cast %parallel_loop3A_554 : i32 to index
        %parallel_loop3A_558 = tpu.vector_load %arg10[%parallel_loop3A_556, %parallel_loop3A_557] {strides = array<i32>} : memref<2x768xf32, #tpu.memory_space<vmem>>, vector<16xf32>,
        %parallel_loop3A_559 = arith.subf %parallel_loop3A_558, %parallel_loop3A_504 : vector<16xf32>
        %parallel_loop3A_560 = arith.constant 112 : i32
        %parallel_loop3A_561 = arith.addi %parallel_loop3A_462, %parallel_loop3A_560 : i32
        %parallel_loop3A_562 = arith.constant 1 : i32
        %parallel_loop3A_563 = arith.index_cast %parallel_loop3A_562 : i32 to index
        %parallel_loop3A_564 = arith.index_cast %parallel_loop3A_561 : i32 to index
        %parallel_loop3A_565 = tpu.vector_load %arg10[%parallel_loop3A_563, %parallel_loop3A_564] {strides = array<i32>} : memref<2x768xf32, #tpu.memory_space<vmem>>, vector<16xf32>,
        %parallel_loop3A_566 = arith.subf %parallel_loop3A_565, %parallel_loop3A_510 : vector<16xf32>
        %parallel_loop3A_567 = arith.constant 0 : i32
        %parallel_loop3A_568 = arith.constant 16 : i32
        %parallel_loop3A_569 = arith.constant 1 : i32
        scf.for %parallel_loop3A_570 = %parallel_loop3A_567 to %parallel_loop3A_568 step %parallel_loop3A_569  : i32 {
          %parallel_loop3A_571 = arith.addi %add3A_322, %parallel_loop3A_570 : i32
          %parallel_loop3A_572 = vector.broadcast %parallel_loop3A_571 : i32 to vector<16xi32>
          %parallel_loop3A_573 = tpu.vector_load_idx %arg8[%parallel_loop3A_572] : memref<2048xi32, #tpu.memory_space<vmem>>[vector<16xi32>], vector<16xi32>,
          %parallel_loop3A_574 = arith.sitofp %parallel_loop3A_573 : vector<16xi32> to vector<16xf32>
          %parallel_loop3A_575 = arith.mulf %parallel_loop3A_574, %parallel_loop3A_517 : vector<16xf32>
          %parallel_loop3A_576 = arith.addf %parallel_loop3A_468, %parallel_loop3A_575 : vector<16xf32>
          %parallel_loop3A_577 = arith.mulf %parallel_loop3A_574, %parallel_loop3A_524 : vector<16xf32>
          %parallel_loop3A_578 = arith.addf %parallel_loop3A_474, %parallel_loop3A_577 : vector<16xf32>
          %parallel_loop3A_579 = arith.mulf %parallel_loop3A_574, %parallel_loop3A_531 : vector<16xf32>
          %parallel_loop3A_580 = arith.addf %parallel_loop3A_480, %parallel_loop3A_579 : vector<16xf32>
          %parallel_loop3A_581 = arith.mulf %parallel_loop3A_574, %parallel_loop3A_538 : vector<16xf32>
          %parallel_loop3A_582 = arith.addf %parallel_loop3A_486, %parallel_loop3A_581 : vector<16xf32>
          %parallel_loop3A_583 = arith.mulf %parallel_loop3A_574, %parallel_loop3A_545 : vector<16xf32>
          %parallel_loop3A_584 = arith.addf %parallel_loop3A_492, %parallel_loop3A_583 : vector<16xf32>
          %parallel_loop3A_585 = arith.mulf %parallel_loop3A_574, %parallel_loop3A_552 : vector<16xf32>
          %parallel_loop3A_586 = arith.addf %parallel_loop3A_498, %parallel_loop3A_585 : vector<16xf32>
          %parallel_loop3A_587 = arith.mulf %parallel_loop3A_574, %parallel_loop3A_559 : vector<16xf32>
          %parallel_loop3A_588 = arith.addf %parallel_loop3A_504, %parallel_loop3A_587 : vector<16xf32>
          %parallel_loop3A_589 = arith.mulf %parallel_loop3A_574, %parallel_loop3A_566 : vector<16xf32>
          %parallel_loop3A_590 = arith.addf %parallel_loop3A_510, %parallel_loop3A_589 : vector<16xf32>
          %parallel_loop3A_591 = arith.constant 0 : i32
          %parallel_loop3A_592 = arith.addi %parallel_loop3A_462, %parallel_loop3A_591 : i32
          %parallel_loop3A_593 = arith.constant 0 : i32
          %parallel_loop3A_594 = arith.addi %parallel_loop3A_462, %parallel_loop3A_593 : i32
          %parallel_loop3A_595 = arith.index_cast %parallel_loop3A_570 : i32 to index
          %parallel_loop3A_596 = arith.index_cast %parallel_loop3A_594 : i32 to index
          %parallel_loop3A_597 = tpu.vector_load %arg9[%parallel_loop3A_595, %parallel_loop3A_596] {strides = array<i32>} : memref<16x768xf32, #tpu.memory_space<vmem>>, vector<16xf32>,
          %parallel_loop3A_598 = arith.addf %parallel_loop3A_597, %parallel_loop3A_576 : vector<16xf32>
          %parallel_loop3A_599 = arith.constant 0 : i32
          %parallel_loop3A_600 = arith.addi %parallel_loop3A_599, %parallel_loop3A_570 : i32
          %parallel_loop3A_601 = arith.index_cast %parallel_loop3A_600 : i32 to index
          %parallel_loop3A_602 = arith.index_cast %parallel_loop3A_592 : i32 to index
          %parallel_loop3A_603 = tpu.vector_load %arg15[%parallel_loop3A_601, %parallel_loop3A_602] {strides = array<i32>} : memref<16x768xf32, #tpu.memory_space<vmem>>, vector<16xf32>,
          tpu.vector_store %arg15[%parallel_loop3A_601, %parallel_loop3A_602], %parallel_loop3A_598 {add = true, strides = array<i32>} : memref<16x768xf32, #tpu.memory_space<vmem>>, vector<16xf32>,
          %parallel_loop3A_604 = arith.constant 16 : i32
          %parallel_loop3A_605 = arith.addi %parallel_loop3A_462, %parallel_loop3A_604 : i32
          %parallel_loop3A_606 = arith.constant 16 : i32
          %parallel_loop3A_607 = arith.addi %parallel_loop3A_462, %parallel_loop3A_606 : i32
          %parallel_loop3A_608 = arith.index_cast %parallel_loop3A_570 : i32 to index
          %parallel_loop3A_609 = arith.index_cast %parallel_loop3A_607 : i32 to index
          %parallel_loop3A_610 = tpu.vector_load %arg9[%parallel_loop3A_608, %parallel_loop3A_609] {strides = array<i32>} : memref<16x768xf32, #tpu.memory_space<vmem>>, vector<16xf32>,
          %parallel_loop3A_611 = arith.addf %parallel_loop3A_610, %parallel_loop3A_578 : vector<16xf32>
          %parallel_loop3A_612 = arith.constant 0 : i32
          %parallel_loop3A_613 = arith.addi %parallel_loop3A_612, %parallel_loop3A_570 : i32
          %parallel_loop3A_614 = arith.index_cast %parallel_loop3A_613 : i32 to index
          %parallel_loop3A_615 = arith.index_cast %parallel_loop3A_605 : i32 to index
          %parallel_loop3A_616 = tpu.vector_load %arg15[%parallel_loop3A_614, %parallel_loop3A_615] {strides = array<i32>} : memref<16x768xf32, #tpu.memory_space<vmem>>, vector<16xf32>,
          tpu.vector_store %arg15[%parallel_loop3A_614, %parallel_loop3A_615], %parallel_loop3A_611 {add = true, strides = array<i32>} : memref<16x768xf32, #tpu.memory_space<vmem>>, vector<16xf32>,
          %parallel_loop3A_617 = arith.constant 32 : i32
          %parallel_loop3A_618 = arith.addi %parallel_loop3A_462, %parallel_loop3A_617 : i32
          %parallel_loop3A_619 = arith.constant 32 : i32
          %parallel_loop3A_620 = arith.addi %parallel_loop3A_462, %parallel_loop3A_619 : i32
          %parallel_loop3A_621 = arith.index_cast %parallel_loop3A_570 : i32 to index
          %parallel_loop3A_622 = arith.index_cast %parallel_loop3A_620 : i32 to index
          %parallel_loop3A_623 = tpu.vector_load %arg9[%parallel_loop3A_621, %parallel_loop3A_622] {strides = array<i32>} : memref<16x768xf32, #tpu.memory_space<vmem>>, vector<16xf32>,
          %parallel_loop3A_624 = arith.addf %parallel_loop3A_623, %parallel_loop3A_580 : vector<16xf32>
          %parallel_loop3A_625 = arith.constant 0 : i32
          %parallel_loop3A_626 = arith.addi %parallel_loop3A_625, %parallel_loop3A_570 : i32
          %parallel_loop3A_627 = arith.index_cast %parallel_loop3A_626 : i32 to index
          %parallel_loop3A_628 = arith.index_cast %parallel_loop3A_618 : i32 to index
          %parallel_loop3A_629 = tpu.vector_load %arg15[%parallel_loop3A_627, %parallel_loop3A_628] {strides = array<i32>} : memref<16x768xf32, #tpu.memory_space<vmem>>, vector<16xf32>,
          tpu.vector_store %arg15[%parallel_loop3A_627, %parallel_loop3A_628], %parallel_loop3A_624 {add = true, strides = array<i32>} : memref<16x768xf32, #tpu.memory_space<vmem>>, vector<16xf32>,
          %parallel_loop3A_630 = arith.constant 48 : i32
          %parallel_loop3A_631 = arith.addi %parallel_loop3A_462, %parallel_loop3A_630 : i32
          %parallel_loop3A_632 = arith.constant 48 : i32
          %parallel_loop3A_633 = arith.addi %parallel_loop3A_462, %parallel_loop3A_632 : i32
          %parallel_loop3A_634 = arith.index_cast %parallel_loop3A_570 : i32 to index
          %parallel_loop3A_635 = arith.index_cast %parallel_loop3A_633 : i32 to index
          %parallel_loop3A_636 = tpu.vector_load %arg9[%parallel_loop3A_634, %parallel_loop3A_635] {strides = array<i32>} : memref<16x768xf32, #tpu.memory_space<vmem>>, vector<16xf32>,
          %parallel_loop3A_637 = arith.addf %parallel_loop3A_636, %parallel_loop3A_582 : vector<16xf32>
          %parallel_loop3A_638 = arith.constant 0 : i32
          %parallel_loop3A_639 = arith.addi %parallel_loop3A_638, %parallel_loop3A_570 : i32
          %parallel_loop3A_640 = arith.index_cast %parallel_loop3A_639 : i32 to index
          %parallel_loop3A_641 = arith.index_cast %parallel_loop3A_631 : i32 to index
          %parallel_loop3A_642 = tpu.vector_load %arg15[%parallel_loop3A_640, %parallel_loop3A_641] {strides = array<i32>} : memref<16x768xf32, #tpu.memory_space<vmem>>, vector<16xf32>,
          tpu.vector_store %arg15[%parallel_loop3A_640, %parallel_loop3A_641], %parallel_loop3A_637 {add = true, strides = array<i32>} : memref<16x768xf32, #tpu.memory_space<vmem>>, vector<16xf32>,
          %parallel_loop3A_643 = arith.constant 64 : i32
          %parallel_loop3A_644 = arith.addi %parallel_loop3A_462, %parallel_loop3A_643 : i32
          %parallel_loop3A_645 = arith.constant 64 : i32
          %parallel_loop3A_646 = arith.addi %parallel_loop3A_462, %parallel_loop3A_645 : i32
          %parallel_loop3A_647 = arith.index_cast %parallel_loop3A_570 : i32 to index
          %parallel_loop3A_648 = arith.index_cast %parallel_loop3A_646 : i32 to index
          %parallel_loop3A_649 = tpu.vector_load %arg9[%parallel_loop3A_647, %parallel_loop3A_648] {strides = array<i32>} : memref<16x768xf32, #tpu.memory_space<vmem>>, vector<16xf32>,
          %parallel_loop3A_650 = arith.addf %parallel_loop3A_649, %parallel_loop3A_584 : vector<16xf32>
          %parallel_loop3A_651 = arith.constant 0 : i32
          %parallel_loop3A_652 = arith.addi %parallel_loop3A_651, %parallel_loop3A_570 : i32
          %parallel_loop3A_653 = arith.index_cast %parallel_loop3A_652 : i32 to index
          %parallel_loop3A_654 = arith.index_cast %parallel_loop3A_644 : i32 to index
          %parallel_loop3A_655 = tpu.vector_load %arg15[%parallel_loop3A_653, %parallel_loop3A_654] {strides = array<i32>} : memref<16x768xf32, #tpu.memory_space<vmem>>, vector<16xf32>,
          tpu.vector_store %arg15[%parallel_loop3A_653, %parallel_loop3A_654], %parallel_loop3A_650 {add = true, strides = array<i32>} : memref<16x768xf32, #tpu.memory_space<vmem>>, vector<16xf32>,
          %parallel_loop3A_656 = arith.constant 80 : i32
          %parallel_loop3A_657 = arith.addi %parallel_loop3A_462, %parallel_loop3A_656 : i32
          %parallel_loop3A_658 = arith.constant 80 : i32
          %parallel_loop3A_659 = arith.addi %parallel_loop3A_462, %parallel_loop3A_658 : i32
          %parallel_loop3A_660 = arith.index_cast %parallel_loop3A_570 : i32 to index
          %parallel_loop3A_661 = arith.index_cast %parallel_loop3A_659 : i32 to index
          %parallel_loop3A_662 = tpu.vector_load %arg9[%parallel_loop3A_660, %parallel_loop3A_661] {strides = array<i32>} : memref<16x768xf32, #tpu.memory_space<vmem>>, vector<16xf32>,
          %parallel_loop3A_663 = arith.addf %parallel_loop3A_662, %parallel_loop3A_586 : vector<16xf32>
          %parallel_loop3A_664 = arith.constant 0 : i32
          %parallel_loop3A_665 = arith.addi %parallel_loop3A_664, %parallel_loop3A_570 : i32
          %parallel_loop3A_666 = arith.index_cast %parallel_loop3A_665 : i32 to index
          %parallel_loop3A_667 = arith.index_cast %parallel_loop3A_657 : i32 to index
          %parallel_loop3A_668 = tpu.vector_load %arg15[%parallel_loop3A_666, %parallel_loop3A_667] {strides = array<i32>} : memref<16x768xf32, #tpu.memory_space<vmem>>, vector<16xf32>,
          tpu.vector_store %arg15[%parallel_loop3A_666, %parallel_loop3A_667], %parallel_loop3A_663 {add = true, strides = array<i32>} : memref<16x768xf32, #tpu.memory_space<vmem>>, vector<16xf32>,
          %parallel_loop3A_669 = arith.constant 96 : i32
          %parallel_loop3A_670 = arith.addi %parallel_loop3A_462, %parallel_loop3A_669 : i32
          %parallel_loop3A_671 = arith.constant 96 : i32
          %parallel_loop3A_672 = arith.addi %parallel_loop3A_462, %parallel_loop3A_671 : i32
          %parallel_loop3A_673 = arith.index_cast %parallel_loop3A_570 : i32 to index
          %parallel_loop3A_674 = arith.index_cast %parallel_loop3A_672 : i32 to index
          %parallel_loop3A_675 = tpu.vector_load %arg9[%parallel_loop3A_673, %parallel_loop3A_674] {strides = array<i32>} : memref<16x768xf32, #tpu.memory_space<vmem>>, vector<16xf32>,
          %parallel_loop3A_676 = arith.addf %parallel_loop3A_675, %parallel_loop3A_588 : vector<16xf32>
          %parallel_loop3A_677 = arith.constant 0 : i32
          %parallel_loop3A_678 = arith.addi %parallel_loop3A_677, %parallel_loop3A_570 : i32
          %parallel_loop3A_679 = arith.index_cast %parallel_loop3A_678 : i32 to index
          %parallel_loop3A_680 = arith.index_cast %parallel_loop3A_670 : i32 to index
          %parallel_loop3A_681 = tpu.vector_load %arg15[%parallel_loop3A_679, %parallel_loop3A_680] {strides = array<i32>} : memref<16x768xf32, #tpu.memory_space<vmem>>, vector<16xf32>,
          tpu.vector_store %arg15[%parallel_loop3A_679, %parallel_loop3A_680], %parallel_loop3A_676 {add = true, strides = array<i32>} : memref<16x768xf32, #tpu.memory_space<vmem>>, vector<16xf32>,
          %parallel_loop3A_682 = arith.constant 112 : i32
          %parallel_loop3A_683 = arith.addi %parallel_loop3A_462, %parallel_loop3A_682 : i32
          %parallel_loop3A_684 = arith.constant 112 : i32
          %parallel_loop3A_685 = arith.addi %parallel_loop3A_462, %parallel_loop3A_684 : i32
          %parallel_loop3A_686 = arith.index_cast %parallel_loop3A_570 : i32 to index
          %parallel_loop3A_687 = arith.index_cast %parallel_loop3A_685 : i32 to index
          %parallel_loop3A_688 = tpu.vector_load %arg9[%parallel_loop3A_686, %parallel_loop3A_687] {strides = array<i32>} : memref<16x768xf32, #tpu.memory_space<vmem>>, vector<16xf32>,
          %parallel_loop3A_689 = arith.addf %parallel_loop3A_688, %parallel_loop3A_590 : vector<16xf32>
          %parallel_loop3A_690 = arith.constant 0 : i32
          %parallel_loop3A_691 = arith.addi %parallel_loop3A_690, %parallel_loop3A_570 : i32
          %parallel_loop3A_692 = arith.index_cast %parallel_loop3A_691 : i32 to index
          %parallel_loop3A_693 = arith.index_cast %parallel_loop3A_683 : i32 to index
          %parallel_loop3A_694 = tpu.vector_load %arg15[%parallel_loop3A_692, %parallel_loop3A_693] {strides = array<i32>} : memref<16x768xf32, #tpu.memory_space<vmem>>, vector<16xf32>,
          tpu.vector_store %arg15[%parallel_loop3A_692, %parallel_loop3A_693], %parallel_loop3A_689 {add = true, strides = array<i32>} : memref<16x768xf32, #tpu.memory_space<vmem>>, vector<16xf32>,
        } {sc.loop_unroll_factor = 1 : i64, sc.parallel_access}
      } {sc.loop_unroll_factor = 1 : i64, sc.parallel_access}
      %mul3A_326 = arith.constant 1 : i32
      %mul3A_327 = arith.muli %add3A_305, %mul3A_326 : i32
      %add3A_328 = arith.constant 0 : i32
      %add3A_329 = arith.addi %mul3A_327, %add3A_328 : i32
      %dma_start3A_330 = arith.constant 0 : i32
      %dma_start3A_331 = arith.constant 0 : i32
      %dma_start3A_332 = tpu.memref_slice %arg15[%dma_start3A_330, %dma_start3A_331] : memref<16x768xf32, #tpu.memory_space<vmem>> -> memref<16x768xf32, #tpu.memory_space<vmem>>
      %dma_start3A_333 = arith.constant 0 : i32
      %dma_start3A_334 = tpu.memref_slice %arg6[%add3A_329, %mul3A_2, %dma_start3A_333] : memref<128x512x768xf32, #tpu.memory_space<hbm>> -> memref<1x16x768xf32, #tpu.memory_space<hbm>>
      %dma_start3A_335 = tpu.memref_squeeze %dma_start3A_334 : memref<1x16x768xf32, #tpu.memory_space<hbm>> -> memref<16x768xf32, #tpu.memory_space<hbm>>
      %dma_start3A_336 = arith.constant 0 : i32
      %dma_start3A_337 = tpu.memref_slice %arg6[%add3A_329, %mul3A_2, %dma_start3A_336] : memref<128x512x768xf32, #tpu.memory_space<hbm>> -> memref<1x16x768xf32, #tpu.memory_space<hbm>>
      %dma_start3A_338 = tpu.memref_squeeze %dma_start3A_337 : memref<1x16x768xf32, #tpu.memory_space<hbm>> -> memref<16x768xf32, #tpu.memory_space<hbm>>
      %dma_start3A_339 = arith.constant 0 : i32
      %dma_start3A_340 = arith.constant 0 : i32
      %dma_start3A_341 = tpu.memref_slice %arg15[%dma_start3A_339, %dma_start3A_340] : memref<16x768xf32, #tpu.memory_space<vmem>> -> memref<16x768xf32, #tpu.memory_space<vmem>>
      tpu.enqueue_dma source(%dma_start3A_341 : memref<16x768xf32, #tpu.memory_space<vmem>>) target(%dma_start3A_338 : memref<16x768xf32, #tpu.memory_space<hbm>>) target_semaphore(%arg31 : memref<!tpu.dma_semaphore, #tpu.memory_space<semaphore_mem>>)
      %mul3A_342 = arith.constant 8 : i32
      %mul3A_343 = arith.muli %scan3A_145, %mul3A_342 : i32
      %add3A_344 = arith.constant 5 : i32
      %add3A_345 = arith.addi %mul3A_343, %add3A_344 : i32
      %add3A_346 = arith.constant 5 : i32
      %add3A_347 = arith.addi %add3A_345, %add3A_346 : i32
      %lt3A_348 = arith.constant 128 : i32
      %lt3A_349 = arith.cmpi slt, %add3A_347, %lt3A_348 : i32
      %convert_element_type3A_350 = arith.extui %lt3A_349 : i1 to i32
      %cond3A_351 = arith.constant 0 : i32
      %cond3A_352 = arith.cmpi ne, %convert_element_type3A_350, %cond3A_351 : i32
      scf.if %cond3A_352 {
        %ge3A = arith.constant 8 : i32
        %ge3A_462 = arith.cmpi sge, %add3A_347, %ge3A : i32
        %convert_element_type3A_463 = arith.extui %ge3A_462 : i1 to i32
        %cond3A_464 = arith.constant 0 : i32
        %cond3A_465 = arith.cmpi ne, %convert_element_type3A_463, %cond3A_464 : i32
        scf.if %cond3A_465 {
          %sub3A = arith.constant 8 : i32
          %sub3A_472 = arith.subi %add3A_347, %sub3A : i32
          %mul3A_473 = arith.constant 1 : i32
          %mul3A_474 = arith.muli %sub3A_472, %mul3A_473 : i32
          %add3A_475 = arith.constant 0 : i32
          %add3A_476 = arith.addi %mul3A_474, %add3A_475 : i32
          %dma_wait3A_477 = arith.constant 0 : i32
          %dma_wait3A_478 = arith.constant 0 : i32
          %dma_wait3A_479 = tpu.memref_slice %arg13[%dma_wait3A_477, %dma_wait3A_478] : memref<16x768xf32, #tpu.memory_space<vmem>> -> memref<16x768xf32, #tpu.memory_space<vmem>>
          %dma_wait3A_480 = arith.constant 0 : i32
          %dma_wait3A_481 = tpu.memref_slice %arg6[%add3A_476, %mul3A_2, %dma_wait3A_480] : memref<128x512x768xf32, #tpu.memory_space<hbm>> -> memref<1x16x768xf32, #tpu.memory_space<hbm>>
          %dma_wait3A_482 = tpu.memref_squeeze %dma_wait3A_481 : memref<1x16x768xf32, #tpu.memory_space<hbm>> -> memref<16x768xf32, #tpu.memory_space<hbm>>
          %dma_wait3A_483 = arith.constant 0 : i32
          %dma_wait3A_484 = tpu.memref_slice %arg6[%add3A_476, %mul3A_2, %dma_wait3A_483] : memref<128x512x768xf32, #tpu.memory_space<hbm>> -> memref<1x16x768xf32, #tpu.memory_space<hbm>>
          %dma_wait3A_485 = tpu.memref_squeeze %dma_wait3A_484 : memref<1x16x768xf32, #tpu.memory_space<hbm>> -> memref<16x768xf32, #tpu.memory_space<hbm>>
          %dma_wait3A_486 = arith.constant 0 : i32
          %dma_wait3A_487 = arith.constant 0 : i32
          %dma_wait3A_488 = tpu.memref_slice %arg13[%dma_wait3A_486, %dma_wait3A_487] : memref<16x768xf32, #tpu.memory_space<vmem>> -> memref<16x768xf32, #tpu.memory_space<vmem>>
          tpu.wait_dma2 semaphore(%arg29 : memref<!tpu.dma_semaphore, #tpu.memory_space<semaphore_mem>>) src(%dma_wait3A_488 : memref<16x768xf32, #tpu.memory_space<vmem>>) dst(%dma_wait3A_485 : memref<16x768xf32, #tpu.memory_space<hbm>>)
        } else {
        }
        %mul3A_466 = arith.constant 16 : i32
        %mul3A_467 = arith.muli %add3A_347, %mul3A_466 : i32
        %dma_start3A_468 = tpu.memref_slice %arg7[%mul3A_467] : memref<2048xi32, #tpu.memory_space<vmem>> -> memref<16xi32, #tpu.memory_space<vmem>>
        %dma_start3A_469 = arith.constant 0 : i32
        %dma_start3A_470 = arith.constant 0 : i32
        %dma_start3A_471 = tpu.memref_slice %arg3[%dma_start3A_469, %dma_start3A_470] : memref<28996x768xf32, #tpu.memory_space<hbm>> -> memref<28996x768xf32, #tpu.memory_space<hbm>>
        tpu.enqueue_indirect_dma source(%dma_start3A_471 : memref<28996x768xf32, #tpu.memory_space<hbm>>) target(%arg13 : memref<16x768xf32, #tpu.memory_space<vmem>>) offsets(%dma_start3A_468 : memref<16xi32, #tpu.memory_space<vmem>>) semaphore(%arg21 : memref<!tpu.dma_semaphore, #tpu.memory_space<semaphore_mem>>)
      } else {
      }
      %mul3A_353 = arith.constant 16 : i32
      %mul3A_354 = arith.muli %add3A_345, %mul3A_353 : i32
      %dma_wait3A_355 = tpu.memref_slice %arg7[%mul3A_354] : memref<2048xi32, #tpu.memory_space<vmem>> -> memref<16xi32, #tpu.memory_space<vmem>>
      %dma_wait3A_356 = arith.constant 0 : i32
      %dma_wait3A_357 = arith.constant 0 : i32
      %dma_wait3A_358 = tpu.memref_slice %arg3[%dma_wait3A_356, %dma_wait3A_357] : memref<28996x768xf32, #tpu.memory_space<hbm>> -> memref<28996x768xf32, #tpu.memory_space<hbm>>
      tpu.wait_indirect_dma semaphore(%arg24 : memref<!tpu.dma_semaphore, #tpu.memory_space<semaphore_mem>>) src(%dma_wait3A_358 : memref<28996x768xf32, #tpu.memory_space<hbm>>) dst(%arg16 : memref<16x768xf32, #tpu.memory_space<vmem>>)
      %mul3A_359 = arith.constant 16 : i32
      %mul3A_360 = arith.muli %add3A_345, %mul3A_359 : i32
      %add3A_361 = arith.constant 0 : i32
      %add3A_362 = arith.addi %mul3A_360, %add3A_361 : i32
      %parallel_loop3A_363 = arith.constant 0 : i32
      %parallel_loop3A_364 = arith.constant 768 : i32
      %parallel_loop3A_365 = arith.constant 128 : i32
      scf.for %parallel_loop3A_462 = %parallel_loop3A_363 to %parallel_loop3A_364 step %parallel_loop3A_365  : i32 {
        %parallel_loop3A_463 = arith.constant 0 : i32
        %parallel_loop3A_464 = arith.addi %parallel_loop3A_462, %parallel_loop3A_463 : i32
        %parallel_loop3A_465 = arith.constant 0 : i32
        %parallel_loop3A_466 = arith.index_cast %parallel_loop3A_465 : i32 to index
        %parallel_loop3A_467 = arith.index_cast %parallel_loop3A_464 : i32 to index
        %parallel_loop3A_468 = tpu.vector_load %arg10[%parallel_loop3A_466, %parallel_loop3A_467] {strides = array<i32>} : memref<2x768xf32, #tpu.memory_space<vmem>>, vector<16xf32>,
        %parallel_loop3A_469 = arith.constant 16 : i32
        %parallel_loop3A_470 = arith.addi %parallel_loop3A_462, %parallel_loop3A_469 : i32
        %parallel_loop3A_471 = arith.constant 0 : i32
        %parallel_loop3A_472 = arith.index_cast %parallel_loop3A_471 : i32 to index
        %parallel_loop3A_473 = arith.index_cast %parallel_loop3A_470 : i32 to index
        %parallel_loop3A_474 = tpu.vector_load %arg10[%parallel_loop3A_472, %parallel_loop3A_473] {strides = array<i32>} : memref<2x768xf32, #tpu.memory_space<vmem>>, vector<16xf32>,
        %parallel_loop3A_475 = arith.constant 32 : i32
        %parallel_loop3A_476 = arith.addi %parallel_loop3A_462, %parallel_loop3A_475 : i32
        %parallel_loop3A_477 = arith.constant 0 : i32
        %parallel_loop3A_478 = arith.index_cast %parallel_loop3A_477 : i32 to index
        %parallel_loop3A_479 = arith.index_cast %parallel_loop3A_476 : i32 to index
        %parallel_loop3A_480 = tpu.vector_load %arg10[%parallel_loop3A_478, %parallel_loop3A_479] {strides = array<i32>} : memref<2x768xf32, #tpu.memory_space<vmem>>, vector<16xf32>,
        %parallel_loop3A_481 = arith.constant 48 : i32
        %parallel_loop3A_482 = arith.addi %parallel_loop3A_462, %parallel_loop3A_481 : i32
        %parallel_loop3A_483 = arith.constant 0 : i32
        %parallel_loop3A_484 = arith.index_cast %parallel_loop3A_483 : i32 to index
        %parallel_loop3A_485 = arith.index_cast %parallel_loop3A_482 : i32 to index
        %parallel_loop3A_486 = tpu.vector_load %arg10[%parallel_loop3A_484, %parallel_loop3A_485] {strides = array<i32>} : memref<2x768xf32, #tpu.memory_space<vmem>>, vector<16xf32>,
        %parallel_loop3A_487 = arith.constant 64 : i32
        %parallel_loop3A_488 = arith.addi %parallel_loop3A_462, %parallel_loop3A_487 : i32
        %parallel_loop3A_489 = arith.constant 0 : i32
        %parallel_loop3A_490 = arith.index_cast %parallel_loop3A_489 : i32 to index
        %parallel_loop3A_491 = arith.index_cast %parallel_loop3A_488 : i32 to index
        %parallel_loop3A_492 = tpu.vector_load %arg10[%parallel_loop3A_490, %parallel_loop3A_491] {strides = array<i32>} : memref<2x768xf32, #tpu.memory_space<vmem>>, vector<16xf32>,
        %parallel_loop3A_493 = arith.constant 80 : i32
        %parallel_loop3A_494 = arith.addi %parallel_loop3A_462, %parallel_loop3A_493 : i32
        %parallel_loop3A_495 = arith.constant 0 : i32
        %parallel_loop3A_496 = arith.index_cast %parallel_loop3A_495 : i32 to index
        %parallel_loop3A_497 = arith.index_cast %parallel_loop3A_494 : i32 to index
        %parallel_loop3A_498 = tpu.vector_load %arg10[%parallel_loop3A_496, %parallel_loop3A_497] {strides = array<i32>} : memref<2x768xf32, #tpu.memory_space<vmem>>, vector<16xf32>,
        %parallel_loop3A_499 = arith.constant 96 : i32
        %parallel_loop3A_500 = arith.addi %parallel_loop3A_462, %parallel_loop3A_499 : i32
        %parallel_loop3A_501 = arith.constant 0 : i32
        %parallel_loop3A_502 = arith.index_cast %parallel_loop3A_501 : i32 to index
        %parallel_loop3A_503 = arith.index_cast %parallel_loop3A_500 : i32 to index
        %parallel_loop3A_504 = tpu.vector_load %arg10[%parallel_loop3A_502, %parallel_loop3A_503] {strides = array<i32>} : memref<2x768xf32, #tpu.memory_space<vmem>>, vector<16xf32>,
        %parallel_loop3A_505 = arith.constant 112 : i32
        %parallel_loop3A_506 = arith.addi %parallel_loop3A_462, %parallel_loop3A_505 : i32
        %parallel_loop3A_507 = arith.constant 0 : i32
        %parallel_loop3A_508 = arith.index_cast %parallel_loop3A_507 : i32 to index
        %parallel_loop3A_509 = arith.index_cast %parallel_loop3A_506 : i32 to index
        %parallel_loop3A_510 = tpu.vector_load %arg10[%parallel_loop3A_508, %parallel_loop3A_509] {strides = array<i32>} : memref<2x768xf32, #tpu.memory_space<vmem>>, vector<16xf32>,
        %parallel_loop3A_511 = arith.constant 0 : i32
        %parallel_loop3A_512 = arith.addi %parallel_loop3A_462, %parallel_loop3A_511 : i32
        %parallel_loop3A_513 = arith.constant 1 : i32
        %parallel_loop3A_514 = arith.index_cast %parallel_loop3A_513 : i32 to index
        %parallel_loop3A_515 = arith.index_cast %parallel_loop3A_512 : i32 to index
        %parallel_loop3A_516 = tpu.vector_load %arg10[%parallel_loop3A_514, %parallel_loop3A_515] {strides = array<i32>} : memref<2x768xf32, #tpu.memory_space<vmem>>, vector<16xf32>,
        %parallel_loop3A_517 = arith.subf %parallel_loop3A_516, %parallel_loop3A_468 : vector<16xf32>
        %parallel_loop3A_518 = arith.constant 16 : i32
        %parallel_loop3A_519 = arith.addi %parallel_loop3A_462, %parallel_loop3A_518 : i32
        %parallel_loop3A_520 = arith.constant 1 : i32
        %parallel_loop3A_521 = arith.index_cast %parallel_loop3A_520 : i32 to index
        %parallel_loop3A_522 = arith.index_cast %parallel_loop3A_519 : i32 to index
        %parallel_loop3A_523 = tpu.vector_load %arg10[%parallel_loop3A_521, %parallel_loop3A_522] {strides = array<i32>} : memref<2x768xf32, #tpu.memory_space<vmem>>, vector<16xf32>,
        %parallel_loop3A_524 = arith.subf %parallel_loop3A_523, %parallel_loop3A_474 : vector<16xf32>
        %parallel_loop3A_525 = arith.constant 32 : i32
        %parallel_loop3A_526 = arith.addi %parallel_loop3A_462, %parallel_loop3A_525 : i32
        %parallel_loop3A_527 = arith.constant 1 : i32
        %parallel_loop3A_528 = arith.index_cast %parallel_loop3A_527 : i32 to index
        %parallel_loop3A_529 = arith.index_cast %parallel_loop3A_526 : i32 to index
        %parallel_loop3A_530 = tpu.vector_load %arg10[%parallel_loop3A_528, %parallel_loop3A_529] {strides = array<i32>} : memref<2x768xf32, #tpu.memory_space<vmem>>, vector<16xf32>,
        %parallel_loop3A_531 = arith.subf %parallel_loop3A_530, %parallel_loop3A_480 : vector<16xf32>
        %parallel_loop3A_532 = arith.constant 48 : i32
        %parallel_loop3A_533 = arith.addi %parallel_loop3A_462, %parallel_loop3A_532 : i32
        %parallel_loop3A_534 = arith.constant 1 : i32
        %parallel_loop3A_535 = arith.index_cast %parallel_loop3A_534 : i32 to index
        %parallel_loop3A_536 = arith.index_cast %parallel_loop3A_533 : i32 to index
        %parallel_loop3A_537 = tpu.vector_load %arg10[%parallel_loop3A_535, %parallel_loop3A_536] {strides = array<i32>} : memref<2x768xf32, #tpu.memory_space<vmem>>, vector<16xf32>,
        %parallel_loop3A_538 = arith.subf %parallel_loop3A_537, %parallel_loop3A_486 : vector<16xf32>
        %parallel_loop3A_539 = arith.constant 64 : i32
        %parallel_loop3A_540 = arith.addi %parallel_loop3A_462, %parallel_loop3A_539 : i32
        %parallel_loop3A_541 = arith.constant 1 : i32
        %parallel_loop3A_542 = arith.index_cast %parallel_loop3A_541 : i32 to index
        %parallel_loop3A_543 = arith.index_cast %parallel_loop3A_540 : i32 to index
        %parallel_loop3A_544 = tpu.vector_load %arg10[%parallel_loop3A_542, %parallel_loop3A_543] {strides = array<i32>} : memref<2x768xf32, #tpu.memory_space<vmem>>, vector<16xf32>,
        %parallel_loop3A_545 = arith.subf %parallel_loop3A_544, %parallel_loop3A_492 : vector<16xf32>
        %parallel_loop3A_546 = arith.constant 80 : i32
        %parallel_loop3A_547 = arith.addi %parallel_loop3A_462, %parallel_loop3A_546 : i32
        %parallel_loop3A_548 = arith.constant 1 : i32
        %parallel_loop3A_549 = arith.index_cast %parallel_loop3A_548 : i32 to index
        %parallel_loop3A_550 = arith.index_cast %parallel_loop3A_547 : i32 to index
        %parallel_loop3A_551 = tpu.vector_load %arg10[%parallel_loop3A_549, %parallel_loop3A_550] {strides = array<i32>} : memref<2x768xf32, #tpu.memory_space<vmem>>, vector<16xf32>,
        %parallel_loop3A_552 = arith.subf %parallel_loop3A_551, %parallel_loop3A_498 : vector<16xf32>
        %parallel_loop3A_553 = arith.constant 96 : i32
        %parallel_loop3A_554 = arith.addi %parallel_loop3A_462, %parallel_loop3A_553 : i32
        %parallel_loop3A_555 = arith.constant 1 : i32
        %parallel_loop3A_556 = arith.index_cast %parallel_loop3A_555 : i32 to index
        %parallel_loop3A_557 = arith.index_cast %parallel_loop3A_554 : i32 to index
        %parallel_loop3A_558 = tpu.vector_load %arg10[%parallel_loop3A_556, %parallel_loop3A_557] {strides = array<i32>} : memref<2x768xf32, #tpu.memory_space<vmem>>, vector<16xf32>,
        %parallel_loop3A_559 = arith.subf %parallel_loop3A_558, %parallel_loop3A_504 : vector<16xf32>
        %parallel_loop3A_560 = arith.constant 112 : i32
        %parallel_loop3A_561 = arith.addi %parallel_loop3A_462, %parallel_loop3A_560 : i32
        %parallel_loop3A_562 = arith.constant 1 : i32
        %parallel_loop3A_563 = arith.index_cast %parallel_loop3A_562 : i32 to index
        %parallel_loop3A_564 = arith.index_cast %parallel_loop3A_561 : i32 to index
        %parallel_loop3A_565 = tpu.vector_load %arg10[%parallel_loop3A_563, %parallel_loop3A_564] {strides = array<i32>} : memref<2x768xf32, #tpu.memory_space<vmem>>, vector<16xf32>,
        %parallel_loop3A_566 = arith.subf %parallel_loop3A_565, %parallel_loop3A_510 : vector<16xf32>
        %parallel_loop3A_567 = arith.constant 0 : i32
        %parallel_loop3A_568 = arith.constant 16 : i32
        %parallel_loop3A_569 = arith.constant 1 : i32
        scf.for %parallel_loop3A_570 = %parallel_loop3A_567 to %parallel_loop3A_568 step %parallel_loop3A_569  : i32 {
          %parallel_loop3A_571 = arith.addi %add3A_362, %parallel_loop3A_570 : i32
          %parallel_loop3A_572 = vector.broadcast %parallel_loop3A_571 : i32 to vector<16xi32>
          %parallel_loop3A_573 = tpu.vector_load_idx %arg8[%parallel_loop3A_572] : memref<2048xi32, #tpu.memory_space<vmem>>[vector<16xi32>], vector<16xi32>,
          %parallel_loop3A_574 = arith.sitofp %parallel_loop3A_573 : vector<16xi32> to vector<16xf32>
          %parallel_loop3A_575 = arith.mulf %parallel_loop3A_574, %parallel_loop3A_517 : vector<16xf32>
          %parallel_loop3A_576 = arith.addf %parallel_loop3A_468, %parallel_loop3A_575 : vector<16xf32>
          %parallel_loop3A_577 = arith.mulf %parallel_loop3A_574, %parallel_loop3A_524 : vector<16xf32>
          %parallel_loop3A_578 = arith.addf %parallel_loop3A_474, %parallel_loop3A_577 : vector<16xf32>
          %parallel_loop3A_579 = arith.mulf %parallel_loop3A_574, %parallel_loop3A_531 : vector<16xf32>
          %parallel_loop3A_580 = arith.addf %parallel_loop3A_480, %parallel_loop3A_579 : vector<16xf32>
          %parallel_loop3A_581 = arith.mulf %parallel_loop3A_574, %parallel_loop3A_538 : vector<16xf32>
          %parallel_loop3A_582 = arith.addf %parallel_loop3A_486, %parallel_loop3A_581 : vector<16xf32>
          %parallel_loop3A_583 = arith.mulf %parallel_loop3A_574, %parallel_loop3A_545 : vector<16xf32>
          %parallel_loop3A_584 = arith.addf %parallel_loop3A_492, %parallel_loop3A_583 : vector<16xf32>
          %parallel_loop3A_585 = arith.mulf %parallel_loop3A_574, %parallel_loop3A_552 : vector<16xf32>
          %parallel_loop3A_586 = arith.addf %parallel_loop3A_498, %parallel_loop3A_585 : vector<16xf32>
          %parallel_loop3A_587 = arith.mulf %parallel_loop3A_574, %parallel_loop3A_559 : vector<16xf32>
          %parallel_loop3A_588 = arith.addf %parallel_loop3A_504, %parallel_loop3A_587 : vector<16xf32>
          %parallel_loop3A_589 = arith.mulf %parallel_loop3A_574, %parallel_loop3A_566 : vector<16xf32>
          %parallel_loop3A_590 = arith.addf %parallel_loop3A_510, %parallel_loop3A_589 : vector<16xf32>
          %parallel_loop3A_591 = arith.constant 0 : i32
          %parallel_loop3A_592 = arith.addi %parallel_loop3A_462, %parallel_loop3A_591 : i32
          %parallel_loop3A_593 = arith.constant 0 : i32
          %parallel_loop3A_594 = arith.addi %parallel_loop3A_462, %parallel_loop3A_593 : i32
          %parallel_loop3A_595 = arith.index_cast %parallel_loop3A_570 : i32 to index
          %parallel_loop3A_596 = arith.index_cast %parallel_loop3A_594 : i32 to index
          %parallel_loop3A_597 = tpu.vector_load %arg9[%parallel_loop3A_595, %parallel_loop3A_596] {strides = array<i32>} : memref<16x768xf32, #tpu.memory_space<vmem>>, vector<16xf32>,
          %parallel_loop3A_598 = arith.addf %parallel_loop3A_597, %parallel_loop3A_576 : vector<16xf32>
          %parallel_loop3A_599 = arith.constant 0 : i32
          %parallel_loop3A_600 = arith.addi %parallel_loop3A_599, %parallel_loop3A_570 : i32
          %parallel_loop3A_601 = arith.index_cast %parallel_loop3A_600 : i32 to index
          %parallel_loop3A_602 = arith.index_cast %parallel_loop3A_592 : i32 to index
          %parallel_loop3A_603 = tpu.vector_load %arg16[%parallel_loop3A_601, %parallel_loop3A_602] {strides = array<i32>} : memref<16x768xf32, #tpu.memory_space<vmem>>, vector<16xf32>,
          tpu.vector_store %arg16[%parallel_loop3A_601, %parallel_loop3A_602], %parallel_loop3A_598 {add = true, strides = array<i32>} : memref<16x768xf32, #tpu.memory_space<vmem>>, vector<16xf32>,
          %parallel_loop3A_604 = arith.constant 16 : i32
          %parallel_loop3A_605 = arith.addi %parallel_loop3A_462, %parallel_loop3A_604 : i32
          %parallel_loop3A_606 = arith.constant 16 : i32
          %parallel_loop3A_607 = arith.addi %parallel_loop3A_462, %parallel_loop3A_606 : i32
          %parallel_loop3A_608 = arith.index_cast %parallel_loop3A_570 : i32 to index
          %parallel_loop3A_609 = arith.index_cast %parallel_loop3A_607 : i32 to index
          %parallel_loop3A_610 = tpu.vector_load %arg9[%parallel_loop3A_608, %parallel_loop3A_609] {strides = array<i32>} : memref<16x768xf32, #tpu.memory_space<vmem>>, vector<16xf32>,
          %parallel_loop3A_611 = arith.addf %parallel_loop3A_610, %parallel_loop3A_578 : vector<16xf32>
          %parallel_loop3A_612 = arith.constant 0 : i32
          %parallel_loop3A_613 = arith.addi %parallel_loop3A_612, %parallel_loop3A_570 : i32
          %parallel_loop3A_614 = arith.index_cast %parallel_loop3A_613 : i32 to index
          %parallel_loop3A_615 = arith.index_cast %parallel_loop3A_605 : i32 to index
          %parallel_loop3A_616 = tpu.vector_load %arg16[%parallel_loop3A_614, %parallel_loop3A_615] {strides = array<i32>} : memref<16x768xf32, #tpu.memory_space<vmem>>, vector<16xf32>,
          tpu.vector_store %arg16[%parallel_loop3A_614, %parallel_loop3A_615], %parallel_loop3A_611 {add = true, strides = array<i32>} : memref<16x768xf32, #tpu.memory_space<vmem>>, vector<16xf32>,
          %parallel_loop3A_617 = arith.constant 32 : i32
          %parallel_loop3A_618 = arith.addi %parallel_loop3A_462, %parallel_loop3A_617 : i32
          %parallel_loop3A_619 = arith.constant 32 : i32
          %parallel_loop3A_620 = arith.addi %parallel_loop3A_462, %parallel_loop3A_619 : i32
          %parallel_loop3A_621 = arith.index_cast %parallel_loop3A_570 : i32 to index
          %parallel_loop3A_622 = arith.index_cast %parallel_loop3A_620 : i32 to index
          %parallel_loop3A_623 = tpu.vector_load %arg9[%parallel_loop3A_621, %parallel_loop3A_622] {strides = array<i32>} : memref<16x768xf32, #tpu.memory_space<vmem>>, vector<16xf32>,
          %parallel_loop3A_624 = arith.addf %parallel_loop3A_623, %parallel_loop3A_580 : vector<16xf32>
          %parallel_loop3A_625 = arith.constant 0 : i32
          %parallel_loop3A_626 = arith.addi %parallel_loop3A_625, %parallel_loop3A_570 : i32
          %parallel_loop3A_627 = arith.index_cast %parallel_loop3A_626 : i32 to index
          %parallel_loop3A_628 = arith.index_cast %parallel_loop3A_618 : i32 to index
          %parallel_loop3A_629 = tpu.vector_load %arg16[%parallel_loop3A_627, %parallel_loop3A_628] {strides = array<i32>} : memref<16x768xf32, #tpu.memory_space<vmem>>, vector<16xf32>,
          tpu.vector_store %arg16[%parallel_loop3A_627, %parallel_loop3A_628], %parallel_loop3A_624 {add = true, strides = array<i32>} : memref<16x768xf32, #tpu.memory_space<vmem>>, vector<16xf32>,
          %parallel_loop3A_630 = arith.constant 48 : i32
          %parallel_loop3A_631 = arith.addi %parallel_loop3A_462, %parallel_loop3A_630 : i32
          %parallel_loop3A_632 = arith.constant 48 : i32
          %parallel_loop3A_633 = arith.addi %parallel_loop3A_462, %parallel_loop3A_632 : i32
          %parallel_loop3A_634 = arith.index_cast %parallel_loop3A_570 : i32 to index
          %parallel_loop3A_635 = arith.index_cast %parallel_loop3A_633 : i32 to index
          %parallel_loop3A_636 = tpu.vector_load %arg9[%parallel_loop3A_634, %parallel_loop3A_635] {strides = array<i32>} : memref<16x768xf32, #tpu.memory_space<vmem>>, vector<16xf32>,
          %parallel_loop3A_637 = arith.addf %parallel_loop3A_636, %parallel_loop3A_582 : vector<16xf32>
          %parallel_loop3A_638 = arith.constant 0 : i32
          %parallel_loop3A_639 = arith.addi %parallel_loop3A_638, %parallel_loop3A_570 : i32
          %parallel_loop3A_640 = arith.index_cast %parallel_loop3A_639 : i32 to index
          %parallel_loop3A_641 = arith.index_cast %parallel_loop3A_631 : i32 to index
          %parallel_loop3A_642 = tpu.vector_load %arg16[%parallel_loop3A_640, %parallel_loop3A_641] {strides = array<i32>} : memref<16x768xf32, #tpu.memory_space<vmem>>, vector<16xf32>,
          tpu.vector_store %arg16[%parallel_loop3A_640, %parallel_loop3A_641], %parallel_loop3A_637 {add = true, strides = array<i32>} : memref<16x768xf32, #tpu.memory_space<vmem>>, vector<16xf32>,
          %parallel_loop3A_643 = arith.constant 64 : i32
          %parallel_loop3A_644 = arith.addi %parallel_loop3A_462, %parallel_loop3A_643 : i32
          %parallel_loop3A_645 = arith.constant 64 : i32
          %parallel_loop3A_646 = arith.addi %parallel_loop3A_462, %parallel_loop3A_645 : i32
          %parallel_loop3A_647 = arith.index_cast %parallel_loop3A_570 : i32 to index
          %parallel_loop3A_648 = arith.index_cast %parallel_loop3A_646 : i32 to index
          %parallel_loop3A_649 = tpu.vector_load %arg9[%parallel_loop3A_647, %parallel_loop3A_648] {strides = array<i32>} : memref<16x768xf32, #tpu.memory_space<vmem>>, vector<16xf32>,
          %parallel_loop3A_650 = arith.addf %parallel_loop3A_649, %parallel_loop3A_584 : vector<16xf32>
          %parallel_loop3A_651 = arith.constant 0 : i32
          %parallel_loop3A_652 = arith.addi %parallel_loop3A_651, %parallel_loop3A_570 : i32
          %parallel_loop3A_653 = arith.index_cast %parallel_loop3A_652 : i32 to index
          %parallel_loop3A_654 = arith.index_cast %parallel_loop3A_644 : i32 to index
          %parallel_loop3A_655 = tpu.vector_load %arg16[%parallel_loop3A_653, %parallel_loop3A_654] {strides = array<i32>} : memref<16x768xf32, #tpu.memory_space<vmem>>, vector<16xf32>,
          tpu.vector_store %arg16[%parallel_loop3A_653, %parallel_loop3A_654], %parallel_loop3A_650 {add = true, strides = array<i32>} : memref<16x768xf32, #tpu.memory_space<vmem>>, vector<16xf32>,
          %parallel_loop3A_656 = arith.constant 80 : i32
          %parallel_loop3A_657 = arith.addi %parallel_loop3A_462, %parallel_loop3A_656 : i32
          %parallel_loop3A_658 = arith.constant 80 : i32
          %parallel_loop3A_659 = arith.addi %parallel_loop3A_462, %parallel_loop3A_658 : i32
          %parallel_loop3A_660 = arith.index_cast %parallel_loop3A_570 : i32 to index
          %parallel_loop3A_661 = arith.index_cast %parallel_loop3A_659 : i32 to index
          %parallel_loop3A_662 = tpu.vector_load %arg9[%parallel_loop3A_660, %parallel_loop3A_661] {strides = array<i32>} : memref<16x768xf32, #tpu.memory_space<vmem>>, vector<16xf32>,
          %parallel_loop3A_663 = arith.addf %parallel_loop3A_662, %parallel_loop3A_586 : vector<16xf32>
          %parallel_loop3A_664 = arith.constant 0 : i32
          %parallel_loop3A_665 = arith.addi %parallel_loop3A_664, %parallel_loop3A_570 : i32
          %parallel_loop3A_666 = arith.index_cast %parallel_loop3A_665 : i32 to index
          %parallel_loop3A_667 = arith.index_cast %parallel_loop3A_657 : i32 to index
          %parallel_loop3A_668 = tpu.vector_load %arg16[%parallel_loop3A_666, %parallel_loop3A_667] {strides = array<i32>} : memref<16x768xf32, #tpu.memory_space<vmem>>, vector<16xf32>,
          tpu.vector_store %arg16[%parallel_loop3A_666, %parallel_loop3A_667], %parallel_loop3A_663 {add = true, strides = array<i32>} : memref<16x768xf32, #tpu.memory_space<vmem>>, vector<16xf32>,
          %parallel_loop3A_669 = arith.constant 96 : i32
          %parallel_loop3A_670 = arith.addi %parallel_loop3A_462, %parallel_loop3A_669 : i32
          %parallel_loop3A_671 = arith.constant 96 : i32
          %parallel_loop3A_672 = arith.addi %parallel_loop3A_462, %parallel_loop3A_671 : i32
          %parallel_loop3A_673 = arith.index_cast %parallel_loop3A_570 : i32 to index
          %parallel_loop3A_674 = arith.index_cast %parallel_loop3A_672 : i32 to index
          %parallel_loop3A_675 = tpu.vector_load %arg9[%parallel_loop3A_673, %parallel_loop3A_674] {strides = array<i32>} : memref<16x768xf32, #tpu.memory_space<vmem>>, vector<16xf32>,
          %parallel_loop3A_676 = arith.addf %parallel_loop3A_675, %parallel_loop3A_588 : vector<16xf32>
          %parallel_loop3A_677 = arith.constant 0 : i32
          %parallel_loop3A_678 = arith.addi %parallel_loop3A_677, %parallel_loop3A_570 : i32
          %parallel_loop3A_679 = arith.index_cast %parallel_loop3A_678 : i32 to index
          %parallel_loop3A_680 = arith.index_cast %parallel_loop3A_670 : i32 to index
          %parallel_loop3A_681 = tpu.vector_load %arg16[%parallel_loop3A_679, %parallel_loop3A_680] {strides = array<i32>} : memref<16x768xf32, #tpu.memory_space<vmem>>, vector<16xf32>,
          tpu.vector_store %arg16[%parallel_loop3A_679, %parallel_loop3A_680], %parallel_loop3A_676 {add = true, strides = array<i32>} : memref<16x768xf32, #tpu.memory_space<vmem>>, vector<16xf32>,
          %parallel_loop3A_682 = arith.constant 112 : i32
          %parallel_loop3A_683 = arith.addi %parallel_loop3A_462, %parallel_loop3A_682 : i32
          %parallel_loop3A_684 = arith.constant 112 : i32
          %parallel_loop3A_685 = arith.addi %parallel_loop3A_462, %parallel_loop3A_684 : i32
          %parallel_loop3A_686 = arith.index_cast %parallel_loop3A_570 : i32 to index
          %parallel_loop3A_687 = arith.index_cast %parallel_loop3A_685 : i32 to index
          %parallel_loop3A_688 = tpu.vector_load %arg9[%parallel_loop3A_686, %parallel_loop3A_687] {strides = array<i32>} : memref<16x768xf32, #tpu.memory_space<vmem>>, vector<16xf32>,
          %parallel_loop3A_689 = arith.addf %parallel_loop3A_688, %parallel_loop3A_590 : vector<16xf32>
          %parallel_loop3A_690 = arith.constant 0 : i32
          %parallel_loop3A_691 = arith.addi %parallel_loop3A_690, %parallel_loop3A_570 : i32
          %parallel_loop3A_692 = arith.index_cast %parallel_loop3A_691 : i32 to index
          %parallel_loop3A_693 = arith.index_cast %parallel_loop3A_683 : i32 to index
          %parallel_loop3A_694 = tpu.vector_load %arg16[%parallel_loop3A_692, %parallel_loop3A_693] {strides = array<i32>} : memref<16x768xf32, #tpu.memory_space<vmem>>, vector<16xf32>,
          tpu.vector_store %arg16[%parallel_loop3A_692, %parallel_loop3A_693], %parallel_loop3A_689 {add = true, strides = array<i32>} : memref<16x768xf32, #tpu.memory_space<vmem>>, vector<16xf32>,
        } {sc.loop_unroll_factor = 1 : i64, sc.parallel_access}
      } {sc.loop_unroll_factor = 1 : i64, sc.parallel_access}
      %mul3A_366 = arith.constant 1 : i32
      %mul3A_367 = arith.muli %add3A_345, %mul3A_366 : i32
      %add3A_368 = arith.constant 0 : i32
      %add3A_369 = arith.addi %mul3A_367, %add3A_368 : i32
      %dma_start3A_370 = arith.constant 0 : i32
      %dma_start3A_371 = arith.constant 0 : i32
      %dma_start3A_372 = tpu.memref_slice %arg16[%dma_start3A_370, %dma_start3A_371] : memref<16x768xf32, #tpu.memory_space<vmem>> -> memref<16x768xf32, #tpu.memory_space<vmem>>
      %dma_start3A_373 = arith.constant 0 : i32
      %dma_start3A_374 = tpu.memref_slice %arg6[%add3A_369, %mul3A_2, %dma_start3A_373] : memref<128x512x768xf32, #tpu.memory_space<hbm>> -> memref<1x16x768xf32, #tpu.memory_space<hbm>>
      %dma_start3A_375 = tpu.memref_squeeze %dma_start3A_374 : memref<1x16x768xf32, #tpu.memory_space<hbm>> -> memref<16x768xf32, #tpu.memory_space<hbm>>
      %dma_start3A_376 = arith.constant 0 : i32
      %dma_start3A_377 = tpu.memref_slice %arg6[%add3A_369, %mul3A_2, %dma_start3A_376] : memref<128x512x768xf32, #tpu.memory_space<hbm>> -> memref<1x16x768xf32, #tpu.memory_space<hbm>>
      %dma_start3A_378 = tpu.memref_squeeze %dma_start3A_377 : memref<1x16x768xf32, #tpu.memory_space<hbm>> -> memref<16x768xf32, #tpu.memory_space<hbm>>
      %dma_start3A_379 = arith.constant 0 : i32
      %dma_start3A_380 = arith.constant 0 : i32
      %dma_start3A_381 = tpu.memref_slice %arg16[%dma_start3A_379, %dma_start3A_380] : memref<16x768xf32, #tpu.memory_space<vmem>> -> memref<16x768xf32, #tpu.memory_space<vmem>>
      tpu.enqueue_dma source(%dma_start3A_381 : memref<16x768xf32, #tpu.memory_space<vmem>>) target(%dma_start3A_378 : memref<16x768xf32, #tpu.memory_space<hbm>>) target_semaphore(%arg32 : memref<!tpu.dma_semaphore, #tpu.memory_space<semaphore_mem>>)
      %mul3A_382 = arith.constant 8 : i32
      %mul3A_383 = arith.muli %scan3A_145, %mul3A_382 : i32
      %add3A_384 = arith.constant 6 : i32
      %add3A_385 = arith.addi %mul3A_383, %add3A_384 : i32
      %add3A_386 = arith.constant 5 : i32
      %add3A_387 = arith.addi %add3A_385, %add3A_386 : i32
      %lt3A_388 = arith.constant 128 : i32
      %lt3A_389 = arith.cmpi slt, %add3A_387, %lt3A_388 : i32
      %convert_element_type3A_390 = arith.extui %lt3A_389 : i1 to i32
      %cond3A_391 = arith.constant 0 : i32
      %cond3A_392 = arith.cmpi ne, %convert_element_type3A_390, %cond3A_391 : i32
      scf.if %cond3A_392 {
        %ge3A = arith.constant 8 : i32
        %ge3A_462 = arith.cmpi sge, %add3A_387, %ge3A : i32
        %convert_element_type3A_463 = arith.extui %ge3A_462 : i1 to i32
        %cond3A_464 = arith.constant 0 : i32
        %cond3A_465 = arith.cmpi ne, %convert_element_type3A_463, %cond3A_464 : i32
        scf.if %cond3A_465 {
          %sub3A = arith.constant 8 : i32
          %sub3A_472 = arith.subi %add3A_387, %sub3A : i32
          %mul3A_473 = arith.constant 1 : i32
          %mul3A_474 = arith.muli %sub3A_472, %mul3A_473 : i32
          %add3A_475 = arith.constant 0 : i32
          %add3A_476 = arith.addi %mul3A_474, %add3A_475 : i32
          %dma_wait3A_477 = arith.constant 0 : i32
          %dma_wait3A_478 = arith.constant 0 : i32
          %dma_wait3A_479 = tpu.memref_slice %arg14[%dma_wait3A_477, %dma_wait3A_478] : memref<16x768xf32, #tpu.memory_space<vmem>> -> memref<16x768xf32, #tpu.memory_space<vmem>>
          %dma_wait3A_480 = arith.constant 0 : i32
          %dma_wait3A_481 = tpu.memref_slice %arg6[%add3A_476, %mul3A_2, %dma_wait3A_480] : memref<128x512x768xf32, #tpu.memory_space<hbm>> -> memref<1x16x768xf32, #tpu.memory_space<hbm>>
          %dma_wait3A_482 = tpu.memref_squeeze %dma_wait3A_481 : memref<1x16x768xf32, #tpu.memory_space<hbm>> -> memref<16x768xf32, #tpu.memory_space<hbm>>
          %dma_wait3A_483 = arith.constant 0 : i32
          %dma_wait3A_484 = tpu.memref_slice %arg6[%add3A_476, %mul3A_2, %dma_wait3A_483] : memref<128x512x768xf32, #tpu.memory_space<hbm>> -> memref<1x16x768xf32, #tpu.memory_space<hbm>>
          %dma_wait3A_485 = tpu.memref_squeeze %dma_wait3A_484 : memref<1x16x768xf32, #tpu.memory_space<hbm>> -> memref<16x768xf32, #tpu.memory_space<hbm>>
          %dma_wait3A_486 = arith.constant 0 : i32
          %dma_wait3A_487 = arith.constant 0 : i32
          %dma_wait3A_488 = tpu.memref_slice %arg14[%dma_wait3A_486, %dma_wait3A_487] : memref<16x768xf32, #tpu.memory_space<vmem>> -> memref<16x768xf32, #tpu.memory_space<vmem>>
          tpu.wait_dma2 semaphore(%arg30 : memref<!tpu.dma_semaphore, #tpu.memory_space<semaphore_mem>>) src(%dma_wait3A_488 : memref<16x768xf32, #tpu.memory_space<vmem>>) dst(%dma_wait3A_485 : memref<16x768xf32, #tpu.memory_space<hbm>>)
        } else {
        }
        %mul3A_466 = arith.constant 16 : i32
        %mul3A_467 = arith.muli %add3A_387, %mul3A_466 : i32
        %dma_start3A_468 = tpu.memref_slice %arg7[%mul3A_467] : memref<2048xi32, #tpu.memory_space<vmem>> -> memref<16xi32, #tpu.memory_space<vmem>>
        %dma_start3A_469 = arith.constant 0 : i32
        %dma_start3A_470 = arith.constant 0 : i32
        %dma_start3A_471 = tpu.memref_slice %arg3[%dma_start3A_469, %dma_start3A_470] : memref<28996x768xf32, #tpu.memory_space<hbm>> -> memref<28996x768xf32, #tpu.memory_space<hbm>>
        tpu.enqueue_indirect_dma source(%dma_start3A_471 : memref<28996x768xf32, #tpu.memory_space<hbm>>) target(%arg14 : memref<16x768xf32, #tpu.memory_space<vmem>>) offsets(%dma_start3A_468 : memref<16xi32, #tpu.memory_space<vmem>>) semaphore(%arg22 : memref<!tpu.dma_semaphore, #tpu.memory_space<semaphore_mem>>)
      } else {
      }
      %mul3A_393 = arith.constant 16 : i32
      %mul3A_394 = arith.muli %add3A_385, %mul3A_393 : i32
      %dma_wait3A_395 = tpu.memref_slice %arg7[%mul3A_394] : memref<2048xi32, #tpu.memory_space<vmem>> -> memref<16xi32, #tpu.memory_space<vmem>>
      %dma_wait3A_396 = arith.constant 0 : i32
      %dma_wait3A_397 = arith.constant 0 : i32
      %dma_wait3A_398 = tpu.memref_slice %arg3[%dma_wait3A_396, %dma_wait3A_397] : memref<28996x768xf32, #tpu.memory_space<hbm>> -> memref<28996x768xf32, #tpu.memory_space<hbm>>
      tpu.wait_indirect_dma semaphore(%arg25 : memref<!tpu.dma_semaphore, #tpu.memory_space<semaphore_mem>>) src(%dma_wait3A_398 : memref<28996x768xf32, #tpu.memory_space<hbm>>) dst(%arg17 : memref<16x768xf32, #tpu.memory_space<vmem>>)
      %mul3A_399 = arith.constant 16 : i32
      %mul3A_400 = arith.muli %add3A_385, %mul3A_399 : i32
      %add3A_401 = arith.constant 0 : i32
      %add3A_402 = arith.addi %mul3A_400, %add3A_401 : i32
      %parallel_loop3A_403 = arith.constant 0 : i32
      %parallel_loop3A_404 = arith.constant 768 : i32
      %parallel_loop3A_405 = arith.constant 128 : i32
      scf.for %parallel_loop3A_462 = %parallel_loop3A_403 to %parallel_loop3A_404 step %parallel_loop3A_405  : i32 {
        %parallel_loop3A_463 = arith.constant 0 : i32
        %parallel_loop3A_464 = arith.addi %parallel_loop3A_462, %parallel_loop3A_463 : i32
        %parallel_loop3A_465 = arith.constant 0 : i32
        %parallel_loop3A_466 = arith.index_cast %parallel_loop3A_465 : i32 to index
        %parallel_loop3A_467 = arith.index_cast %parallel_loop3A_464 : i32 to index
        %parallel_loop3A_468 = tpu.vector_load %arg10[%parallel_loop3A_466, %parallel_loop3A_467] {strides = array<i32>} : memref<2x768xf32, #tpu.memory_space<vmem>>, vector<16xf32>,
        %parallel_loop3A_469 = arith.constant 16 : i32
        %parallel_loop3A_470 = arith.addi %parallel_loop3A_462, %parallel_loop3A_469 : i32
        %parallel_loop3A_471 = arith.constant 0 : i32
        %parallel_loop3A_472 = arith.index_cast %parallel_loop3A_471 : i32 to index
        %parallel_loop3A_473 = arith.index_cast %parallel_loop3A_470 : i32 to index
        %parallel_loop3A_474 = tpu.vector_load %arg10[%parallel_loop3A_472, %parallel_loop3A_473] {strides = array<i32>} : memref<2x768xf32, #tpu.memory_space<vmem>>, vector<16xf32>,
        %parallel_loop3A_475 = arith.constant 32 : i32
        %parallel_loop3A_476 = arith.addi %parallel_loop3A_462, %parallel_loop3A_475 : i32
        %parallel_loop3A_477 = arith.constant 0 : i32
        %parallel_loop3A_478 = arith.index_cast %parallel_loop3A_477 : i32 to index
        %parallel_loop3A_479 = arith.index_cast %parallel_loop3A_476 : i32 to index
        %parallel_loop3A_480 = tpu.vector_load %arg10[%parallel_loop3A_478, %parallel_loop3A_479] {strides = array<i32>} : memref<2x768xf32, #tpu.memory_space<vmem>>, vector<16xf32>,
        %parallel_loop3A_481 = arith.constant 48 : i32
        %parallel_loop3A_482 = arith.addi %parallel_loop3A_462, %parallel_loop3A_481 : i32
        %parallel_loop3A_483 = arith.constant 0 : i32
        %parallel_loop3A_484 = arith.index_cast %parallel_loop3A_483 : i32 to index
        %parallel_loop3A_485 = arith.index_cast %parallel_loop3A_482 : i32 to index
        %parallel_loop3A_486 = tpu.vector_load %arg10[%parallel_loop3A_484, %parallel_loop3A_485] {strides = array<i32>} : memref<2x768xf32, #tpu.memory_space<vmem>>, vector<16xf32>,
        %parallel_loop3A_487 = arith.constant 64 : i32
        %parallel_loop3A_488 = arith.addi %parallel_loop3A_462, %parallel_loop3A_487 : i32
        %parallel_loop3A_489 = arith.constant 0 : i32
        %parallel_loop3A_490 = arith.index_cast %parallel_loop3A_489 : i32 to index
        %parallel_loop3A_491 = arith.index_cast %parallel_loop3A_488 : i32 to index
        %parallel_loop3A_492 = tpu.vector_load %arg10[%parallel_loop3A_490, %parallel_loop3A_491] {strides = array<i32>} : memref<2x768xf32, #tpu.memory_space<vmem>>, vector<16xf32>,
        %parallel_loop3A_493 = arith.constant 80 : i32
        %parallel_loop3A_494 = arith.addi %parallel_loop3A_462, %parallel_loop3A_493 : i32
        %parallel_loop3A_495 = arith.constant 0 : i32
        %parallel_loop3A_496 = arith.index_cast %parallel_loop3A_495 : i32 to index
        %parallel_loop3A_497 = arith.index_cast %parallel_loop3A_494 : i32 to index
        %parallel_loop3A_498 = tpu.vector_load %arg10[%parallel_loop3A_496, %parallel_loop3A_497] {strides = array<i32>} : memref<2x768xf32, #tpu.memory_space<vmem>>, vector<16xf32>,
        %parallel_loop3A_499 = arith.constant 96 : i32
        %parallel_loop3A_500 = arith.addi %parallel_loop3A_462, %parallel_loop3A_499 : i32
        %parallel_loop3A_501 = arith.constant 0 : i32
        %parallel_loop3A_502 = arith.index_cast %parallel_loop3A_501 : i32 to index
        %parallel_loop3A_503 = arith.index_cast %parallel_loop3A_500 : i32 to index
        %parallel_loop3A_504 = tpu.vector_load %arg10[%parallel_loop3A_502, %parallel_loop3A_503] {strides = array<i32>} : memref<2x768xf32, #tpu.memory_space<vmem>>, vector<16xf32>,
        %parallel_loop3A_505 = arith.constant 112 : i32
        %parallel_loop3A_506 = arith.addi %parallel_loop3A_462, %parallel_loop3A_505 : i32
        %parallel_loop3A_507 = arith.constant 0 : i32
        %parallel_loop3A_508 = arith.index_cast %parallel_loop3A_507 : i32 to index
        %parallel_loop3A_509 = arith.index_cast %parallel_loop3A_506 : i32 to index
        %parallel_loop3A_510 = tpu.vector_load %arg10[%parallel_loop3A_508, %parallel_loop3A_509] {strides = array<i32>} : memref<2x768xf32, #tpu.memory_space<vmem>>, vector<16xf32>,
        %parallel_loop3A_511 = arith.constant 0 : i32
        %parallel_loop3A_512 = arith.addi %parallel_loop3A_462, %parallel_loop3A_511 : i32
        %parallel_loop3A_513 = arith.constant 1 : i32
        %parallel_loop3A_514 = arith.index_cast %parallel_loop3A_513 : i32 to index
        %parallel_loop3A_515 = arith.index_cast %parallel_loop3A_512 : i32 to index
        %parallel_loop3A_516 = tpu.vector_load %arg10[%parallel_loop3A_514, %parallel_loop3A_515] {strides = array<i32>} : memref<2x768xf32, #tpu.memory_space<vmem>>, vector<16xf32>,
        %parallel_loop3A_517 = arith.subf %parallel_loop3A_516, %parallel_loop3A_468 : vector<16xf32>
        %parallel_loop3A_518 = arith.constant 16 : i32
        %parallel_loop3A_519 = arith.addi %parallel_loop3A_462, %parallel_loop3A_518 : i32
        %parallel_loop3A_520 = arith.constant 1 : i32
        %parallel_loop3A_521 = arith.index_cast %parallel_loop3A_520 : i32 to index
        %parallel_loop3A_522 = arith.index_cast %parallel_loop3A_519 : i32 to index
        %parallel_loop3A_523 = tpu.vector_load %arg10[%parallel_loop3A_521, %parallel_loop3A_522] {strides = array<i32>} : memref<2x768xf32, #tpu.memory_space<vmem>>, vector<16xf32>,
        %parallel_loop3A_524 = arith.subf %parallel_loop3A_523, %parallel_loop3A_474 : vector<16xf32>
        %parallel_loop3A_525 = arith.constant 32 : i32
        %parallel_loop3A_526 = arith.addi %parallel_loop3A_462, %parallel_loop3A_525 : i32
        %parallel_loop3A_527 = arith.constant 1 : i32
        %parallel_loop3A_528 = arith.index_cast %parallel_loop3A_527 : i32 to index
        %parallel_loop3A_529 = arith.index_cast %parallel_loop3A_526 : i32 to index
        %parallel_loop3A_530 = tpu.vector_load %arg10[%parallel_loop3A_528, %parallel_loop3A_529] {strides = array<i32>} : memref<2x768xf32, #tpu.memory_space<vmem>>, vector<16xf32>,
        %parallel_loop3A_531 = arith.subf %parallel_loop3A_530, %parallel_loop3A_480 : vector<16xf32>
        %parallel_loop3A_532 = arith.constant 48 : i32
        %parallel_loop3A_533 = arith.addi %parallel_loop3A_462, %parallel_loop3A_532 : i32
        %parallel_loop3A_534 = arith.constant 1 : i32
        %parallel_loop3A_535 = arith.index_cast %parallel_loop3A_534 : i32 to index
        %parallel_loop3A_536 = arith.index_cast %parallel_loop3A_533 : i32 to index
        %parallel_loop3A_537 = tpu.vector_load %arg10[%parallel_loop3A_535, %parallel_loop3A_536] {strides = array<i32>} : memref<2x768xf32, #tpu.memory_space<vmem>>, vector<16xf32>,
        %parallel_loop3A_538 = arith.subf %parallel_loop3A_537, %parallel_loop3A_486 : vector<16xf32>
        %parallel_loop3A_539 = arith.constant 64 : i32
        %parallel_loop3A_540 = arith.addi %parallel_loop3A_462, %parallel_loop3A_539 : i32
        %parallel_loop3A_541 = arith.constant 1 : i32
        %parallel_loop3A_542 = arith.index_cast %parallel_loop3A_541 : i32 to index
        %parallel_loop3A_543 = arith.index_cast %parallel_loop3A_540 : i32 to index
        %parallel_loop3A_544 = tpu.vector_load %arg10[%parallel_loop3A_542, %parallel_loop3A_543] {strides = array<i32>} : memref<2x768xf32, #tpu.memory_space<vmem>>, vector<16xf32>,
        %parallel_loop3A_545 = arith.subf %parallel_loop3A_544, %parallel_loop3A_492 : vector<16xf32>
        %parallel_loop3A_546 = arith.constant 80 : i32
        %parallel_loop3A_547 = arith.addi %parallel_loop3A_462, %parallel_loop3A_546 : i32
        %parallel_loop3A_548 = arith.constant 1 : i32
        %parallel_loop3A_549 = arith.index_cast %parallel_loop3A_548 : i32 to index
        %parallel_loop3A_550 = arith.index_cast %parallel_loop3A_547 : i32 to index
        %parallel_loop3A_551 = tpu.vector_load %arg10[%parallel_loop3A_549, %parallel_loop3A_550] {strides = array<i32>} : memref<2x768xf32, #tpu.memory_space<vmem>>, vector<16xf32>,
        %parallel_loop3A_552 = arith.subf %parallel_loop3A_551, %parallel_loop3A_498 : vector<16xf32>
        %parallel_loop3A_553 = arith.constant 96 : i32
        %parallel_loop3A_554 = arith.addi %parallel_loop3A_462, %parallel_loop3A_553 : i32
        %parallel_loop3A_555 = arith.constant 1 : i32
        %parallel_loop3A_556 = arith.index_cast %parallel_loop3A_555 : i32 to index
        %parallel_loop3A_557 = arith.index_cast %parallel_loop3A_554 : i32 to index
        %parallel_loop3A_558 = tpu.vector_load %arg10[%parallel_loop3A_556, %parallel_loop3A_557] {strides = array<i32>} : memref<2x768xf32, #tpu.memory_space<vmem>>, vector<16xf32>,
        %parallel_loop3A_559 = arith.subf %parallel_loop3A_558, %parallel_loop3A_504 : vector<16xf32>
        %parallel_loop3A_560 = arith.constant 112 : i32
        %parallel_loop3A_561 = arith.addi %parallel_loop3A_462, %parallel_loop3A_560 : i32
        %parallel_loop3A_562 = arith.constant 1 : i32
        %parallel_loop3A_563 = arith.index_cast %parallel_loop3A_562 : i32 to index
        %parallel_loop3A_564 = arith.index_cast %parallel_loop3A_561 : i32 to index
        %parallel_loop3A_565 = tpu.vector_load %arg10[%parallel_loop3A_563, %parallel_loop3A_564] {strides = array<i32>} : memref<2x768xf32, #tpu.memory_space<vmem>>, vector<16xf32>,
        %parallel_loop3A_566 = arith.subf %parallel_loop3A_565, %parallel_loop3A_510 : vector<16xf32>
        %parallel_loop3A_567 = arith.constant 0 : i32
        %parallel_loop3A_568 = arith.constant 16 : i32
        %parallel_loop3A_569 = arith.constant 1 : i32
        scf.for %parallel_loop3A_570 = %parallel_loop3A_567 to %parallel_loop3A_568 step %parallel_loop3A_569  : i32 {
          %parallel_loop3A_571 = arith.addi %add3A_402, %parallel_loop3A_570 : i32
          %parallel_loop3A_572 = vector.broadcast %parallel_loop3A_571 : i32 to vector<16xi32>
          %parallel_loop3A_573 = tpu.vector_load_idx %arg8[%parallel_loop3A_572] : memref<2048xi32, #tpu.memory_space<vmem>>[vector<16xi32>], vector<16xi32>,
          %parallel_loop3A_574 = arith.sitofp %parallel_loop3A_573 : vector<16xi32> to vector<16xf32>
          %parallel_loop3A_575 = arith.mulf %parallel_loop3A_574, %parallel_loop3A_517 : vector<16xf32>
          %parallel_loop3A_576 = arith.addf %parallel_loop3A_468, %parallel_loop3A_575 : vector<16xf32>
          %parallel_loop3A_577 = arith.mulf %parallel_loop3A_574, %parallel_loop3A_524 : vector<16xf32>
          %parallel_loop3A_578 = arith.addf %parallel_loop3A_474, %parallel_loop3A_577 : vector<16xf32>
          %parallel_loop3A_579 = arith.mulf %parallel_loop3A_574, %parallel_loop3A_531 : vector<16xf32>
          %parallel_loop3A_580 = arith.addf %parallel_loop3A_480, %parallel_loop3A_579 : vector<16xf32>
          %parallel_loop3A_581 = arith.mulf %parallel_loop3A_574, %parallel_loop3A_538 : vector<16xf32>
          %parallel_loop3A_582 = arith.addf %parallel_loop3A_486, %parallel_loop3A_581 : vector<16xf32>
          %parallel_loop3A_583 = arith.mulf %parallel_loop3A_574, %parallel_loop3A_545 : vector<16xf32>
          %parallel_loop3A_584 = arith.addf %parallel_loop3A_492, %parallel_loop3A_583 : vector<16xf32>
          %parallel_loop3A_585 = arith.mulf %parallel_loop3A_574, %parallel_loop3A_552 : vector<16xf32>
          %parallel_loop3A_586 = arith.addf %parallel_loop3A_498, %parallel_loop3A_585 : vector<16xf32>
          %parallel_loop3A_587 = arith.mulf %parallel_loop3A_574, %parallel_loop3A_559 : vector<16xf32>
          %parallel_loop3A_588 = arith.addf %parallel_loop3A_504, %parallel_loop3A_587 : vector<16xf32>
          %parallel_loop3A_589 = arith.mulf %parallel_loop3A_574, %parallel_loop3A_566 : vector<16xf32>
          %parallel_loop3A_590 = arith.addf %parallel_loop3A_510, %parallel_loop3A_589 : vector<16xf32>
          %parallel_loop3A_591 = arith.constant 0 : i32
          %parallel_loop3A_592 = arith.addi %parallel_loop3A_462, %parallel_loop3A_591 : i32
          %parallel_loop3A_593 = arith.constant 0 : i32
          %parallel_loop3A_594 = arith.addi %parallel_loop3A_462, %parallel_loop3A_593 : i32
          %parallel_loop3A_595 = arith.index_cast %parallel_loop3A_570 : i32 to index
          %parallel_loop3A_596 = arith.index_cast %parallel_loop3A_594 : i32 to index
          %parallel_loop3A_597 = tpu.vector_load %arg9[%parallel_loop3A_595, %parallel_loop3A_596] {strides = array<i32>} : memref<16x768xf32, #tpu.memory_space<vmem>>, vector<16xf32>,
          %parallel_loop3A_598 = arith.addf %parallel_loop3A_597, %parallel_loop3A_576 : vector<16xf32>
          %parallel_loop3A_599 = arith.constant 0 : i32
          %parallel_loop3A_600 = arith.addi %parallel_loop3A_599, %parallel_loop3A_570 : i32
          %parallel_loop3A_601 = arith.index_cast %parallel_loop3A_600 : i32 to index
          %parallel_loop3A_602 = arith.index_cast %parallel_loop3A_592 : i32 to index
          %parallel_loop3A_603 = tpu.vector_load %arg17[%parallel_loop3A_601, %parallel_loop3A_602] {strides = array<i32>} : memref<16x768xf32, #tpu.memory_space<vmem>>, vector<16xf32>,
          tpu.vector_store %arg17[%parallel_loop3A_601, %parallel_loop3A_602], %parallel_loop3A_598 {add = true, strides = array<i32>} : memref<16x768xf32, #tpu.memory_space<vmem>>, vector<16xf32>,
          %parallel_loop3A_604 = arith.constant 16 : i32
          %parallel_loop3A_605 = arith.addi %parallel_loop3A_462, %parallel_loop3A_604 : i32
          %parallel_loop3A_606 = arith.constant 16 : i32
          %parallel_loop3A_607 = arith.addi %parallel_loop3A_462, %parallel_loop3A_606 : i32
          %parallel_loop3A_608 = arith.index_cast %parallel_loop3A_570 : i32 to index
          %parallel_loop3A_609 = arith.index_cast %parallel_loop3A_607 : i32 to index
          %parallel_loop3A_610 = tpu.vector_load %arg9[%parallel_loop3A_608, %parallel_loop3A_609] {strides = array<i32>} : memref<16x768xf32, #tpu.memory_space<vmem>>, vector<16xf32>,
          %parallel_loop3A_611 = arith.addf %parallel_loop3A_610, %parallel_loop3A_578 : vector<16xf32>
          %parallel_loop3A_612 = arith.constant 0 : i32
          %parallel_loop3A_613 = arith.addi %parallel_loop3A_612, %parallel_loop3A_570 : i32
          %parallel_loop3A_614 = arith.index_cast %parallel_loop3A_613 : i32 to index
          %parallel_loop3A_615 = arith.index_cast %parallel_loop3A_605 : i32 to index
          %parallel_loop3A_616 = tpu.vector_load %arg17[%parallel_loop3A_614, %parallel_loop3A_615] {strides = array<i32>} : memref<16x768xf32, #tpu.memory_space<vmem>>, vector<16xf32>,
          tpu.vector_store %arg17[%parallel_loop3A_614, %parallel_loop3A_615], %parallel_loop3A_611 {add = true, strides = array<i32>} : memref<16x768xf32, #tpu.memory_space<vmem>>, vector<16xf32>,
          %parallel_loop3A_617 = arith.constant 32 : i32
          %parallel_loop3A_618 = arith.addi %parallel_loop3A_462, %parallel_loop3A_617 : i32
          %parallel_loop3A_619 = arith.constant 32 : i32
          %parallel_loop3A_620 = arith.addi %parallel_loop3A_462, %parallel_loop3A_619 : i32
          %parallel_loop3A_621 = arith.index_cast %parallel_loop3A_570 : i32 to index
          %parallel_loop3A_622 = arith.index_cast %parallel_loop3A_620 : i32 to index
          %parallel_loop3A_623 = tpu.vector_load %arg9[%parallel_loop3A_621, %parallel_loop3A_622] {strides = array<i32>} : memref<16x768xf32, #tpu.memory_space<vmem>>, vector<16xf32>,
          %parallel_loop3A_624 = arith.addf %parallel_loop3A_623, %parallel_loop3A_580 : vector<16xf32>
          %parallel_loop3A_625 = arith.constant 0 : i32
          %parallel_loop3A_626 = arith.addi %parallel_loop3A_625, %parallel_loop3A_570 : i32
          %parallel_loop3A_627 = arith.index_cast %parallel_loop3A_626 : i32 to index
          %parallel_loop3A_628 = arith.index_cast %parallel_loop3A_618 : i32 to index
          %parallel_loop3A_629 = tpu.vector_load %arg17[%parallel_loop3A_627, %parallel_loop3A_628] {strides = array<i32>} : memref<16x768xf32, #tpu.memory_space<vmem>>, vector<16xf32>,
          tpu.vector_store %arg17[%parallel_loop3A_627, %parallel_loop3A_628], %parallel_loop3A_624 {add = true, strides = array<i32>} : memref<16x768xf32, #tpu.memory_space<vmem>>, vector<16xf32>,
          %parallel_loop3A_630 = arith.constant 48 : i32
          %parallel_loop3A_631 = arith.addi %parallel_loop3A_462, %parallel_loop3A_630 : i32
          %parallel_loop3A_632 = arith.constant 48 : i32
          %parallel_loop3A_633 = arith.addi %parallel_loop3A_462, %parallel_loop3A_632 : i32
          %parallel_loop3A_634 = arith.index_cast %parallel_loop3A_570 : i32 to index
          %parallel_loop3A_635 = arith.index_cast %parallel_loop3A_633 : i32 to index
          %parallel_loop3A_636 = tpu.vector_load %arg9[%parallel_loop3A_634, %parallel_loop3A_635] {strides = array<i32>} : memref<16x768xf32, #tpu.memory_space<vmem>>, vector<16xf32>,
          %parallel_loop3A_637 = arith.addf %parallel_loop3A_636, %parallel_loop3A_582 : vector<16xf32>
          %parallel_loop3A_638 = arith.constant 0 : i32
          %parallel_loop3A_639 = arith.addi %parallel_loop3A_638, %parallel_loop3A_570 : i32
          %parallel_loop3A_640 = arith.index_cast %parallel_loop3A_639 : i32 to index
          %parallel_loop3A_641 = arith.index_cast %parallel_loop3A_631 : i32 to index
          %parallel_loop3A_642 = tpu.vector_load %arg17[%parallel_loop3A_640, %parallel_loop3A_641] {strides = array<i32>} : memref<16x768xf32, #tpu.memory_space<vmem>>, vector<16xf32>,
          tpu.vector_store %arg17[%parallel_loop3A_640, %parallel_loop3A_641], %parallel_loop3A_637 {add = true, strides = array<i32>} : memref<16x768xf32, #tpu.memory_space<vmem>>, vector<16xf32>,
          %parallel_loop3A_643 = arith.constant 64 : i32
          %parallel_loop3A_644 = arith.addi %parallel_loop3A_462, %parallel_loop3A_643 : i32
          %parallel_loop3A_645 = arith.constant 64 : i32
          %parallel_loop3A_646 = arith.addi %parallel_loop3A_462, %parallel_loop3A_645 : i32
          %parallel_loop3A_647 = arith.index_cast %parallel_loop3A_570 : i32 to index
          %parallel_loop3A_648 = arith.index_cast %parallel_loop3A_646 : i32 to index
          %parallel_loop3A_649 = tpu.vector_load %arg9[%parallel_loop3A_647, %parallel_loop3A_648] {strides = array<i32>} : memref<16x768xf32, #tpu.memory_space<vmem>>, vector<16xf32>,
          %parallel_loop3A_650 = arith.addf %parallel_loop3A_649, %parallel_loop3A_584 : vector<16xf32>
          %parallel_loop3A_651 = arith.constant 0 : i32
          %parallel_loop3A_652 = arith.addi %parallel_loop3A_651, %parallel_loop3A_570 : i32
          %parallel_loop3A_653 = arith.index_cast %parallel_loop3A_652 : i32 to index
          %parallel_loop3A_654 = arith.index_cast %parallel_loop3A_644 : i32 to index
          %parallel_loop3A_655 = tpu.vector_load %arg17[%parallel_loop3A_653, %parallel_loop3A_654] {strides = array<i32>} : memref<16x768xf32, #tpu.memory_space<vmem>>, vector<16xf32>,
          tpu.vector_store %arg17[%parallel_loop3A_653, %parallel_loop3A_654], %parallel_loop3A_650 {add = true, strides = array<i32>} : memref<16x768xf32, #tpu.memory_space<vmem>>, vector<16xf32>,
          %parallel_loop3A_656 = arith.constant 80 : i32
          %parallel_loop3A_657 = arith.addi %parallel_loop3A_462, %parallel_loop3A_656 : i32
          %parallel_loop3A_658 = arith.constant 80 : i32
          %parallel_loop3A_659 = arith.addi %parallel_loop3A_462, %parallel_loop3A_658 : i32
          %parallel_loop3A_660 = arith.index_cast %parallel_loop3A_570 : i32 to index
          %parallel_loop3A_661 = arith.index_cast %parallel_loop3A_659 : i32 to index
          %parallel_loop3A_662 = tpu.vector_load %arg9[%parallel_loop3A_660, %parallel_loop3A_661] {strides = array<i32>} : memref<16x768xf32, #tpu.memory_space<vmem>>, vector<16xf32>,
          %parallel_loop3A_663 = arith.addf %parallel_loop3A_662, %parallel_loop3A_586 : vector<16xf32>
          %parallel_loop3A_664 = arith.constant 0 : i32
          %parallel_loop3A_665 = arith.addi %parallel_loop3A_664, %parallel_loop3A_570 : i32
          %parallel_loop3A_666 = arith.index_cast %parallel_loop3A_665 : i32 to index
          %parallel_loop3A_667 = arith.index_cast %parallel_loop3A_657 : i32 to index
          %parallel_loop3A_668 = tpu.vector_load %arg17[%parallel_loop3A_666, %parallel_loop3A_667] {strides = array<i32>} : memref<16x768xf32, #tpu.memory_space<vmem>>, vector<16xf32>,
          tpu.vector_store %arg17[%parallel_loop3A_666, %parallel_loop3A_667], %parallel_loop3A_663 {add = true, strides = array<i32>} : memref<16x768xf32, #tpu.memory_space<vmem>>, vector<16xf32>,
          %parallel_loop3A_669 = arith.constant 96 : i32
          %parallel_loop3A_670 = arith.addi %parallel_loop3A_462, %parallel_loop3A_669 : i32
          %parallel_loop3A_671 = arith.constant 96 : i32
          %parallel_loop3A_672 = arith.addi %parallel_loop3A_462, %parallel_loop3A_671 : i32
          %parallel_loop3A_673 = arith.index_cast %parallel_loop3A_570 : i32 to index
          %parallel_loop3A_674 = arith.index_cast %parallel_loop3A_672 : i32 to index
          %parallel_loop3A_675 = tpu.vector_load %arg9[%parallel_loop3A_673, %parallel_loop3A_674] {strides = array<i32>} : memref<16x768xf32, #tpu.memory_space<vmem>>, vector<16xf32>,
          %parallel_loop3A_676 = arith.addf %parallel_loop3A_675, %parallel_loop3A_588 : vector<16xf32>
          %parallel_loop3A_677 = arith.constant 0 : i32
          %parallel_loop3A_678 = arith.addi %parallel_loop3A_677, %parallel_loop3A_570 : i32
          %parallel_loop3A_679 = arith.index_cast %parallel_loop3A_678 : i32 to index
          %parallel_loop3A_680 = arith.index_cast %parallel_loop3A_670 : i32 to index
          %parallel_loop3A_681 = tpu.vector_load %arg17[%parallel_loop3A_679, %parallel_loop3A_680] {strides = array<i32>} : memref<16x768xf32, #tpu.memory_space<vmem>>, vector<16xf32>,
          tpu.vector_store %arg17[%parallel_loop3A_679, %parallel_loop3A_680], %parallel_loop3A_676 {add = true, strides = array<i32>} : memref<16x768xf32, #tpu.memory_space<vmem>>, vector<16xf32>,
          %parallel_loop3A_682 = arith.constant 112 : i32
          %parallel_loop3A_683 = arith.addi %parallel_loop3A_462, %parallel_loop3A_682 : i32
          %parallel_loop3A_684 = arith.constant 112 : i32
          %parallel_loop3A_685 = arith.addi %parallel_loop3A_462, %parallel_loop3A_684 : i32
          %parallel_loop3A_686 = arith.index_cast %parallel_loop3A_570 : i32 to index
          %parallel_loop3A_687 = arith.index_cast %parallel_loop3A_685 : i32 to index
          %parallel_loop3A_688 = tpu.vector_load %arg9[%parallel_loop3A_686, %parallel_loop3A_687] {strides = array<i32>} : memref<16x768xf32, #tpu.memory_space<vmem>>, vector<16xf32>,
          %parallel_loop3A_689 = arith.addf %parallel_loop3A_688, %parallel_loop3A_590 : vector<16xf32>
          %parallel_loop3A_690 = arith.constant 0 : i32
          %parallel_loop3A_691 = arith.addi %parallel_loop3A_690, %parallel_loop3A_570 : i32
          %parallel_loop3A_692 = arith.index_cast %parallel_loop3A_691 : i32 to index
          %parallel_loop3A_693 = arith.index_cast %parallel_loop3A_683 : i32 to index
          %parallel_loop3A_694 = tpu.vector_load %arg17[%parallel_loop3A_692, %parallel_loop3A_693] {strides = array<i32>} : memref<16x768xf32, #tpu.memory_space<vmem>>, vector<16xf32>,
          tpu.vector_store %arg17[%parallel_loop3A_692, %parallel_loop3A_693], %parallel_loop3A_689 {add = true, strides = array<i32>} : memref<16x768xf32, #tpu.memory_space<vmem>>, vector<16xf32>,
        } {sc.loop_unroll_factor = 1 : i64, sc.parallel_access}
      } {sc.loop_unroll_factor = 1 : i64, sc.parallel_access}
      %mul3A_406 = arith.constant 1 : i32
      %mul3A_407 = arith.muli %add3A_385, %mul3A_406 : i32
      %add3A_408 = arith.constant 0 : i32
      %add3A_409 = arith.addi %mul3A_407, %add3A_408 : i32
      %dma_start3A_410 = arith.constant 0 : i32
      %dma_start3A_411 = arith.constant 0 : i32
      %dma_start3A_412 = tpu.memref_slice %arg17[%dma_start3A_410, %dma_start3A_411] : memref<16x768xf32, #tpu.memory_space<vmem>> -> memref<16x768xf32, #tpu.memory_space<vmem>>
      %dma_start3A_413 = arith.constant 0 : i32
      %dma_start3A_414 = tpu.memref_slice %arg6[%add3A_409, %mul3A_2, %dma_start3A_413] : memref<128x512x768xf32, #tpu.memory_space<hbm>> -> memref<1x16x768xf32, #tpu.memory_space<hbm>>
      %dma_start3A_415 = tpu.memref_squeeze %dma_start3A_414 : memref<1x16x768xf32, #tpu.memory_space<hbm>> -> memref<16x768xf32, #tpu.memory_space<hbm>>
      %dma_start3A_416 = arith.constant 0 : i32
      %dma_start3A_417 = tpu.memref_slice %arg6[%add3A_409, %mul3A_2, %dma_start3A_416] : memref<128x512x768xf32, #tpu.memory_space<hbm>> -> memref<1x16x768xf32, #tpu.memory_space<hbm>>
      %dma_start3A_418 = tpu.memref_squeeze %dma_start3A_417 : memref<1x16x768xf32, #tpu.memory_space<hbm>> -> memref<16x768xf32, #tpu.memory_space<hbm>>
      %dma_start3A_419 = arith.constant 0 : i32
      %dma_start3A_420 = arith.constant 0 : i32
      %dma_start3A_421 = tpu.memref_slice %arg17[%dma_start3A_419, %dma_start3A_420] : memref<16x768xf32, #tpu.memory_space<vmem>> -> memref<16x768xf32, #tpu.memory_space<vmem>>
      tpu.enqueue_dma source(%dma_start3A_421 : memref<16x768xf32, #tpu.memory_space<vmem>>) target(%dma_start3A_418 : memref<16x768xf32, #tpu.memory_space<hbm>>) target_semaphore(%arg33 : memref<!tpu.dma_semaphore, #tpu.memory_space<semaphore_mem>>)
      %mul3A_422 = arith.constant 8 : i32
      %mul3A_423 = arith.muli %scan3A_145, %mul3A_422 : i32
      %add3A_424 = arith.constant 7 : i32
      %add3A_425 = arith.addi %mul3A_423, %add3A_424 : i32
      %add3A_426 = arith.constant 5 : i32
      %add3A_427 = arith.addi %add3A_425, %add3A_426 : i32
      %lt3A_428 = arith.constant 128 : i32
      %lt3A_429 = arith.cmpi slt, %add3A_427, %lt3A_428 : i32
      %convert_element_type3A_430 = arith.extui %lt3A_429 : i1 to i32
      %cond3A_431 = arith.constant 0 : i32
      %cond3A_432 = arith.cmpi ne, %convert_element_type3A_430, %cond3A_431 : i32
      scf.if %cond3A_432 {
        %ge3A = arith.constant 8 : i32
        %ge3A_462 = arith.cmpi sge, %add3A_427, %ge3A : i32
        %convert_element_type3A_463 = arith.extui %ge3A_462 : i1 to i32
        %cond3A_464 = arith.constant 0 : i32
        %cond3A_465 = arith.cmpi ne, %convert_element_type3A_463, %cond3A_464 : i32
        scf.if %cond3A_465 {
          %sub3A = arith.constant 8 : i32
          %sub3A_472 = arith.subi %add3A_427, %sub3A : i32
          %mul3A_473 = arith.constant 1 : i32
          %mul3A_474 = arith.muli %sub3A_472, %mul3A_473 : i32
          %add3A_475 = arith.constant 0 : i32
          %add3A_476 = arith.addi %mul3A_474, %add3A_475 : i32
          %dma_wait3A_477 = arith.constant 0 : i32
          %dma_wait3A_478 = arith.constant 0 : i32
          %dma_wait3A_479 = tpu.memref_slice %arg15[%dma_wait3A_477, %dma_wait3A_478] : memref<16x768xf32, #tpu.memory_space<vmem>> -> memref<16x768xf32, #tpu.memory_space<vmem>>
          %dma_wait3A_480 = arith.constant 0 : i32
          %dma_wait3A_481 = tpu.memref_slice %arg6[%add3A_476, %mul3A_2, %dma_wait3A_480] : memref<128x512x768xf32, #tpu.memory_space<hbm>> -> memref<1x16x768xf32, #tpu.memory_space<hbm>>
          %dma_wait3A_482 = tpu.memref_squeeze %dma_wait3A_481 : memref<1x16x768xf32, #tpu.memory_space<hbm>> -> memref<16x768xf32, #tpu.memory_space<hbm>>
          %dma_wait3A_483 = arith.constant 0 : i32
          %dma_wait3A_484 = tpu.memref_slice %arg6[%add3A_476, %mul3A_2, %dma_wait3A_483] : memref<128x512x768xf32, #tpu.memory_space<hbm>> -> memref<1x16x768xf32, #tpu.memory_space<hbm>>
          %dma_wait3A_485 = tpu.memref_squeeze %dma_wait3A_484 : memref<1x16x768xf32, #tpu.memory_space<hbm>> -> memref<16x768xf32, #tpu.memory_space<hbm>>
          %dma_wait3A_486 = arith.constant 0 : i32
          %dma_wait3A_487 = arith.constant 0 : i32
          %dma_wait3A_488 = tpu.memref_slice %arg15[%dma_wait3A_486, %dma_wait3A_487] : memref<16x768xf32, #tpu.memory_space<vmem>> -> memref<16x768xf32, #tpu.memory_space<vmem>>
          tpu.wait_dma2 semaphore(%arg31 : memref<!tpu.dma_semaphore, #tpu.memory_space<semaphore_mem>>) src(%dma_wait3A_488 : memref<16x768xf32, #tpu.memory_space<vmem>>) dst(%dma_wait3A_485 : memref<16x768xf32, #tpu.memory_space<hbm>>)
        } else {
        }
        %mul3A_466 = arith.constant 16 : i32
        %mul3A_467 = arith.muli %add3A_427, %mul3A_466 : i32
        %dma_start3A_468 = tpu.memref_slice %arg7[%mul3A_467] : memref<2048xi32, #tpu.memory_space<vmem>> -> memref<16xi32, #tpu.memory_space<vmem>>
        %dma_start3A_469 = arith.constant 0 : i32
        %dma_start3A_470 = arith.constant 0 : i32
        %dma_start3A_471 = tpu.memref_slice %arg3[%dma_start3A_469, %dma_start3A_470] : memref<28996x768xf32, #tpu.memory_space<hbm>> -> memref<28996x768xf32, #tpu.memory_space<hbm>>
        tpu.enqueue_indirect_dma source(%dma_start3A_471 : memref<28996x768xf32, #tpu.memory_space<hbm>>) target(%arg15 : memref<16x768xf32, #tpu.memory_space<vmem>>) offsets(%dma_start3A_468 : memref<16xi32, #tpu.memory_space<vmem>>) semaphore(%arg23 : memref<!tpu.dma_semaphore, #tpu.memory_space<semaphore_mem>>)
      } else {
      }
      %mul3A_433 = arith.constant 16 : i32
      %mul3A_434 = arith.muli %add3A_425, %mul3A_433 : i32
      %dma_wait3A_435 = tpu.memref_slice %arg7[%mul3A_434] : memref<2048xi32, #tpu.memory_space<vmem>> -> memref<16xi32, #tpu.memory_space<vmem>>
      %dma_wait3A_436 = arith.constant 0 : i32
      %dma_wait3A_437 = arith.constant 0 : i32
      %dma_wait3A_438 = tpu.memref_slice %arg3[%dma_wait3A_436, %dma_wait3A_437] : memref<28996x768xf32, #tpu.memory_space<hbm>> -> memref<28996x768xf32, #tpu.memory_space<hbm>>
      tpu.wait_indirect_dma semaphore(%arg26 : memref<!tpu.dma_semaphore, #tpu.memory_space<semaphore_mem>>) src(%dma_wait3A_438 : memref<28996x768xf32, #tpu.memory_space<hbm>>) dst(%arg18 : memref<16x768xf32, #tpu.memory_space<vmem>>)
      %mul3A_439 = arith.constant 16 : i32
      %mul3A_440 = arith.muli %add3A_425, %mul3A_439 : i32
      %add3A_441 = arith.constant 0 : i32
      %add3A_442 = arith.addi %mul3A_440, %add3A_441 : i32
      %parallel_loop3A_443 = arith.constant 0 : i32
      %parallel_loop3A_444 = arith.constant 768 : i32
      %parallel_loop3A_445 = arith.constant 128 : i32
      scf.for %parallel_loop3A_462 = %parallel_loop3A_443 to %parallel_loop3A_444 step %parallel_loop3A_445  : i32 {
        %parallel_loop3A_463 = arith.constant 0 : i32
        %parallel_loop3A_464 = arith.addi %parallel_loop3A_462, %parallel_loop3A_463 : i32
        %parallel_loop3A_465 = arith.constant 0 : i32
        %parallel_loop3A_466 = arith.index_cast %parallel_loop3A_465 : i32 to index
        %parallel_loop3A_467 = arith.index_cast %parallel_loop3A_464 : i32 to index
        %parallel_loop3A_468 = tpu.vector_load %arg10[%parallel_loop3A_466, %parallel_loop3A_467] {strides = array<i32>} : memref<2x768xf32, #tpu.memory_space<vmem>>, vector<16xf32>,
        %parallel_loop3A_469 = arith.constant 16 : i32
        %parallel_loop3A_470 = arith.addi %parallel_loop3A_462, %parallel_loop3A_469 : i32
        %parallel_loop3A_471 = arith.constant 0 : i32
        %parallel_loop3A_472 = arith.index_cast %parallel_loop3A_471 : i32 to index
        %parallel_loop3A_473 = arith.index_cast %parallel_loop3A_470 : i32 to index
        %parallel_loop3A_474 = tpu.vector_load %arg10[%parallel_loop3A_472, %parallel_loop3A_473] {strides = array<i32>} : memref<2x768xf32, #tpu.memory_space<vmem>>, vector<16xf32>,
        %parallel_loop3A_475 = arith.constant 32 : i32
        %parallel_loop3A_476 = arith.addi %parallel_loop3A_462, %parallel_loop3A_475 : i32
        %parallel_loop3A_477 = arith.constant 0 : i32
        %parallel_loop3A_478 = arith.index_cast %parallel_loop3A_477 : i32 to index
        %parallel_loop3A_479 = arith.index_cast %parallel_loop3A_476 : i32 to index
        %parallel_loop3A_480 = tpu.vector_load %arg10[%parallel_loop3A_478, %parallel_loop3A_479] {strides = array<i32>} : memref<2x768xf32, #tpu.memory_space<vmem>>, vector<16xf32>,
        %parallel_loop3A_481 = arith.constant 48 : i32
        %parallel_loop3A_482 = arith.addi %parallel_loop3A_462, %parallel_loop3A_481 : i32
        %parallel_loop3A_483 = arith.constant 0 : i32
        %parallel_loop3A_484 = arith.index_cast %parallel_loop3A_483 : i32 to index
        %parallel_loop3A_485 = arith.index_cast %parallel_loop3A_482 : i32 to index
        %parallel_loop3A_486 = tpu.vector_load %arg10[%parallel_loop3A_484, %parallel_loop3A_485] {strides = array<i32>} : memref<2x768xf32, #tpu.memory_space<vmem>>, vector<16xf32>,
        %parallel_loop3A_487 = arith.constant 64 : i32
        %parallel_loop3A_488 = arith.addi %parallel_loop3A_462, %parallel_loop3A_487 : i32
        %parallel_loop3A_489 = arith.constant 0 : i32
        %parallel_loop3A_490 = arith.index_cast %parallel_loop3A_489 : i32 to index
        %parallel_loop3A_491 = arith.index_cast %parallel_loop3A_488 : i32 to index
        %parallel_loop3A_492 = tpu.vector_load %arg10[%parallel_loop3A_490, %parallel_loop3A_491] {strides = array<i32>} : memref<2x768xf32, #tpu.memory_space<vmem>>, vector<16xf32>,
        %parallel_loop3A_493 = arith.constant 80 : i32
        %parallel_loop3A_494 = arith.addi %parallel_loop3A_462, %parallel_loop3A_493 : i32
        %parallel_loop3A_495 = arith.constant 0 : i32
        %parallel_loop3A_496 = arith.index_cast %parallel_loop3A_495 : i32 to index
        %parallel_loop3A_497 = arith.index_cast %parallel_loop3A_494 : i32 to index
        %parallel_loop3A_498 = tpu.vector_load %arg10[%parallel_loop3A_496, %parallel_loop3A_497] {strides = array<i32>} : memref<2x768xf32, #tpu.memory_space<vmem>>, vector<16xf32>,
        %parallel_loop3A_499 = arith.constant 96 : i32
        %parallel_loop3A_500 = arith.addi %parallel_loop3A_462, %parallel_loop3A_499 : i32
        %parallel_loop3A_501 = arith.constant 0 : i32
        %parallel_loop3A_502 = arith.index_cast %parallel_loop3A_501 : i32 to index
        %parallel_loop3A_503 = arith.index_cast %parallel_loop3A_500 : i32 to index
        %parallel_loop3A_504 = tpu.vector_load %arg10[%parallel_loop3A_502, %parallel_loop3A_503] {strides = array<i32>} : memref<2x768xf32, #tpu.memory_space<vmem>>, vector<16xf32>,
        %parallel_loop3A_505 = arith.constant 112 : i32
        %parallel_loop3A_506 = arith.addi %parallel_loop3A_462, %parallel_loop3A_505 : i32
        %parallel_loop3A_507 = arith.constant 0 : i32
        %parallel_loop3A_508 = arith.index_cast %parallel_loop3A_507 : i32 to index
        %parallel_loop3A_509 = arith.index_cast %parallel_loop3A_506 : i32 to index
        %parallel_loop3A_510 = tpu.vector_load %arg10[%parallel_loop3A_508, %parallel_loop3A_509] {strides = array<i32>} : memref<2x768xf32, #tpu.memory_space<vmem>>, vector<16xf32>,
        %parallel_loop3A_511 = arith.constant 0 : i32
        %parallel_loop3A_512 = arith.addi %parallel_loop3A_462, %parallel_loop3A_511 : i32
        %parallel_loop3A_513 = arith.constant 1 : i32
        %parallel_loop3A_514 = arith.index_cast %parallel_loop3A_513 : i32 to index
        %parallel_loop3A_515 = arith.index_cast %parallel_loop3A_512 : i32 to index
        %parallel_loop3A_516 = tpu.vector_load %arg10[%parallel_loop3A_514, %parallel_loop3A_515] {strides = array<i32>} : memref<2x768xf32, #tpu.memory_space<vmem>>, vector<16xf32>,
        %parallel_loop3A_517 = arith.subf %parallel_loop3A_516, %parallel_loop3A_468 : vector<16xf32>
        %parallel_loop3A_518 = arith.constant 16 : i32
        %parallel_loop3A_519 = arith.addi %parallel_loop3A_462, %parallel_loop3A_518 : i32
        %parallel_loop3A_520 = arith.constant 1 : i32
        %parallel_loop3A_521 = arith.index_cast %parallel_loop3A_520 : i32 to index
        %parallel_loop3A_522 = arith.index_cast %parallel_loop3A_519 : i32 to index
        %parallel_loop3A_523 = tpu.vector_load %arg10[%parallel_loop3A_521, %parallel_loop3A_522] {strides = array<i32>} : memref<2x768xf32, #tpu.memory_space<vmem>>, vector<16xf32>,
        %parallel_loop3A_524 = arith.subf %parallel_loop3A_523, %parallel_loop3A_474 : vector<16xf32>
        %parallel_loop3A_525 = arith.constant 32 : i32
        %parallel_loop3A_526 = arith.addi %parallel_loop3A_462, %parallel_loop3A_525 : i32
        %parallel_loop3A_527 = arith.constant 1 : i32
        %parallel_loop3A_528 = arith.index_cast %parallel_loop3A_527 : i32 to index
        %parallel_loop3A_529 = arith.index_cast %parallel_loop3A_526 : i32 to index
        %parallel_loop3A_530 = tpu.vector_load %arg10[%parallel_loop3A_528, %parallel_loop3A_529] {strides = array<i32>} : memref<2x768xf32, #tpu.memory_space<vmem>>, vector<16xf32>,
        %parallel_loop3A_531 = arith.subf %parallel_loop3A_530, %parallel_loop3A_480 : vector<16xf32>
        %parallel_loop3A_532 = arith.constant 48 : i32
        %parallel_loop3A_533 = arith.addi %parallel_loop3A_462, %parallel_loop3A_532 : i32
        %parallel_loop3A_534 = arith.constant 1 : i32
        %parallel_loop3A_535 = arith.index_cast %parallel_loop3A_534 : i32 to index
        %parallel_loop3A_536 = arith.index_cast %parallel_loop3A_533 : i32 to index
        %parallel_loop3A_537 = tpu.vector_load %arg10[%parallel_loop3A_535, %parallel_loop3A_536] {strides = array<i32>} : memref<2x768xf32, #tpu.memory_space<vmem>>, vector<16xf32>,
        %parallel_loop3A_538 = arith.subf %parallel_loop3A_537, %parallel_loop3A_486 : vector<16xf32>
        %parallel_loop3A_539 = arith.constant 64 : i32
        %parallel_loop3A_540 = arith.addi %parallel_loop3A_462, %parallel_loop3A_539 : i32
        %parallel_loop3A_541 = arith.constant 1 : i32
        %parallel_loop3A_542 = arith.index_cast %parallel_loop3A_541 : i32 to index
        %parallel_loop3A_543 = arith.index_cast %parallel_loop3A_540 : i32 to index
        %parallel_loop3A_544 = tpu.vector_load %arg10[%parallel_loop3A_542, %parallel_loop3A_543] {strides = array<i32>} : memref<2x768xf32, #tpu.memory_space<vmem>>, vector<16xf32>,
        %parallel_loop3A_545 = arith.subf %parallel_loop3A_544, %parallel_loop3A_492 : vector<16xf32>
        %parallel_loop3A_546 = arith.constant 80 : i32
        %parallel_loop3A_547 = arith.addi %parallel_loop3A_462, %parallel_loop3A_546 : i32
        %parallel_loop3A_548 = arith.constant 1 : i32
        %parallel_loop3A_549 = arith.index_cast %parallel_loop3A_548 : i32 to index
        %parallel_loop3A_550 = arith.index_cast %parallel_loop3A_547 : i32 to index
        %parallel_loop3A_551 = tpu.vector_load %arg10[%parallel_loop3A_549, %parallel_loop3A_550] {strides = array<i32>} : memref<2x768xf32, #tpu.memory_space<vmem>>, vector<16xf32>,
        %parallel_loop3A_552 = arith.subf %parallel_loop3A_551, %parallel_loop3A_498 : vector<16xf32>
        %parallel_loop3A_553 = arith.constant 96 : i32
        %parallel_loop3A_554 = arith.addi %parallel_loop3A_462, %parallel_loop3A_553 : i32
        %parallel_loop3A_555 = arith.constant 1 : i32
        %parallel_loop3A_556 = arith.index_cast %parallel_loop3A_555 : i32 to index
        %parallel_loop3A_557 = arith.index_cast %parallel_loop3A_554 : i32 to index
        %parallel_loop3A_558 = tpu.vector_load %arg10[%parallel_loop3A_556, %parallel_loop3A_557] {strides = array<i32>} : memref<2x768xf32, #tpu.memory_space<vmem>>, vector<16xf32>,
        %parallel_loop3A_559 = arith.subf %parallel_loop3A_558, %parallel_loop3A_504 : vector<16xf32>
        %parallel_loop3A_560 = arith.constant 112 : i32
        %parallel_loop3A_561 = arith.addi %parallel_loop3A_462, %parallel_loop3A_560 : i32
        %parallel_loop3A_562 = arith.constant 1 : i32
        %parallel_loop3A_563 = arith.index_cast %parallel_loop3A_562 : i32 to index
        %parallel_loop3A_564 = arith.index_cast %parallel_loop3A_561 : i32 to index
        %parallel_loop3A_565 = tpu.vector_load %arg10[%parallel_loop3A_563, %parallel_loop3A_564] {strides = array<i32>} : memref<2x768xf32, #tpu.memory_space<vmem>>, vector<16xf32>,
        %parallel_loop3A_566 = arith.subf %parallel_loop3A_565, %parallel_loop3A_510 : vector<16xf32>
        %parallel_loop3A_567 = arith.constant 0 : i32
        %parallel_loop3A_568 = arith.constant 16 : i32
        %parallel_loop3A_569 = arith.constant 1 : i32
        scf.for %parallel_loop3A_570 = %parallel_loop3A_567 to %parallel_loop3A_568 step %parallel_loop3A_569  : i32 {
          %parallel_loop3A_571 = arith.addi %add3A_442, %parallel_loop3A_570 : i32
          %parallel_loop3A_572 = vector.broadcast %parallel_loop3A_571 : i32 to vector<16xi32>
          %parallel_loop3A_573 = tpu.vector_load_idx %arg8[%parallel_loop3A_572] : memref<2048xi32, #tpu.memory_space<vmem>>[vector<16xi32>], vector<16xi32>,
          %parallel_loop3A_574 = arith.sitofp %parallel_loop3A_573 : vector<16xi32> to vector<16xf32>
          %parallel_loop3A_575 = arith.mulf %parallel_loop3A_574, %parallel_loop3A_517 : vector<16xf32>
          %parallel_loop3A_576 = arith.addf %parallel_loop3A_468, %parallel_loop3A_575 : vector<16xf32>
          %parallel_loop3A_577 = arith.mulf %parallel_loop3A_574, %parallel_loop3A_524 : vector<16xf32>
          %parallel_loop3A_578 = arith.addf %parallel_loop3A_474, %parallel_loop3A_577 : vector<16xf32>
          %parallel_loop3A_579 = arith.mulf %parallel_loop3A_574, %parallel_loop3A_531 : vector<16xf32>
          %parallel_loop3A_580 = arith.addf %parallel_loop3A_480, %parallel_loop3A_579 : vector<16xf32>
          %parallel_loop3A_581 = arith.mulf %parallel_loop3A_574, %parallel_loop3A_538 : vector<16xf32>
          %parallel_loop3A_582 = arith.addf %parallel_loop3A_486, %parallel_loop3A_581 : vector<16xf32>
          %parallel_loop3A_583 = arith.mulf %parallel_loop3A_574, %parallel_loop3A_545 : vector<16xf32>
          %parallel_loop3A_584 = arith.addf %parallel_loop3A_492, %parallel_loop3A_583 : vector<16xf32>
          %parallel_loop3A_585 = arith.mulf %parallel_loop3A_574, %parallel_loop3A_552 : vector<16xf32>
          %parallel_loop3A_586 = arith.addf %parallel_loop3A_498, %parallel_loop3A_585 : vector<16xf32>
          %parallel_loop3A_587 = arith.mulf %parallel_loop3A_574, %parallel_loop3A_559 : vector<16xf32>
          %parallel_loop3A_588 = arith.addf %parallel_loop3A_504, %parallel_loop3A_587 : vector<16xf32>
          %parallel_loop3A_589 = arith.mulf %parallel_loop3A_574, %parallel_loop3A_566 : vector<16xf32>
          %parallel_loop3A_590 = arith.addf %parallel_loop3A_510, %parallel_loop3A_589 : vector<16xf32>
          %parallel_loop3A_591 = arith.constant 0 : i32
          %parallel_loop3A_592 = arith.addi %parallel_loop3A_462, %parallel_loop3A_591 : i32
          %parallel_loop3A_593 = arith.constant 0 : i32
          %parallel_loop3A_594 = arith.addi %parallel_loop3A_462, %parallel_loop3A_593 : i32
          %parallel_loop3A_595 = arith.index_cast %parallel_loop3A_570 : i32 to index
          %parallel_loop3A_596 = arith.index_cast %parallel_loop3A_594 : i32 to index
          %parallel_loop3A_597 = tpu.vector_load %arg9[%parallel_loop3A_595, %parallel_loop3A_596] {strides = array<i32>} : memref<16x768xf32, #tpu.memory_space<vmem>>, vector<16xf32>,
          %parallel_loop3A_598 = arith.addf %parallel_loop3A_597, %parallel_loop3A_576 : vector<16xf32>
          %parallel_loop3A_599 = arith.constant 0 : i32
          %parallel_loop3A_600 = arith.addi %parallel_loop3A_599, %parallel_loop3A_570 : i32
          %parallel_loop3A_601 = arith.index_cast %parallel_loop3A_600 : i32 to index
          %parallel_loop3A_602 = arith.index_cast %parallel_loop3A_592 : i32 to index
          %parallel_loop3A_603 = tpu.vector_load %arg18[%parallel_loop3A_601, %parallel_loop3A_602] {strides = array<i32>} : memref<16x768xf32, #tpu.memory_space<vmem>>, vector<16xf32>,
          tpu.vector_store %arg18[%parallel_loop3A_601, %parallel_loop3A_602], %parallel_loop3A_598 {add = true, strides = array<i32>} : memref<16x768xf32, #tpu.memory_space<vmem>>, vector<16xf32>,
          %parallel_loop3A_604 = arith.constant 16 : i32
          %parallel_loop3A_605 = arith.addi %parallel_loop3A_462, %parallel_loop3A_604 : i32
          %parallel_loop3A_606 = arith.constant 16 : i32
          %parallel_loop3A_607 = arith.addi %parallel_loop3A_462, %parallel_loop3A_606 : i32
          %parallel_loop3A_608 = arith.index_cast %parallel_loop3A_570 : i32 to index
          %parallel_loop3A_609 = arith.index_cast %parallel_loop3A_607 : i32 to index
          %parallel_loop3A_610 = tpu.vector_load %arg9[%parallel_loop3A_608, %parallel_loop3A_609] {strides = array<i32>} : memref<16x768xf32, #tpu.memory_space<vmem>>, vector<16xf32>,
          %parallel_loop3A_611 = arith.addf %parallel_loop3A_610, %parallel_loop3A_578 : vector<16xf32>
          %parallel_loop3A_612 = arith.constant 0 : i32
          %parallel_loop3A_613 = arith.addi %parallel_loop3A_612, %parallel_loop3A_570 : i32
          %parallel_loop3A_614 = arith.index_cast %parallel_loop3A_613 : i32 to index
          %parallel_loop3A_615 = arith.index_cast %parallel_loop3A_605 : i32 to index
          %parallel_loop3A_616 = tpu.vector_load %arg18[%parallel_loop3A_614, %parallel_loop3A_615] {strides = array<i32>} : memref<16x768xf32, #tpu.memory_space<vmem>>, vector<16xf32>,
          tpu.vector_store %arg18[%parallel_loop3A_614, %parallel_loop3A_615], %parallel_loop3A_611 {add = true, strides = array<i32>} : memref<16x768xf32, #tpu.memory_space<vmem>>, vector<16xf32>,
          %parallel_loop3A_617 = arith.constant 32 : i32
          %parallel_loop3A_618 = arith.addi %parallel_loop3A_462, %parallel_loop3A_617 : i32
          %parallel_loop3A_619 = arith.constant 32 : i32
          %parallel_loop3A_620 = arith.addi %parallel_loop3A_462, %parallel_loop3A_619 : i32
          %parallel_loop3A_621 = arith.index_cast %parallel_loop3A_570 : i32 to index
          %parallel_loop3A_622 = arith.index_cast %parallel_loop3A_620 : i32 to index
          %parallel_loop3A_623 = tpu.vector_load %arg9[%parallel_loop3A_621, %parallel_loop3A_622] {strides = array<i32>} : memref<16x768xf32, #tpu.memory_space<vmem>>, vector<16xf32>,
          %parallel_loop3A_624 = arith.addf %parallel_loop3A_623, %parallel_loop3A_580 : vector<16xf32>
          %parallel_loop3A_625 = arith.constant 0 : i32
          %parallel_loop3A_626 = arith.addi %parallel_loop3A_625, %parallel_loop3A_570 : i32
          %parallel_loop3A_627 = arith.index_cast %parallel_loop3A_626 : i32 to index
          %parallel_loop3A_628 = arith.index_cast %parallel_loop3A_618 : i32 to index
          %parallel_loop3A_629 = tpu.vector_load %arg18[%parallel_loop3A_627, %parallel_loop3A_628] {strides = array<i32>} : memref<16x768xf32, #tpu.memory_space<vmem>>, vector<16xf32>,
          tpu.vector_store %arg18[%parallel_loop3A_627, %parallel_loop3A_628], %parallel_loop3A_624 {add = true, strides = array<i32>} : memref<16x768xf32, #tpu.memory_space<vmem>>, vector<16xf32>,
          %parallel_loop3A_630 = arith.constant 48 : i32
          %parallel_loop3A_631 = arith.addi %parallel_loop3A_462, %parallel_loop3A_630 : i32
          %parallel_loop3A_632 = arith.constant 48 : i32
          %parallel_loop3A_633 = arith.addi %parallel_loop3A_462, %parallel_loop3A_632 : i32
          %parallel_loop3A_634 = arith.index_cast %parallel_loop3A_570 : i32 to index
          %parallel_loop3A_635 = arith.index_cast %parallel_loop3A_633 : i32 to index
          %parallel_loop3A_636 = tpu.vector_load %arg9[%parallel_loop3A_634, %parallel_loop3A_635] {strides = array<i32>} : memref<16x768xf32, #tpu.memory_space<vmem>>, vector<16xf32>,
          %parallel_loop3A_637 = arith.addf %parallel_loop3A_636, %parallel_loop3A_582 : vector<16xf32>
          %parallel_loop3A_638 = arith.constant 0 : i32
          %parallel_loop3A_639 = arith.addi %parallel_loop3A_638, %parallel_loop3A_570 : i32
          %parallel_loop3A_640 = arith.index_cast %parallel_loop3A_639 : i32 to index
          %parallel_loop3A_641 = arith.index_cast %parallel_loop3A_631 : i32 to index
          %parallel_loop3A_642 = tpu.vector_load %arg18[%parallel_loop3A_640, %parallel_loop3A_641] {strides = array<i32>} : memref<16x768xf32, #tpu.memory_space<vmem>>, vector<16xf32>,
          tpu.vector_store %arg18[%parallel_loop3A_640, %parallel_loop3A_641], %parallel_loop3A_637 {add = true, strides = array<i32>} : memref<16x768xf32, #tpu.memory_space<vmem>>, vector<16xf32>,
          %parallel_loop3A_643 = arith.constant 64 : i32
          %parallel_loop3A_644 = arith.addi %parallel_loop3A_462, %parallel_loop3A_643 : i32
          %parallel_loop3A_645 = arith.constant 64 : i32
          %parallel_loop3A_646 = arith.addi %parallel_loop3A_462, %parallel_loop3A_645 : i32
          %parallel_loop3A_647 = arith.index_cast %parallel_loop3A_570 : i32 to index
          %parallel_loop3A_648 = arith.index_cast %parallel_loop3A_646 : i32 to index
          %parallel_loop3A_649 = tpu.vector_load %arg9[%parallel_loop3A_647, %parallel_loop3A_648] {strides = array<i32>} : memref<16x768xf32, #tpu.memory_space<vmem>>, vector<16xf32>,
          %parallel_loop3A_650 = arith.addf %parallel_loop3A_649, %parallel_loop3A_584 : vector<16xf32>
          %parallel_loop3A_651 = arith.constant 0 : i32
          %parallel_loop3A_652 = arith.addi %parallel_loop3A_651, %parallel_loop3A_570 : i32
          %parallel_loop3A_653 = arith.index_cast %parallel_loop3A_652 : i32 to index
          %parallel_loop3A_654 = arith.index_cast %parallel_loop3A_644 : i32 to index
          %parallel_loop3A_655 = tpu.vector_load %arg18[%parallel_loop3A_653, %parallel_loop3A_654] {strides = array<i32>} : memref<16x768xf32, #tpu.memory_space<vmem>>, vector<16xf32>,
          tpu.vector_store %arg18[%parallel_loop3A_653, %parallel_loop3A_654], %parallel_loop3A_650 {add = true, strides = array<i32>} : memref<16x768xf32, #tpu.memory_space<vmem>>, vector<16xf32>,
          %parallel_loop3A_656 = arith.constant 80 : i32
          %parallel_loop3A_657 = arith.addi %parallel_loop3A_462, %parallel_loop3A_656 : i32
          %parallel_loop3A_658 = arith.constant 80 : i32
          %parallel_loop3A_659 = arith.addi %parallel_loop3A_462, %parallel_loop3A_658 : i32
          %parallel_loop3A_660 = arith.index_cast %parallel_loop3A_570 : i32 to index
          %parallel_loop3A_661 = arith.index_cast %parallel_loop3A_659 : i32 to index
          %parallel_loop3A_662 = tpu.vector_load %arg9[%parallel_loop3A_660, %parallel_loop3A_661] {strides = array<i32>} : memref<16x768xf32, #tpu.memory_space<vmem>>, vector<16xf32>,
          %parallel_loop3A_663 = arith.addf %parallel_loop3A_662, %parallel_loop3A_586 : vector<16xf32>
          %parallel_loop3A_664 = arith.constant 0 : i32
          %parallel_loop3A_665 = arith.addi %parallel_loop3A_664, %parallel_loop3A_570 : i32
          %parallel_loop3A_666 = arith.index_cast %parallel_loop3A_665 : i32 to index
          %parallel_loop3A_667 = arith.index_cast %parallel_loop3A_657 : i32 to index
          %parallel_loop3A_668 = tpu.vector_load %arg18[%parallel_loop3A_666, %parallel_loop3A_667] {strides = array<i32>} : memref<16x768xf32, #tpu.memory_space<vmem>>, vector<16xf32>,
          tpu.vector_store %arg18[%parallel_loop3A_666, %parallel_loop3A_667], %parallel_loop3A_663 {add = true, strides = array<i32>} : memref<16x768xf32, #tpu.memory_space<vmem>>, vector<16xf32>,
          %parallel_loop3A_669 = arith.constant 96 : i32
          %parallel_loop3A_670 = arith.addi %parallel_loop3A_462, %parallel_loop3A_669 : i32
          %parallel_loop3A_671 = arith.constant 96 : i32
          %parallel_loop3A_672 = arith.addi %parallel_loop3A_462, %parallel_loop3A_671 : i32
          %parallel_loop3A_673 = arith.index_cast %parallel_loop3A_570 : i32 to index
          %parallel_loop3A_674 = arith.index_cast %parallel_loop3A_672 : i32 to index
          %parallel_loop3A_675 = tpu.vector_load %arg9[%parallel_loop3A_673, %parallel_loop3A_674] {strides = array<i32>} : memref<16x768xf32, #tpu.memory_space<vmem>>, vector<16xf32>,
          %parallel_loop3A_676 = arith.addf %parallel_loop3A_675, %parallel_loop3A_588 : vector<16xf32>
          %parallel_loop3A_677 = arith.constant 0 : i32
          %parallel_loop3A_678 = arith.addi %parallel_loop3A_677, %parallel_loop3A_570 : i32
          %parallel_loop3A_679 = arith.index_cast %parallel_loop3A_678 : i32 to index
          %parallel_loop3A_680 = arith.index_cast %parallel_loop3A_670 : i32 to index
          %parallel_loop3A_681 = tpu.vector_load %arg18[%parallel_loop3A_679, %parallel_loop3A_680] {strides = array<i32>} : memref<16x768xf32, #tpu.memory_space<vmem>>, vector<16xf32>,
          tpu.vector_store %arg18[%parallel_loop3A_679, %parallel_loop3A_680], %parallel_loop3A_676 {add = true, strides = array<i32>} : memref<16x768xf32, #tpu.memory_space<vmem>>, vector<16xf32>,
          %parallel_loop3A_682 = arith.constant 112 : i32
          %parallel_loop3A_683 = arith.addi %parallel_loop3A_462, %parallel_loop3A_682 : i32
          %parallel_loop3A_684 = arith.constant 112 : i32
          %parallel_loop3A_685 = arith.addi %parallel_loop3A_462, %parallel_loop3A_684 : i32
          %parallel_loop3A_686 = arith.index_cast %parallel_loop3A_570 : i32 to index
          %parallel_loop3A_687 = arith.index_cast %parallel_loop3A_685 : i32 to index
          %parallel_loop3A_688 = tpu.vector_load %arg9[%parallel_loop3A_686, %parallel_loop3A_687] {strides = array<i32>} : memref<16x768xf32, #tpu.memory_space<vmem>>, vector<16xf32>,
          %parallel_loop3A_689 = arith.addf %parallel_loop3A_688, %parallel_loop3A_590 : vector<16xf32>
          %parallel_loop3A_690 = arith.constant 0 : i32
          %parallel_loop3A_691 = arith.addi %parallel_loop3A_690, %parallel_loop3A_570 : i32
          %parallel_loop3A_692 = arith.index_cast %parallel_loop3A_691 : i32 to index
          %parallel_loop3A_693 = arith.index_cast %parallel_loop3A_683 : i32 to index
          %parallel_loop3A_694 = tpu.vector_load %arg18[%parallel_loop3A_692, %parallel_loop3A_693] {strides = array<i32>} : memref<16x768xf32, #tpu.memory_space<vmem>>, vector<16xf32>,
          tpu.vector_store %arg18[%parallel_loop3A_692, %parallel_loop3A_693], %parallel_loop3A_689 {add = true, strides = array<i32>} : memref<16x768xf32, #tpu.memory_space<vmem>>, vector<16xf32>,
        } {sc.loop_unroll_factor = 1 : i64, sc.parallel_access}
      } {sc.loop_unroll_factor = 1 : i64, sc.parallel_access}
      %mul3A_446 = arith.constant 1 : i32
      %mul3A_447 = arith.muli %add3A_425, %mul3A_446 : i32
      %add3A_448 = arith.constant 0 : i32
      %add3A_449 = arith.addi %mul3A_447, %add3A_448 : i32
      %dma_start3A_450 = arith.constant 0 : i32
      %dma_start3A_451 = arith.constant 0 : i32
      %dma_start3A_452 = tpu.memref_slice %arg18[%dma_start3A_450, %dma_start3A_451] : memref<16x768xf32, #tpu.memory_space<vmem>> -> memref<16x768xf32, #tpu.memory_space<vmem>>
      %dma_start3A_453 = arith.constant 0 : i32
      %dma_start3A_454 = tpu.memref_slice %arg6[%add3A_449, %mul3A_2, %dma_start3A_453] : memref<128x512x768xf32, #tpu.memory_space<hbm>> -> memref<1x16x768xf32, #tpu.memory_space<hbm>>
      %dma_start3A_455 = tpu.memref_squeeze %dma_start3A_454 : memref<1x16x768xf32, #tpu.memory_space<hbm>> -> memref<16x768xf32, #tpu.memory_space<hbm>>
      %dma_start3A_456 = arith.constant 0 : i32
      %dma_start3A_457 = tpu.memref_slice %arg6[%add3A_449, %mul3A_2, %dma_start3A_456] : memref<128x512x768xf32, #tpu.memory_space<hbm>> -> memref<1x16x768xf32, #tpu.memory_space<hbm>>
      %dma_start3A_458 = tpu.memref_squeeze %dma_start3A_457 : memref<1x16x768xf32, #tpu.memory_space<hbm>> -> memref<16x768xf32, #tpu.memory_space<hbm>>
      %dma_start3A_459 = arith.constant 0 : i32
      %dma_start3A_460 = arith.constant 0 : i32
      %dma_start3A_461 = tpu.memref_slice %arg18[%dma_start3A_459, %dma_start3A_460] : memref<16x768xf32, #tpu.memory_space<vmem>> -> memref<16x768xf32, #tpu.memory_space<vmem>>
      tpu.enqueue_dma source(%dma_start3A_461 : memref<16x768xf32, #tpu.memory_space<vmem>>) target(%dma_start3A_458 : memref<16x768xf32, #tpu.memory_space<hbm>>) target_semaphore(%arg34 : memref<!tpu.dma_semaphore, #tpu.memory_space<semaphore_mem>>)
    }
    %scan3A_41 = arith.constant 16 : i32
    %dma_wait3A = arith.constant 120 : i32
    %dma_wait3A_42 = arith.constant 0 : i32
    %dma_wait3A_43 = arith.constant 0 : i32
    %dma_wait3A_44 = tpu.memref_slice %arg11[%dma_wait3A_42, %dma_wait3A_43] : memref<16x768xf32, #tpu.memory_space<vmem>> -> memref<16x768xf32, #tpu.memory_space<vmem>>
    %dma_wait3A_45 = arith.constant 0 : i32
    %dma_wait3A_46 = tpu.memref_slice %arg6[%dma_wait3A, %mul3A_2, %dma_wait3A_45] : memref<128x512x768xf32, #tpu.memory_space<hbm>> -> memref<1x16x768xf32, #tpu.memory_space<hbm>>
    %dma_wait3A_47 = tpu.memref_squeeze %dma_wait3A_46 : memref<1x16x768xf32, #tpu.memory_space<hbm>> -> memref<16x768xf32, #tpu.memory_space<hbm>>
    %dma_wait3A_48 = arith.constant 0 : i32
    %dma_wait3A_49 = tpu.memref_slice %arg6[%dma_wait3A, %mul3A_2, %dma_wait3A_48] : memref<128x512x768xf32, #tpu.memory_space<hbm>> -> memref<1x16x768xf32, #tpu.memory_space<hbm>>
    %dma_wait3A_50 = tpu.memref_squeeze %dma_wait3A_49 : memref<1x16x768xf32, #tpu.memory_space<hbm>> -> memref<16x768xf32, #tpu.memory_space<hbm>>
    %dma_wait3A_51 = arith.constant 0 : i32
    %dma_wait3A_52 = arith.constant 0 : i32
    %dma_wait3A_53 = tpu.memref_slice %arg11[%dma_wait3A_51, %dma_wait3A_52] : memref<16x768xf32, #tpu.memory_space<vmem>> -> memref<16x768xf32, #tpu.memory_space<vmem>>
    tpu.wait_dma2 semaphore(%arg27 : memref<!tpu.dma_semaphore, #tpu.memory_space<semaphore_mem>>) src(%dma_wait3A_53 : memref<16x768xf32, #tpu.memory_space<vmem>>) dst(%dma_wait3A_50 : memref<16x768xf32, #tpu.memory_space<hbm>>)
    %dma_wait3A_54 = arith.constant 121 : i32
    %dma_wait3A_55 = arith.constant 0 : i32
    %dma_wait3A_56 = arith.constant 0 : i32
    %dma_wait3A_57 = tpu.memref_slice %arg12[%dma_wait3A_55, %dma_wait3A_56] : memref<16x768xf32, #tpu.memory_space<vmem>> -> memref<16x768xf32, #tpu.memory_space<vmem>>
    %dma_wait3A_58 = arith.constant 0 : i32
    %dma_wait3A_59 = tpu.memref_slice %arg6[%dma_wait3A_54, %mul3A_2, %dma_wait3A_58] : memref<128x512x768xf32, #tpu.memory_space<hbm>> -> memref<1x16x768xf32, #tpu.memory_space<hbm>>
    %dma_wait3A_60 = tpu.memref_squeeze %dma_wait3A_59 : memref<1x16x768xf32, #tpu.memory_space<hbm>> -> memref<16x768xf32, #tpu.memory_space<hbm>>
    %dma_wait3A_61 = arith.constant 0 : i32
    %dma_wait3A_62 = tpu.memref_slice %arg6[%dma_wait3A_54, %mul3A_2, %dma_wait3A_61] : memref<128x512x768xf32, #tpu.memory_space<hbm>> -> memref<1x16x768xf32, #tpu.memory_space<hbm>>
    %dma_wait3A_63 = tpu.memref_squeeze %dma_wait3A_62 : memref<1x16x768xf32, #tpu.memory_space<hbm>> -> memref<16x768xf32, #tpu.memory_space<hbm>>
    %dma_wait3A_64 = arith.constant 0 : i32
    %dma_wait3A_65 = arith.constant 0 : i32
    %dma_wait3A_66 = tpu.memref_slice %arg12[%dma_wait3A_64, %dma_wait3A_65] : memref<16x768xf32, #tpu.memory_space<vmem>> -> memref<16x768xf32, #tpu.memory_space<vmem>>
    tpu.wait_dma2 semaphore(%arg28 : memref<!tpu.dma_semaphore, #tpu.memory_space<semaphore_mem>>) src(%dma_wait3A_66 : memref<16x768xf32, #tpu.memory_space<vmem>>) dst(%dma_wait3A_63 : memref<16x768xf32, #tpu.memory_space<hbm>>)
    %dma_wait3A_67 = arith.constant 122 : i32
    %dma_wait3A_68 = arith.constant 0 : i32
    %dma_wait3A_69 = arith.constant 0 : i32
    %dma_wait3A_70 = tpu.memref_slice %arg13[%dma_wait3A_68, %dma_wait3A_69] : memref<16x768xf32, #tpu.memory_space<vmem>> -> memref<16x768xf32, #tpu.memory_space<vmem>>
    %dma_wait3A_71 = arith.constant 0 : i32
    %dma_wait3A_72 = tpu.memref_slice %arg6[%dma_wait3A_67, %mul3A_2, %dma_wait3A_71] : memref<128x512x768xf32, #tpu.memory_space<hbm>> -> memref<1x16x768xf32, #tpu.memory_space<hbm>>
    %dma_wait3A_73 = tpu.memref_squeeze %dma_wait3A_72 : memref<1x16x768xf32, #tpu.memory_space<hbm>> -> memref<16x768xf32, #tpu.memory_space<hbm>>
    %dma_wait3A_74 = arith.constant 0 : i32
    %dma_wait3A_75 = tpu.memref_slice %arg6[%dma_wait3A_67, %mul3A_2, %dma_wait3A_74] : memref<128x512x768xf32, #tpu.memory_space<hbm>> -> memref<1x16x768xf32, #tpu.memory_space<hbm>>
    %dma_wait3A_76 = tpu.memref_squeeze %dma_wait3A_75 : memref<1x16x768xf32, #tpu.memory_space<hbm>> -> memref<16x768xf32, #tpu.memory_space<hbm>>
    %dma_wait3A_77 = arith.constant 0 : i32
    %dma_wait3A_78 = arith.constant 0 : i32
    %dma_wait3A_79 = tpu.memref_slice %arg13[%dma_wait3A_77, %dma_wait3A_78] : memref<16x768xf32, #tpu.memory_space<vmem>> -> memref<16x768xf32, #tpu.memory_space<vmem>>
    tpu.wait_dma2 semaphore(%arg29 : memref<!tpu.dma_semaphore, #tpu.memory_space<semaphore_mem>>) src(%dma_wait3A_79 : memref<16x768xf32, #tpu.memory_space<vmem>>) dst(%dma_wait3A_76 : memref<16x768xf32, #tpu.memory_space<hbm>>)
    %dma_wait3A_80 = arith.constant 123 : i32
    %dma_wait3A_81 = arith.constant 0 : i32
    %dma_wait3A_82 = arith.constant 0 : i32
    %dma_wait3A_83 = tpu.memref_slice %arg14[%dma_wait3A_81, %dma_wait3A_82] : memref<16x768xf32, #tpu.memory_space<vmem>> -> memref<16x768xf32, #tpu.memory_space<vmem>>
    %dma_wait3A_84 = arith.constant 0 : i32
    %dma_wait3A_85 = tpu.memref_slice %arg6[%dma_wait3A_80, %mul3A_2, %dma_wait3A_84] : memref<128x512x768xf32, #tpu.memory_space<hbm>> -> memref<1x16x768xf32, #tpu.memory_space<hbm>>
    %dma_wait3A_86 = tpu.memref_squeeze %dma_wait3A_85 : memref<1x16x768xf32, #tpu.memory_space<hbm>> -> memref<16x768xf32, #tpu.memory_space<hbm>>
    %dma_wait3A_87 = arith.constant 0 : i32
    %dma_wait3A_88 = tpu.memref_slice %arg6[%dma_wait3A_80, %mul3A_2, %dma_wait3A_87] : memref<128x512x768xf32, #tpu.memory_space<hbm>> -> memref<1x16x768xf32, #tpu.memory_space<hbm>>
    %dma_wait3A_89 = tpu.memref_squeeze %dma_wait3A_88 : memref<1x16x768xf32, #tpu.memory_space<hbm>> -> memref<16x768xf32, #tpu.memory_space<hbm>>
    %dma_wait3A_90 = arith.constant 0 : i32
    %dma_wait3A_91 = arith.constant 0 : i32
    %dma_wait3A_92 = tpu.memref_slice %arg14[%dma_wait3A_90, %dma_wait3A_91] : memref<16x768xf32, #tpu.memory_space<vmem>> -> memref<16x768xf32, #tpu.memory_space<vmem>>
    tpu.wait_dma2 semaphore(%arg30 : memref<!tpu.dma_semaphore, #tpu.memory_space<semaphore_mem>>) src(%dma_wait3A_92 : memref<16x768xf32, #tpu.memory_space<vmem>>) dst(%dma_wait3A_89 : memref<16x768xf32, #tpu.memory_space<hbm>>)
    %dma_wait3A_93 = arith.constant 124 : i32
    %dma_wait3A_94 = arith.constant 0 : i32
    %dma_wait3A_95 = arith.constant 0 : i32
    %dma_wait3A_96 = tpu.memref_slice %arg15[%dma_wait3A_94, %dma_wait3A_95] : memref<16x768xf32, #tpu.memory_space<vmem>> -> memref<16x768xf32, #tpu.memory_space<vmem>>
    %dma_wait3A_97 = arith.constant 0 : i32
    %dma_wait3A_98 = tpu.memref_slice %arg6[%dma_wait3A_93, %mul3A_2, %dma_wait3A_97] : memref<128x512x768xf32, #tpu.memory_space<hbm>> -> memref<1x16x768xf32, #tpu.memory_space<hbm>>
    %dma_wait3A_99 = tpu.memref_squeeze %dma_wait3A_98 : memref<1x16x768xf32, #tpu.memory_space<hbm>> -> memref<16x768xf32, #tpu.memory_space<hbm>>
    %dma_wait3A_100 = arith.constant 0 : i32
    %dma_wait3A_101 = tpu.memref_slice %arg6[%dma_wait3A_93, %mul3A_2, %dma_wait3A_100] : memref<128x512x768xf32, #tpu.memory_space<hbm>> -> memref<1x16x768xf32, #tpu.memory_space<hbm>>
    %dma_wait3A_102 = tpu.memref_squeeze %dma_wait3A_101 : memref<1x16x768xf32, #tpu.memory_space<hbm>> -> memref<16x768xf32, #tpu.memory_space<hbm>>
    %dma_wait3A_103 = arith.constant 0 : i32
    %dma_wait3A_104 = arith.constant 0 : i32
    %dma_wait3A_105 = tpu.memref_slice %arg15[%dma_wait3A_103, %dma_wait3A_104] : memref<16x768xf32, #tpu.memory_space<vmem>> -> memref<16x768xf32, #tpu.memory_space<vmem>>
    tpu.wait_dma2 semaphore(%arg31 : memref<!tpu.dma_semaphore, #tpu.memory_space<semaphore_mem>>) src(%dma_wait3A_105 : memref<16x768xf32, #tpu.memory_space<vmem>>) dst(%dma_wait3A_102 : memref<16x768xf32, #tpu.memory_space<hbm>>)
    %dma_wait3A_106 = arith.constant 125 : i32
    %dma_wait3A_107 = arith.constant 0 : i32
    %dma_wait3A_108 = arith.constant 0 : i32
    %dma_wait3A_109 = tpu.memref_slice %arg16[%dma_wait3A_107, %dma_wait3A_108] : memref<16x768xf32, #tpu.memory_space<vmem>> -> memref<16x768xf32, #tpu.memory_space<vmem>>
    %dma_wait3A_110 = arith.constant 0 : i32
    %dma_wait3A_111 = tpu.memref_slice %arg6[%dma_wait3A_106, %mul3A_2, %dma_wait3A_110] : memref<128x512x768xf32, #tpu.memory_space<hbm>> -> memref<1x16x768xf32, #tpu.memory_space<hbm>>
    %dma_wait3A_112 = tpu.memref_squeeze %dma_wait3A_111 : memref<1x16x768xf32, #tpu.memory_space<hbm>> -> memref<16x768xf32, #tpu.memory_space<hbm>>
    %dma_wait3A_113 = arith.constant 0 : i32
    %dma_wait3A_114 = tpu.memref_slice %arg6[%dma_wait3A_106, %mul3A_2, %dma_wait3A_113] : memref<128x512x768xf32, #tpu.memory_space<hbm>> -> memref<1x16x768xf32, #tpu.memory_space<hbm>>
    %dma_wait3A_115 = tpu.memref_squeeze %dma_wait3A_114 : memref<1x16x768xf32, #tpu.memory_space<hbm>> -> memref<16x768xf32, #tpu.memory_space<hbm>>
    %dma_wait3A_116 = arith.constant 0 : i32
    %dma_wait3A_117 = arith.constant 0 : i32
    %dma_wait3A_118 = tpu.memref_slice %arg16[%dma_wait3A_116, %dma_wait3A_117] : memref<16x768xf32, #tpu.memory_space<vmem>> -> memref<16x768xf32, #tpu.memory_space<vmem>>
    tpu.wait_dma2 semaphore(%arg32 : memref<!tpu.dma_semaphore, #tpu.memory_space<semaphore_mem>>) src(%dma_wait3A_118 : memref<16x768xf32, #tpu.memory_space<vmem>>) dst(%dma_wait3A_115 : memref<16x768xf32, #tpu.memory_space<hbm>>)
    %dma_wait3A_119 = arith.constant 126 : i32
    %dma_wait3A_120 = arith.constant 0 : i32
    %dma_wait3A_121 = arith.constant 0 : i32
    %dma_wait3A_122 = tpu.memref_slice %arg17[%dma_wait3A_120, %dma_wait3A_121] : memref<16x768xf32, #tpu.memory_space<vmem>> -> memref<16x768xf32, #tpu.memory_space<vmem>>
    %dma_wait3A_123 = arith.constant 0 : i32
    %dma_wait3A_124 = tpu.memref_slice %arg6[%dma_wait3A_119, %mul3A_2, %dma_wait3A_123] : memref<128x512x768xf32, #tpu.memory_space<hbm>> -> memref<1x16x768xf32, #tpu.memory_space<hbm>>
    %dma_wait3A_125 = tpu.memref_squeeze %dma_wait3A_124 : memref<1x16x768xf32, #tpu.memory_space<hbm>> -> memref<16x768xf32, #tpu.memory_space<hbm>>
    %dma_wait3A_126 = arith.constant 0 : i32
    %dma_wait3A_127 = tpu.memref_slice %arg6[%dma_wait3A_119, %mul3A_2, %dma_wait3A_126] : memref<128x512x768xf32, #tpu.memory_space<hbm>> -> memref<1x16x768xf32, #tpu.memory_space<hbm>>
    %dma_wait3A_128 = tpu.memref_squeeze %dma_wait3A_127 : memref<1x16x768xf32, #tpu.memory_space<hbm>> -> memref<16x768xf32, #tpu.memory_space<hbm>>
    %dma_wait3A_129 = arith.constant 0 : i32
    %dma_wait3A_130 = arith.constant 0 : i32
    %dma_wait3A_131 = tpu.memref_slice %arg17[%dma_wait3A_129, %dma_wait3A_130] : memref<16x768xf32, #tpu.memory_space<vmem>> -> memref<16x768xf32, #tpu.memory_space<vmem>>
    tpu.wait_dma2 semaphore(%arg33 : memref<!tpu.dma_semaphore, #tpu.memory_space<semaphore_mem>>) src(%dma_wait3A_131 : memref<16x768xf32, #tpu.memory_space<vmem>>) dst(%dma_wait3A_128 : memref<16x768xf32, #tpu.memory_space<hbm>>)
    %dma_wait3A_132 = arith.constant 127 : i32
    %dma_wait3A_133 = arith.constant 0 : i32
    %dma_wait3A_134 = arith.constant 0 : i32
    %dma_wait3A_135 = tpu.memref_slice %arg18[%dma_wait3A_133, %dma_wait3A_134] : memref<16x768xf32, #tpu.memory_space<vmem>> -> memref<16x768xf32, #tpu.memory_space<vmem>>
    %dma_wait3A_136 = arith.constant 0 : i32
    %dma_wait3A_137 = tpu.memref_slice %arg6[%dma_wait3A_132, %mul3A_2, %dma_wait3A_136] : memref<128x512x768xf32, #tpu.memory_space<hbm>> -> memref<1x16x768xf32, #tpu.memory_space<hbm>>
    %dma_wait3A_138 = tpu.memref_squeeze %dma_wait3A_137 : memref<1x16x768xf32, #tpu.memory_space<hbm>> -> memref<16x768xf32, #tpu.memory_space<hbm>>
    %dma_wait3A_139 = arith.constant 0 : i32
    %dma_wait3A_140 = tpu.memref_slice %arg6[%dma_wait3A_132, %mul3A_2, %dma_wait3A_139] : memref<128x512x768xf32, #tpu.memory_space<hbm>> -> memref<1x16x768xf32, #tpu.memory_space<hbm>>
    %dma_wait3A_141 = tpu.memref_squeeze %dma_wait3A_140 : memref<1x16x768xf32, #tpu.memory_space<hbm>> -> memref<16x768xf32, #tpu.memory_space<hbm>>
    %dma_wait3A_142 = arith.constant 0 : i32
    %dma_wait3A_143 = arith.constant 0 : i32
    %dma_wait3A_144 = tpu.memref_slice %arg18[%dma_wait3A_142, %dma_wait3A_143] : memref<16x768xf32, #tpu.memory_space<vmem>> -> memref<16x768xf32, #tpu.memory_space<vmem>>
    tpu.wait_dma2 semaphore(%arg34 : memref<!tpu.dma_semaphore, #tpu.memory_space<semaphore_mem>>) src(%dma_wait3A_144 : memref<16x768xf32, #tpu.memory_space<vmem>>) dst(%dma_wait3A_141 : memref<16x768xf32, #tpu.memory_space<hbm>>)
    return
  }
}

</mosaic_0001>

<sc_bundles>
// kernel: kernel.3.cloned.1.call-start
scs
__scs_entry_jumppad:
0x0: {  	(pc) =	sbr.rel $0x88, $3  }
0x1: {  	(tag) =	ssettag $0x0;
	lr =	simm.s32 $0x1  }
0x2: {  	[smem:$0x3F9C] =	sst lr;
	_ =	strace $0xD0000000  }
0x3: {  	_ = 	snop  }
0x4: {  	_ = 	snop  }
0x5: {  	_ = 	snop  }
0x6: {  	_ = 	snop  }
0x7: {  	_ = 	snop  }
__scs_overlays_trampoline_lowered:
0x8: {  	[smem:$0x3FAB] =	sst s0  }
0x9: {  	[smem:$0x3FAC] =	sst s1  }
0xa: {  	[smem:$0x3FAD] =	sst s2  }
0xb: {  	[smem:$0x3FAE] =	sst s3  }
0xc: {  	[smem:$0x3FAF] =	sst s4  }
0xd: {  	[smem:$0x3FB0] =	sst s5  }
0xe: {  	[smem:$0x3FB1] =	sst s6  }
0xf: {  	[smem:$0x3FB2] =	sst s7  }
0x10: {  	[smem:$0x3FB3] =	sst s8  }
0x11: {  	[smem:$0x3FB4] =	sst s9;
	s0 =	simm.s32 @!p0 $0x0  }
0x12: {  	s1 =	sld [smem:$0x3F9A];
	s0 =	simm.s32 @p0 $0x1  }
0x13: {  	[smem:$0x3FB5] =	sst s0;
	s0 =	simm.s32 @!p1 $0x0  }
0x14: {  	s2 =	sld [smem:$0x3F99];
	s0 =	simm.s32 @p1 $0x1  }
0x15: {  	[smem:$0x3FB6] =	sst s0;
	s0 =	simm.s32 @!p2 $0x0  }
0x16: {  	s3 =	sld [smem:$0x3FDB];
	s0 =	simm.s32 @p2 $0x1  }
0x17: {  	s4 =	simm.s32 $0x1BF5;
	[smem:$0x3FB8] =	sst s0  }
0x18: {  	s0 =	sld [smem:$0x3F9B];
	_ =	swait.ge [sflag:s4], $0x0  }
0x19: {  	s7 =	sld [smem:$0x3F9C]  }
0x1a: {  	s8 =	sadd.s32 $0xFFFFE003, lr  }
0x1b: {  	s9 =	sadd.s32 $0xFFFFFEF7, lr;
	s5 =	simm.s32 $0xFFFFFFFF;
	p2 =	slt.u32 s8, $0xFFFFF086  }
0x1c: {  	p1 =	slt.u32 s9, $0xF7A;
	s5 =	simm.s32 @!p2 $0x0  }
0x1d: {  	s5 =	simm.s32 @p1 $0x1;
	p0 =	seq.s32 s7, s2  }
0x1e: {  	s7 =	smul.u32 @!p0 $0xF7A, s2;
	p2 =	seq.s32 @!p0 s5, $0x0  }
0x1f: {  	s9 =	smul.u32 $0xF7A, s1;
	s8 =	simm.s32 @!p0 $0x1BF5;
	p2 =	por !p2, p0  }
0x20: {  	[sflag:s8] =	ssyncset.s32 @!p0 $0xFFFFF086;
	s6 =	sadd.s32 @!p0 s3, s7;
	s7 =	simm.s32 @!p0 $0x108  }
0x21: {  	s3 =	sadd.s32 s3, s9;
	s6 =	sadd.s32 @!p0 $0x88, s6;
	s7 =	simm.s32 @p2 $0x1082  }
0x22: {  	[simem:s7], [sflag:s8] =	dma.local @!p0 [hbm:s6], $0xF7A  }
0x23: {  	s9 =	sor.u32 $0xD0000000, s2;
	s6 =	simm.s32 $0x108;
	_ =	swait.ge @!p0 [sflag:s8], $0x0  }
0x24: {  	s3 =	sadd.s32 $0x88, s3;
	s6 =	simm.s32 @!p1 $0x1082;
	[sflag:s4] =	ssyncset.s32 $0xFFFFF086  }
0x25: {  	[simem:s6], [sflag:s4] =	dma.local [hbm:s3], $0xF7A  }
0x26: {  	[smem:$0x3F9C] =	sst s1;
	(tag) =	ssettag s2;
	_ =	strace s9  }
0x27: {  	s1 =	sld [smem:$0x3FAC]  }
0x28: {  	s2 =	sld [smem:$0x3FAD]  }
0x29: {  	s4 =	sld [smem:$0x3FAF]  }
0x2a: {  	p0 =	seq.s32 s5, $0x0;
	s5 =	sld [smem:$0x3FB0]  }
0x2b: {  	s6 =	sld [smem:$0x3FB1]  }
0x2c: {  	s7 =	sld [smem:$0x3FB2]  }
0x2d: {  	s3 =	simm.s32 $0x108;
	s8 =	sld [smem:$0x3FB3]  }
0x2e: {  	s3 =	simm.s32 @!p0 $0x1082;
	s9 =	sld [smem:$0x3FB4]  }
0x2f: {  	lr =	sadd.s32 s0, s3;
	s0 =	sld [smem:$0x3FAB]  }
0x30: {  	s3 =	sld [smem:$0x3FAE]  }
0x31: {  	[smem:$0x3FB7] =	sst s10  }
0x32: {  	s10 =	sld [smem:$0x3FB5];
	_ =	sdelay $0x3  }
0x33: {  	p0 =	seq.s32 s10, $0x1;
	s10 =	sld [smem:$0x3FB7];
	_ =	sdelay $0x3  }
0x34: {  	[smem:$0x3FB7] =	sst s10  }
0x35: {  	s10 =	sld [smem:$0x3FB6];
	_ =	sdelay $0x3  }
0x36: {  	p1 =	seq.s32 s10, $0x1;
	s10 =	sld [smem:$0x3FB7];
	_ =	sdelay $0x3  }
0x37: {  	[smem:$0x3FB7] =	sst s10  }
0x38: {  	s10 =	sld [smem:$0x3FB8]  }
0x39: {  	_ = 	snop;
	(pc) =	sbr.ind lr, $3  }
0x3a: {  	_ = 	snop  }
0x3b: {  	_ = 	snop  }
0x3c: {  	p2 =	seq.s32 s10, $0x1;
	s10 =	sld [smem:$0x3FB7]  }
0x3d: {  	_ =	shalt  }
0x3e: {  	_ =	shalt  }
0x3f: {  	_ =	shalt  }
0x40: {  	_ =	shalt  }
0x41: {  	_ =	shalt  }
0x42: {  	_ =	shalt  }
0x43: {  	_ =	shalt  }
0x44: {  	_ =	shalt  }
0x45: {  	_ =	shalt  }
0x46: {  	_ =	shalt  }
0x47: {  	_ =	shalt  }
0x48: {  	_ =	shalt  }
0x49: {  	_ =	shalt  }
0x4a: {  	_ =	shalt  }
0x4b: {  	_ =	shalt  }
0x4c: {  	_ =	shalt  }
0x4d: {  	_ =	shalt  }
0x4e: {  	_ =	shalt  }
0x4f: {  	_ =	shalt  }
0x50: {  	_ =	shalt  }
0x51: {  	_ =	shalt  }
0x52: {  	_ =	shalt  }
0x53: {  	_ =	shalt  }
0x54: {  	_ =	shalt  }
0x55: {  	_ =	shalt  }
0x56: {  	_ =	shalt  }
0x57: {  	_ =	shalt  }
0x58: {  	_ =	shalt  }
0x59: {  	_ =	shalt  }
0x5a: {  	_ =	shalt  }
0x5b: {  	_ =	shalt  }
0x5c: {  	_ =	shalt  }
0x5d: {  	_ =	shalt  }
0x5e: {  	_ =	shalt  }
0x5f: {  	_ =	shalt  }
0x60: {  	_ =	shalt  }
0x61: {  	_ =	shalt  }
0x62: {  	_ =	shalt  }
0x63: {  	_ =	shalt  }
0x64: {  	_ =	shalt  }
0x65: {  	_ =	shalt  }
0x66: {  	_ =	shalt  }
0x67: {  	_ =	shalt  }
0x68: {  	_ =	shalt  }
0x69: {  	_ =	shalt  }
0x6a: {  	_ =	shalt  }
0x6b: {  	_ =	shalt  }
0x6c: {  	_ =	shalt  }
0x6d: {  	_ =	shalt  }
0x6e: {  	_ =	shalt  }
0x6f: {  	_ =	shalt  }
0x70: {  	_ =	shalt  }
0x71: {  	_ =	shalt  }
0x72: {  	_ =	shalt  }
0x73: {  	_ =	shalt  }
0x74: {  	_ =	shalt  }
0x75: {  	_ =	shalt  }
0x76: {  	_ =	shalt  }
0x77: {  	_ =	shalt  }
0x78: {  	_ =	shalt  }
0x79: {  	_ =	shalt  }
0x7a: {  	_ =	shalt  }
0x7b: {  	_ =	shalt  }
0x7c: {  	_ =	shalt  }
0x7d: {  	_ =	shalt  }
0x7e: {  	_ =	shalt  }
0x7f: {  	_ =	shalt  }
0x80: {  	_ =	shalt  }
0x81: {  	_ =	shalt  }
0x82: {  	_ =	shalt  }
0x83: {  	_ =	shalt  }
0x84: {  	_ =	shalt  }
0x85: {  	_ =	shalt  }
0x86: {  	_ =	shalt  }
0x87: {  	_ =	shalt  }
.Lfunc_end0:
.L_simem_size_0:
called_computation_lowered:
.L_overlay_start_0:
0x88: {  	s2 =	sld [smem:$0x3FD9]  }
0x89: {  	s3 =	sld [smem:$0x3FFE];
	_ =	sdelay $0x1  }
0x8a: {  	s1 =	srdreg.scid  }
0x8b: {  	s0 =	sand.u32 $0x1, s1  }
0x8c: {  	s17 =	sshll.u32 s0, $0xA;
	s2 =	sadd.s32 s3, s2  }
0x8d: {  	s2 =	sadd.s32 s2, s17  }
0x8e: {  	[smem:$0x3FC3] =	sst s2  }
0x8f: {  	_ = 	snop  }
0x90: {  	s2 =	sld [smem:$0x3FC7]  }
0x91: {  	s18 =	sld [smem:$0x3FC6]  }
0x92: {  	s4 =	sld [smem:$0x3FC5]  }
0x93: {  	s5 =	sld [smem:$0x3FD0];
	(tm) =	ssettm $0x1  }
0x94: {  	s6 =	sld [smem:$0x3FFB];
	_ =	sdelay $0x3  }
0x95: {  	_ =	strace s6  }
0x96: {  	s6 =	sld [smem:$0x3FFC];
	_ =	sdelay $0x3  }
0x97: {  	_ =	strace s6  }
0x98: {  	s6 =	sld [smem:$0x3FFD];
	_ =	sdelay $0x3  }
0x99: {  	_ =	strace s6  }
0x9a: {  	_ =	strace $0x8FFFFFFF  }
0x9b: {  	s19 =	sld [smem:$0x3FDB];
	_ =	sdelay $0x1  }
0x9c: {  	s7 =	simm.s32 $_scs_section_size  }
0x9d: {  	s8 =	simm.s32 $_size__tile_overlayer_lowered;
	s9 =	simm.s32 $_tile_overlayer_lowered  }
0x9e: {  	s22 =	simm.s32 $0x1BFF;
	s21 =	sshll.u32 s9, $0x1;
	s6 =	sadd.s32 s7, s19  }
0x9f: {  	s10 =	simm.s32 $0x0;
	s20 =	sshll.u32 s8, $0x1;
	s8 =	sadd.s32 s21, s6  }
0xa0: {  	[timem:s10], [sflag:s22] =	dma.local [hbm:s8], s20  }
0xa1: {  	_ =	swait.ge [sflag:s22], s20  }
0xa2: {  	s7 =	ssub.s32 $0x0, s20;
	[sflag:s22] =	ssyncset.done $0x0  }
0xa3: {  	[sflag:s22] =	ssyncadd.s32 s7;
	_ =	sdelay $0x1  }
0xa4: {  	s23 =	simm.s32 $0x1B8B  }
0xa5: {  	_ =	swait.ge [sflag:s23], $0x1  }
0xa6: {  	[sflag:s23] =	ssyncset.done $0x0  }
0xa7: {  	s25 =	simm.s32 $0x1B8E;
	s24 =	sld [smem:$0x3FFE];
	[sflag:s23] =	ssyncadd.s32 $0xFFFFFFFF  }
0xa8: {  	s26 =	simm.s32 $execute0_lowered;
	[smem:$0x3FD2] =	sst s25  }
0xa9: {  	s8 =	sshll.u32 s26, $0x1;
	_ =	strace $0x80000046;
	[dreg:$0x1] =	wrdreg $0xFFFFFFFF  }
0xaa: {  	s28 =	simm.s32 $_size_execute0_lowered;
	s6 =	sadd.s32 s6, s8;
	[dreg:$0x0] =	wrdreg $0x0  }
0xab: {  	s8 =	sshll.u32 s28, $0x1;
	[dreg:$0x2] =	wrdreg s6  }
0xac: {  	[dreg:$0x3] =	wrdreg s8  }
0xad: {  	[dreg:$0x4] =	wrdreg $0xC0  }
0xae: {  	_ =	task [dreg:s10], $0x5FFFF  }
0xaf: {  	[dreg:$0x1] =	wrdreg $0xFFFFFFFF  }
0xb0: {  	[dreg:$0x0] =	wrdreg $0x60  }
0xb1: {  	[dreg:$0x2] =	wrdreg s24  }
0xb2: {  	[dreg:$0x3] =	wrdreg s2  }
0xb3: {  	[dreg:$0x4] =	wrdreg s18  }
0xb4: {  	[dreg:$0x5] =	wrdreg s4  }
0xb5: {  	[dreg:$0x6] =	wrdreg s5  }
0xb6: {  	[dreg:$0x7] =	wrdreg $0x9  }
0xb7: {  	_ =	task.clear_ibuf [dreg:s10], $0x8FFFF;
	_ =	strace $0x90000046  }
0xb8: {  	s29 =	simm.s32 $0x9;
	_ =	strace $0x80000048  }
0xb9: {  	_ =	swait.ge [sflag:s29], $0x1  }
0xba: {  	[sflag:s29] =	ssyncadd.s32 $0xFFFFFFFF  }
0xbb: {  	_ =	strace $0x90000048  }
0xbc: {  	_ =	sfence  }
0xbd: {  	s30 =	sld [smem:$0x0];
	_ =	sdelay $0x2  }
0xbe: {  	s31 =	sshll.u32 s1, $0xD;
	s1 =	sshrl.u32 s1, $0x2  }
0xbf: {  	s3 =	sand.u32 $0x4000, s31;
	s1 =	sadd.s32 s1, s30  }
0xc0: {  	s0 =	sor.u32 s3, s0;
	s1 =	sshll.u32 s1, $0x11  }
0xc1: {  	s0 =	sor.u32 s1, s0  }
0xc2: {  	s0 =	sadd.s32 $0x8F2B, s0  }
0xc3: {  	[sflag:s0] =	ssyncadd.remote.s32 $0x1  }
0xc4: {  	_ =	sfence.sel $0xFFFF  }
0xc5: {  	[dreg:$0x0] =	wrdreg $0xFFFFFFFF;
	(pc) =	sbr.abs _section_cstart, $3  }
0xc6: {  	[dreg:$0x1] =	wrdreg $0xFFFFFFFF  }
0xc7: {  	_ =	task.clear_ibuf [dreg:s10], $0x2FFFF;
	_ =	strace $0x9FFFFFFF  }
0xc8: {  	(tm) =	ssettm $0x7FFFFFFF  }
0xc9: {  	_ =	shalt  }
tec
execute0_lowered:
.L_overlay_start_1:
0x0: {  	(tag) =	ssettag $0x1  }
0x1: {  	s0 =	rddreg [dreg:$0x0]  }
0x2: {  	s1 =	rddreg [dreg:$0x1]  }
0x3: {  	s2 =	rddreg [dreg:$0x2];
	s3 =	srdreg.scid  }
0x4: {  	s5 =	stileid.u32;
	s4 =	rddreg [dreg:$0x4]  }
0x5: {  	s14 =	simm.s32 $0x800;
	s3 =	sand.u32 $0x1, s3;
	s6 =	sshll.u32 s5, $0x1  }
0x6: {  	s25 =	simm.s32 $0x13600;
	s31 =	simm.s32 $0x16600;
	s7 =	sor.u32 s3, s6  }
0x7: {  	s5 =	simm.s32 $0x0;
	s6 =	smul.u32 $0x3000, s7;
	s7 =	sshll.u32 s7, $0x8  }
0x8: {  	[smem:$0x7FF] =	sst s5;
	s3 =	ssub.s32 $0x2, s3;
	s0 =	sadd.s32 s7, s0  }
0x9: {  	_ =	strace $0x80000047;
	s8 =	sshrl.u32 s3, $0x1;
	s28 =	sadd.s32 $0x400, s0  }
0xa: {  	s3 =	ssub.s32 s3, s8;
	s0 =	sadd.s32 $0x2400, s0;
	[dreg:$0x6] =	wrdreg s28  }
0xb: {  	v2 =	vlaneseq.u32;
	s26 =	sshrl.u32 s6, $0x3;
	s30 =	smax.u32 s3, $0x1;
	[dreg:$0x7] =	wrdreg s0  }
0xc: {  	vm0 =	vmmov $0xffff;
	s10 =	sadd.s32 $0x100, s1;
	v1 =	vshrl.u32 v2, $0x3;
	s29 =	sadd.s32 s2, s26;
	[dreg:$0x9] =	wrdreg s30  }
0xd: {  	s11 =	sadd.s32 $0x200, s1;
	v0 =	vand.u32 $0x7, v2;
	v2 =	vor.u32 $0x8, v2;
	v1 =	vmul.u32 $0x8, v1;
	s3 =	simm.s32 $0x0;
	[dreg:$0x8] =	wrdreg s29  }
.LBB2_1:
0xe: {  	[dreg:$0xa] =	wrdreg s3  }
0xf: {  	s0 =	rddreg [dreg:$0x6];
	s2 =	simm.s32 $0x11  }
0x10: {  	[tilespmem:s5], [sflag:$0x11] =	stream.linear.gather [hbm4b:s0+s5], $0x800, $0x38;
	[tilespmem:$0x1C600] =	vst v63  }
0x11: {  	_ =	swait.ge [sflag:s2], $0x800  }
0x12: {  	[sflag:s2] =	ssyncset.done $0x0  }
0x13: {  	s8 =	rddreg [dreg:$0x7];
	[sflag:s2] =	ssyncadd.s32 $0xFFFFF800  }
0x14: {  	[tilespmem:s14], [sflag:$0x11] =	stream.linear.gather [hbm4b:s8+s5], $0x800, $0x38;
	[tilespmem:$0x1C600] =	vst v63  }
0x15: {  	_ =	swait.ge [sflag:s2], $0x800  }
0x16: {  	[sflag:s2] =	ssyncset.done $0x0  }
0x17: {  	s12 =	simm.s32 $0x1000;
	s9 =	rddreg [dreg:$0x8];
	[sflag:s2] =	ssyncadd.s32 $0xFFFFF800  }
0x18: {  	[tilespmem:s12], [sflag:$0x11] =	stream.linear.gather [hbm4b:s9+s5], $0x3000, $0x38;
	[tilespmem:$0x1C600] =	vst v63  }
0x19: {  	_ =	swait.ge [sflag:s2], $0x3000  }
0x1a: {  	[sflag:s2] =	ssyncset.done $0x0  }
0x1b: {  	[sflag:s2] =	ssyncadd.s32 $0xFFFFD000  }
0x1c: {  	s15 =	simm.s32 $0x4000;
	s13 =	rddreg [dreg:$0x3]  }
0x1d: {  	[tilespmem:s15], [sflag:$0x11] =	stream.linear.gather [hbm4b:s13+s5], $0x600, $0x38;
	[tilespmem:$0x1C600] =	vst v63  }
0x1e: {  	_ =	swait.ge [sflag:s2], $0x600  }
0x1f: {  	[sflag:s2] =	ssyncset.done $0x0  }
0x20: {  	[sflag:s2] =	ssyncadd.s32 $0xFFFFFA00  }
0x21: {  	v3 =	vld [tilespmem:$0x0];
	_ =	sdelay $0x4  }
0x22: {  	v4 =	vshrl.u32 v3, $0x3  }
0x23: {  	v4 =	vmul.u32 $0x30, v4  }
0x24: {  	v3 =	vand.u32 $0x7, v3  }
0x25: {  	v3 =	vor.u32 v3, v4  }
0x26: {  	v4 =	vperm.xlane v3, v0;
	_ =	sdelay $0x1  }
0x27: {  	v4 =	vadd.s32 v1, v4;
	_ =	sdelay $0x3  }
0x28: {  	s16 =	simm.s32 $0x4600;
	v3 =	vperm.xlane v3, v2  }
0x29: {  	[tilespmem:s16], [sflag:$0x1] =	stream.indirect_vreg.gather [hbm4b:s1+s5], $0x80, v4, vm0, $0xb8;
	[tilespmem:$0x1C600] =	vst v63  }
0x2a: {  	s17 =	simm.s32 $0x4E00;
	v3 =	vadd.s32 v1, v3  }
0x2b: {  	[tilespmem:s17], [sflag:$0x1] =	stream.indirect_vreg.gather [hbm4b:s10+s5], $0x80, v4, vm0, $0xb8;
	[tilespmem:$0x1C600] =	vst v63  }
0x2c: {  	s18 =	simm.s32 $0x5600  }
0x2d: {  	[tilespmem:s18], [sflag:$0x1] =	stream.indirect_vreg.gather [hbm4b:s11+s5], $0x80, v4, vm0, $0xb8;
	[tilespmem:$0x1C600] =	vst v63  }
0x2e: {  	s19 =	simm.s32 $0x5E00  }
0x2f: {  	[tilespmem:s19], [sflag:$0x1] =	stream.indirect_vreg.gather [hbm4b:s1+s5], $0x80, v3, vm0, $0xb8;
	[tilespmem:$0x1C600] =	vst v63  }
0x30: {  	s20 =	simm.s32 $0x6600  }
0x31: {  	[tilespmem:s20], [sflag:$0x1] =	stream.indirect_vreg.gather [hbm4b:s10+s5], $0x80, v3, vm0, $0xb8;
	[tilespmem:$0x1C600] =	vst v63  }
0x32: {  	s21 =	simm.s32 $0x6E00  }
0x33: {  	[tilespmem:s21], [sflag:$0x1] =	stream.indirect_vreg.gather [hbm4b:s11+s5], $0x80, v3, vm0, $0xb8;
	[tilespmem:$0x1C600] =	vst v63  }
0x34: {  	v3 =	vld [tilespmem:$0x10];
	_ =	sdelay $0x4  }
0x35: {  	v60 =	vshrl.u32 v3, $0x3  }
0x36: {  	v4 =	vmul.u32 $0x30, v60  }
0x37: {  	v3 =	vand.u32 $0x7, v3  }
0x38: {  	v3 =	vor.u32 v3, v4  }
0x39: {  	v4 =	vperm.xlane v3, v0;
	_ =	sdelay $0x1  }
0x3a: {  	v4 =	vadd.s32 v1, v4;
	_ =	sdelay $0x3  }
0x3b: {  	s22 =	simm.s32 $0x7600;
	v3 =	vperm.xlane v3, v2  }
0x3c: {  	[tilespmem:s22], [sflag:$0x2] =	stream.indirect_vreg.gather [hbm4b:s1+s5], $0x80, v4, vm0, $0xb8;
	[tilespmem:$0x1C600] =	vst v63  }
0x3d: {  	s23 =	simm.s32 $0x7E00;
	v3 =	vadd.s32 v1, v3  }
0x3e: {  	[tilespmem:s23], [sflag:$0x2] =	stream.indirect_vreg.gather [hbm4b:s10+s5], $0x80, v4, vm0, $0xb8;
	[tilespmem:$0x1C600] =	vst v63  }
0x3f: {  	s24 =	simm.s32 $0x8600  }
0x40: {  	[tilespmem:s24], [sflag:$0x2] =	stream.indirect_vreg.gather [hbm4b:s11+s5], $0x80, v4, vm0, $0xb8;
	[tilespmem:$0x1C600] =	vst v63  }
0x41: {  	s26 =	simm.s32 $0x8E00  }
0x42: {  	[tilespmem:s26], [sflag:$0x2] =	stream.indirect_vreg.gather [hbm4b:s1+s5], $0x80, v3, vm0, $0xb8;
	[tilespmem:$0x1C600] =	vst v63  }
0x43: {  	s30 =	simm.s32 $0x9600  }
0x44: {  	[tilespmem:s30], [sflag:$0x2] =	stream.indirect_vreg.gather [hbm4b:s10+s5], $0x80, v3, vm0, $0xb8;
	[tilespmem:$0x1C600] =	vst v63  }
0x45: {  	s2 =	simm.s32 $0x9E00  }
0x46: {  	[tilespmem:s2], [sflag:$0x2] =	stream.indirect_vreg.gather [hbm4b:s11+s5], $0x80, v3, vm0, $0xb8;
	[tilespmem:$0x1C600] =	vst v63  }
0x47: {  	v3 =	vld [tilespmem:$0x20];
	_ =	sdelay $0x4  }
0x48: {  	v61 =	vshrl.u32 v3, $0x3  }
0x49: {  	v4 =	vmul.u32 $0x30, v61  }
0x4a: {  	v3 =	vand.u32 $0x7, v3  }
0x4b: {  	v3 =	vor.u32 v3, v4  }
0x4c: {  	v4 =	vperm.xlane v3, v0;
	_ =	sdelay $0x1  }
0x4d: {  	v4 =	vadd.s32 v1, v4;
	_ =	sdelay $0x3  }
0x4e: {  	s3 =	simm.s32 $0xA600;
	v3 =	vperm.xlane v3, v2  }
0x4f: {  	[tilespmem:s3], [sflag:$0x3] =	stream.indirect_vreg.gather [hbm4b:s1+s5], $0x80, v4, vm0, $0xb8;
	[tilespmem:$0x1C600] =	vst v63  }
0x50: {  	s7 =	simm.s32 $0xAE00;
	v3 =	vadd.s32 v1, v3  }
0x51: {  	[tilespmem:s7], [sflag:$0x3] =	stream.indirect_vreg.gather [hbm4b:s10+s5], $0x80, v4, vm0, $0xb8;
	[tilespmem:$0x1C600] =	vst v63  }
0x52: {  	s8 =	simm.s32 $0xB600  }
0x53: {  	[tilespmem:s8], [sflag:$0x3] =	stream.indirect_vreg.gather [hbm4b:s11+s5], $0x80, v4, vm0, $0xb8;
	[tilespmem:$0x1C600] =	vst v63  }
0x54: {  	s9 =	simm.s32 $0xBE00  }
0x55: {  	[tilespmem:s9], [sflag:$0x3] =	stream.indirect_vreg.gather [hbm4b:s1+s5], $0x80, v3, vm0, $0xb8;
	[tilespmem:$0x1C600] =	vst v63  }
0x56: {  	s12 =	simm.s32 $0xC600  }
0x57: {  	[tilespmem:s12], [sflag:$0x3] =	stream.indirect_vreg.gather [hbm4b:s10+s5], $0x80, v3, vm0, $0xb8;
	[tilespmem:$0x1C600] =	vst v63  }
0x58: {  	s13 =	simm.s32 $0xCE00  }
0x59: {  	[tilespmem:s13], [sflag:$0x3] =	stream.indirect_vreg.gather [hbm4b:s11+s5], $0x80, v3, vm0, $0xb8;
	[tilespmem:$0x1C600] =	vst v63  }
0x5a: {  	v3 =	vld [tilespmem:$0x30];
	_ =	sdelay $0x4  }
0x5b: {  	v62 =	vshrl.u32 v3, $0x3  }
0x5c: {  	v4 =	vmul.u32 $0x30, v62  }
0x5d: {  	v3 =	vand.u32 $0x7, v3  }
0x5e: {  	v3 =	vor.u32 v3, v4  }
0x5f: {  	v4 =	vperm.xlane v3, v0;
	_ =	sdelay $0x1  }
0x60: {  	v4 =	vadd.s32 v1, v4;
	_ =	sdelay $0x3  }
0x61: {  	s15 =	simm.s32 $0xD600;
	v3 =	vperm.xlane v3, v2  }
0x62: {  	[tilespmem:s15], [sflag:$0x4] =	stream.indirect_vreg.gather [hbm4b:s1+s5], $0x80, v4, vm0, $0xb8;
	[tilespmem:$0x1C600] =	vst v63  }
0x63: {  	s16 =	simm.s32 $0xDE00;
	v3 =	vadd.s32 v1, v3  }
0x64: {  	[tilespmem:s16], [sflag:$0x4] =	stream.indirect_vreg.gather [hbm4b:s10+s5], $0x80, v4, vm0, $0xb8;
	[tilespmem:$0x1C600] =	vst v63  }
0x65: {  	s17 =	simm.s32 $0xE600  }
0x66: {  	[tilespmem:s17], [sflag:$0x4] =	stream.indirect_vreg.gather [hbm4b:s11+s5], $0x80, v4, vm0, $0xb8;
	[tilespmem:$0x1C600] =	vst v63  }
0x67: {  	s18 =	simm.s32 $0xEE00  }
0x68: {  	[tilespmem:s18], [sflag:$0x4] =	stream.indirect_vreg.gather [hbm4b:s1+s5], $0x80, v3, vm0, $0xb8;
	[tilespmem:$0x1C600] =	vst v63  }
0x69: {  	s19 =	simm.s32 $0xF600  }
0x6a: {  	[tilespmem:s19], [sflag:$0x4] =	stream.indirect_vreg.gather [hbm4b:s10+s5], $0x80, v3, vm0, $0xb8;
	[tilespmem:$0x1C600] =	vst v63  }
0x6b: {  	s20 =	simm.s32 $0xFE00  }
0x6c: {  	[tilespmem:s20], [sflag:$0x4] =	stream.indirect_vreg.gather [hbm4b:s11+s5], $0x80, v3, vm0, $0xb8;
	[tilespmem:$0x1C600] =	vst v63  }
0x6d: {  	v3 =	vld [tilespmem:$0x40];
	_ =	sdelay $0x4  }
0x6e: {  	v63 =	vshrl.u32 v3, $0x3  }
0x6f: {  	v4 =	vmul.u32 $0x30, v63  }
0x70: {  	v3 =	vand.u32 $0x7, v3  }
0x71: {  	v3 =	vor.u32 v3, v4  }
0x72: {  	v4 =	vperm.xlane v3, v0;
	_ =	sdelay $0x1  }
0x73: {  	v4 =	vadd.s32 v1, v4;
	_ =	sdelay $0x3  }
0x74: {  	s21 =	simm.s32 $0x10600;
	v3 =	vperm.xlane v3, v2  }
0x75: {  	[tilespmem:s21], [sflag:$0x5] =	stream.indirect_vreg.gather [hbm4b:s1+s5], $0x80, v4, vm0, $0xb8;
	[tilespmem:$0x1C600] =	vst v63  }
0x76: {  	s28 =	simm.s32 $0x30;
	s22 =	simm.s32 $0x10E00;
	v3 =	vadd.s32 v1, v3  }
0x77: {  	[tilespmem:s22], [sflag:$0x5] =	stream.indirect_vreg.gather [hbm4b:s10+s5], $0x80, v4, vm0, $0xb8;
	[tilespmem:$0x1C600] =	vst v63  }
0x78: {  	s29 =	simm.s32 $0x40;
	s0 =	simm.s32 $0x0;
	s23 =	simm.s32 $0x11600  }
0x79: {  	[tilespmem:s23], [sflag:$0x5] =	stream.indirect_vreg.gather [hbm4b:s11+s5], $0x80, v4, vm0, $0xb8;
	[tilespmem:$0x1C600] =	vst v63  }
0x7a: {  	s24 =	simm.s32 $0x11E00;
	s26 =	simm.s32 $0x12600;
	s30 =	simm.s32 $0x12E00  }
0x7b: {  	[tilespmem:s24], [sflag:$0x5] =	stream.indirect_vreg.gather [hbm4b:s1+s5], $0x80, v3, vm0, $0xb8;
	[tilespmem:$0x1C600] =	vst v63  }
0x7c: {  	s8 =	simm.s32 $0x50;
	s9 =	simm.s32 $0x60;
	s12 =	simm.s32 $0x70  }
0x7d: {  	[tilespmem:s26], [sflag:$0x5] =	stream.indirect_vreg.gather [hbm4b:s10+s5], $0x80, v3, vm0, $0xb8;
	[tilespmem:$0x1C600] =	vst v63  }
0x7e: {  	s13 =	simm.s32 $0x10;
	s17 =	simm.s32 $0x0;
	s26 =	simm.s32 $0x20  }
0x7f: {  	[tilespmem:s30], [sflag:$0x5] =	stream.indirect_vreg.gather [hbm4b:s11+s5], $0x80, v3, vm0, $0xb8;
	[tilespmem:$0x1C600] =	vst v63  }
.LBB2_2:
0x80: {  	p0 =	seq.s32 s17, $0x0  }
0x81: {  	s24 =	sshll.u32 s17, $0x3;
	s2 =	simm.s32 @!p0 $0xE  }
0x82: {  	s16 =	sor.u32 $0x5, s24;
	_ =	swait.ge @!p0 [sflag:s2], $0x3000  }
0x83: {  	s3 =	sshll.u32 s16, $0x4;
	[sflag:s2] =	ssyncset.done @!p0 $0x0  }
0x84: {  	s19 =	sand.u32 $0x3FFFFFF0, s3;
	[sflag:s2] =	ssyncadd.s32 @!p0 $0xFFFFD000  }
0x85: {  	v3 =	vld [tilespmem:s19+$0x0];
	_ =	sdelay $0x4  }
0x86: {  	v4 =	vshrl.u32 v3, $0x3  }
0x87: {  	v4 =	vmul.u32 $0x30, v4  }
0x88: {  	v3 =	vand.u32 $0x7, v3  }
0x89: {  	v3 =	vor.u32 v3, v4  }
0x8a: {  	v4 =	vperm.xlane v3, v0;
	_ =	sdelay $0x1  }
0x8b: {  	v4 =	vadd.s32 v1, v4;
	_ =	sdelay $0x3  }
0x8c: {  	s2 =	simm.s32 $0x0;
	v3 =	vperm.xlane v3, v2  }
0x8d: {  	[tilespmem:s25], [sflag:$0x6] =	stream.indirect_vreg.gather [hbm4b:s1+s2], $0x80, v4, vm0, $0xb8;
	[tilespmem:$0x1C600] =	vst v63  }
0x8e: {  	s20 =	simm.s32 $0x13E00;
	v3 =	vadd.s32 v1, v3  }
0x8f: {  	[tilespmem:s20], [sflag:$0x6] =	stream.indirect_vreg.gather [hbm4b:s10+s2], $0x80, v4, vm0, $0xb8;
	[tilespmem:$0x1C600] =	vst v63  }
0x90: {  	s21 =	simm.s32 $0x14600  }
0x91: {  	[tilespmem:s21], [sflag:$0x6] =	stream.indirect_vreg.gather [hbm4b:s11+s2], $0x80, v4, vm0, $0xb8;
	[tilespmem:$0x1C600] =	vst v63  }
0x92: {  	s22 =	simm.s32 $0x14E00  }
0x93: {  	[tilespmem:s22], [sflag:$0x6] =	stream.indirect_vreg.gather [hbm4b:s1+s2], $0x80, v3, vm0, $0xb8;
	[tilespmem:$0x1C600] =	vst v63  }
0x94: {  	s23 =	simm.s32 $0x15600  }
0x95: {  	[tilespmem:s23], [sflag:$0x6] =	stream.indirect_vreg.gather [hbm4b:s10+s2], $0x80, v3, vm0, $0xb8;
	[tilespmem:$0x1C600] =	vst v63  }
0x96: {  	s30 =	simm.s32 $0x1;
	s25 =	simm.s32 $0x15E00  }
0x97: {  	[tilespmem:s25], [sflag:$0x6] =	stream.indirect_vreg.gather [hbm4b:s11+s2], $0x80, v3, vm0, $0xb8;
	[tilespmem:$0x1C600] =	vst v63  }
0x98: {  	_ =	swait.ge [sflag:s30], $0x3000  }
0x99: {  	[sflag:s30] =	ssyncset.done $0x0  }
0x9a: {  	s7 =	simm.s32 $0x0;
	[sflag:s30] =	ssyncadd.s32 $0xFFFFD000  }
.LBB2_3:
0x9b: {  	s20 =	sshll.u32 s7, $0x3  }
0x9c: {  	s3 =	sshrl.u32 s20, $0x2  }
0x9d: {  	v9 =	vld [tilespmem:s3+$0x4000]  }
0x9e: {  	v8 =	vld [tilespmem:s3+$0x4010]  }
0x9f: {  	v7 =	vld [tilespmem:s3+$0x4020]  }
0xa0: {  	v6 =	vld [tilespmem:s3+$0x4030]  }
0xa1: {  	v5 =	vld [tilespmem:s3+$0x4040]  }
0xa2: {  	v4 =	vld [tilespmem:s3+$0x4050]  }
0xa3: {  	v3 =	vld [tilespmem:s3+$0x4060]  }
0xa4: {  	s15 =	sadd.s32 $0x0, s0;
	v10 =	vld [tilespmem:s3+$0x4070]  }
0xa5: {  	v11 =	vmov s15;
	v13 =	vld [tilespmem:s3+$0x4080]  }
0xa6: {  	v14 =	vld [tilespmem:s3+$0x4090]  }
0xa7: {  	v12 =	vld [tilespmem:s3+$0x40F0]  }
0xa8: {  	v15 =	vld [tilespmem:s3+$0x40A0]  }
0xa9: {  	s22 =	simm.s32 $0x0;
	v16 =	vld [tilespmem:s3+$0x40B0]  }
0xaa: {  	s15 =	smul.u32 $0x1800, s22;
	v11 =	vld.idx.msk [tilespmem:v11+s14+$0x0], $0xffff  }
0xab: {  	v17 =	vld [tilespmem:s3+$0x40C0]  }
0xac: {  	s18 =	sand.u32 $0x380, s2;
	v18 =	vld [tilespmem:s3+$0x40D0];
	s15 =	sadd.s32 s20, s15  }
0xad: {  	v19 =	vld [tilespmem:s3+$0x40E0];
	s21 =	sor.u32 s18, s15  }
0xae: {  	v21 =	vld [tilespmem:s21+$0x1070]  }
0xaf: {  	s23 =	sadd.s32 $0x1, s0;
	v23 =	vld [tilespmem:s21+$0x1000];
	v12 =	vsub.f32 v12, v10;
	v20 =	vcvt.s32.f32 v11  }
0xb0: {  	v28 =	vmov s23;
	v24 =	vld [tilespmem:s21+$0x1010];
	v13 =	vsub.f32 v13, v9  }
0xb1: {  	v25 =	vld [tilespmem:s21+$0x1020];
	v11 =	vsub.f32 v14, v8;
	v22 =	vmul.f32 v20, v12  }
0xb2: {  	v27 =	vld [tilespmem:s21+$0x1030];
	v14 =	vsub.f32 v15, v7;
	v26 =	vmul.f32 v20, v13  }
0xb3: {  	v30 =	vld [tilespmem:s21+$0x1040];
	v15 =	vsub.f32 v16, v6;
	v29 =	vmul.f32 v20, v11;
	v22 =	vadd.f32 v22, v10  }
0xb4: {  	v31 =	vld [tilespmem:s21+$0x1050];
	v16 =	vsub.f32 v17, v5;
	v26 =	vadd.f32 v26, v9  }
0xb5: {  	s25 =	simm.s32 $0x0;
	v28 =	vld.idx.msk [tilespmem:v28+s14+$0x0], $0xffff;
	v29 =	vadd.f32 v29, v8;
	v21 =	vadd.f32 v21, v22;
	v22 =	vmul.f32 v20, v14  }
0xb6: {  	s3 =	smul.u32 $0x1800, s25;
	v17 =	vsub.f32 v18, v4;
	v18 =	vmul.f32 v20, v15;
	v23 =	vadd.f32 v26, v23;
	v26 =	vld [tilespmem:s21+$0x1060]  }
0xb7: {  	s15 =	simm.s32 $0x80;
	v24 =	vadd.f32 v29, v24;
	[tilespmem:s21+$0x4670] =	vst.add.f32.msk $0xffff, v21;
	v22 =	vadd.f32 v22, v7  }
0xb8: {  	s3 =	sadd.s32 s20, s3;
	s30 =	sand.u32 $0x380, s15;
	v18 =	vadd.f32 v18, v6;
	v21 =	vmul.f32 v20, v16;
	[tilespmem:s21+$0x4600] =	vst.add.f32.msk $0xffff, v23  }
0xb9: {  	s3 =	sor.u32 s30, s3;
	v32 =	vmul.f32 v20, v17;
	[tilespmem:s21+$0x4610] =	vst.add.f32.msk $0xffff, v24;
	v22 =	vadd.f32 v25, v22  }
0xba: {  	v24 =	vld [tilespmem:s3+$0x1070];
	v21 =	vadd.f32 v21, v5;
	v25 =	vadd.f32 v27, v18  }
0xbb: {  	v23 =	vadd.f32 v32, v4;
	[tilespmem:s21+$0x4620] =	vst.add.f32.msk $0xffff, v22  }
0xbc: {  	v33 =	vcvt.s32.f32 v28;
	v18 =	vsub.f32 v19, v3;
	v19 =	vadd.f32 v30, v21;
	[tilespmem:s21+$0x4630] =	vst.add.f32.msk $0xffff, v25  }
0xbd: {  	v21 =	vadd.f32 v31, v23;
	v22 =	vld [tilespmem:s3+$0x1010]  }
0xbe: {  	v28 =	vmul.f32 v33, v15;
	v20 =	vmul.f32 v20, v18;
	[tilespmem:s21+$0x4640] =	vst.add.f32.msk $0xffff, v19  }
0xbf: {  	v29 =	vmul.f32 v33, v11;
	v23 =	vmul.f32 v33, v12;
	[tilespmem:s21+$0x4650] =	vst.add.f32.msk $0xffff, v21  }
0xc0: {  	v27 =	vmul.f32 v33, v14;
	v19 =	vadd.f32 v20, v3;
	v20 =	vmul.f32 v33, v13;
	v21 =	vld [tilespmem:s3+$0x1000]  }
0xc1: {  	v25 =	vmul.f32 v33, v16;
	v30 =	vmul.f32 v33, v17;
	v32 =	vadd.f32 v23, v10;
	v23 =	vld [tilespmem:s3+$0x1020]  }
0xc2: {  	s19 =	simm.s32 $0x3;
	s22 =	sadd.s32 $0x2, s0;
	s18 =	simm.s32 $0x2;
	v19 =	vadd.f32 v26, v19;
	v31 =	vadd.f32 v20, v9;
	v20 =	vmul.f32 v33, v18;
	v26 =	vld [tilespmem:s3+$0x1030]  }
.LBB2_4:
0xc3: {  	p1 =	sne.s32 s19, $0xF;
	v33 =	vmov s22;
	v29 =	vadd.f32 v29, v8;
	v34 =	vld [tilespmem:s3+$0x1040];
	v24 =	vadd.f32 v24, v32  }
0xc4: {  	v27 =	vadd.f32 v27, v7;
	v28 =	vadd.f32 v28, v6;
	v32 =	vld [tilespmem:s3+$0x1050]  }
0xc5: {  	v25 =	vadd.f32 v25, v5;
	v30 =	vadd.f32 v30, v4;
	[tilespmem:s3+$0x4670] =	vst.add.f32.msk $0xffff, v24  }
0xc6: {  	v20 =	vadd.f32 v20, v3;
	v21 =	vadd.f32 v31, v21;
	v24 =	vld [tilespmem:s3+$0x1060]  }
0xc7: {  	v22 =	vadd.f32 v29, v22;
	v23 =	vadd.f32 v23, v27;
	[tilespmem:s21+$0x4660] =	vst.add.f32.msk $0xffff, v19;
	s21 =	smov.u32 s3  }
0xc8: {  	v26 =	vadd.f32 v26, v28;
	v27 =	vld.idx.msk [tilespmem:v33+s14+$0x0], $0xffff;
	v25 =	vadd.f32 v34, v25  }
0xc9: {  	[tilespmem:s21+$0x4600] =	vst.add.f32.msk $0xffff, v21;
	v21 =	vadd.f32 v32, v30  }
0xca: {  	s3 =	sshrl.u32 s18, $0x3;
	s18 =	smov.u32 s19;
	[tilespmem:s21+$0x4610] =	vst.add.f32.msk $0xffff, v22  }
0xcb: {  	s3 =	smul.u32 $0x1800, s3;
	[tilespmem:s21+$0x4620] =	vst.add.f32.msk $0xffff, v23;
	v19 =	vadd.f32 v24, v20  }
0xcc: {  	s15 =	sadd.s32 $0x80, s15;
	[tilespmem:s21+$0x4630] =	vst.add.f32.msk $0xffff, v26  }
0xcd: {  	s22 =	sand.u32 $0x380, s15;
	s3 =	sadd.s32 s20, s3;
	[tilespmem:s21+$0x4640] =	vst.add.f32.msk $0xffff, v25  }
0xce: {  	s3 =	sor.u32 s22, s3;
	v20 =	vcvt.s32.f32 v27;
	[tilespmem:s21+$0x4650] =	vst.add.f32.msk $0xffff, v21  }
.Ltmp0:
0xcf: {  	v24 =	vld [tilespmem:s3+$0x1070];
	(pc) =	sbr.rel @p1 .LBB2_4-.Ltmp0, $4  }
0xd0: {  	v26 =	vmul.f32 v20, v13;
	v23 =	vmul.f32 v20, v12;
	v21 =	vld [tilespmem:s3+$0x1000]  }
0xd1: {  	v29 =	vmul.f32 v20, v11;
	v27 =	vmul.f32 v20, v14;
	v22 =	vld [tilespmem:s3+$0x1010]  }
0xd2: {  	v28 =	vmul.f32 v20, v15;
	v25 =	vmul.f32 v20, v16;
	v32 =	vadd.f32 v23, v10;
	v23 =	vld [tilespmem:s3+$0x1020]  }
0xd3: {  	s19 =	sadd.s32 $0x1, s19;
	s22 =	sadd.s32 s18, s0;
	v30 =	vmul.f32 v20, v17;
	v20 =	vmul.f32 v20, v18;
	v31 =	vadd.f32 v26, v9;
	v26 =	vld [tilespmem:s3+$0x1030]  }
0xd4: {  	v34 =	vld [tilespmem:s3+$0x1040]  }
0xd5: {  	v40 =	vld [tilespmem:s3+$0x1050]  }
0xd6: {  	v33 =	vmov s22;
	v24 =	vadd.f32 v24, v32;
	v41 =	vadd.f32 v29, v8;
	v42 =	vld [tilespmem:s3+$0x1060]  }
0xd7: {  	[tilespmem:s21+$0x4660] =	vst.add.f32.msk $0xffff, v19;
	v21 =	vadd.f32 v31, v21  }
0xd8: {  	v27 =	vadd.f32 v27, v7;
	s18 =	sshrl.u32 s18, $0x3;
	[tilespmem:s3+$0x4670] =	vst.add.f32.msk $0xffff, v24;
	v22 =	vadd.f32 v41, v22  }
0xd9: {  	s18 =	smul.u32 $0x1800, s18;
	[tilespmem:s3+$0x4600] =	vst.add.f32.msk $0xffff, v21  }
0xda: {  	s15 =	sadd.s32 $0x80, s15;
	v23 =	vadd.f32 v23, v27;
	[tilespmem:s3+$0x4610] =	vst.add.f32.msk $0xffff, v22  }
0xdb: {  	s15 =	sand.u32 $0x380, s15;
	s18 =	sadd.s32 s20, s18;
	v44 =	vld.idx.msk [tilespmem:v33+s14+$0x0], $0xffff  }
0xdc: {  	s15 =	sor.u32 s15, s18;
	[tilespmem:s3+$0x4620] =	vst.add.f32.msk $0xffff, v23  }
0xdd: {  	v48 =	vld [tilespmem:s15+$0x1070]  }
0xde: {  	v49 =	vld [tilespmem:s15+$0x1000]  }
0xdf: {  	v50 =	vld [tilespmem:s15+$0x1010]  }
0xe0: {  	v51 =	vld [tilespmem:s15+$0x1020]  }
0xe1: {  	v43 =	vadd.f32 v28, v6;
	v52 =	vld [tilespmem:s15+$0x1030];
	v47 =	vcvt.s32.f32 v44  }
0xe2: {  	v25 =	vadd.f32 v25, v5;
	v53 =	vld [tilespmem:s15+$0x1040]  }
0xe3: {  	v45 =	vadd.f32 v30, v4;
	v19 =	vadd.f32 v26, v43;
	v54 =	vld [tilespmem:s15+$0x1050];
	v12 =	vmul.f32 v47, v12  }
0xe4: {  	v20 =	vadd.f32 v20, v3;
	v46 =	vadd.f32 v34, v25;
	v58 =	vld [tilespmem:s15+$0x1060];
	v13 =	vmul.f32 v47, v13  }
0xe5: {  	v21 =	vadd.f32 v40, v45;
	[tilespmem:s3+$0x4630] =	vst.add.f32.msk $0xffff, v19;
	v11 =	vmul.f32 v47, v11;
	v10 =	vadd.f32 v12, v10  }
0xe6: {  	v20 =	vadd.f32 v42, v20;
	[tilespmem:s3+$0x4640] =	vst.add.f32.msk $0xffff, v46;
	v14 =	vmul.f32 v47, v14;
	v9 =	vadd.f32 v13, v9  }
0xe7: {  	[tilespmem:s3+$0x4650] =	vst.add.f32.msk $0xffff, v21;
	v15 =	vmul.f32 v47, v15;
	v55 =	vadd.f32 v11, v8;
	v10 =	vadd.f32 v48, v10  }
0xe8: {  	[tilespmem:s3+$0x4660] =	vst.add.f32.msk $0xffff, v20;
	v56 =	vmul.f32 v47, v16;
	v57 =	vadd.f32 v14, v7;
	v9 =	vadd.f32 v9, v49  }
0xe9: {  	v59 =	vmul.f32 v47, v17;
	v60 =	vadd.f32 v15, v6;
	v8 =	vadd.f32 v55, v50;
	[tilespmem:s15+$0x4670] =	vst.add.f32.msk $0xffff, v10  }
0xea: {  	v61 =	vmul.f32 v47, v18;
	v62 =	vadd.f32 v56, v5;
	v7 =	vadd.f32 v51, v57;
	[tilespmem:s15+$0x4600] =	vst.add.f32.msk $0xffff, v9  }
0xeb: {  	p1 =	slt.u32 s7, $0x280;
	v63 =	vadd.f32 v59, v4;
	v6 =	vadd.f32 v52, v60;
	[tilespmem:s15+$0x4610] =	vst.add.f32.msk $0xffff, v8  }
.Ltmp1:
0xec: {  	v3 =	vadd.f32 v61, v3;
	v5 =	vadd.f32 v53, v62;
	[tilespmem:s15+$0x4620] =	vst.add.f32.msk $0xffff, v7;
	(pc) =	sbr.rel @p1 .LBB2_3-.Ltmp1, $4  }
0xed: {  	v4 =	vadd.f32 v54, v63;
	[tilespmem:s15+$0x4630] =	vst.add.f32.msk $0xffff, v6  }
0xee: {  	v3 =	vadd.f32 v58, v3;
	[tilespmem:s15+$0x4640] =	vst.add.f32.msk $0xffff, v5  }
0xef: {  	s30 =	sadd.s32 $0x80, s7;
	[tilespmem:s15+$0x4650] =	vst.add.f32.msk $0xffff, v4  }
0xf0: {  	s7 =	smov.u32 s30;
	[tilespmem:s15+$0x4660] =	vst.add.f32.msk $0xffff, v3  }
0xf1: {  	s2 =	smul.u32 $0x300000, s17;
	_ =	sdelay $0x1  }
0xf2: {  	s2 =	sor.u32 s6, s2  }
0xf3: {  	s2 =	sshrl.u32 s2, $0x3  }
0xf4: {  	s3 =	simm.s32 $0x4600;
	s2 =	sadd.s32 s4, s2  }
0xf5: {  	[hbm4b:s2+s5] =	stream.linear.scatter [tilespmem:s3], [sflag:$0x9], $0x3000, $0x38;
	[tilespmem:$0x1C600] =	vst v63  }
0xf6: {  	s2 =	simm.s32 @!p0 $0xF  }
0xf7: {  	s30 =	sor.u32 $0x6, s24;
	_ =	swait.ge @!p0 [sflag:s2], $0x3000  }
0xf8: {  	s18 =	sshll.u32 s30, $0x4;
	[sflag:s2] =	ssyncset.done @!p0 $0x0  }
0xf9: {  	s19 =	sand.u32 $0x3FFFFFF0, s18;
	[sflag:s2] =	ssyncadd.s32 @!p0 $0xFFFFD000  }
0xfa: {  	v3 =	vld [tilespmem:s19+$0x0];
	_ =	sdelay $0x4  }
0xfb: {  	v4 =	vshrl.u32 v3, $0x3  }
0xfc: {  	v4 =	vmul.u32 $0x30, v4  }
0xfd: {  	v3 =	vand.u32 $0x7, v3  }
0xfe: {  	v3 =	vor.u32 v3, v4  }
0xff: {  	v4 =	vperm.xlane v3, v0;
	_ =	sdelay $0x1  }
0x100: {  	v4 =	vadd.s32 v1, v4;
	_ =	sdelay $0x3  }
0x101: {  	s2 =	simm.s32 $0x0;
	v3 =	vperm.xlane v3, v2  }
0x102: {  	[tilespmem:s31], [sflag:$0x7] =	stream.indirect_vreg.gather [hbm4b:s1+s2], $0x80, v4, vm0, $0xb8;
	[tilespmem:$0x1C600] =	vst v63  }
0x103: {  	s20 =	simm.s32 $0x16E00;
	v3 =	vadd.s32 v1, v3  }
0x104: {  	[tilespmem:s20], [sflag:$0x7] =	stream.indirect_vreg.gather [hbm4b:s10+s2], $0x80, v4, vm0, $0xb8;
	[tilespmem:$0x1C600] =	vst v63  }
0x105: {  	s21 =	simm.s32 $0x17600  }
0x106: {  	[tilespmem:s21], [sflag:$0x7] =	stream.indirect_vreg.gather [hbm4b:s11+s2], $0x80, v4, vm0, $0xb8;
	[tilespmem:$0x1C600] =	vst v63  }
0x107: {  	s22 =	simm.s32 $0x17E00  }
0x108: {  	[tilespmem:s22], [sflag:$0x7] =	stream.indirect_vreg.gather [hbm4b:s1+s2], $0x80, v3, vm0, $0xb8;
	[tilespmem:$0x1C600] =	vst v63  }
0x109: {  	s23 =	simm.s32 $0x18600  }
0x10a: {  	[tilespmem:s23], [sflag:$0x7] =	stream.indirect_vreg.gather [hbm4b:s10+s2], $0x80, v3, vm0, $0xb8;
	[tilespmem:$0x1C600] =	vst v63  }
0x10b: {  	s25 =	simm.s32 $0x18E00;
	s31 =	simm.s32 $0x2  }
0x10c: {  	[tilespmem:s25], [sflag:$0x7] =	stream.indirect_vreg.gather [hbm4b:s11+s2], $0x80, v3, vm0, $0xb8;
	[tilespmem:$0x1C600] =	vst v63  }
0x10d: {  	_ =	swait.ge [sflag:s31], $0x3000  }
0x10e: {  	[sflag:s31] =	ssyncset.done $0x0  }
0x10f: {  	s7 =	simm.s32 $0x0;
	s21 =	sor.u32 $0x1, s24;
	[sflag:s31] =	ssyncadd.s32 $0xFFFFD000  }
.LBB2_7:
0x110: {  	s20 =	sshll.u32 s7, $0x3  }
0x111: {  	s3 =	sshrl.u32 s20, $0x2  }
0x112: {  	v9 =	vld [tilespmem:s3+$0x4000]  }
0x113: {  	v8 =	vld [tilespmem:s3+$0x4010]  }
0x114: {  	v7 =	vld [tilespmem:s3+$0x4020]  }
0x115: {  	v6 =	vld [tilespmem:s3+$0x4030]  }
0x116: {  	v5 =	vld [tilespmem:s3+$0x4040]  }
0x117: {  	v4 =	vld [tilespmem:s3+$0x4050]  }
0x118: {  	v3 =	vld [tilespmem:s3+$0x4060]  }
0x119: {  	s15 =	sadd.s32 $0x0, s13;
	v10 =	vld [tilespmem:s3+$0x4070]  }
0x11a: {  	v11 =	vmov s15;
	v13 =	vld [tilespmem:s3+$0x4080]  }
0x11b: {  	v14 =	vld [tilespmem:s3+$0x4090]  }
0x11c: {  	v12 =	vld [tilespmem:s3+$0x40F0]  }
0x11d: {  	v15 =	vld [tilespmem:s3+$0x40A0]  }
0x11e: {  	s19 =	simm.s32 $0x0;
	v16 =	vld [tilespmem:s3+$0x40B0]  }
0x11f: {  	s15 =	smul.u32 $0x1800, s19;
	v11 =	vld.idx.msk [tilespmem:v11+s14+$0x0], $0xffff  }
0x120: {  	v17 =	vld [tilespmem:s3+$0x40C0]  }
0x121: {  	s18 =	sand.u32 $0x380, s2;
	v18 =	vld [tilespmem:s3+$0x40D0];
	s15 =	sadd.s32 s20, s15  }
0x122: {  	v19 =	vld [tilespmem:s3+$0x40E0];
	s23 =	sor.u32 s18, s15  }
0x123: {  	v21 =	vld [tilespmem:s23+$0x1070]  }
0x124: {  	s22 =	sadd.s32 $0x1, s13;
	v23 =	vld [tilespmem:s23+$0x1000];
	v12 =	vsub.f32 v12, v10;
	v20 =	vcvt.s32.f32 v11  }
0x125: {  	v28 =	vmov s22;
	v24 =	vld [tilespmem:s23+$0x1010];
	v13 =	vsub.f32 v13, v9  }
0x126: {  	v25 =	vld [tilespmem:s23+$0x1020];
	v11 =	vsub.f32 v14, v8;
	v22 =	vmul.f32 v20, v12  }
0x127: {  	v27 =	vld [tilespmem:s23+$0x1030];
	v14 =	vsub.f32 v15, v7;
	v26 =	vmul.f32 v20, v13  }
0x128: {  	v30 =	vld [tilespmem:s23+$0x1040];
	v15 =	vsub.f32 v16, v6;
	v29 =	vmul.f32 v20, v11;
	v22 =	vadd.f32 v22, v10  }
0x129: {  	v31 =	vld [tilespmem:s23+$0x1050];
	v16 =	vsub.f32 v17, v5;
	v26 =	vadd.f32 v26, v9  }
0x12a: {  	s25 =	simm.s32 $0x0;
	v28 =	vld.idx.msk [tilespmem:v28+s14+$0x0], $0xffff;
	v29 =	vadd.f32 v29, v8;
	v21 =	vadd.f32 v21, v22;
	v22 =	vmul.f32 v20, v14  }
0x12b: {  	s3 =	smul.u32 $0x1800, s25;
	v17 =	vsub.f32 v18, v4;
	v18 =	vmul.f32 v20, v15;
	v23 =	vadd.f32 v26, v23;
	v26 =	vld [tilespmem:s23+$0x1060]  }
0x12c: {  	s15 =	simm.s32 $0x80;
	v24 =	vadd.f32 v29, v24;
	[tilespmem:s23+$0x7670] =	vst.add.f32.msk $0xffff, v21;
	v22 =	vadd.f32 v22, v7  }
0x12d: {  	s3 =	sadd.s32 s20, s3;
	s31 =	sand.u32 $0x380, s15;
	v18 =	vadd.f32 v18, v6;
	v21 =	vmul.f32 v20, v16;
	[tilespmem:s23+$0x7600] =	vst.add.f32.msk $0xffff, v23  }
0x12e: {  	s3 =	sor.u32 s31, s3;
	v32 =	vmul.f32 v20, v17;
	[tilespmem:s23+$0x7610] =	vst.add.f32.msk $0xffff, v24;
	v22 =	vadd.f32 v25, v22  }
0x12f: {  	v24 =	vld [tilespmem:s3+$0x1070];
	v21 =	vadd.f32 v21, v5;
	v25 =	vadd.f32 v27, v18  }
0x130: {  	v23 =	vadd.f32 v32, v4;
	[tilespmem:s23+$0x7620] =	vst.add.f32.msk $0xffff, v22  }
0x131: {  	v33 =	vcvt.s32.f32 v28;
	v18 =	vsub.f32 v19, v3;
	v19 =	vadd.f32 v30, v21;
	[tilespmem:s23+$0x7630] =	vst.add.f32.msk $0xffff, v25  }
0x132: {  	v21 =	vadd.f32 v31, v23;
	v22 =	vld [tilespmem:s3+$0x1010]  }
0x133: {  	v28 =	vmul.f32 v33, v15;
	v20 =	vmul.f32 v20, v18;
	[tilespmem:s23+$0x7640] =	vst.add.f32.msk $0xffff, v19  }
0x134: {  	v29 =	vmul.f32 v33, v11;
	v23 =	vmul.f32 v33, v12;
	[tilespmem:s23+$0x7650] =	vst.add.f32.msk $0xffff, v21  }
0x135: {  	v27 =	vmul.f32 v33, v14;
	v19 =	vadd.f32 v20, v3;
	v20 =	vmul.f32 v33, v13;
	v21 =	vld [tilespmem:s3+$0x1000]  }
0x136: {  	v25 =	vmul.f32 v33, v16;
	v30 =	vmul.f32 v33, v17;
	v32 =	vadd.f32 v23, v10;
	v23 =	vld [tilespmem:s3+$0x1020]  }
0x137: {  	s22 =	sadd.s32 $0x2, s13;
	s19 =	simm.s32 $0x3;
	s18 =	simm.s32 $0x2;
	v19 =	vadd.f32 v26, v19;
	v31 =	vadd.f32 v20, v9;
	v20 =	vmul.f32 v33, v18;
	v26 =	vld [tilespmem:s3+$0x1030]  }
.LBB2_8:
0x138: {  	p1 =	sne.s32 s19, $0xF;
	v33 =	vmov s22;
	v29 =	vadd.f32 v29, v8;
	v34 =	vld [tilespmem:s3+$0x1040];
	v24 =	vadd.f32 v24, v32  }
0x139: {  	v27 =	vadd.f32 v27, v7;
	v28 =	vadd.f32 v28, v6;
	v32 =	vld [tilespmem:s3+$0x1050]  }
0x13a: {  	v25 =	vadd.f32 v25, v5;
	v30 =	vadd.f32 v30, v4;
	[tilespmem:s3+$0x7670] =	vst.add.f32.msk $0xffff, v24  }
0x13b: {  	v20 =	vadd.f32 v20, v3;
	v21 =	vadd.f32 v31, v21;
	v24 =	vld [tilespmem:s3+$0x1060]  }
0x13c: {  	v22 =	vadd.f32 v29, v22;
	v23 =	vadd.f32 v23, v27;
	[tilespmem:s23+$0x7660] =	vst.add.f32.msk $0xffff, v19;
	s23 =	smov.u32 s3  }
0x13d: {  	v26 =	vadd.f32 v26, v28;
	v27 =	vld.idx.msk [tilespmem:v33+s14+$0x0], $0xffff;
	v25 =	vadd.f32 v34, v25  }
0x13e: {  	[tilespmem:s23+$0x7600] =	vst.add.f32.msk $0xffff, v21;
	v21 =	vadd.f32 v32, v30  }
0x13f: {  	s3 =	sshrl.u32 s18, $0x3;
	s18 =	smov.u32 s19;
	[tilespmem:s23+$0x7610] =	vst.add.f32.msk $0xffff, v22  }
0x140: {  	s3 =	smul.u32 $0x1800, s3;
	[tilespmem:s23+$0x7620] =	vst.add.f32.msk $0xffff, v23;
	v19 =	vadd.f32 v24, v20  }
0x141: {  	s15 =	sadd.s32 $0x80, s15;
	[tilespmem:s23+$0x7630] =	vst.add.f32.msk $0xffff, v26  }
0x142: {  	s22 =	sand.u32 $0x380, s15;
	s3 =	sadd.s32 s20, s3;
	[tilespmem:s23+$0x7640] =	vst.add.f32.msk $0xffff, v25  }
0x143: {  	s3 =	sor.u32 s22, s3;
	v20 =	vcvt.s32.f32 v27;
	[tilespmem:s23+$0x7650] =	vst.add.f32.msk $0xffff, v21  }
.Ltmp2:
0x144: {  	v24 =	vld [tilespmem:s3+$0x1070];
	(pc) =	sbr.rel @p1 .LBB2_8-.Ltmp2, $4  }
0x145: {  	v26 =	vmul.f32 v20, v13;
	v23 =	vmul.f32 v20, v12;
	v21 =	vld [tilespmem:s3+$0x1000]  }
0x146: {  	v29 =	vmul.f32 v20, v11;
	v27 =	vmul.f32 v20, v14;
	v22 =	vld [tilespmem:s3+$0x1010]  }
0x147: {  	v28 =	vmul.f32 v20, v15;
	v25 =	vmul.f32 v20, v16;
	v32 =	vadd.f32 v23, v10;
	v23 =	vld [tilespmem:s3+$0x1020]  }
0x148: {  	s19 =	sadd.s32 $0x1, s19;
	s22 =	sadd.s32 s18, s13;
	v30 =	vmul.f32 v20, v17;
	v20 =	vmul.f32 v20, v18;
	v31 =	vadd.f32 v26, v9;
	v26 =	vld [tilespmem:s3+$0x1030]  }
0x149: {  	v34 =	vld [tilespmem:s3+$0x1040]  }
0x14a: {  	v40 =	vld [tilespmem:s3+$0x1050]  }
0x14b: {  	v33 =	vmov s22;
	v24 =	vadd.f32 v24, v32;
	v41 =	vadd.f32 v29, v8;
	v42 =	vld [tilespmem:s3+$0x1060]  }
0x14c: {  	[tilespmem:s23+$0x7660] =	vst.add.f32.msk $0xffff, v19;
	v21 =	vadd.f32 v31, v21  }
0x14d: {  	v27 =	vadd.f32 v27, v7;
	s18 =	sshrl.u32 s18, $0x3;
	[tilespmem:s3+$0x7670] =	vst.add.f32.msk $0xffff, v24;
	v22 =	vadd.f32 v41, v22  }
0x14e: {  	s18 =	smul.u32 $0x1800, s18;
	[tilespmem:s3+$0x7600] =	vst.add.f32.msk $0xffff, v21  }
0x14f: {  	s15 =	sadd.s32 $0x80, s15;
	v23 =	vadd.f32 v23, v27;
	[tilespmem:s3+$0x7610] =	vst.add.f32.msk $0xffff, v22  }
0x150: {  	s15 =	sand.u32 $0x380, s15;
	s18 =	sadd.s32 s20, s18;
	v44 =	vld.idx.msk [tilespmem:v33+s14+$0x0], $0xffff  }
0x151: {  	s15 =	sor.u32 s15, s18;
	[tilespmem:s3+$0x7620] =	vst.add.f32.msk $0xffff, v23  }
0x152: {  	v48 =	vld [tilespmem:s15+$0x1070]  }
0x153: {  	v49 =	vld [tilespmem:s15+$0x1000]  }
0x154: {  	v50 =	vld [tilespmem:s15+$0x1010]  }
0x155: {  	v51 =	vld [tilespmem:s15+$0x1020]  }
0x156: {  	v43 =	vadd.f32 v28, v6;
	v52 =	vld [tilespmem:s15+$0x1030];
	v47 =	vcvt.s32.f32 v44  }
0x157: {  	v25 =	vadd.f32 v25, v5;
	v53 =	vld [tilespmem:s15+$0x1040]  }
0x158: {  	v45 =	vadd.f32 v30, v4;
	v19 =	vadd.f32 v26, v43;
	v54 =	vld [tilespmem:s15+$0x1050];
	v12 =	vmul.f32 v47, v12  }
0x159: {  	v20 =	vadd.f32 v20, v3;
	v46 =	vadd.f32 v34, v25;
	v58 =	vld [tilespmem:s15+$0x1060];
	v13 =	vmul.f32 v47, v13  }
0x15a: {  	v21 =	vadd.f32 v40, v45;
	[tilespmem:s3+$0x7630] =	vst.add.f32.msk $0xffff, v19;
	v11 =	vmul.f32 v47, v11;
	v10 =	vadd.f32 v12, v10  }
0x15b: {  	v20 =	vadd.f32 v42, v20;
	[tilespmem:s3+$0x7640] =	vst.add.f32.msk $0xffff, v46;
	v14 =	vmul.f32 v47, v14;
	v9 =	vadd.f32 v13, v9  }
0x15c: {  	[tilespmem:s3+$0x7650] =	vst.add.f32.msk $0xffff, v21;
	v15 =	vmul.f32 v47, v15;
	v55 =	vadd.f32 v11, v8;
	v10 =	vadd.f32 v48, v10  }
0x15d: {  	[tilespmem:s3+$0x7660] =	vst.add.f32.msk $0xffff, v20;
	v56 =	vmul.f32 v47, v16;
	v57 =	vadd.f32 v14, v7;
	v9 =	vadd.f32 v9, v49  }
0x15e: {  	v59 =	vmul.f32 v47, v17;
	v60 =	vadd.f32 v15, v6;
	v8 =	vadd.f32 v55, v50;
	[tilespmem:s15+$0x7670] =	vst.add.f32.msk $0xffff, v10  }
0x15f: {  	v61 =	vmul.f32 v47, v18;
	v62 =	vadd.f32 v56, v5;
	v7 =	vadd.f32 v51, v57;
	[tilespmem:s15+$0x7600] =	vst.add.f32.msk $0xffff, v9  }
0x160: {  	p1 =	slt.u32 s7, $0x280;
	v63 =	vadd.f32 v59, v4;
	v6 =	vadd.f32 v52, v60;
	[tilespmem:s15+$0x7610] =	vst.add.f32.msk $0xffff, v8  }
.Ltmp3:
0x161: {  	v3 =	vadd.f32 v61, v3;
	v5 =	vadd.f32 v53, v62;
	[tilespmem:s15+$0x7620] =	vst.add.f32.msk $0xffff, v7;
	(pc) =	sbr.rel @p1 .LBB2_7-.Ltmp3, $4  }
0x162: {  	v4 =	vadd.f32 v54, v63;
	[tilespmem:s15+$0x7630] =	vst.add.f32.msk $0xffff, v6  }
0x163: {  	v3 =	vadd.f32 v58, v3;
	[tilespmem:s15+$0x7640] =	vst.add.f32.msk $0xffff, v5  }
0x164: {  	s31 =	sadd.s32 $0x80, s7;
	[tilespmem:s15+$0x7650] =	vst.add.f32.msk $0xffff, v4  }
0x165: {  	s7 =	smov.u32 s31;
	[tilespmem:s15+$0x7660] =	vst.add.f32.msk $0xffff, v3  }
0x166: {  	s2 =	smul.u32 $0x60000, s21;
	_ =	sdelay $0x1  }
0x167: {  	s2 =	sadd.s32 s6, s2  }
0x168: {  	s2 =	sshrl.u32 s2, $0x3  }
0x169: {  	s3 =	simm.s32 $0x7600;
	s2 =	sadd.s32 s4, s2  }
0x16a: {  	[hbm4b:s2+s5] =	stream.linear.scatter [tilespmem:s3], [sflag:$0xA], $0x3000, $0x38;
	[tilespmem:$0x1C600] =	vst v63  }
0x16b: {  	s2 =	simm.s32 @!p0 $0x10  }
0x16c: {  	s23 =	sor.u32 $0x7, s24;
	_ =	swait.ge @!p0 [sflag:s2], $0x3000  }
0x16d: {  	s7 =	sshll.u32 s23, $0x4;
	[sflag:s2] =	ssyncset.done @!p0 $0x0  }
0x16e: {  	s15 =	sand.u32 $0x3FFFFFF0, s7;
	[sflag:s2] =	ssyncadd.s32 @!p0 $0xFFFFD000  }
0x16f: {  	v3 =	vld [tilespmem:s15+$0x0];
	_ =	sdelay $0x4  }
0x170: {  	v4 =	vshrl.u32 v3, $0x3  }
0x171: {  	v4 =	vmul.u32 $0x30, v4  }
0x172: {  	v3 =	vand.u32 $0x7, v3  }
0x173: {  	v3 =	vor.u32 v3, v4  }
0x174: {  	v4 =	vperm.xlane v3, v0;
	_ =	sdelay $0x1  }
0x175: {  	v4 =	vadd.s32 v1, v4;
	_ =	sdelay $0x3  }
0x176: {  	s18 =	simm.s32 $0x19600;
	s2 =	simm.s32 $0x0;
	v3 =	vperm.xlane v3, v2  }
0x177: {  	[tilespmem:s18], [sflag:$0x8] =	stream.indirect_vreg.gather [hbm4b:s1+s2], $0x80, v4, vm0, $0xb8;
	[tilespmem:$0x1C600] =	vst v63  }
0x178: {  	s19 =	simm.s32 $0x19E00;
	v3 =	vadd.s32 v1, v3  }
0x179: {  	[tilespmem:s19], [sflag:$0x8] =	stream.indirect_vreg.gather [hbm4b:s10+s2], $0x80, v4, vm0, $0xb8;
	[tilespmem:$0x1C600] =	vst v63  }
0x17a: {  	s20 =	simm.s32 $0x1A600  }
0x17b: {  	[tilespmem:s20], [sflag:$0x8] =	stream.indirect_vreg.gather [hbm4b:s11+s2], $0x80, v4, vm0, $0xb8;
	[tilespmem:$0x1C600] =	vst v63  }
0x17c: {  	s21 =	simm.s32 $0x1AE00  }
0x17d: {  	[tilespmem:s21], [sflag:$0x8] =	stream.indirect_vreg.gather [hbm4b:s1+s2], $0x80, v3, vm0, $0xb8;
	[tilespmem:$0x1C600] =	vst v63  }
0x17e: {  	s22 =	simm.s32 $0x1B600  }
0x17f: {  	[tilespmem:s22], [sflag:$0x8] =	stream.indirect_vreg.gather [hbm4b:s10+s2], $0x80, v3, vm0, $0xb8;
	[tilespmem:$0x1C600] =	vst v63  }
0x180: {  	s25 =	simm.s32 $0x1BE00;
	s31 =	simm.s32 $0x3  }
0x181: {  	[tilespmem:s25], [sflag:$0x8] =	stream.indirect_vreg.gather [hbm4b:s11+s2], $0x80, v3, vm0, $0xb8;
	[tilespmem:$0x1C600] =	vst v63  }
0x182: {  	_ =	swait.ge [sflag:s31], $0x3000  }
0x183: {  	[sflag:s31] =	ssyncset.done $0x0  }
0x184: {  	s7 =	simm.s32 $0x0;
	s21 =	sor.u32 $0x2, s24;
	[sflag:s31] =	ssyncadd.s32 $0xFFFFD000  }
.LBB2_11:
0x185: {  	s20 =	sshll.u32 s7, $0x3  }
0x186: {  	s3 =	sshrl.u32 s20, $0x2  }
0x187: {  	v9 =	vld [tilespmem:s3+$0x4000]  }
0x188: {  	v8 =	vld [tilespmem:s3+$0x4010]  }
0x189: {  	v7 =	vld [tilespmem:s3+$0x4020]  }
0x18a: {  	v6 =	vld [tilespmem:s3+$0x4030]  }
0x18b: {  	v5 =	vld [tilespmem:s3+$0x4040]  }
0x18c: {  	v4 =	vld [tilespmem:s3+$0x4050]  }
0x18d: {  	v3 =	vld [tilespmem:s3+$0x4060]  }
0x18e: {  	s15 =	sadd.s32 $0x0, s26;
	v10 =	vld [tilespmem:s3+$0x4070]  }
0x18f: {  	v11 =	vmov s15;
	v13 =	vld [tilespmem:s3+$0x4080]  }
0x190: {  	v14 =	vld [tilespmem:s3+$0x4090]  }
0x191: {  	v12 =	vld [tilespmem:s3+$0x40F0]  }
0x192: {  	v15 =	vld [tilespmem:s3+$0x40A0]  }
0x193: {  	s18 =	simm.s32 $0x0;
	v16 =	vld [tilespmem:s3+$0x40B0]  }
0x194: {  	s15 =	smul.u32 $0x1800, s18;
	v11 =	vld.idx.msk [tilespmem:v11+s14+$0x0], $0xffff  }
0x195: {  	v17 =	vld [tilespmem:s3+$0x40C0]  }
0x196: {  	s18 =	sand.u32 $0x380, s2;
	v18 =	vld [tilespmem:s3+$0x40D0];
	s15 =	sadd.s32 s20, s15  }
0x197: {  	v19 =	vld [tilespmem:s3+$0x40E0];
	s31 =	sor.u32 s18, s15  }
0x198: {  	v21 =	vld [tilespmem:s31+$0x1070]  }
0x199: {  	s19 =	sadd.s32 $0x1, s26;
	v23 =	vld [tilespmem:s31+$0x1000];
	v12 =	vsub.f32 v12, v10;
	v20 =	vcvt.s32.f32 v11  }
0x19a: {  	v28 =	vmov s19;
	v24 =	vld [tilespmem:s31+$0x1010];
	v13 =	vsub.f32 v13, v9  }
0x19b: {  	v25 =	vld [tilespmem:s31+$0x1020];
	v11 =	vsub.f32 v14, v8;
	v22 =	vmul.f32 v20, v12  }
0x19c: {  	v27 =	vld [tilespmem:s31+$0x1030];
	v14 =	vsub.f32 v15, v7;
	v26 =	vmul.f32 v20, v13  }
0x19d: {  	v30 =	vld [tilespmem:s31+$0x1040];
	v15 =	vsub.f32 v16, v6;
	v29 =	vmul.f32 v20, v11;
	v22 =	vadd.f32 v22, v10  }
0x19e: {  	v31 =	vld [tilespmem:s31+$0x1050];
	v16 =	vsub.f32 v17, v5;
	v26 =	vadd.f32 v26, v9  }
0x19f: {  	s22 =	simm.s32 $0x0;
	v28 =	vld.idx.msk [tilespmem:v28+s14+$0x0], $0xffff;
	v29 =	vadd.f32 v29, v8;
	v21 =	vadd.f32 v21, v22;
	v22 =	vmul.f32 v20, v14  }
0x1a0: {  	s3 =	smul.u32 $0x1800, s22;
	v17 =	vsub.f32 v18, v4;
	v18 =	vmul.f32 v20, v15;
	v23 =	vadd.f32 v26, v23;
	v26 =	vld [tilespmem:s31+$0x1060]  }
0x1a1: {  	s15 =	simm.s32 $0x80;
	v24 =	vadd.f32 v29, v24;
	[tilespmem:s31+$0xA670] =	vst.add.f32.msk $0xffff, v21;
	v22 =	vadd.f32 v22, v7  }
0x1a2: {  	s3 =	sadd.s32 s20, s3;
	s25 =	sand.u32 $0x380, s15;
	v18 =	vadd.f32 v18, v6;
	v21 =	vmul.f32 v20, v16;
	[tilespmem:s31+$0xA600] =	vst.add.f32.msk $0xffff, v23  }
0x1a3: {  	s3 =	sor.u32 s25, s3;
	v32 =	vmul.f32 v20, v17;
	[tilespmem:s31+$0xA610] =	vst.add.f32.msk $0xffff, v24;
	v22 =	vadd.f32 v25, v22  }
0x1a4: {  	v24 =	vld [tilespmem:s3+$0x1070];
	v21 =	vadd.f32 v21, v5;
	v25 =	vadd.f32 v27, v18  }
0x1a5: {  	v23 =	vadd.f32 v32, v4;
	[tilespmem:s31+$0xA620] =	vst.add.f32.msk $0xffff, v22  }
0x1a6: {  	v33 =	vcvt.s32.f32 v28;
	v18 =	vsub.f32 v19, v3;
	v19 =	vadd.f32 v30, v21;
	[tilespmem:s31+$0xA630] =	vst.add.f32.msk $0xffff, v25  }
0x1a7: {  	v21 =	vadd.f32 v31, v23;
	v22 =	vld [tilespmem:s3+$0x1010]  }
0x1a8: {  	v28 =	vmul.f32 v33, v15;
	v20 =	vmul.f32 v20, v18;
	[tilespmem:s31+$0xA640] =	vst.add.f32.msk $0xffff, v19  }
0x1a9: {  	v29 =	vmul.f32 v33, v11;
	v23 =	vmul.f32 v33, v12;
	[tilespmem:s31+$0xA650] =	vst.add.f32.msk $0xffff, v21  }
0x1aa: {  	v27 =	vmul.f32 v33, v14;
	v19 =	vadd.f32 v20, v3;
	v20 =	vmul.f32 v33, v13;
	v21 =	vld [tilespmem:s3+$0x1000]  }
0x1ab: {  	v25 =	vmul.f32 v33, v16;
	v30 =	vmul.f32 v33, v17;
	v32 =	vadd.f32 v23, v10;
	v23 =	vld [tilespmem:s3+$0x1020]  }
0x1ac: {  	s19 =	simm.s32 $0x3;
	s22 =	sadd.s32 $0x2, s26;
	s18 =	simm.s32 $0x2;
	v19 =	vadd.f32 v26, v19;
	v31 =	vadd.f32 v20, v9;
	v20 =	vmul.f32 v33, v18;
	v26 =	vld [tilespmem:s3+$0x1030]  }
.LBB2_12:
0x1ad: {  	p0 =	sne.s32 s19, $0xF;
	v33 =	vmov s22;
	v29 =	vadd.f32 v29, v8;
	v34 =	vld [tilespmem:s3+$0x1040];
	v24 =	vadd.f32 v24, v32  }
0x1ae: {  	v27 =	vadd.f32 v27, v7;
	v28 =	vadd.f32 v28, v6;
	v32 =	vld [tilespmem:s3+$0x1050]  }
0x1af: {  	v25 =	vadd.f32 v25, v5;
	v30 =	vadd.f32 v30, v4;
	[tilespmem:s3+$0xA670] =	vst.add.f32.msk $0xffff, v24  }
0x1b0: {  	v20 =	vadd.f32 v20, v3;
	v21 =	vadd.f32 v31, v21;
	v24 =	vld [tilespmem:s3+$0x1060]  }
0x1b1: {  	v22 =	vadd.f32 v29, v22;
	v23 =	vadd.f32 v23, v27;
	[tilespmem:s31+$0xA660] =	vst.add.f32.msk $0xffff, v19;
	s31 =	smov.u32 s3  }
0x1b2: {  	v26 =	vadd.f32 v26, v28;
	v27 =	vld.idx.msk [tilespmem:v33+s14+$0x0], $0xffff;
	v25 =	vadd.f32 v34, v25  }
0x1b3: {  	[tilespmem:s31+$0xA600] =	vst.add.f32.msk $0xffff, v21;
	v21 =	vadd.f32 v32, v30  }
0x1b4: {  	s3 =	sshrl.u32 s18, $0x3;
	s18 =	smov.u32 s19;
	[tilespmem:s31+$0xA610] =	vst.add.f32.msk $0xffff, v22  }
0x1b5: {  	s3 =	smul.u32 $0x1800, s3;
	[tilespmem:s31+$0xA620] =	vst.add.f32.msk $0xffff, v23;
	v19 =	vadd.f32 v24, v20  }
0x1b6: {  	s15 =	sadd.s32 $0x80, s15;
	[tilespmem:s31+$0xA630] =	vst.add.f32.msk $0xffff, v26  }
0x1b7: {  	s22 =	sand.u32 $0x380, s15;
	s3 =	sadd.s32 s20, s3;
	[tilespmem:s31+$0xA640] =	vst.add.f32.msk $0xffff, v25  }
0x1b8: {  	s3 =	sor.u32 s22, s3;
	v20 =	vcvt.s32.f32 v27;
	[tilespmem:s31+$0xA650] =	vst.add.f32.msk $0xffff, v21  }
.Ltmp4:
0x1b9: {  	v24 =	vld [tilespmem:s3+$0x1070];
	(pc) =	sbr.rel @p0 .LBB2_12-.Ltmp4, $4  }
0x1ba: {  	v26 =	vmul.f32 v20, v13;
	v23 =	vmul.f32 v20, v12;
	v21 =	vld [tilespmem:s3+$0x1000]  }
0x1bb: {  	v29 =	vmul.f32 v20, v11;
	v27 =	vmul.f32 v20, v14;
	v22 =	vld [tilespmem:s3+$0x1010]  }
0x1bc: {  	v28 =	vmul.f32 v20, v15;
	v25 =	vmul.f32 v20, v16;
	v32 =	vadd.f32 v23, v10;
	v23 =	vld [tilespmem:s3+$0x1020]  }
0x1bd: {  	s19 =	sadd.s32 $0x1, s19;
	s22 =	sadd.s32 s18, s26;
	v30 =	vmul.f32 v20, v17;
	v20 =	vmul.f32 v20, v18;
	v31 =	vadd.f32 v26, v9;
	v26 =	vld [tilespmem:s3+$0x1030]  }
0x1be: {  	v34 =	vld [tilespmem:s3+$0x1040]  }
0x1bf: {  	v40 =	vld [tilespmem:s3+$0x1050]  }
0x1c0: {  	v33 =	vmov s22;
	v24 =	vadd.f32 v24, v32;
	v41 =	vadd.f32 v29, v8;
	v42 =	vld [tilespmem:s3+$0x1060]  }
0x1c1: {  	[tilespmem:s31+$0xA660] =	vst.add.f32.msk $0xffff, v19;
	v21 =	vadd.f32 v31, v21  }
0x1c2: {  	v27 =	vadd.f32 v27, v7;
	s18 =	sshrl.u32 s18, $0x3;
	[tilespmem:s3+$0xA670] =	vst.add.f32.msk $0xffff, v24;
	v22 =	vadd.f32 v41, v22  }
0x1c3: {  	s18 =	smul.u32 $0x1800, s18;
	[tilespmem:s3+$0xA600] =	vst.add.f32.msk $0xffff, v21  }
0x1c4: {  	s15 =	sadd.s32 $0x80, s15;
	v23 =	vadd.f32 v23, v27;
	[tilespmem:s3+$0xA610] =	vst.add.f32.msk $0xffff, v22  }
0x1c5: {  	s15 =	sand.u32 $0x380, s15;
	s18 =	sadd.s32 s20, s18;
	v44 =	vld.idx.msk [tilespmem:v33+s14+$0x0], $0xffff  }
0x1c6: {  	s15 =	sor.u32 s15, s18;
	[tilespmem:s3+$0xA620] =	vst.add.f32.msk $0xffff, v23  }
0x1c7: {  	v48 =	vld [tilespmem:s15+$0x1070]  }
0x1c8: {  	v49 =	vld [tilespmem:s15+$0x1000]  }
0x1c9: {  	v50 =	vld [tilespmem:s15+$0x1010]  }
0x1ca: {  	v51 =	vld [tilespmem:s15+$0x1020]  }
0x1cb: {  	v43 =	vadd.f32 v28, v6;
	v52 =	vld [tilespmem:s15+$0x1030];
	v47 =	vcvt.s32.f32 v44  }
0x1cc: {  	v25 =	vadd.f32 v25, v5;
	v53 =	vld [tilespmem:s15+$0x1040]  }
0x1cd: {  	v45 =	vadd.f32 v30, v4;
	v19 =	vadd.f32 v26, v43;
	v54 =	vld [tilespmem:s15+$0x1050];
	v12 =	vmul.f32 v47, v12  }
0x1ce: {  	v20 =	vadd.f32 v20, v3;
	v46 =	vadd.f32 v34, v25;
	v58 =	vld [tilespmem:s15+$0x1060];
	v13 =	vmul.f32 v47, v13  }
0x1cf: {  	v21 =	vadd.f32 v40, v45;
	[tilespmem:s3+$0xA630] =	vst.add.f32.msk $0xffff, v19;
	v11 =	vmul.f32 v47, v11;
	v10 =	vadd.f32 v12, v10  }
0x1d0: {  	v20 =	vadd.f32 v42, v20;
	[tilespmem:s3+$0xA640] =	vst.add.f32.msk $0xffff, v46;
	v14 =	vmul.f32 v47, v14;
	v9 =	vadd.f32 v13, v9  }
0x1d1: {  	[tilespmem:s3+$0xA650] =	vst.add.f32.msk $0xffff, v21;
	v15 =	vmul.f32 v47, v15;
	v55 =	vadd.f32 v11, v8;
	v10 =	vadd.f32 v48, v10  }
0x1d2: {  	[tilespmem:s3+$0xA660] =	vst.add.f32.msk $0xffff, v20;
	v56 =	vmul.f32 v47, v16;
	v57 =	vadd.f32 v14, v7;
	v9 =	vadd.f32 v9, v49  }
0x1d3: {  	v59 =	vmul.f32 v47, v17;
	v60 =	vadd.f32 v15, v6;
	v8 =	vadd.f32 v55, v50;
	[tilespmem:s15+$0xA670] =	vst.add.f32.msk $0xffff, v10  }
0x1d4: {  	v61 =	vmul.f32 v47, v18;
	v62 =	vadd.f32 v56, v5;
	v7 =	vadd.f32 v51, v57;
	[tilespmem:s15+$0xA600] =	vst.add.f32.msk $0xffff, v9  }
0x1d5: {  	p0 =	slt.u32 s7, $0x280;
	v63 =	vadd.f32 v59, v4;
	v6 =	vadd.f32 v52, v60;
	[tilespmem:s15+$0xA610] =	vst.add.f32.msk $0xffff, v8  }
.Ltmp5:
0x1d6: {  	v3 =	vadd.f32 v61, v3;
	v5 =	vadd.f32 v53, v62;
	[tilespmem:s15+$0xA620] =	vst.add.f32.msk $0xffff, v7;
	(pc) =	sbr.rel @p0 .LBB2_11-.Ltmp5, $4  }
0x1d7: {  	v4 =	vadd.f32 v54, v63;
	[tilespmem:s15+$0xA630] =	vst.add.f32.msk $0xffff, v6  }
0x1d8: {  	v3 =	vadd.f32 v58, v3;
	[tilespmem:s15+$0xA640] =	vst.add.f32.msk $0xffff, v5  }
0x1d9: {  	s31 =	sadd.s32 $0x80, s7;
	[tilespmem:s15+$0xA650] =	vst.add.f32.msk $0xffff, v4  }
0x1da: {  	s7 =	smov.u32 s31;
	[tilespmem:s15+$0xA660] =	vst.add.f32.msk $0xffff, v3  }
0x1db: {  	s2 =	smul.u32 $0x60000, s21;
	_ =	sdelay $0x1  }
0x1dc: {  	s2 =	sadd.s32 s6, s2  }
0x1dd: {  	s2 =	sshrl.u32 s2, $0x3  }
0x1de: {  	s3 =	simm.s32 $0xA600;
	p0 =	seq.s32 s17, $0xF;
	s2 =	sadd.s32 s4, s2  }
0x1df: {  	[hbm4b:s2+s5] =	stream.linear.scatter [tilespmem:s3], [sflag:$0xB], $0x3000, $0x38;
	[tilespmem:$0x1C600] =	vst v63  }
0x1e0: {  	s2 =	simm.s32 @!p0 $0x9  }
0x1e1: {  	_ =	swait.ge @!p0 [sflag:s2], $0x3000  }
0x1e2: {  	s3 =	sshll.u32 @!p0 s17, $0x7;
	[sflag:s2] =	ssyncset.done @!p0 $0x0  }
0x1e3: {  	[sflag:s2] =	ssyncadd.s32 @!p0 $0xFFFFD000;
	s2 =	sand.u32 @!p0 $0x3FFFFF80, s3  }
0x1e4: {  	v3 =	vld @!p0 [tilespmem:s2+$0x80];
	_ =	sdelay $0x4  }
0x1e5: {  	v4 =	vshrl.u32 @!p0 v3, $0x3  }
0x1e6: {  	v4 =	vmul.u32 @!p0 $0x30, v4  }
0x1e7: {  	v5 =	vlaneseq.u32 @!p0;
	v3 =	vand.u32 @!p0 $0x7, v3  }
0x1e8: {  	v6 =	vshrl.u32 @!p0 v5, $0x3;
	v3 =	vor.u32 @!p0 v3, v4;
	v4 =	vand.u32 @!p0 $0x7, v5  }
0x1e9: {  	v6 =	vmul.u32 @!p0 $0x8, v6;
	v4 =	vperm.xlane @!p0 v3, v4;
	_ =	sdelay $0x1  }
0x1ea: {  	v4 =	vadd.s32 @!p0 v6, v4;
	_ =	sdelay $0x2  }
0x1eb: {  	v5 =	vor.u32 @!p0 $0x8, v5  }
0x1ec: {  	vm1 =	vmmov @!p0 $0xffff;
	s7 =	simm.s32 @!p0 $0x4600;
	s3 =	simm.s32 @!p0 $0x0;
	v3 =	vperm.xlane @!p0 v3, v5  }
0x1ed: {  	[tilespmem:s7], [sflag:$0x1] =	stream.indirect_vreg.gather @!p0 [hbm4b:s1+s3], $0x80, v4, vm1, $0xb8;
	[tilespmem:$0x1C600] =	vst v63  }
0x1ee: {  	v3 =	vadd.s32 @!p0 v6, v3;
	s7 =	simm.s32 @!p0 $0x4E00  }
0x1ef: {  	[tilespmem:s7], [sflag:$0x1] =	stream.indirect_vreg.gather @!p0 [hbm4b:s10+s3], $0x80, v4, vm1, $0xb8;
	[tilespmem:$0x1C600] =	vst v63  }
0x1f0: {  	s7 =	simm.s32 @!p0 $0x5600  }
0x1f1: {  	[tilespmem:s7], [sflag:$0x1] =	stream.indirect_vreg.gather @!p0 [hbm4b:s11+s3], $0x80, v4, vm1, $0xb8;
	[tilespmem:$0x1C600] =	vst v63  }
0x1f2: {  	s7 =	simm.s32 @!p0 $0x5E00  }
0x1f3: {  	[tilespmem:s7], [sflag:$0x1] =	stream.indirect_vreg.gather @!p0 [hbm4b:s1+s3], $0x80, v3, vm1, $0xb8;
	[tilespmem:$0x1C600] =	vst v63  }
0x1f4: {  	s7 =	simm.s32 @!p0 $0x6600  }
0x1f5: {  	[tilespmem:s7], [sflag:$0x1] =	stream.indirect_vreg.gather @!p0 [hbm4b:s10+s3], $0x80, v3, vm1, $0xb8;
	[tilespmem:$0x1C600] =	vst v63  }
0x1f6: {  	s31 =	simm.s32 $0x4;
	s7 =	simm.s32 @!p0 $0x6E00  }
0x1f7: {  	[tilespmem:s7], [sflag:$0x1] =	stream.indirect_vreg.gather @!p0 [hbm4b:s11+s3], $0x80, v3, vm1, $0xb8;
	[tilespmem:$0x1C600] =	vst v63  }
0x1f8: {  	_ =	swait.ge [sflag:s31], $0x3000  }
0x1f9: {  	s21 =	sor.u32 $0x3, s24;
	[sflag:s31] =	ssyncset.done $0x0  }
0x1fa: {  	s20 =	simm.s32 $0x0;
	s7 =	simm.s32 $0x0;
	[sflag:s31] =	ssyncadd.s32 $0xFFFFD000  }
.LBB2_15:
0x1fb: {  	s31 =	sshll.u32 s20, $0x3  }
0x1fc: {  	s3 =	sshrl.u32 s31, $0x2  }
0x1fd: {  	v9 =	vld [tilespmem:s3+$0x4000]  }
0x1fe: {  	v8 =	vld [tilespmem:s3+$0x4010]  }
0x1ff: {  	v7 =	vld [tilespmem:s3+$0x4020]  }
0x200: {  	v6 =	vld [tilespmem:s3+$0x4030]  }
0x201: {  	v5 =	vld [tilespmem:s3+$0x4040]  }
0x202: {  	v4 =	vld [tilespmem:s3+$0x4050]  }
0x203: {  	v3 =	vld [tilespmem:s3+$0x4060]  }
0x204: {  	s15 =	sadd.s32 $0x0, s28;
	v10 =	vld [tilespmem:s3+$0x4070]  }
0x205: {  	v11 =	vmov s15;
	v13 =	vld [tilespmem:s3+$0x4080]  }
0x206: {  	v14 =	vld [tilespmem:s3+$0x4090]  }
0x207: {  	v12 =	vld [tilespmem:s3+$0x40F0]  }
0x208: {  	v15 =	vld [tilespmem:s3+$0x40A0]  }
0x209: {  	s19 =	simm.s32 $0x0;
	v16 =	vld [tilespmem:s3+$0x40B0]  }
0x20a: {  	s15 =	smul.u32 $0x1800, s19;
	v11 =	vld.idx.msk [tilespmem:v11+s14+$0x0], $0xffff  }
0x20b: {  	v17 =	vld [tilespmem:s3+$0x40C0]  }
0x20c: {  	s18 =	sand.u32 $0x380, s7;
	v18 =	vld [tilespmem:s3+$0x40D0];
	s15 =	sadd.s32 s31, s15  }
0x20d: {  	v19 =	vld [tilespmem:s3+$0x40E0];
	s3 =	sor.u32 s18, s15  }
0x20e: {  	v21 =	vld [tilespmem:s3+$0x1070]  }
0x20f: {  	s22 =	sadd.s32 $0x1, s28;
	v23 =	vld [tilespmem:s3+$0x1000];
	v12 =	vsub.f32 v12, v10;
	v20 =	vcvt.s32.f32 v11  }
0x210: {  	v28 =	vmov s22;
	v24 =	vld [tilespmem:s3+$0x1010];
	v13 =	vsub.f32 v13, v9  }
0x211: {  	v25 =	vld [tilespmem:s3+$0x1020];
	v11 =	vsub.f32 v14, v8;
	v22 =	vmul.f32 v20, v12  }
0x212: {  	v27 =	vld [tilespmem:s3+$0x1030];
	v14 =	vsub.f32 v15, v7;
	v26 =	vmul.f32 v20, v13  }
0x213: {  	v30 =	vld [tilespmem:s3+$0x1040];
	v15 =	vsub.f32 v16, v6;
	v29 =	vmul.f32 v20, v11;
	v22 =	vadd.f32 v22, v10  }
0x214: {  	v31 =	vld [tilespmem:s3+$0x1050];
	v16 =	vsub.f32 v17, v5;
	v26 =	vadd.f32 v26, v9  }
0x215: {  	s25 =	simm.s32 $0x0;
	v28 =	vld.idx.msk [tilespmem:v28+s14+$0x0], $0xffff;
	v29 =	vadd.f32 v29, v8;
	v21 =	vadd.f32 v21, v22;
	v22 =	vmul.f32 v20, v14  }
0x216: {  	s15 =	smul.u32 $0x1800, s25;
	v17 =	vsub.f32 v18, v4;
	v18 =	vmul.f32 v20, v15;
	v23 =	vadd.f32 v26, v23;
	v26 =	vld [tilespmem:s3+$0x1060]  }
0x217: {  	s18 =	simm.s32 $0x80;
	v24 =	vadd.f32 v29, v24;
	[tilespmem:s3+$0xD670] =	vst.add.f32.msk $0xffff, v21;
	v22 =	vadd.f32 v22, v7  }
0x218: {  	s19 =	sand.u32 $0x380, s18;
	s15 =	sadd.s32 s31, s15;
	v18 =	vadd.f32 v18, v6;
	v21 =	vmul.f32 v20, v16;
	[tilespmem:s3+$0xD600] =	vst.add.f32.msk $0xffff, v23  }
0x219: {  	s15 =	sor.u32 s19, s15;
	v32 =	vmul.f32 v20, v17;
	[tilespmem:s3+$0xD610] =	vst.add.f32.msk $0xffff, v24;
	v22 =	vadd.f32 v25, v22  }
0x21a: {  	v24 =	vld [tilespmem:s15+$0x1070];
	v21 =	vadd.f32 v21, v5;
	v25 =	vadd.f32 v27, v18  }
0x21b: {  	v23 =	vadd.f32 v32, v4;
	[tilespmem:s3+$0xD620] =	vst.add.f32.msk $0xffff, v22  }
0x21c: {  	v33 =	vcvt.s32.f32 v28;
	v18 =	vsub.f32 v19, v3;
	v19 =	vadd.f32 v30, v21;
	[tilespmem:s3+$0xD630] =	vst.add.f32.msk $0xffff, v25  }
0x21d: {  	v21 =	vadd.f32 v31, v23;
	v22 =	vld [tilespmem:s15+$0x1010]  }
0x21e: {  	v28 =	vmul.f32 v33, v15;
	v20 =	vmul.f32 v20, v18;
	[tilespmem:s3+$0xD640] =	vst.add.f32.msk $0xffff, v19  }
0x21f: {  	v29 =	vmul.f32 v33, v11;
	v23 =	vmul.f32 v33, v12;
	[tilespmem:s3+$0xD650] =	vst.add.f32.msk $0xffff, v21  }
0x220: {  	v27 =	vmul.f32 v33, v14;
	v19 =	vadd.f32 v20, v3;
	v20 =	vmul.f32 v33, v13;
	v21 =	vld [tilespmem:s15+$0x1000]  }
0x221: {  	v25 =	vmul.f32 v33, v16;
	v30 =	vmul.f32 v33, v17;
	v32 =	vadd.f32 v23, v10;
	v23 =	vld [tilespmem:s15+$0x1020]  }
0x222: {  	s22 =	simm.s32 $0x3;
	s25 =	sadd.s32 $0x2, s28;
	s19 =	simm.s32 $0x2;
	v19 =	vadd.f32 v26, v19;
	v31 =	vadd.f32 v20, v9;
	v20 =	vmul.f32 v33, v18;
	v26 =	vld [tilespmem:s15+$0x1030]  }
.LBB2_16:
0x223: {  	p1 =	sne.s32 s22, $0xF;
	v33 =	vmov s25;
	v29 =	vadd.f32 v29, v8;
	v34 =	vld [tilespmem:s15+$0x1040];
	v24 =	vadd.f32 v24, v32  }
0x224: {  	v27 =	vadd.f32 v27, v7;
	v28 =	vadd.f32 v28, v6;
	v32 =	vld [tilespmem:s15+$0x1050]  }
0x225: {  	v25 =	vadd.f32 v25, v5;
	v30 =	vadd.f32 v30, v4;
	[tilespmem:s15+$0xD670] =	vst.add.f32.msk $0xffff, v24  }
0x226: {  	v20 =	vadd.f32 v20, v3;
	v21 =	vadd.f32 v31, v21;
	v24 =	vld [tilespmem:s15+$0x1060]  }
0x227: {  	v22 =	vadd.f32 v29, v22;
	v23 =	vadd.f32 v23, v27;
	[tilespmem:s3+$0xD660] =	vst.add.f32.msk $0xffff, v19;
	s3 =	smov.u32 s15  }
0x228: {  	v26 =	vadd.f32 v26, v28;
	v27 =	vld.idx.msk [tilespmem:v33+s14+$0x0], $0xffff;
	v25 =	vadd.f32 v34, v25  }
0x229: {  	[tilespmem:s3+$0xD600] =	vst.add.f32.msk $0xffff, v21;
	v21 =	vadd.f32 v32, v30  }
0x22a: {  	s15 =	sshrl.u32 s19, $0x3;
	s19 =	smov.u32 s22;
	[tilespmem:s3+$0xD610] =	vst.add.f32.msk $0xffff, v22  }
0x22b: {  	s15 =	smul.u32 $0x1800, s15;
	[tilespmem:s3+$0xD620] =	vst.add.f32.msk $0xffff, v23;
	v19 =	vadd.f32 v24, v20  }
0x22c: {  	s18 =	sadd.s32 $0x80, s18;
	[tilespmem:s3+$0xD630] =	vst.add.f32.msk $0xffff, v26  }
0x22d: {  	s25 =	sand.u32 $0x380, s18;
	s15 =	sadd.s32 s31, s15;
	[tilespmem:s3+$0xD640] =	vst.add.f32.msk $0xffff, v25  }
0x22e: {  	s15 =	sor.u32 s25, s15;
	v20 =	vcvt.s32.f32 v27;
	[tilespmem:s3+$0xD650] =	vst.add.f32.msk $0xffff, v21  }
.Ltmp6:
0x22f: {  	v24 =	vld [tilespmem:s15+$0x1070];
	(pc) =	sbr.rel @p1 .LBB2_16-.Ltmp6, $4  }
0x230: {  	v26 =	vmul.f32 v20, v13;
	v23 =	vmul.f32 v20, v12;
	v21 =	vld [tilespmem:s15+$0x1000]  }
0x231: {  	v29 =	vmul.f32 v20, v11;
	v27 =	vmul.f32 v20, v14;
	v22 =	vld [tilespmem:s15+$0x1010]  }
0x232: {  	v28 =	vmul.f32 v20, v15;
	v25 =	vmul.f32 v20, v16;
	v32 =	vadd.f32 v23, v10;
	v23 =	vld [tilespmem:s15+$0x1020]  }
0x233: {  	s22 =	sadd.s32 $0x1, s22;
	s25 =	sadd.s32 s19, s28;
	v30 =	vmul.f32 v20, v17;
	v20 =	vmul.f32 v20, v18;
	v31 =	vadd.f32 v26, v9;
	v26 =	vld [tilespmem:s15+$0x1030]  }
0x234: {  	v34 =	vld [tilespmem:s15+$0x1040]  }
0x235: {  	v40 =	vld [tilespmem:s15+$0x1050]  }
0x236: {  	v33 =	vmov s25;
	v24 =	vadd.f32 v24, v32;
	v41 =	vadd.f32 v29, v8;
	v42 =	vld [tilespmem:s15+$0x1060]  }
0x237: {  	[tilespmem:s3+$0xD660] =	vst.add.f32.msk $0xffff, v19;
	v21 =	vadd.f32 v31, v21  }
0x238: {  	v27 =	vadd.f32 v27, v7;
	s25 =	sshrl.u32 s19, $0x3;
	[tilespmem:s15+$0xD670] =	vst.add.f32.msk $0xffff, v24;
	v22 =	vadd.f32 v41, v22  }
0x239: {  	s3 =	smul.u32 $0x1800, s25;
	[tilespmem:s15+$0xD600] =	vst.add.f32.msk $0xffff, v21  }
0x23a: {  	s18 =	sadd.s32 $0x80, s18;
	v23 =	vadd.f32 v23, v27;
	[tilespmem:s15+$0xD610] =	vst.add.f32.msk $0xffff, v22  }
0x23b: {  	s18 =	sand.u32 $0x380, s18;
	s3 =	sadd.s32 s31, s3;
	v44 =	vld.idx.msk [tilespmem:v33+s14+$0x0], $0xffff  }
0x23c: {  	s3 =	sor.u32 s18, s3;
	[tilespmem:s15+$0xD620] =	vst.add.f32.msk $0xffff, v23  }
0x23d: {  	v48 =	vld [tilespmem:s3+$0x1070]  }
0x23e: {  	v49 =	vld [tilespmem:s3+$0x1000]  }
0x23f: {  	v50 =	vld [tilespmem:s3+$0x1010]  }
0x240: {  	v51 =	vld [tilespmem:s3+$0x1020]  }
0x241: {  	v43 =	vadd.f32 v28, v6;
	v52 =	vld [tilespmem:s3+$0x1030];
	v47 =	vcvt.s32.f32 v44  }
0x242: {  	v25 =	vadd.f32 v25, v5;
	v53 =	vld [tilespmem:s3+$0x1040]  }
0x243: {  	v45 =	vadd.f32 v30, v4;
	v19 =	vadd.f32 v26, v43;
	v54 =	vld [tilespmem:s3+$0x1050];
	v12 =	vmul.f32 v47, v12  }
0x244: {  	v20 =	vadd.f32 v20, v3;
	v46 =	vadd.f32 v34, v25;
	v58 =	vld [tilespmem:s3+$0x1060];
	v13 =	vmul.f32 v47, v13  }
0x245: {  	v21 =	vadd.f32 v40, v45;
	[tilespmem:s15+$0xD630] =	vst.add.f32.msk $0xffff, v19;
	v11 =	vmul.f32 v47, v11;
	v10 =	vadd.f32 v12, v10  }
0x246: {  	v20 =	vadd.f32 v42, v20;
	[tilespmem:s15+$0xD640] =	vst.add.f32.msk $0xffff, v46;
	v14 =	vmul.f32 v47, v14;
	v9 =	vadd.f32 v13, v9  }
0x247: {  	[tilespmem:s15+$0xD650] =	vst.add.f32.msk $0xffff, v21;
	v15 =	vmul.f32 v47, v15;
	v55 =	vadd.f32 v11, v8;
	v10 =	vadd.f32 v48, v10  }
0x248: {  	[tilespmem:s15+$0xD660] =	vst.add.f32.msk $0xffff, v20;
	v56 =	vmul.f32 v47, v16;
	v57 =	vadd.f32 v14, v7;
	v9 =	vadd.f32 v9, v49  }
0x249: {  	v59 =	vmul.f32 v47, v17;
	v60 =	vadd.f32 v15, v6;
	v8 =	vadd.f32 v55, v50;
	[tilespmem:s3+$0xD670] =	vst.add.f32.msk $0xffff, v10  }
0x24a: {  	v61 =	vmul.f32 v47, v18;
	v62 =	vadd.f32 v56, v5;
	v7 =	vadd.f32 v51, v57;
	[tilespmem:s3+$0xD600] =	vst.add.f32.msk $0xffff, v9  }
0x24b: {  	p1 =	slt.u32 s20, $0x280;
	v63 =	vadd.f32 v59, v4;
	v6 =	vadd.f32 v52, v60;
	[tilespmem:s3+$0xD610] =	vst.add.f32.msk $0xffff, v8  }
.Ltmp7:
0x24c: {  	v3 =	vadd.f32 v61, v3;
	v5 =	vadd.f32 v53, v62;
	[tilespmem:s3+$0xD620] =	vst.add.f32.msk $0xffff, v7;
	(pc) =	sbr.rel @p1 .LBB2_15-.Ltmp7, $4  }
0x24d: {  	v4 =	vadd.f32 v54, v63;
	[tilespmem:s3+$0xD630] =	vst.add.f32.msk $0xffff, v6  }
0x24e: {  	v3 =	vadd.f32 v58, v3;
	[tilespmem:s3+$0xD640] =	vst.add.f32.msk $0xffff, v5  }
0x24f: {  	s31 =	sadd.s32 $0x80, s20;
	[tilespmem:s3+$0xD650] =	vst.add.f32.msk $0xffff, v4  }
0x250: {  	s20 =	smov.u32 s31;
	[tilespmem:s3+$0xD660] =	vst.add.f32.msk $0xffff, v3  }
0x251: {  	s3 =	smul.u32 $0x60000, s21;
	_ =	sdelay $0x1  }
0x252: {  	s3 =	sadd.s32 s6, s3  }
0x253: {  	s3 =	sshrl.u32 s3, $0x3  }
0x254: {  	s7 =	simm.s32 $0xD600;
	s3 =	sadd.s32 s4, s3  }
0x255: {  	[hbm4b:s3+s5] =	stream.linear.scatter [tilespmem:s7], [sflag:$0xC], $0x3000, $0x38;
	[tilespmem:$0x1C600] =	vst v63  }
0x256: {  	s3 =	simm.s32 @!p0 $0xA  }
0x257: {  	_ =	swait.ge @!p0 [sflag:s3], $0x3000  }
0x258: {  	[sflag:s3] =	ssyncset.done @!p0 $0x0  }
0x259: {  	[sflag:s3] =	ssyncadd.s32 @!p0 $0xFFFFD000  }
0x25a: {  	v3 =	vld @!p0 [tilespmem:s2+$0x90];
	_ =	sdelay $0x4  }
0x25b: {  	v4 =	vshrl.u32 @!p0 v3, $0x3  }
0x25c: {  	v4 =	vmul.u32 @!p0 $0x30, v4  }
0x25d: {  	v5 =	vlaneseq.u32 @!p0;
	v3 =	vand.u32 @!p0 $0x7, v3  }
0x25e: {  	v6 =	vshrl.u32 @!p0 v5, $0x3;
	v3 =	vor.u32 @!p0 v3, v4;
	v4 =	vand.u32 @!p0 $0x7, v5  }
0x25f: {  	v6 =	vmul.u32 @!p0 $0x8, v6;
	v4 =	vperm.xlane @!p0 v3, v4;
	_ =	sdelay $0x1  }
0x260: {  	v4 =	vadd.s32 @!p0 v6, v4;
	_ =	sdelay $0x2  }
0x261: {  	v5 =	vor.u32 @!p0 $0x8, v5  }
0x262: {  	s7 =	simm.s32 @!p0 $0x7600;
	s3 =	simm.s32 @!p0 $0x0;
	v3 =	vperm.xlane @!p0 v3, v5  }
0x263: {  	[tilespmem:s7], [sflag:$0x2] =	stream.indirect_vreg.gather @!p0 [hbm4b:s1+s3], $0x80, v4, vm1, $0xb8;
	[tilespmem:$0x1C600] =	vst v63  }
0x264: {  	v3 =	vadd.s32 @!p0 v6, v3;
	s7 =	simm.s32 @!p0 $0x7E00  }
0x265: {  	[tilespmem:s7], [sflag:$0x2] =	stream.indirect_vreg.gather @!p0 [hbm4b:s10+s3], $0x80, v4, vm1, $0xb8;
	[tilespmem:$0x1C600] =	vst v63  }
0x266: {  	s7 =	simm.s32 @!p0 $0x8600  }
0x267: {  	[tilespmem:s7], [sflag:$0x2] =	stream.indirect_vreg.gather @!p0 [hbm4b:s11+s3], $0x80, v4, vm1, $0xb8;
	[tilespmem:$0x1C600] =	vst v63  }
0x268: {  	s7 =	simm.s32 @!p0 $0x8E00  }
0x269: {  	[tilespmem:s7], [sflag:$0x2] =	stream.indirect_vreg.gather @!p0 [hbm4b:s1+s3], $0x80, v3, vm1, $0xb8;
	[tilespmem:$0x1C600] =	vst v63  }
0x26a: {  	s7 =	simm.s32 @!p0 $0x9600  }
0x26b: {  	[tilespmem:s7], [sflag:$0x2] =	stream.indirect_vreg.gather @!p0 [hbm4b:s10+s3], $0x80, v3, vm1, $0xb8;
	[tilespmem:$0x1C600] =	vst v63  }
0x26c: {  	s25 =	simm.s32 $0x5;
	s7 =	simm.s32 @!p0 $0x9E00  }
0x26d: {  	[tilespmem:s7], [sflag:$0x2] =	stream.indirect_vreg.gather @!p0 [hbm4b:s11+s3], $0x80, v3, vm1, $0xb8;
	[tilespmem:$0x1C600] =	vst v63  }
0x26e: {  	_ =	swait.ge [sflag:s25], $0x3000  }
0x26f: {  	s21 =	sor.u32 $0x4, s24;
	s20 =	simm.s32 $0x0;
	[sflag:s25] =	ssyncset.done $0x0  }
0x270: {  	s31 =	simm.s32 $0x16600;
	s7 =	simm.s32 $0x0;
	[sflag:s25] =	ssyncadd.s32 $0xFFFFD000  }
.LBB2_19:
0x271: {  	s24 =	sshll.u32 s20, $0x3  }
0x272: {  	s3 =	sshrl.u32 s24, $0x2  }
0x273: {  	v9 =	vld [tilespmem:s3+$0x4000]  }
0x274: {  	v8 =	vld [tilespmem:s3+$0x4010]  }
0x275: {  	v7 =	vld [tilespmem:s3+$0x4020]  }
0x276: {  	v6 =	vld [tilespmem:s3+$0x4030]  }
0x277: {  	v5 =	vld [tilespmem:s3+$0x4040]  }
0x278: {  	v4 =	vld [tilespmem:s3+$0x4050]  }
0x279: {  	v3 =	vld [tilespmem:s3+$0x4060]  }
0x27a: {  	s15 =	sadd.s32 $0x0, s29;
	v10 =	vld [tilespmem:s3+$0x4070]  }
0x27b: {  	v11 =	vmov s15;
	v13 =	vld [tilespmem:s3+$0x4080]  }
0x27c: {  	v14 =	vld [tilespmem:s3+$0x4090]  }
0x27d: {  	v12 =	vld [tilespmem:s3+$0x40F0]  }
0x27e: {  	v15 =	vld [tilespmem:s3+$0x40A0]  }
0x27f: {  	s19 =	simm.s32 $0x0;
	v16 =	vld [tilespmem:s3+$0x40B0]  }
0x280: {  	s15 =	smul.u32 $0x1800, s19;
	v11 =	vld.idx.msk [tilespmem:v11+s14+$0x0], $0xffff  }
0x281: {  	v17 =	vld [tilespmem:s3+$0x40C0]  }
0x282: {  	s18 =	sand.u32 $0x380, s7;
	v18 =	vld [tilespmem:s3+$0x40D0];
	s15 =	sadd.s32 s24, s15  }
0x283: {  	v19 =	vld [tilespmem:s3+$0x40E0];
	s3 =	sor.u32 s18, s15  }
0x284: {  	v21 =	vld [tilespmem:s3+$0x1070]  }
0x285: {  	s22 =	sadd.s32 $0x1, s29;
	v23 =	vld [tilespmem:s3+$0x1000];
	v12 =	vsub.f32 v12, v10;
	v20 =	vcvt.s32.f32 v11  }
0x286: {  	v28 =	vmov s22;
	v24 =	vld [tilespmem:s3+$0x1010];
	v13 =	vsub.f32 v13, v9  }
0x287: {  	v25 =	vld [tilespmem:s3+$0x1020];
	v11 =	vsub.f32 v14, v8;
	v22 =	vmul.f32 v20, v12  }
0x288: {  	v27 =	vld [tilespmem:s3+$0x1030];
	v14 =	vsub.f32 v15, v7;
	v26 =	vmul.f32 v20, v13  }
0x289: {  	v30 =	vld [tilespmem:s3+$0x1040];
	v15 =	vsub.f32 v16, v6;
	v29 =	vmul.f32 v20, v11;
	v22 =	vadd.f32 v22, v10  }
0x28a: {  	v31 =	vld [tilespmem:s3+$0x1050];
	v16 =	vsub.f32 v17, v5;
	v26 =	vadd.f32 v26, v9  }
0x28b: {  	s25 =	simm.s32 $0x0;
	v28 =	vld.idx.msk [tilespmem:v28+s14+$0x0], $0xffff;
	v29 =	vadd.f32 v29, v8;
	v21 =	vadd.f32 v21, v22;
	v22 =	vmul.f32 v20, v14  }
0x28c: {  	s15 =	smul.u32 $0x1800, s25;
	v17 =	vsub.f32 v18, v4;
	v18 =	vmul.f32 v20, v15;
	v23 =	vadd.f32 v26, v23;
	v26 =	vld [tilespmem:s3+$0x1060]  }
0x28d: {  	s18 =	simm.s32 $0x80;
	v24 =	vadd.f32 v29, v24;
	[tilespmem:s3+$0x10670] =	vst.add.f32.msk $0xffff, v21;
	v22 =	vadd.f32 v22, v7  }
0x28e: {  	s19 =	sand.u32 $0x380, s18;
	s15 =	sadd.s32 s24, s15;
	v18 =	vadd.f32 v18, v6;
	v21 =	vmul.f32 v20, v16;
	[tilespmem:s3+$0x10600] =	vst.add.f32.msk $0xffff, v23  }
0x28f: {  	s15 =	sor.u32 s19, s15;
	v32 =	vmul.f32 v20, v17;
	[tilespmem:s3+$0x10610] =	vst.add.f32.msk $0xffff, v24;
	v22 =	vadd.f32 v25, v22  }
0x290: {  	v24 =	vld [tilespmem:s15+$0x1070];
	v21 =	vadd.f32 v21, v5;
	v25 =	vadd.f32 v27, v18  }
0x291: {  	v23 =	vadd.f32 v32, v4;
	[tilespmem:s3+$0x10620] =	vst.add.f32.msk $0xffff, v22  }
0x292: {  	v33 =	vcvt.s32.f32 v28;
	v18 =	vsub.f32 v19, v3;
	v19 =	vadd.f32 v30, v21;
	[tilespmem:s3+$0x10630] =	vst.add.f32.msk $0xffff, v25  }
0x293: {  	v21 =	vadd.f32 v31, v23;
	v22 =	vld [tilespmem:s15+$0x1010]  }
0x294: {  	v28 =	vmul.f32 v33, v15;
	v20 =	vmul.f32 v20, v18;
	[tilespmem:s3+$0x10640] =	vst.add.f32.msk $0xffff, v19  }
0x295: {  	v29 =	vmul.f32 v33, v11;
	v23 =	vmul.f32 v33, v12;
	[tilespmem:s3+$0x10650] =	vst.add.f32.msk $0xffff, v21  }
0x296: {  	v27 =	vmul.f32 v33, v14;
	v19 =	vadd.f32 v20, v3;
	v20 =	vmul.f32 v33, v13;
	v21 =	vld [tilespmem:s15+$0x1000]  }
0x297: {  	v25 =	vmul.f32 v33, v16;
	v30 =	vmul.f32 v33, v17;
	v32 =	vadd.f32 v23, v10;
	v23 =	vld [tilespmem:s15+$0x1020]  }
0x298: {  	s22 =	simm.s32 $0x3;
	s25 =	sadd.s32 $0x2, s29;
	s19 =	simm.s32 $0x2;
	v19 =	vadd.f32 v26, v19;
	v31 =	vadd.f32 v20, v9;
	v20 =	vmul.f32 v33, v18;
	v26 =	vld [tilespmem:s15+$0x1030]  }
.LBB2_20:
0x299: {  	p1 =	sne.s32 s22, $0xF;
	v33 =	vmov s25;
	v29 =	vadd.f32 v29, v8;
	v34 =	vld [tilespmem:s15+$0x1040];
	v24 =	vadd.f32 v24, v32  }
0x29a: {  	v27 =	vadd.f32 v27, v7;
	v28 =	vadd.f32 v28, v6;
	v32 =	vld [tilespmem:s15+$0x1050]  }
0x29b: {  	v25 =	vadd.f32 v25, v5;
	v30 =	vadd.f32 v30, v4;
	[tilespmem:s15+$0x10670] =	vst.add.f32.msk $0xffff, v24  }
0x29c: {  	v20 =	vadd.f32 v20, v3;
	v21 =	vadd.f32 v31, v21;
	v24 =	vld [tilespmem:s15+$0x1060]  }
0x29d: {  	v22 =	vadd.f32 v29, v22;
	v23 =	vadd.f32 v23, v27;
	[tilespmem:s3+$0x10660] =	vst.add.f32.msk $0xffff, v19;
	s3 =	smov.u32 s15  }
0x29e: {  	v26 =	vadd.f32 v26, v28;
	v27 =	vld.idx.msk [tilespmem:v33+s14+$0x0], $0xffff;
	v25 =	vadd.f32 v34, v25  }
0x29f: {  	[tilespmem:s3+$0x10600] =	vst.add.f32.msk $0xffff, v21;
	v21 =	vadd.f32 v32, v30  }
0x2a0: {  	s15 =	sshrl.u32 s19, $0x3;
	s19 =	smov.u32 s22;
	[tilespmem:s3+$0x10610] =	vst.add.f32.msk $0xffff, v22  }
0x2a1: {  	s15 =	smul.u32 $0x1800, s15;
	[tilespmem:s3+$0x10620] =	vst.add.f32.msk $0xffff, v23;
	v19 =	vadd.f32 v24, v20  }
0x2a2: {  	s18 =	sadd.s32 $0x80, s18;
	[tilespmem:s3+$0x10630] =	vst.add.f32.msk $0xffff, v26  }
0x2a3: {  	s25 =	sand.u32 $0x380, s18;
	s15 =	sadd.s32 s24, s15;
	[tilespmem:s3+$0x10640] =	vst.add.f32.msk $0xffff, v25  }
0x2a4: {  	s15 =	sor.u32 s25, s15;
	v20 =	vcvt.s32.f32 v27;
	[tilespmem:s3+$0x10650] =	vst.add.f32.msk $0xffff, v21  }
.Ltmp8:
0x2a5: {  	v24 =	vld [tilespmem:s15+$0x1070];
	(pc) =	sbr.rel @p1 .LBB2_20-.Ltmp8, $4  }
0x2a6: {  	v26 =	vmul.f32 v20, v13;
	v23 =	vmul.f32 v20, v12;
	v21 =	vld [tilespmem:s15+$0x1000]  }
0x2a7: {  	v29 =	vmul.f32 v20, v11;
	v27 =	vmul.f32 v20, v14;
	v22 =	vld [tilespmem:s15+$0x1010]  }
0x2a8: {  	v28 =	vmul.f32 v20, v15;
	v25 =	vmul.f32 v20, v16;
	v32 =	vadd.f32 v23, v10;
	v23 =	vld [tilespmem:s15+$0x1020]  }
0x2a9: {  	s22 =	sadd.s32 $0x1, s22;
	s25 =	sadd.s32 s19, s29;
	v30 =	vmul.f32 v20, v17;
	v20 =	vmul.f32 v20, v18;
	v31 =	vadd.f32 v26, v9;
	v26 =	vld [tilespmem:s15+$0x1030]  }
0x2aa: {  	v34 =	vld [tilespmem:s15+$0x1040]  }
0x2ab: {  	v40 =	vld [tilespmem:s15+$0x1050]  }
0x2ac: {  	v33 =	vmov s25;
	v24 =	vadd.f32 v24, v32;
	v41 =	vadd.f32 v29, v8;
	v42 =	vld [tilespmem:s15+$0x1060]  }
0x2ad: {  	[tilespmem:s3+$0x10660] =	vst.add.f32.msk $0xffff, v19;
	v21 =	vadd.f32 v31, v21  }
0x2ae: {  	v27 =	vadd.f32 v27, v7;
	s22 =	sshrl.u32 s19, $0x3;
	[tilespmem:s15+$0x10670] =	vst.add.f32.msk $0xffff, v24;
	v22 =	vadd.f32 v41, v22  }
0x2af: {  	s3 =	smul.u32 $0x1800, s22;
	[tilespmem:s15+$0x10600] =	vst.add.f32.msk $0xffff, v21  }
0x2b0: {  	s18 =	sadd.s32 $0x80, s18;
	v23 =	vadd.f32 v23, v27;
	[tilespmem:s15+$0x10610] =	vst.add.f32.msk $0xffff, v22  }
0x2b1: {  	s18 =	sand.u32 $0x380, s18;
	s3 =	sadd.s32 s24, s3;
	v44 =	vld.idx.msk [tilespmem:v33+s14+$0x0], $0xffff  }
0x2b2: {  	s3 =	sor.u32 s18, s3;
	[tilespmem:s15+$0x10620] =	vst.add.f32.msk $0xffff, v23  }
0x2b3: {  	v48 =	vld [tilespmem:s3+$0x1070]  }
0x2b4: {  	v49 =	vld [tilespmem:s3+$0x1000]  }
0x2b5: {  	v50 =	vld [tilespmem:s3+$0x1010]  }
0x2b6: {  	v51 =	vld [tilespmem:s3+$0x1020]  }
0x2b7: {  	v43 =	vadd.f32 v28, v6;
	v52 =	vld [tilespmem:s3+$0x1030];
	v47 =	vcvt.s32.f32 v44  }
0x2b8: {  	v25 =	vadd.f32 v25, v5;
	v53 =	vld [tilespmem:s3+$0x1040]  }
0x2b9: {  	v45 =	vadd.f32 v30, v4;
	v19 =	vadd.f32 v26, v43;
	v54 =	vld [tilespmem:s3+$0x1050];
	v12 =	vmul.f32 v47, v12  }
0x2ba: {  	v20 =	vadd.f32 v20, v3;
	v46 =	vadd.f32 v34, v25;
	v58 =	vld [tilespmem:s3+$0x1060];
	v13 =	vmul.f32 v47, v13  }
0x2bb: {  	v21 =	vadd.f32 v40, v45;
	[tilespmem:s15+$0x10630] =	vst.add.f32.msk $0xffff, v19;
	v11 =	vmul.f32 v47, v11;
	v10 =	vadd.f32 v12, v10  }
0x2bc: {  	v20 =	vadd.f32 v42, v20;
	[tilespmem:s15+$0x10640] =	vst.add.f32.msk $0xffff, v46;
	v14 =	vmul.f32 v47, v14;
	v9 =	vadd.f32 v13, v9  }
0x2bd: {  	[tilespmem:s15+$0x10650] =	vst.add.f32.msk $0xffff, v21;
	v15 =	vmul.f32 v47, v15;
	v55 =	vadd.f32 v11, v8;
	v10 =	vadd.f32 v48, v10  }
0x2be: {  	[tilespmem:s15+$0x10660] =	vst.add.f32.msk $0xffff, v20;
	v56 =	vmul.f32 v47, v16;
	v57 =	vadd.f32 v14, v7;
	v9 =	vadd.f32 v9, v49  }
0x2bf: {  	v59 =	vmul.f32 v47, v17;
	v60 =	vadd.f32 v15, v6;
	v8 =	vadd.f32 v55, v50;
	[tilespmem:s3+$0x10670] =	vst.add.f32.msk $0xffff, v10  }
0x2c0: {  	v61 =	vmul.f32 v47, v18;
	v62 =	vadd.f32 v56, v5;
	v7 =	vadd.f32 v51, v57;
	[tilespmem:s3+$0x10600] =	vst.add.f32.msk $0xffff, v9  }
0x2c1: {  	p1 =	slt.u32 s20, $0x280;
	v63 =	vadd.f32 v59, v4;
	v6 =	vadd.f32 v52, v60;
	[tilespmem:s3+$0x10610] =	vst.add.f32.msk $0xffff, v8  }
.Ltmp9:
0x2c2: {  	v3 =	vadd.f32 v61, v3;
	v5 =	vadd.f32 v53, v62;
	[tilespmem:s3+$0x10620] =	vst.add.f32.msk $0xffff, v7;
	(pc) =	sbr.rel @p1 .LBB2_19-.Ltmp9, $4  }
0x2c3: {  	v4 =	vadd.f32 v54, v63;
	[tilespmem:s3+$0x10630] =	vst.add.f32.msk $0xffff, v6  }
0x2c4: {  	v3 =	vadd.f32 v58, v3;
	[tilespmem:s3+$0x10640] =	vst.add.f32.msk $0xffff, v5  }
0x2c5: {  	s25 =	sadd.s32 $0x80, s20;
	[tilespmem:s3+$0x10650] =	vst.add.f32.msk $0xffff, v4  }
0x2c6: {  	s20 =	smov.u32 s25;
	[tilespmem:s3+$0x10660] =	vst.add.f32.msk $0xffff, v3  }
0x2c7: {  	s3 =	smul.u32 $0x60000, s21;
	_ =	sdelay $0x1  }
0x2c8: {  	s3 =	sor.u32 s6, s3  }
0x2c9: {  	s3 =	sshrl.u32 s3, $0x3  }
0x2ca: {  	s7 =	simm.s32 $0x10600;
	s3 =	sadd.s32 s4, s3  }
0x2cb: {  	[hbm4b:s3+s5] =	stream.linear.scatter [tilespmem:s7], [sflag:$0xD], $0x3000, $0x38;
	[tilespmem:$0x1C600] =	vst v63  }
0x2cc: {  	s3 =	simm.s32 @!p0 $0xB  }
0x2cd: {  	_ =	swait.ge @!p0 [sflag:s3], $0x3000  }
0x2ce: {  	[sflag:s3] =	ssyncset.done @!p0 $0x0  }
0x2cf: {  	[sflag:s3] =	ssyncadd.s32 @!p0 $0xFFFFD000  }
0x2d0: {  	v3 =	vld @!p0 [tilespmem:s2+$0xA0];
	_ =	sdelay $0x4  }
0x2d1: {  	v4 =	vshrl.u32 @!p0 v3, $0x3  }
0x2d2: {  	v4 =	vmul.u32 @!p0 $0x30, v4  }
0x2d3: {  	v5 =	vlaneseq.u32 @!p0;
	v3 =	vand.u32 @!p0 $0x7, v3  }
0x2d4: {  	v6 =	vshrl.u32 @!p0 v5, $0x3;
	v3 =	vor.u32 @!p0 v3, v4;
	v4 =	vand.u32 @!p0 $0x7, v5  }
0x2d5: {  	v6 =	vmul.u32 @!p0 $0x8, v6;
	v4 =	vperm.xlane @!p0 v3, v4;
	_ =	sdelay $0x1  }
0x2d6: {  	v4 =	vadd.s32 @!p0 v6, v4;
	_ =	sdelay $0x2  }
0x2d7: {  	v5 =	vor.u32 @!p0 $0x8, v5  }
0x2d8: {  	s7 =	simm.s32 @!p0 $0xA600;
	s3 =	simm.s32 @!p0 $0x0;
	v3 =	vperm.xlane @!p0 v3, v5  }
0x2d9: {  	[tilespmem:s7], [sflag:$0x3] =	stream.indirect_vreg.gather @!p0 [hbm4b:s1+s3], $0x80, v4, vm1, $0xb8;
	[tilespmem:$0x1C600] =	vst v63  }
0x2da: {  	v3 =	vadd.s32 @!p0 v6, v3;
	s7 =	simm.s32 @!p0 $0xAE00  }
0x2db: {  	[tilespmem:s7], [sflag:$0x3] =	stream.indirect_vreg.gather @!p0 [hbm4b:s10+s3], $0x80, v4, vm1, $0xb8;
	[tilespmem:$0x1C600] =	vst v63  }
0x2dc: {  	s7 =	simm.s32 @!p0 $0xB600  }
0x2dd: {  	[tilespmem:s7], [sflag:$0x3] =	stream.indirect_vreg.gather @!p0 [hbm4b:s11+s3], $0x80, v4, vm1, $0xb8;
	[tilespmem:$0x1C600] =	vst v63  }
0x2de: {  	s7 =	simm.s32 @!p0 $0xBE00  }
0x2df: {  	[tilespmem:s7], [sflag:$0x3] =	stream.indirect_vreg.gather @!p0 [hbm4b:s1+s3], $0x80, v3, vm1, $0xb8;
	[tilespmem:$0x1C600] =	vst v63  }
0x2e0: {  	s7 =	simm.s32 @!p0 $0xC600  }
0x2e1: {  	[tilespmem:s7], [sflag:$0x3] =	stream.indirect_vreg.gather @!p0 [hbm4b:s10+s3], $0x80, v3, vm1, $0xb8;
	[tilespmem:$0x1C600] =	vst v63  }
0x2e2: {  	s25 =	simm.s32 $0x6;
	s7 =	simm.s32 @!p0 $0xCE00  }
0x2e3: {  	[tilespmem:s7], [sflag:$0x3] =	stream.indirect_vreg.gather @!p0 [hbm4b:s11+s3], $0x80, v3, vm1, $0xb8;
	[tilespmem:$0x1C600] =	vst v63  }
0x2e4: {  	_ =	swait.ge [sflag:s25], $0x3000  }
0x2e5: {  	s20 =	simm.s32 $0x0;
	[sflag:s25] =	ssyncset.done $0x0  }
0x2e6: {  	s7 =	simm.s32 $0x0;
	[sflag:s25] =	ssyncadd.s32 $0xFFFFD000;
	s25 =	simm.s32 $0x13600  }
.LBB2_23:
0x2e7: {  	s21 =	sshll.u32 s20, $0x3  }
0x2e8: {  	s3 =	sshrl.u32 s21, $0x2  }
0x2e9: {  	v9 =	vld [tilespmem:s3+$0x4000]  }
0x2ea: {  	v8 =	vld [tilespmem:s3+$0x4010]  }
0x2eb: {  	v7 =	vld [tilespmem:s3+$0x4020]  }
0x2ec: {  	v6 =	vld [tilespmem:s3+$0x4030]  }
0x2ed: {  	v5 =	vld [tilespmem:s3+$0x4040]  }
0x2ee: {  	v4 =	vld [tilespmem:s3+$0x4050]  }
0x2ef: {  	v3 =	vld [tilespmem:s3+$0x4060]  }
0x2f0: {  	s15 =	sadd.s32 $0x0, s8;
	v10 =	vld [tilespmem:s3+$0x4070]  }
0x2f1: {  	v11 =	vmov s15;
	v13 =	vld [tilespmem:s3+$0x4080]  }
0x2f2: {  	v14 =	vld [tilespmem:s3+$0x4090]  }
0x2f3: {  	v12 =	vld [tilespmem:s3+$0x40F0]  }
0x2f4: {  	v15 =	vld [tilespmem:s3+$0x40A0]  }
0x2f5: {  	s19 =	simm.s32 $0x0;
	v16 =	vld [tilespmem:s3+$0x40B0]  }
0x2f6: {  	s15 =	smul.u32 $0x1800, s19;
	v11 =	vld.idx.msk [tilespmem:v11+s14+$0x0], $0xffff  }
0x2f7: {  	v17 =	vld [tilespmem:s3+$0x40C0]  }
0x2f8: {  	s18 =	sand.u32 $0x380, s7;
	v18 =	vld [tilespmem:s3+$0x40D0];
	s15 =	sadd.s32 s21, s15  }
0x2f9: {  	v19 =	vld [tilespmem:s3+$0x40E0];
	s3 =	sor.u32 s18, s15  }
0x2fa: {  	v21 =	vld [tilespmem:s3+$0x1070]  }
0x2fb: {  	s22 =	sadd.s32 $0x1, s8;
	v23 =	vld [tilespmem:s3+$0x1000];
	v12 =	vsub.f32 v12, v10;
	v20 =	vcvt.s32.f32 v11  }
0x2fc: {  	v28 =	vmov s22;
	v24 =	vld [tilespmem:s3+$0x1010];
	v13 =	vsub.f32 v13, v9  }
0x2fd: {  	v25 =	vld [tilespmem:s3+$0x1020];
	v11 =	vsub.f32 v14, v8;
	v22 =	vmul.f32 v20, v12  }
0x2fe: {  	v27 =	vld [tilespmem:s3+$0x1030];
	v14 =	vsub.f32 v15, v7;
	v26 =	vmul.f32 v20, v13  }
0x2ff: {  	v30 =	vld [tilespmem:s3+$0x1040];
	v15 =	vsub.f32 v16, v6;
	v29 =	vmul.f32 v20, v11;
	v22 =	vadd.f32 v22, v10  }
0x300: {  	v31 =	vld [tilespmem:s3+$0x1050];
	v16 =	vsub.f32 v17, v5;
	v26 =	vadd.f32 v26, v9  }
0x301: {  	s24 =	simm.s32 $0x0;
	v28 =	vld.idx.msk [tilespmem:v28+s14+$0x0], $0xffff;
	v29 =	vadd.f32 v29, v8;
	v21 =	vadd.f32 v21, v22;
	v22 =	vmul.f32 v20, v14  }
0x302: {  	s15 =	smul.u32 $0x1800, s24;
	v17 =	vsub.f32 v18, v4;
	v18 =	vmul.f32 v20, v15;
	v23 =	vadd.f32 v26, v23;
	v26 =	vld [tilespmem:s3+$0x1060]  }
0x303: {  	s18 =	simm.s32 $0x80;
	v24 =	vadd.f32 v29, v24;
	[tilespmem:s3+$0x13670] =	vst.add.f32.msk $0xffff, v21;
	v22 =	vadd.f32 v22, v7  }
0x304: {  	s19 =	sand.u32 $0x380, s18;
	s15 =	sadd.s32 s21, s15;
	v18 =	vadd.f32 v18, v6;
	v21 =	vmul.f32 v20, v16;
	[tilespmem:s3+$0x13600] =	vst.add.f32.msk $0xffff, v23  }
0x305: {  	s15 =	sor.u32 s19, s15;
	v32 =	vmul.f32 v20, v17;
	[tilespmem:s3+$0x13610] =	vst.add.f32.msk $0xffff, v24;
	v22 =	vadd.f32 v25, v22  }
0x306: {  	v24 =	vld [tilespmem:s15+$0x1070];
	v21 =	vadd.f32 v21, v5;
	v25 =	vadd.f32 v27, v18  }
0x307: {  	v23 =	vadd.f32 v32, v4;
	[tilespmem:s3+$0x13620] =	vst.add.f32.msk $0xffff, v22  }
0x308: {  	v33 =	vcvt.s32.f32 v28;
	v18 =	vsub.f32 v19, v3;
	v19 =	vadd.f32 v30, v21;
	[tilespmem:s3+$0x13630] =	vst.add.f32.msk $0xffff, v25  }
0x309: {  	v21 =	vadd.f32 v31, v23;
	v22 =	vld [tilespmem:s15+$0x1010]  }
0x30a: {  	v28 =	vmul.f32 v33, v15;
	v20 =	vmul.f32 v20, v18;
	[tilespmem:s3+$0x13640] =	vst.add.f32.msk $0xffff, v19  }
0x30b: {  	v29 =	vmul.f32 v33, v11;
	v23 =	vmul.f32 v33, v12;
	[tilespmem:s3+$0x13650] =	vst.add.f32.msk $0xffff, v21  }
0x30c: {  	v27 =	vmul.f32 v33, v14;
	v19 =	vadd.f32 v20, v3;
	v20 =	vmul.f32 v33, v13;
	v21 =	vld [tilespmem:s15+$0x1000]  }
0x30d: {  	v25 =	vmul.f32 v33, v16;
	v30 =	vmul.f32 v33, v17;
	v32 =	vadd.f32 v23, v10;
	v23 =	vld [tilespmem:s15+$0x1020]  }
0x30e: {  	s22 =	simm.s32 $0x3;
	s24 =	sadd.s32 $0x2, s8;
	s19 =	simm.s32 $0x2;
	v19 =	vadd.f32 v26, v19;
	v31 =	vadd.f32 v20, v9;
	v20 =	vmul.f32 v33, v18;
	v26 =	vld [tilespmem:s15+$0x1030]  }
.LBB2_24:
0x30f: {  	p1 =	sne.s32 s22, $0xF;
	v33 =	vmov s24;
	v29 =	vadd.f32 v29, v8;
	v34 =	vld [tilespmem:s15+$0x1040];
	v24 =	vadd.f32 v24, v32  }
0x310: {  	v27 =	vadd.f32 v27, v7;
	v28 =	vadd.f32 v28, v6;
	v32 =	vld [tilespmem:s15+$0x1050]  }
0x311: {  	v25 =	vadd.f32 v25, v5;
	v30 =	vadd.f32 v30, v4;
	[tilespmem:s15+$0x13670] =	vst.add.f32.msk $0xffff, v24  }
0x312: {  	v20 =	vadd.f32 v20, v3;
	v21 =	vadd.f32 v31, v21;
	v24 =	vld [tilespmem:s15+$0x1060]  }
0x313: {  	v22 =	vadd.f32 v29, v22;
	v23 =	vadd.f32 v23, v27;
	[tilespmem:s3+$0x13660] =	vst.add.f32.msk $0xffff, v19;
	s3 =	smov.u32 s15  }
0x314: {  	v26 =	vadd.f32 v26, v28;
	v27 =	vld.idx.msk [tilespmem:v33+s14+$0x0], $0xffff;
	v25 =	vadd.f32 v34, v25  }
0x315: {  	[tilespmem:s3+$0x13600] =	vst.add.f32.msk $0xffff, v21;
	v21 =	vadd.f32 v32, v30  }
0x316: {  	s15 =	sshrl.u32 s19, $0x3;
	s19 =	smov.u32 s22;
	[tilespmem:s3+$0x13610] =	vst.add.f32.msk $0xffff, v22  }
0x317: {  	s15 =	smul.u32 $0x1800, s15;
	[tilespmem:s3+$0x13620] =	vst.add.f32.msk $0xffff, v23;
	v19 =	vadd.f32 v24, v20  }
0x318: {  	s18 =	sadd.s32 $0x80, s18;
	[tilespmem:s3+$0x13630] =	vst.add.f32.msk $0xffff, v26  }
0x319: {  	s24 =	sand.u32 $0x380, s18;
	s15 =	sadd.s32 s21, s15;
	[tilespmem:s3+$0x13640] =	vst.add.f32.msk $0xffff, v25  }
0x31a: {  	s15 =	sor.u32 s24, s15;
	v20 =	vcvt.s32.f32 v27;
	[tilespmem:s3+$0x13650] =	vst.add.f32.msk $0xffff, v21  }
.Ltmp10:
0x31b: {  	v24 =	vld [tilespmem:s15+$0x1070];
	(pc) =	sbr.rel @p1 .LBB2_24-.Ltmp10, $4  }
0x31c: {  	v26 =	vmul.f32 v20, v13;
	v23 =	vmul.f32 v20, v12;
	v21 =	vld [tilespmem:s15+$0x1000]  }
0x31d: {  	v29 =	vmul.f32 v20, v11;
	v27 =	vmul.f32 v20, v14;
	v22 =	vld [tilespmem:s15+$0x1010]  }
0x31e: {  	v28 =	vmul.f32 v20, v15;
	v25 =	vmul.f32 v20, v16;
	v32 =	vadd.f32 v23, v10;
	v23 =	vld [tilespmem:s15+$0x1020]  }
0x31f: {  	s22 =	sadd.s32 $0x1, s22;
	s24 =	sadd.s32 s19, s8;
	v30 =	vmul.f32 v20, v17;
	v20 =	vmul.f32 v20, v18;
	v31 =	vadd.f32 v26, v9;
	v26 =	vld [tilespmem:s15+$0x1030]  }
0x320: {  	v34 =	vld [tilespmem:s15+$0x1040]  }
0x321: {  	v40 =	vld [tilespmem:s15+$0x1050]  }
0x322: {  	v33 =	vmov s24;
	v24 =	vadd.f32 v24, v32;
	v41 =	vadd.f32 v29, v8;
	v42 =	vld [tilespmem:s15+$0x1060]  }
0x323: {  	[tilespmem:s3+$0x13660] =	vst.add.f32.msk $0xffff, v19;
	v21 =	vadd.f32 v31, v21  }
0x324: {  	v27 =	vadd.f32 v27, v7;
	s22 =	sshrl.u32 s19, $0x3;
	[tilespmem:s15+$0x13670] =	vst.add.f32.msk $0xffff, v24;
	v22 =	vadd.f32 v41, v22  }
0x325: {  	s3 =	smul.u32 $0x1800, s22;
	[tilespmem:s15+$0x13600] =	vst.add.f32.msk $0xffff, v21  }
0x326: {  	s18 =	sadd.s32 $0x80, s18;
	v23 =	vadd.f32 v23, v27;
	[tilespmem:s15+$0x13610] =	vst.add.f32.msk $0xffff, v22  }
0x327: {  	s18 =	sand.u32 $0x380, s18;
	s3 =	sadd.s32 s21, s3;
	v44 =	vld.idx.msk [tilespmem:v33+s14+$0x0], $0xffff  }
0x328: {  	s3 =	sor.u32 s18, s3;
	[tilespmem:s15+$0x13620] =	vst.add.f32.msk $0xffff, v23  }
0x329: {  	v48 =	vld [tilespmem:s3+$0x1070]  }
0x32a: {  	v49 =	vld [tilespmem:s3+$0x1000]  }
0x32b: {  	v50 =	vld [tilespmem:s3+$0x1010]  }
0x32c: {  	v51 =	vld [tilespmem:s3+$0x1020]  }
0x32d: {  	v43 =	vadd.f32 v28, v6;
	v52 =	vld [tilespmem:s3+$0x1030];
	v47 =	vcvt.s32.f32 v44  }
0x32e: {  	v25 =	vadd.f32 v25, v5;
	v53 =	vld [tilespmem:s3+$0x1040]  }
0x32f: {  	v45 =	vadd.f32 v30, v4;
	v19 =	vadd.f32 v26, v43;
	v54 =	vld [tilespmem:s3+$0x1050];
	v12 =	vmul.f32 v47, v12  }
0x330: {  	v20 =	vadd.f32 v20, v3;
	v46 =	vadd.f32 v34, v25;
	v58 =	vld [tilespmem:s3+$0x1060];
	v13 =	vmul.f32 v47, v13  }
0x331: {  	v21 =	vadd.f32 v40, v45;
	[tilespmem:s15+$0x13630] =	vst.add.f32.msk $0xffff, v19;
	v11 =	vmul.f32 v47, v11;
	v10 =	vadd.f32 v12, v10  }
0x332: {  	v20 =	vadd.f32 v42, v20;
	[tilespmem:s15+$0x13640] =	vst.add.f32.msk $0xffff, v46;
	v14 =	vmul.f32 v47, v14;
	v9 =	vadd.f32 v13, v9  }
0x333: {  	[tilespmem:s15+$0x13650] =	vst.add.f32.msk $0xffff, v21;
	v15 =	vmul.f32 v47, v15;
	v55 =	vadd.f32 v11, v8;
	v10 =	vadd.f32 v48, v10  }
0x334: {  	[tilespmem:s15+$0x13660] =	vst.add.f32.msk $0xffff, v20;
	v56 =	vmul.f32 v47, v16;
	v57 =	vadd.f32 v14, v7;
	v9 =	vadd.f32 v9, v49  }
0x335: {  	v59 =	vmul.f32 v47, v17;
	v60 =	vadd.f32 v15, v6;
	v8 =	vadd.f32 v55, v50;
	[tilespmem:s3+$0x13670] =	vst.add.f32.msk $0xffff, v10  }
0x336: {  	v61 =	vmul.f32 v47, v18;
	v62 =	vadd.f32 v56, v5;
	v7 =	vadd.f32 v51, v57;
	[tilespmem:s3+$0x13600] =	vst.add.f32.msk $0xffff, v9  }
0x337: {  	p1 =	slt.u32 s20, $0x280;
	v63 =	vadd.f32 v59, v4;
	v6 =	vadd.f32 v52, v60;
	[tilespmem:s3+$0x13610] =	vst.add.f32.msk $0xffff, v8  }
.Ltmp11:
0x338: {  	v3 =	vadd.f32 v61, v3;
	v5 =	vadd.f32 v53, v62;
	[tilespmem:s3+$0x13620] =	vst.add.f32.msk $0xffff, v7;
	(pc) =	sbr.rel @p1 .LBB2_23-.Ltmp11, $4  }
0x339: {  	v4 =	vadd.f32 v54, v63;
	[tilespmem:s3+$0x13630] =	vst.add.f32.msk $0xffff, v6  }
0x33a: {  	v3 =	vadd.f32 v58, v3;
	[tilespmem:s3+$0x13640] =	vst.add.f32.msk $0xffff, v5  }
0x33b: {  	s24 =	sadd.s32 $0x80, s20;
	[tilespmem:s3+$0x13650] =	vst.add.f32.msk $0xffff, v4  }
0x33c: {  	s20 =	smov.u32 s24;
	[tilespmem:s3+$0x13660] =	vst.add.f32.msk $0xffff, v3  }
0x33d: {  	s3 =	smul.u32 $0x60000, s16;
	_ =	sdelay $0x1  }
0x33e: {  	s3 =	sadd.s32 s6, s3  }
0x33f: {  	s3 =	sshrl.u32 s3, $0x3  }
0x340: {  	s3 =	sadd.s32 s4, s3  }
0x341: {  	[hbm4b:s3+s5] =	stream.linear.scatter [tilespmem:s25], [sflag:$0xE], $0x3000, $0x38;
	[tilespmem:$0x1C600] =	vst v63  }
0x342: {  	s3 =	simm.s32 @!p0 $0xC  }
0x343: {  	_ =	swait.ge @!p0 [sflag:s3], $0x3000  }
0x344: {  	[sflag:s3] =	ssyncset.done @!p0 $0x0  }
0x345: {  	[sflag:s3] =	ssyncadd.s32 @!p0 $0xFFFFD000  }
0x346: {  	v3 =	vld @!p0 [tilespmem:s2+$0xB0];
	_ =	sdelay $0x4  }
0x347: {  	v4 =	vshrl.u32 @!p0 v3, $0x3  }
0x348: {  	v4 =	vmul.u32 @!p0 $0x30, v4  }
0x349: {  	v5 =	vlaneseq.u32 @!p0;
	v3 =	vand.u32 @!p0 $0x7, v3  }
0x34a: {  	v6 =	vshrl.u32 @!p0 v5, $0x3;
	v3 =	vor.u32 @!p0 v3, v4;
	v4 =	vand.u32 @!p0 $0x7, v5  }
0x34b: {  	v6 =	vmul.u32 @!p0 $0x8, v6;
	v4 =	vperm.xlane @!p0 v3, v4;
	_ =	sdelay $0x1  }
0x34c: {  	v4 =	vadd.s32 @!p0 v6, v4;
	_ =	sdelay $0x2  }
0x34d: {  	v5 =	vor.u32 @!p0 $0x8, v5  }
0x34e: {  	s7 =	simm.s32 @!p0 $0xD600;
	s3 =	simm.s32 @!p0 $0x0;
	v3 =	vperm.xlane @!p0 v3, v5  }
0x34f: {  	[tilespmem:s7], [sflag:$0x4] =	stream.indirect_vreg.gather @!p0 [hbm4b:s1+s3], $0x80, v4, vm1, $0xb8;
	[tilespmem:$0x1C600] =	vst v63  }
0x350: {  	v3 =	vadd.s32 @!p0 v6, v3;
	s7 =	simm.s32 @!p0 $0xDE00  }
0x351: {  	[tilespmem:s7], [sflag:$0x4] =	stream.indirect_vreg.gather @!p0 [hbm4b:s10+s3], $0x80, v4, vm1, $0xb8;
	[tilespmem:$0x1C600] =	vst v63  }
0x352: {  	s7 =	simm.s32 @!p0 $0xE600  }
0x353: {  	[tilespmem:s7], [sflag:$0x4] =	stream.indirect_vreg.gather @!p0 [hbm4b:s11+s3], $0x80, v4, vm1, $0xb8;
	[tilespmem:$0x1C600] =	vst v63  }
0x354: {  	s7 =	simm.s32 @!p0 $0xEE00  }
0x355: {  	[tilespmem:s7], [sflag:$0x4] =	stream.indirect_vreg.gather @!p0 [hbm4b:s1+s3], $0x80, v3, vm1, $0xb8;
	[tilespmem:$0x1C600] =	vst v63  }
0x356: {  	s7 =	simm.s32 @!p0 $0xF600  }
0x357: {  	[tilespmem:s7], [sflag:$0x4] =	stream.indirect_vreg.gather @!p0 [hbm4b:s10+s3], $0x80, v3, vm1, $0xb8;
	[tilespmem:$0x1C600] =	vst v63  }
0x358: {  	s24 =	simm.s32 $0x7;
	s7 =	simm.s32 @!p0 $0xFE00  }
0x359: {  	[tilespmem:s7], [sflag:$0x4] =	stream.indirect_vreg.gather @!p0 [hbm4b:s11+s3], $0x80, v3, vm1, $0xb8;
	[tilespmem:$0x1C600] =	vst v63  }
0x35a: {  	_ =	swait.ge [sflag:s24], $0x3000  }
0x35b: {  	[sflag:s24] =	ssyncset.done $0x0  }
0x35c: {  	s16 =	simm.s32 $0x0;
	s7 =	simm.s32 $0x0;
	[sflag:s24] =	ssyncadd.s32 $0xFFFFD000  }
.LBB2_27:
0x35d: {  	s20 =	sshll.u32 s16, $0x3  }
0x35e: {  	s3 =	sshrl.u32 s20, $0x2  }
0x35f: {  	v9 =	vld [tilespmem:s3+$0x4000]  }
0x360: {  	v8 =	vld [tilespmem:s3+$0x4010]  }
0x361: {  	v7 =	vld [tilespmem:s3+$0x4020]  }
0x362: {  	v6 =	vld [tilespmem:s3+$0x4030]  }
0x363: {  	v5 =	vld [tilespmem:s3+$0x4040]  }
0x364: {  	v4 =	vld [tilespmem:s3+$0x4050]  }
0x365: {  	v3 =	vld [tilespmem:s3+$0x4060]  }
0x366: {  	s15 =	sadd.s32 $0x0, s9;
	v10 =	vld [tilespmem:s3+$0x4070]  }
0x367: {  	v11 =	vmov s15;
	v13 =	vld [tilespmem:s3+$0x4080]  }
0x368: {  	v14 =	vld [tilespmem:s3+$0x4090]  }
0x369: {  	v12 =	vld [tilespmem:s3+$0x40F0]  }
0x36a: {  	v15 =	vld [tilespmem:s3+$0x40A0]  }
0x36b: {  	s21 =	simm.s32 $0x0;
	v16 =	vld [tilespmem:s3+$0x40B0]  }
0x36c: {  	s15 =	smul.u32 $0x1800, s21;
	v11 =	vld.idx.msk [tilespmem:v11+s14+$0x0], $0xffff  }
0x36d: {  	v17 =	vld [tilespmem:s3+$0x40C0]  }
0x36e: {  	s18 =	sand.u32 $0x380, s7;
	v18 =	vld [tilespmem:s3+$0x40D0];
	s15 =	sadd.s32 s20, s15  }
0x36f: {  	v19 =	vld [tilespmem:s3+$0x40E0];
	s3 =	sor.u32 s18, s15  }
0x370: {  	v21 =	vld [tilespmem:s3+$0x1070]  }
0x371: {  	s22 =	sadd.s32 $0x1, s9;
	v23 =	vld [tilespmem:s3+$0x1000];
	v12 =	vsub.f32 v12, v10;
	v20 =	vcvt.s32.f32 v11  }
0x372: {  	v28 =	vmov s22;
	v24 =	vld [tilespmem:s3+$0x1010];
	v13 =	vsub.f32 v13, v9  }
0x373: {  	v25 =	vld [tilespmem:s3+$0x1020];
	v11 =	vsub.f32 v14, v8;
	v22 =	vmul.f32 v20, v12  }
0x374: {  	v27 =	vld [tilespmem:s3+$0x1030];
	v14 =	vsub.f32 v15, v7;
	v26 =	vmul.f32 v20, v13  }
0x375: {  	v30 =	vld [tilespmem:s3+$0x1040];
	v15 =	vsub.f32 v16, v6;
	v29 =	vmul.f32 v20, v11;
	v22 =	vadd.f32 v22, v10  }
0x376: {  	v31 =	vld [tilespmem:s3+$0x1050];
	v16 =	vsub.f32 v17, v5;
	v26 =	vadd.f32 v26, v9  }
0x377: {  	s24 =	simm.s32 $0x0;
	v28 =	vld.idx.msk [tilespmem:v28+s14+$0x0], $0xffff;
	v29 =	vadd.f32 v29, v8;
	v21 =	vadd.f32 v21, v22;
	v22 =	vmul.f32 v20, v14  }
0x378: {  	s15 =	smul.u32 $0x1800, s24;
	v17 =	vsub.f32 v18, v4;
	v18 =	vmul.f32 v20, v15;
	v23 =	vadd.f32 v26, v23;
	v26 =	vld [tilespmem:s3+$0x1060]  }
0x379: {  	s18 =	simm.s32 $0x80;
	v24 =	vadd.f32 v29, v24;
	[tilespmem:s3+$0x16670] =	vst.add.f32.msk $0xffff, v21;
	v22 =	vadd.f32 v22, v7  }
0x37a: {  	s19 =	sand.u32 $0x380, s18;
	s15 =	sadd.s32 s20, s15;
	v18 =	vadd.f32 v18, v6;
	v21 =	vmul.f32 v20, v16;
	[tilespmem:s3+$0x16600] =	vst.add.f32.msk $0xffff, v23  }
0x37b: {  	s15 =	sor.u32 s19, s15;
	v32 =	vmul.f32 v20, v17;
	[tilespmem:s3+$0x16610] =	vst.add.f32.msk $0xffff, v24;
	v22 =	vadd.f32 v25, v22  }
0x37c: {  	v24 =	vld [tilespmem:s15+$0x1070];
	v21 =	vadd.f32 v21, v5;
	v25 =	vadd.f32 v27, v18  }
0x37d: {  	v23 =	vadd.f32 v32, v4;
	[tilespmem:s3+$0x16620] =	vst.add.f32.msk $0xffff, v22  }
0x37e: {  	v33 =	vcvt.s32.f32 v28;
	v18 =	vsub.f32 v19, v3;
	v19 =	vadd.f32 v30, v21;
	[tilespmem:s3+$0x16630] =	vst.add.f32.msk $0xffff, v25  }
0x37f: {  	v21 =	vadd.f32 v31, v23;
	v22 =	vld [tilespmem:s15+$0x1010]  }
0x380: {  	v28 =	vmul.f32 v33, v15;
	v20 =	vmul.f32 v20, v18;
	[tilespmem:s3+$0x16640] =	vst.add.f32.msk $0xffff, v19  }
0x381: {  	v29 =	vmul.f32 v33, v11;
	v23 =	vmul.f32 v33, v12;
	[tilespmem:s3+$0x16650] =	vst.add.f32.msk $0xffff, v21  }
0x382: {  	v27 =	vmul.f32 v33, v14;
	v19 =	vadd.f32 v20, v3;
	v20 =	vmul.f32 v33, v13;
	v21 =	vld [tilespmem:s15+$0x1000]  }
0x383: {  	v25 =	vmul.f32 v33, v16;
	v30 =	vmul.f32 v33, v17;
	v32 =	vadd.f32 v23, v10;
	v23 =	vld [tilespmem:s15+$0x1020]  }
0x384: {  	s22 =	sadd.s32 $0x2, s9;
	s21 =	simm.s32 $0x3;
	s19 =	simm.s32 $0x2;
	v19 =	vadd.f32 v26, v19;
	v31 =	vadd.f32 v20, v9;
	v20 =	vmul.f32 v33, v18;
	v26 =	vld [tilespmem:s15+$0x1030]  }
.LBB2_28:
0x385: {  	p1 =	sne.s32 s21, $0xF;
	v33 =	vmov s22;
	v29 =	vadd.f32 v29, v8;
	v34 =	vld [tilespmem:s15+$0x1040];
	v24 =	vadd.f32 v24, v32  }
0x386: {  	v27 =	vadd.f32 v27, v7;
	v28 =	vadd.f32 v28, v6;
	v32 =	vld [tilespmem:s15+$0x1050]  }
0x387: {  	v25 =	vadd.f32 v25, v5;
	v30 =	vadd.f32 v30, v4;
	[tilespmem:s15+$0x16670] =	vst.add.f32.msk $0xffff, v24  }
0x388: {  	v20 =	vadd.f32 v20, v3;
	v21 =	vadd.f32 v31, v21;
	v24 =	vld [tilespmem:s15+$0x1060]  }
0x389: {  	v22 =	vadd.f32 v29, v22;
	v23 =	vadd.f32 v23, v27;
	[tilespmem:s3+$0x16660] =	vst.add.f32.msk $0xffff, v19;
	s3 =	smov.u32 s15  }
0x38a: {  	v26 =	vadd.f32 v26, v28;
	v27 =	vld.idx.msk [tilespmem:v33+s14+$0x0], $0xffff;
	v25 =	vadd.f32 v34, v25  }
0x38b: {  	[tilespmem:s3+$0x16600] =	vst.add.f32.msk $0xffff, v21;
	v21 =	vadd.f32 v32, v30  }
0x38c: {  	s15 =	sshrl.u32 s19, $0x3;
	s19 =	smov.u32 s21;
	[tilespmem:s3+$0x16610] =	vst.add.f32.msk $0xffff, v22  }
0x38d: {  	s15 =	smul.u32 $0x1800, s15;
	[tilespmem:s3+$0x16620] =	vst.add.f32.msk $0xffff, v23;
	v19 =	vadd.f32 v24, v20  }
0x38e: {  	s18 =	sadd.s32 $0x80, s18;
	[tilespmem:s3+$0x16630] =	vst.add.f32.msk $0xffff, v26  }
0x38f: {  	s22 =	sand.u32 $0x380, s18;
	s15 =	sadd.s32 s20, s15;
	[tilespmem:s3+$0x16640] =	vst.add.f32.msk $0xffff, v25  }
0x390: {  	s15 =	sor.u32 s22, s15;
	v20 =	vcvt.s32.f32 v27;
	[tilespmem:s3+$0x16650] =	vst.add.f32.msk $0xffff, v21  }
.Ltmp12:
0x391: {  	v24 =	vld [tilespmem:s15+$0x1070];
	(pc) =	sbr.rel @p1 .LBB2_28-.Ltmp12, $4  }
0x392: {  	v26 =	vmul.f32 v20, v13;
	v23 =	vmul.f32 v20, v12;
	v21 =	vld [tilespmem:s15+$0x1000]  }
0x393: {  	v29 =	vmul.f32 v20, v11;
	v27 =	vmul.f32 v20, v14;
	v22 =	vld [tilespmem:s15+$0x1010]  }
0x394: {  	v28 =	vmul.f32 v20, v15;
	v25 =	vmul.f32 v20, v16;
	v32 =	vadd.f32 v23, v10;
	v23 =	vld [tilespmem:s15+$0x1020]  }
0x395: {  	s21 =	sadd.s32 $0x1, s21;
	s22 =	sadd.s32 s19, s9;
	v30 =	vmul.f32 v20, v17;
	v20 =	vmul.f32 v20, v18;
	v31 =	vadd.f32 v26, v9;
	v26 =	vld [tilespmem:s15+$0x1030]  }
0x396: {  	v34 =	vld [tilespmem:s15+$0x1040]  }
0x397: {  	v40 =	vld [tilespmem:s15+$0x1050]  }
0x398: {  	v33 =	vmov s22;
	v24 =	vadd.f32 v24, v32;
	v41 =	vadd.f32 v29, v8;
	v42 =	vld [tilespmem:s15+$0x1060]  }
0x399: {  	[tilespmem:s3+$0x16660] =	vst.add.f32.msk $0xffff, v19;
	v21 =	vadd.f32 v31, v21  }
0x39a: {  	v27 =	vadd.f32 v27, v7;
	s22 =	sshrl.u32 s19, $0x3;
	[tilespmem:s15+$0x16670] =	vst.add.f32.msk $0xffff, v24;
	v22 =	vadd.f32 v41, v22  }
0x39b: {  	s3 =	smul.u32 $0x1800, s22;
	[tilespmem:s15+$0x16600] =	vst.add.f32.msk $0xffff, v21  }
0x39c: {  	s18 =	sadd.s32 $0x80, s18;
	v23 =	vadd.f32 v23, v27;
	[tilespmem:s15+$0x16610] =	vst.add.f32.msk $0xffff, v22  }
0x39d: {  	s18 =	sand.u32 $0x380, s18;
	s3 =	sadd.s32 s20, s3;
	v44 =	vld.idx.msk [tilespmem:v33+s14+$0x0], $0xffff  }
0x39e: {  	s3 =	sor.u32 s18, s3;
	[tilespmem:s15+$0x16620] =	vst.add.f32.msk $0xffff, v23  }
0x39f: {  	v48 =	vld [tilespmem:s3+$0x1070]  }
0x3a0: {  	v49 =	vld [tilespmem:s3+$0x1000]  }
0x3a1: {  	v50 =	vld [tilespmem:s3+$0x1010]  }
0x3a2: {  	v51 =	vld [tilespmem:s3+$0x1020]  }
0x3a3: {  	v43 =	vadd.f32 v28, v6;
	v52 =	vld [tilespmem:s3+$0x1030];
	v47 =	vcvt.s32.f32 v44  }
0x3a4: {  	v25 =	vadd.f32 v25, v5;
	v53 =	vld [tilespmem:s3+$0x1040]  }
0x3a5: {  	v45 =	vadd.f32 v30, v4;
	v19 =	vadd.f32 v26, v43;
	v54 =	vld [tilespmem:s3+$0x1050];
	v12 =	vmul.f32 v47, v12  }
0x3a6: {  	v20 =	vadd.f32 v20, v3;
	v46 =	vadd.f32 v34, v25;
	v58 =	vld [tilespmem:s3+$0x1060];
	v13 =	vmul.f32 v47, v13  }
0x3a7: {  	v21 =	vadd.f32 v40, v45;
	[tilespmem:s15+$0x16630] =	vst.add.f32.msk $0xffff, v19;
	v11 =	vmul.f32 v47, v11;
	v10 =	vadd.f32 v12, v10  }
0x3a8: {  	v20 =	vadd.f32 v42, v20;
	[tilespmem:s15+$0x16640] =	vst.add.f32.msk $0xffff, v46;
	v14 =	vmul.f32 v47, v14;
	v9 =	vadd.f32 v13, v9  }
0x3a9: {  	[tilespmem:s15+$0x16650] =	vst.add.f32.msk $0xffff, v21;
	v15 =	vmul.f32 v47, v15;
	v55 =	vadd.f32 v11, v8;
	v10 =	vadd.f32 v48, v10  }
0x3aa: {  	[tilespmem:s15+$0x16660] =	vst.add.f32.msk $0xffff, v20;
	v56 =	vmul.f32 v47, v16;
	v57 =	vadd.f32 v14, v7;
	v9 =	vadd.f32 v9, v49  }
0x3ab: {  	v59 =	vmul.f32 v47, v17;
	v60 =	vadd.f32 v15, v6;
	v8 =	vadd.f32 v55, v50;
	[tilespmem:s3+$0x16670] =	vst.add.f32.msk $0xffff, v10  }
0x3ac: {  	v61 =	vmul.f32 v47, v18;
	v62 =	vadd.f32 v56, v5;
	v7 =	vadd.f32 v51, v57;
	[tilespmem:s3+$0x16600] =	vst.add.f32.msk $0xffff, v9  }
0x3ad: {  	p1 =	slt.u32 s16, $0x280;
	v63 =	vadd.f32 v59, v4;
	v6 =	vadd.f32 v52, v60;
	[tilespmem:s3+$0x16610] =	vst.add.f32.msk $0xffff, v8  }
.Ltmp13:
0x3ae: {  	v3 =	vadd.f32 v61, v3;
	v5 =	vadd.f32 v53, v62;
	[tilespmem:s3+$0x16620] =	vst.add.f32.msk $0xffff, v7;
	(pc) =	sbr.rel @p1 .LBB2_27-.Ltmp13, $4  }
0x3af: {  	v4 =	vadd.f32 v54, v63;
	[tilespmem:s3+$0x16630] =	vst.add.f32.msk $0xffff, v6  }
0x3b0: {  	v3 =	vadd.f32 v58, v3;
	[tilespmem:s3+$0x16640] =	vst.add.f32.msk $0xffff, v5  }
0x3b1: {  	s24 =	sadd.s32 $0x80, s16;
	[tilespmem:s3+$0x16650] =	vst.add.f32.msk $0xffff, v4  }
0x3b2: {  	s16 =	smov.u32 s24;
	[tilespmem:s3+$0x16660] =	vst.add.f32.msk $0xffff, v3  }
0x3b3: {  	s3 =	smul.u32 $0x60000, s30;
	_ =	sdelay $0x1  }
0x3b4: {  	s3 =	sadd.s32 s6, s3  }
0x3b5: {  	s3 =	sshrl.u32 s3, $0x3  }
0x3b6: {  	s3 =	sadd.s32 s4, s3  }
0x3b7: {  	[hbm4b:s3+s5] =	stream.linear.scatter [tilespmem:s31], [sflag:$0xF], $0x3000, $0x38;
	[tilespmem:$0x1C600] =	vst v63  }
0x3b8: {  	s3 =	simm.s32 @!p0 $0xD  }
0x3b9: {  	_ =	swait.ge @!p0 [sflag:s3], $0x3000  }
0x3ba: {  	[sflag:s3] =	ssyncset.done @!p0 $0x0  }
0x3bb: {  	[sflag:s3] =	ssyncadd.s32 @!p0 $0xFFFFD000  }
0x3bc: {  	v3 =	vld @!p0 [tilespmem:s2+$0xC0];
	_ =	sdelay $0x4  }
0x3bd: {  	v4 =	vshrl.u32 @!p0 v3, $0x3  }
0x3be: {  	v4 =	vmul.u32 @!p0 $0x30, v4  }
0x3bf: {  	v5 =	vlaneseq.u32 @!p0;
	v3 =	vand.u32 @!p0 $0x7, v3  }
0x3c0: {  	v6 =	vshrl.u32 @!p0 v5, $0x3;
	v3 =	vor.u32 @!p0 v3, v4;
	v4 =	vand.u32 @!p0 $0x7, v5  }
0x3c1: {  	v6 =	vmul.u32 @!p0 $0x8, v6;
	v4 =	vperm.xlane @!p0 v3, v4;
	_ =	sdelay $0x1  }
0x3c2: {  	v4 =	vadd.s32 @!p0 v6, v4;
	_ =	sdelay $0x2  }
0x3c3: {  	v5 =	vor.u32 @!p0 $0x8, v5  }
0x3c4: {  	s3 =	simm.s32 @!p0 $0x10600;
	s2 =	simm.s32 @!p0 $0x0;
	v3 =	vperm.xlane @!p0 v3, v5  }
0x3c5: {  	[tilespmem:s3], [sflag:$0x5] =	stream.indirect_vreg.gather @!p0 [hbm4b:s1+s2], $0x80, v4, vm1, $0xb8;
	[tilespmem:$0x1C600] =	vst v63  }
0x3c6: {  	v3 =	vadd.s32 @!p0 v6, v3;
	s3 =	simm.s32 @!p0 $0x10E00  }
0x3c7: {  	[tilespmem:s3], [sflag:$0x5] =	stream.indirect_vreg.gather @!p0 [hbm4b:s10+s2], $0x80, v4, vm1, $0xb8;
	[tilespmem:$0x1C600] =	vst v63  }
0x3c8: {  	s3 =	simm.s32 @!p0 $0x11600  }
0x3c9: {  	[tilespmem:s3], [sflag:$0x5] =	stream.indirect_vreg.gather @!p0 [hbm4b:s11+s2], $0x80, v4, vm1, $0xb8;
	[tilespmem:$0x1C600] =	vst v63  }
0x3ca: {  	s3 =	simm.s32 @!p0 $0x11E00  }
0x3cb: {  	[tilespmem:s3], [sflag:$0x5] =	stream.indirect_vreg.gather @!p0 [hbm4b:s1+s2], $0x80, v3, vm1, $0xb8;
	[tilespmem:$0x1C600] =	vst v63  }
0x3cc: {  	s3 =	simm.s32 @!p0 $0x12600  }
0x3cd: {  	[tilespmem:s3], [sflag:$0x5] =	stream.indirect_vreg.gather @!p0 [hbm4b:s10+s2], $0x80, v3, vm1, $0xb8;
	[tilespmem:$0x1C600] =	vst v63  }
0x3ce: {  	s30 =	simm.s32 $0x8;
	s3 =	simm.s32 @!p0 $0x12E00  }
0x3cf: {  	[tilespmem:s3], [sflag:$0x5] =	stream.indirect_vreg.gather @!p0 [hbm4b:s11+s2], $0x80, v3, vm1, $0xb8;
	[tilespmem:$0x1C600] =	vst v63  }
0x3d0: {  	_ =	swait.ge [sflag:s30], $0x3000  }
0x3d1: {  	[sflag:s30] =	ssyncset.done $0x0  }
0x3d2: {  	s7 =	simm.s32 $0x0;
	s2 =	simm.s32 $0x0;
	[sflag:s30] =	ssyncadd.s32 $0xFFFFD000  }
.LBB2_31:
0x3d3: {  	s16 =	sshll.u32 s7, $0x3  }
0x3d4: {  	s3 =	sshrl.u32 s16, $0x2  }
0x3d5: {  	v9 =	vld [tilespmem:s3+$0x4000]  }
0x3d6: {  	v8 =	vld [tilespmem:s3+$0x4010]  }
0x3d7: {  	v7 =	vld [tilespmem:s3+$0x4020]  }
0x3d8: {  	v6 =	vld [tilespmem:s3+$0x4030]  }
0x3d9: {  	v5 =	vld [tilespmem:s3+$0x4040]  }
0x3da: {  	v4 =	vld [tilespmem:s3+$0x4050]  }
0x3db: {  	v3 =	vld [tilespmem:s3+$0x4060]  }
0x3dc: {  	s15 =	sadd.s32 $0x0, s12;
	v10 =	vld [tilespmem:s3+$0x4070]  }
0x3dd: {  	v11 =	vmov s15;
	v13 =	vld [tilespmem:s3+$0x4080]  }
0x3de: {  	v14 =	vld [tilespmem:s3+$0x4090]  }
0x3df: {  	v12 =	vld [tilespmem:s3+$0x40F0]  }
0x3e0: {  	v15 =	vld [tilespmem:s3+$0x40A0]  }
0x3e1: {  	s22 =	simm.s32 $0x0;
	v16 =	vld [tilespmem:s3+$0x40B0]  }
0x3e2: {  	s15 =	smul.u32 $0x1800, s22;
	v11 =	vld.idx.msk [tilespmem:v11+s14+$0x0], $0xffff  }
0x3e3: {  	v17 =	vld [tilespmem:s3+$0x40C0]  }
0x3e4: {  	s18 =	sand.u32 $0x380, s2;
	v18 =	vld [tilespmem:s3+$0x40D0];
	s15 =	sadd.s32 s16, s15  }
0x3e5: {  	v19 =	vld [tilespmem:s3+$0x40E0];
	s3 =	sor.u32 s18, s15  }
0x3e6: {  	v21 =	vld [tilespmem:s3+$0x1070]  }
0x3e7: {  	s24 =	sadd.s32 $0x1, s12;
	v23 =	vld [tilespmem:s3+$0x1000];
	v12 =	vsub.f32 v12, v10;
	v20 =	vcvt.s32.f32 v11  }
0x3e8: {  	v28 =	vmov s24;
	v24 =	vld [tilespmem:s3+$0x1010];
	v13 =	vsub.f32 v13, v9  }
0x3e9: {  	v25 =	vld [tilespmem:s3+$0x1020];
	v11 =	vsub.f32 v14, v8;
	v22 =	vmul.f32 v20, v12  }
0x3ea: {  	v27 =	vld [tilespmem:s3+$0x1030];
	v14 =	vsub.f32 v15, v7;
	v26 =	vmul.f32 v20, v13  }
0x3eb: {  	v30 =	vld [tilespmem:s3+$0x1040];
	v15 =	vsub.f32 v16, v6;
	v29 =	vmul.f32 v20, v11;
	v22 =	vadd.f32 v22, v10  }
0x3ec: {  	v31 =	vld [tilespmem:s3+$0x1050];
	v16 =	vsub.f32 v17, v5;
	v26 =	vadd.f32 v26, v9  }
0x3ed: {  	s30 =	simm.s32 $0x0;
	v28 =	vld.idx.msk [tilespmem:v28+s14+$0x0], $0xffff;
	v29 =	vadd.f32 v29, v8;
	v21 =	vadd.f32 v21, v22;
	v22 =	vmul.f32 v20, v14  }
0x3ee: {  	s15 =	smul.u32 $0x1800, s30;
	v17 =	vsub.f32 v18, v4;
	v18 =	vmul.f32 v20, v15;
	v23 =	vadd.f32 v26, v23;
	v26 =	vld [tilespmem:s3+$0x1060]  }
0x3ef: {  	s18 =	simm.s32 $0x80;
	v24 =	vadd.f32 v29, v24;
	[tilespmem:s3+$0x19670] =	vst.add.f32.msk $0xffff, v21;
	v22 =	vadd.f32 v22, v7  }
0x3f0: {  	s19 =	sand.u32 $0x380, s18;
	s15 =	sadd.s32 s16, s15;
	v18 =	vadd.f32 v18, v6;
	v21 =	vmul.f32 v20, v16;
	[tilespmem:s3+$0x19600] =	vst.add.f32.msk $0xffff, v23  }
0x3f1: {  	s15 =	sor.u32 s19, s15;
	v32 =	vmul.f32 v20, v17;
	[tilespmem:s3+$0x19610] =	vst.add.f32.msk $0xffff, v24;
	v22 =	vadd.f32 v25, v22  }
0x3f2: {  	v24 =	vld [tilespmem:s15+$0x1070];
	v21 =	vadd.f32 v21, v5;
	v25 =	vadd.f32 v27, v18  }
0x3f3: {  	v23 =	vadd.f32 v32, v4;
	[tilespmem:s3+$0x19620] =	vst.add.f32.msk $0xffff, v22  }
0x3f4: {  	v33 =	vcvt.s32.f32 v28;
	v18 =	vsub.f32 v19, v3;
	v19 =	vadd.f32 v30, v21;
	[tilespmem:s3+$0x19630] =	vst.add.f32.msk $0xffff, v25  }
0x3f5: {  	v21 =	vadd.f32 v31, v23;
	v22 =	vld [tilespmem:s15+$0x1010]  }
0x3f6: {  	v28 =	vmul.f32 v33, v15;
	v20 =	vmul.f32 v20, v18;
	[tilespmem:s3+$0x19640] =	vst.add.f32.msk $0xffff, v19  }
0x3f7: {  	v29 =	vmul.f32 v33, v11;
	v23 =	vmul.f32 v33, v12;
	[tilespmem:s3+$0x19650] =	vst.add.f32.msk $0xffff, v21  }
0x3f8: {  	v27 =	vmul.f32 v33, v14;
	v19 =	vadd.f32 v20, v3;
	v20 =	vmul.f32 v33, v13;
	v21 =	vld [tilespmem:s15+$0x1000]  }
0x3f9: {  	v25 =	vmul.f32 v33, v16;
	v30 =	vmul.f32 v33, v17;
	v32 =	vadd.f32 v23, v10;
	v23 =	vld [tilespmem:s15+$0x1020]  }
0x3fa: {  	s21 =	sadd.s32 $0x2, s12;
	s20 =	simm.s32 $0x3;
	s19 =	simm.s32 $0x2;
	v19 =	vadd.f32 v26, v19;
	v31 =	vadd.f32 v20, v9;
	v20 =	vmul.f32 v33, v18;
	v26 =	vld [tilespmem:s15+$0x1030]  }
.LBB2_32:
0x3fb: {  	p0 =	sne.s32 s20, $0xF;
	v33 =	vmov s21;
	v29 =	vadd.f32 v29, v8;
	v34 =	vld [tilespmem:s15+$0x1040];
	v24 =	vadd.f32 v24, v32  }
0x3fc: {  	v27 =	vadd.f32 v27, v7;
	v28 =	vadd.f32 v28, v6;
	v32 =	vld [tilespmem:s15+$0x1050]  }
0x3fd: {  	v25 =	vadd.f32 v25, v5;
	v30 =	vadd.f32 v30, v4;
	[tilespmem:s15+$0x19670] =	vst.add.f32.msk $0xffff, v24  }
0x3fe: {  	v20 =	vadd.f32 v20, v3;
	v21 =	vadd.f32 v31, v21;
	v24 =	vld [tilespmem:s15+$0x1060]  }
0x3ff: {  	v22 =	vadd.f32 v29, v22;
	v23 =	vadd.f32 v23, v27;
	[tilespmem:s3+$0x19660] =	vst.add.f32.msk $0xffff, v19;
	s3 =	smov.u32 s15  }
0x400: {  	v26 =	vadd.f32 v26, v28;
	v27 =	vld.idx.msk [tilespmem:v33+s14+$0x0], $0xffff;
	v25 =	vadd.f32 v34, v25  }
0x401: {  	[tilespmem:s3+$0x19600] =	vst.add.f32.msk $0xffff, v21;
	v21 =	vadd.f32 v32, v30  }
0x402: {  	s15 =	sshrl.u32 s19, $0x3;
	s19 =	smov.u32 s20;
	[tilespmem:s3+$0x19610] =	vst.add.f32.msk $0xffff, v22  }
0x403: {  	s15 =	smul.u32 $0x1800, s15;
	[tilespmem:s3+$0x19620] =	vst.add.f32.msk $0xffff, v23;
	v19 =	vadd.f32 v24, v20  }
0x404: {  	s18 =	sadd.s32 $0x80, s18;
	[tilespmem:s3+$0x19630] =	vst.add.f32.msk $0xffff, v26  }
0x405: {  	s21 =	sand.u32 $0x380, s18;
	s15 =	sadd.s32 s16, s15;
	[tilespmem:s3+$0x19640] =	vst.add.f32.msk $0xffff, v25  }
0x406: {  	s15 =	sor.u32 s21, s15;
	v20 =	vcvt.s32.f32 v27;
	[tilespmem:s3+$0x19650] =	vst.add.f32.msk $0xffff, v21  }
.Ltmp14:
0x407: {  	v24 =	vld [tilespmem:s15+$0x1070];
	(pc) =	sbr.rel @p0 .LBB2_32-.Ltmp14, $4  }
0x408: {  	v26 =	vmul.f32 v20, v13;
	v23 =	vmul.f32 v20, v12;
	v21 =	vld [tilespmem:s15+$0x1000]  }
0x409: {  	v29 =	vmul.f32 v20, v11;
	v27 =	vmul.f32 v20, v14;
	v22 =	vld [tilespmem:s15+$0x1010]  }
0x40a: {  	v28 =	vmul.f32 v20, v15;
	v25 =	vmul.f32 v20, v16;
	v32 =	vadd.f32 v23, v10;
	v23 =	vld [tilespmem:s15+$0x1020]  }
0x40b: {  	s20 =	sadd.s32 $0x1, s20;
	s21 =	sadd.s32 s19, s12;
	v30 =	vmul.f32 v20, v17;
	v20 =	vmul.f32 v20, v18;
	v31 =	vadd.f32 v26, v9;
	v26 =	vld [tilespmem:s15+$0x1030]  }
0x40c: {  	v34 =	vld [tilespmem:s15+$0x1040]  }
0x40d: {  	v40 =	vld [tilespmem:s15+$0x1050]  }
0x40e: {  	v33 =	vmov s21;
	v24 =	vadd.f32 v24, v32;
	v41 =	vadd.f32 v29, v8;
	v42 =	vld [tilespmem:s15+$0x1060]  }
0x40f: {  	[tilespmem:s3+$0x19660] =	vst.add.f32.msk $0xffff, v19;
	v21 =	vadd.f32 v31, v21  }
0x410: {  	v27 =	vadd.f32 v27, v7;
	s22 =	sshrl.u32 s19, $0x3;
	[tilespmem:s15+$0x19670] =	vst.add.f32.msk $0xffff, v24;
	v22 =	vadd.f32 v41, v22  }
0x411: {  	s3 =	smul.u32 $0x1800, s22;
	[tilespmem:s15+$0x19600] =	vst.add.f32.msk $0xffff, v21  }
0x412: {  	s18 =	sadd.s32 $0x80, s18;
	v23 =	vadd.f32 v23, v27;
	[tilespmem:s15+$0x19610] =	vst.add.f32.msk $0xffff, v22  }
0x413: {  	s24 =	sand.u32 $0x380, s18;
	s3 =	sadd.s32 s16, s3;
	v44 =	vld.idx.msk [tilespmem:v33+s14+$0x0], $0xffff  }
0x414: {  	s3 =	sor.u32 s24, s3;
	[tilespmem:s15+$0x19620] =	vst.add.f32.msk $0xffff, v23  }
0x415: {  	v48 =	vld [tilespmem:s3+$0x1070]  }
0x416: {  	v49 =	vld [tilespmem:s3+$0x1000]  }
0x417: {  	v50 =	vld [tilespmem:s3+$0x1010]  }
0x418: {  	v51 =	vld [tilespmem:s3+$0x1020]  }
0x419: {  	v43 =	vadd.f32 v28, v6;
	v52 =	vld [tilespmem:s3+$0x1030];
	v47 =	vcvt.s32.f32 v44  }
0x41a: {  	v25 =	vadd.f32 v25, v5;
	v53 =	vld [tilespmem:s3+$0x1040]  }
0x41b: {  	v45 =	vadd.f32 v30, v4;
	v19 =	vadd.f32 v26, v43;
	v54 =	vld [tilespmem:s3+$0x1050];
	v12 =	vmul.f32 v47, v12  }
0x41c: {  	v20 =	vadd.f32 v20, v3;
	v46 =	vadd.f32 v34, v25;
	v58 =	vld [tilespmem:s3+$0x1060];
	v13 =	vmul.f32 v47, v13  }
0x41d: {  	v21 =	vadd.f32 v40, v45;
	[tilespmem:s15+$0x19630] =	vst.add.f32.msk $0xffff, v19;
	v11 =	vmul.f32 v47, v11;
	v10 =	vadd.f32 v12, v10  }
0x41e: {  	v20 =	vadd.f32 v42, v20;
	[tilespmem:s15+$0x19640] =	vst.add.f32.msk $0xffff, v46;
	v14 =	vmul.f32 v47, v14;
	v9 =	vadd.f32 v13, v9  }
0x41f: {  	[tilespmem:s15+$0x19650] =	vst.add.f32.msk $0xffff, v21;
	v15 =	vmul.f32 v47, v15;
	v55 =	vadd.f32 v11, v8;
	v10 =	vadd.f32 v48, v10  }
0x420: {  	[tilespmem:s15+$0x19660] =	vst.add.f32.msk $0xffff, v20;
	v56 =	vmul.f32 v47, v16;
	v57 =	vadd.f32 v14, v7;
	v9 =	vadd.f32 v9, v49  }
0x421: {  	v59 =	vmul.f32 v47, v17;
	v60 =	vadd.f32 v15, v6;
	v8 =	vadd.f32 v55, v50;
	[tilespmem:s3+$0x19670] =	vst.add.f32.msk $0xffff, v10  }
0x422: {  	v61 =	vmul.f32 v47, v18;
	v62 =	vadd.f32 v56, v5;
	v7 =	vadd.f32 v51, v57;
	[tilespmem:s3+$0x19600] =	vst.add.f32.msk $0xffff, v9  }
0x423: {  	p0 =	slt.u32 s7, $0x280;
	v63 =	vadd.f32 v59, v4;
	v6 =	vadd.f32 v52, v60;
	[tilespmem:s3+$0x19610] =	vst.add.f32.msk $0xffff, v8  }
.Ltmp15:
0x424: {  	v3 =	vadd.f32 v61, v3;
	v5 =	vadd.f32 v53, v62;
	[tilespmem:s3+$0x19620] =	vst.add.f32.msk $0xffff, v7;
	(pc) =	sbr.rel @p0 .LBB2_31-.Ltmp15, $4  }
0x425: {  	v4 =	vadd.f32 v54, v63;
	[tilespmem:s3+$0x19630] =	vst.add.f32.msk $0xffff, v6  }
0x426: {  	v3 =	vadd.f32 v58, v3;
	[tilespmem:s3+$0x19640] =	vst.add.f32.msk $0xffff, v5  }
0x427: {  	s30 =	sadd.s32 $0x80, s7;
	[tilespmem:s3+$0x19650] =	vst.add.f32.msk $0xffff, v4  }
0x428: {  	s7 =	smov.u32 s30;
	[tilespmem:s3+$0x19660] =	vst.add.f32.msk $0xffff, v3  }
0x429: {  	s17 =	sadd.s32 $0x1, s17  }
0x42a: {  	s2 =	smul.u32 $0x60000, s23;
	s3 =	simm.s32 $0x19600;
	p0 =	sne.s32 s17, $0x10  }
.Ltmp16:
0x42b: {  	s0 =	sadd.s32 $0x80, s0;
	s13 =	sadd.s32 $0x80, s13;
	(pc) =	sbr.rel @p0 .LBB2_2-.Ltmp16, $4  }
0x42c: {  	s26 =	sadd.s32 $0x80, s26;
	s28 =	sadd.s32 $0x80, s28;
	s2 =	sadd.s32 s6, s2  }
0x42d: {  	s29 =	sadd.s32 $0x80, s29;
	s8 =	sadd.s32 $0x80, s8;
	s2 =	sshrl.u32 s2, $0x3  }
0x42e: {  	s9 =	sadd.s32 $0x80, s9;
	s12 =	sadd.s32 $0x80, s12;
	s2 =	sadd.s32 s4, s2  }
0x42f: {  	[hbm4b:s2+s5] =	stream.linear.scatter [tilespmem:s3], [sflag:$0x10], $0x3000, $0x38;
	[tilespmem:$0x1C600] =	vst v63  }
0x430: {  	s0 =	simm.s32 $0x9  }
0x431: {  	_ =	swait.ge [sflag:s0], $0x3000  }
0x432: {  	[sflag:s0] =	ssyncset.done $0x0  }
0x433: {  	s22 =	simm.s32 $0xA;
	[sflag:s0] =	ssyncadd.s32 $0xFFFFD000  }
0x434: {  	_ =	swait.ge [sflag:s22], $0x3000  }
0x435: {  	[sflag:s22] =	ssyncset.done $0x0  }
0x436: {  	s23 =	simm.s32 $0xB;
	[sflag:s22] =	ssyncadd.s32 $0xFFFFD000  }
0x437: {  	_ =	swait.ge [sflag:s23], $0x3000  }
0x438: {  	[sflag:s23] =	ssyncset.done $0x0  }
0x439: {  	s24 =	simm.s32 $0xC;
	[sflag:s23] =	ssyncadd.s32 $0xFFFFD000  }
0x43a: {  	_ =	swait.ge [sflag:s24], $0x3000  }
0x43b: {  	[sflag:s24] =	ssyncset.done $0x0  }
0x43c: {  	s26 =	simm.s32 $0xD;
	[sflag:s24] =	ssyncadd.s32 $0xFFFFD000  }
0x43d: {  	_ =	swait.ge [sflag:s26], $0x3000  }
0x43e: {  	[sflag:s26] =	ssyncset.done $0x0  }
0x43f: {  	s28 =	simm.s32 $0xE;
	[sflag:s26] =	ssyncadd.s32 $0xFFFFD000  }
0x440: {  	_ =	swait.ge [sflag:s28], $0x3000  }
0x441: {  	[sflag:s28] =	ssyncset.done $0x0  }
0x442: {  	s29 =	simm.s32 $0xF;
	[sflag:s28] =	ssyncadd.s32 $0xFFFFD000  }
0x443: {  	_ =	swait.ge [sflag:s29], $0x3000  }
0x444: {  	[sflag:s29] =	ssyncset.done $0x0  }
0x445: {  	s2 =	simm.s32 $0x10;
	[sflag:s29] =	ssyncadd.s32 $0xFFFFD000  }
0x446: {  	_ =	swait.ge [sflag:s2], $0x3000  }
0x447: {  	s3 =	rddreg [dreg:$0xa]  }
0x448: {  	s30 =	rddreg [dreg:$0x9];
	s3 =	sadd.s32 $0x1, s3  }
0x449: {  	p0 =	sne.s32 s3, s30  }
.Ltmp17:
0x44a: {  	_ = 	snop;
	(pc) =	sbr.rel @p0 .LBB2_1-.Ltmp17, $3  }
0x44b: {  	_ =	sdelay $0x1  }
0x44c: {  	[sflag:s2] =	ssyncset.done $0x0  }
0x44d: {  	[sflag:s2] =	ssyncadd.s32 $0xFFFFD000  }
0x44e: {  	_ =	sfence.sel $0x180000  }
0x44f: {  	[bflag:$0x0] =	sbarrier.arrive $0xFFFF  }
0x450: {  	_ =	strace $0x90000047  }
0x451: {  	s0 =	stileid.u32;
	[bflag:$0x2] =	sbarrier.arrive $0xFFFF  }
0x452: {  	p0 =	sne.s32 s0, $0x0;
	s0 =	rddreg [dreg:$0x5]  }
0x453: {  	s0 =	sadd.s32 @!p0 $0x100000, s0  }
0x454: {  	[sflag:s0] =	ssyncadd.tile.s32 @!p0 $0x1;
	_ =	shalt  }
.Lfunc_end2:
_tile_overlayer_lowered:
.L_overlay_start_2:
0x455: {  	(tag) =	ssettag $0x2  }
0x456: {  	s0 =	rddreg [dreg:$0x0];
	s2 =	stileid.u32  }
0x457: {  	s1 =	rddreg [dreg:$0x1];
	p0 =	sne.s32 s2, $0x0  }
0x458: {  	s3 =	rddreg [dreg:$0x2];
	[bflag:$0x3] =	sbarrier.arrive $0xFFFF;
	s2 =	simm.s32 @!p0 $0x1C11  }
0x459: {  	[timem:s3], [sflag:s2] =	dma.local @!p0 [hbm:s0], s1  }
0x45a: {  	s0 =	simm.s32 @!p0 $0x11  }
0x45b: {  	_ =	swait.ge @!p0 [sflag:s0], s1  }
0x45c: {  	s1 =	ssub.s32 @!p0 $0x0, s1;
	[sflag:s0] =	ssyncset.done @!p0 $0x0  }
0x45d: {  	[sflag:s0] =	ssyncadd.s32 @!p0 s1  }
0x45e: {  	[bflag:$0x3] =	sbarrier.arrive $0xFFFF  }
0x45f: {  	_ =	shalt  }

</sc_bundles>
